<compile_context>
chip_gen: v7x
topology: tpu7x:2x2x1
jax: 0.10.2.dev20260603
libtpu: 0.0.44.dev20260713+nightly
codegen_flags: <defaults>
</compile_context>

<pallas_src>
import jax
import jax.numpy as jnp
import numpy as np
from jax import lax
from jax.experimental import pallas as pl
from jax.experimental.pallas import tpu as pltpu
from jax.experimental.pallas import tpu_sc as plsc

N = 10000
D = 128
NC = 2
NS = 16
NW = NC * NS
CHUNK = 96
NPAD = 10240
BR = 1024
ZROWS = 64
ROWS_ACC = NPAD // NS

E = 320000
ETOT = E + NPAD
EPT_CH = -(-ETOT // (NW * CHUNK))
EPT_CH += EPT_CH % 2
EPAD = EPT_CH * NW * CHUNK
EROWS = EPAD // CHUNK



def _deg_body(dst_hbm, deg_hbm, idxv, degl):
    cid = lax.axis_index("c")
    sid = lax.axis_index("s")
    wid = cid * NS + sid
    rpt = EROWS // NW

    def zero(i, c):
        degl[pl.ds(i * 16, 16)] = jnp.zeros((16,), jnp.float32)
        return c
    lax.fori_loop(0, NPAD // 16, zero, 0)

    pltpu.sync_copy(dst_hbm.at[pl.ds(wid * rpt, rpt)], idxv)

    ones = jnp.ones((16,), jnp.float32)

    def row(r, c):
        def col(k, c2):
            idx = idxv[r, pl.ds(k * 16, 16)]
            plsc.addupdate_scatter(degl, [idx], ones)
            return c2
        return lax.fori_loop(0, CHUNK // 16, col, c)
    lax.fori_loop(0, rpt, row, 0)

    pltpu.sync_copy(degl, deg_hbm.at[wid])


SEG = EROWS // NW
R0 = 116
R1 = 2 * SEG - R0

PERM = np.empty((D,), dtype=np.int32)
PERM[0::2] = np.arange(D // 2)
PERM[1::2] = D // 2 + np.arange(D // 2)
INV_PERM = np.argsort(PERM)


_MASKHI = -65536


def _agg_body(src_hbm, dst_hbm, g_hbm, out_hbm,
              srcv, dstv, buf0, buf1, fbuf, acc, sem0, sem1):
    cid = lax.axis_index("c")
    sid = lax.axis_index("s")

    def zr(r, c):
        def zc(k, c2):
            fbuf[r, pl.ds(k * 16, 16)] = jnp.zeros((16,), jnp.float32)
            return c2
        return lax.fori_loop(0, D // 16, zc, c)
    lax.fori_loop(0, ZROWS, zr, 0)

    base = sid * ROWS_ACC

    def za(k, c):
        pltpu.sync_copy(fbuf.at[pl.ds(0, ZROWS)],
                        acc.at[pl.ds(base + k * ZROWS, ZROWS)])
        return c
    lax.fori_loop(0, ROWS_ACC // ZROWS, za, 0)

    plsc.subcore_barrier()

    def convert(bi):
        def crow(r):
            for cg in range(D // 32):
                w = plsc.bitcast(bi[r, pl.ds(cg * 32, 32)], jnp.int32)
                fbuf[r, pl.ds(cg * 16, 16)] = plsc.bitcast(
                    w << 16, jnp.float32)
                fbuf[r, pl.ds(D // 2 + cg * 16, 16)] = plsc.bitcast(
                    w & _MASKHI, jnp.float32)
        plsc.parallel_loop(0, CHUNK, 1, unroll=8)(crow)

    def run_rows(row0, n):
        pltpu.sync_copy(src_hbm.at[pl.ds(row0, n)], srcv.at[pl.ds(0, n)])
        pltpu.sync_copy(dst_hbm.at[pl.ds(row0, n)], dstv.at[pl.ds(0, n)])
        pltpu.async_copy(g_hbm.at[srcv.at[0]], buf0, sem0)

        def step(jj, c):
            j0 = jj * 2
            pltpu.async_copy(g_hbm.at[srcv.at[j0 + 1]], buf1, sem1)
            pltpu.make_async_copy(g_hbm.at[srcv.at[j0]], buf0, sem0).wait()
            convert(buf0)
            pltpu.sync_copy(fbuf, acc.at[dstv.at[j0]], add=True)

            @pl.when(jj + 1 < n // 2)
            def _():
                pltpu.async_copy(g_hbm.at[srcv.at[j0 + 2]], buf0, sem0)

            pltpu.make_async_copy(g_hbm.at[srcv.at[j0 + 1]], buf1, sem1).wait()
            convert(buf1)
            pltpu.sync_copy(fbuf, acc.at[dstv.at[j0 + 1]], add=True)
            return c
        lax.fori_loop(0, n // 2, step, 0)

    def run_share(row0, n):
        if n > 0:
            run_rows(row0, min(n, SEG))
        if n > SEG:
            run_rows(row0 + SEG, n - SEG)

    if R0 > 0:
        @pl.when(cid == 0)
        def _():
            run_share(sid * R0, R0)

    if R1 > 0:
        @pl.when(cid == 1)
        def _():
            run_share(NS * R0 + sid * R1, R1)

    plsc.subcore_barrier()
    pltpu.sync_copy(acc.at[pl.ds(base, ROWS_ACC)],
                    out_hbm.at[pl.ds(cid * NPAD + base, ROWS_ACC)])


_MESH = plsc.VectorSubcoreMesh(core_axis_name="c", subcore_axis_name="s")

_SC_PARAMS = pltpu.CompilerParams(
    needs_layout_passes=False, use_tc_tiling_on_sc=False
)

_sc_deg = pl.kernel(
    _deg_body,
    out_type=jax.ShapeDtypeStruct((NW, NPAD), jnp.float32),
    mesh=_MESH,
    compiler_params=_SC_PARAMS,
    scratch_types=[
        pltpu.VMEM((EROWS // NW, CHUNK), jnp.int32),
        pltpu.VMEM((NPAD,), jnp.float32),
    ],
)

_sc_agg = pl.kernel(
    _agg_body,
    out_type=jax.ShapeDtypeStruct((NC * NPAD, D), jnp.float32),
    mesh=_MESH,
    compiler_params=_SC_PARAMS,
    scratch_types=[
        pltpu.VMEM((EROWS // NW, CHUNK), jnp.int32),
        pltpu.VMEM((EROWS // NW, CHUNK), jnp.int32),
        pltpu.VMEM((CHUNK, D), jnp.bfloat16),
        pltpu.VMEM((CHUNK, D), jnp.bfloat16),
        pltpu.VMEM((CHUNK, D), jnp.float32),
        pltpu.VMEM_SHARED((NPAD, D), jnp.float32),
        pltpu.SemaphoreType.DMA,
        pltpu.SemaphoreType.DMA,
    ],
)



def _dinv_col(degt):
    s = jnp.dot(degt, jnp.ones((NW, 1), jnp.float32),
                precision=lax.Precision.HIGHEST,
                preferred_element_type=jnp.float32)
    return lax.rsqrt(s)


def _tc1_body(degt_ref, x_ref, w_ref, g_ref):
    dinv = _dinv_col(degt_ref[...])
    h = jnp.dot(x_ref[...], w_ref[...],
                precision=lax.Precision.HIGHEST,
                preferred_element_type=jnp.float32)
    g_ref[...] = (dinv * h).astype(jnp.bfloat16)


def _tc2_body(degt_ref, p_ref, b_ref, w_ref, g2_ref):
    dinv = _dinv_col(degt_ref[...])
    agg = p_ref[0] + p_ref[1]
    z = jnp.maximum(dinv * agg + b_ref[...], 0.0)
    h = jnp.dot(z, w_ref[...],
                precision=lax.Precision.HIGHEST,
                preferred_element_type=jnp.float32)
    g2_ref[...] = (dinv * h).astype(jnp.bfloat16)


def _tc3_body(degt_ref, p_ref, b_ref, out_ref):
    dinv = _dinv_col(degt_ref[...])
    out_ref[...] = dinv * (p_ref[0] + p_ref[1]) + b_ref[...]


_GRID = (NPAD // BR,)

_DEGT_SPEC = pl.BlockSpec((BR, NW), lambda i: (i, 0))

_tc1 = pl.pallas_call(
    _tc1_body,
    grid=_GRID,
    in_specs=[
        _DEGT_SPEC,
        pl.BlockSpec((BR, D), lambda i: (i, 0)),
        pl.BlockSpec((D, D), lambda i: (0, 0)),
    ],
    out_specs=pl.BlockSpec((BR, D), lambda i: (i, 0)),
    out_shape=jax.ShapeDtypeStruct((NPAD, D), jnp.bfloat16),
)

_tc2 = pl.pallas_call(
    _tc2_body,
    grid=_GRID,
    in_specs=[
        _DEGT_SPEC,
        pl.BlockSpec((NC, BR, D), lambda i: (0, i, 0)),
        pl.BlockSpec((1, D), lambda i: (0, 0)),
        pl.BlockSpec((D, D), lambda i: (0, 0)),
    ],
    out_specs=pl.BlockSpec((BR, D), lambda i: (i, 0)),
    out_shape=jax.ShapeDtypeStruct((NPAD, D), jnp.bfloat16),
)

_tc3 = pl.pallas_call(
    _tc3_body,
    grid=_GRID,
    in_specs=[
        _DEGT_SPEC,
        pl.BlockSpec((NC, BR, D), lambda i: (0, i, 0)),
        pl.BlockSpec((1, D), lambda i: (0, 0)),
    ],
    out_specs=pl.BlockSpec((BR, D), lambda i: (i, 0)),
    out_shape=jax.ShapeDtypeStruct((NPAD, D), jnp.float32),
)


@jax.jit
def kernel(x, adj_t, W1, b1, W2, b2):
    x = x.astype(jnp.float32)
    src = adj_t[0].astype(jnp.int32)
    dst = adj_t[1].astype(jnp.int32)
    pad = EPAD - ETOT
    loops = jnp.arange(NPAD, dtype=jnp.int32)
    pad_dst = N + (jnp.arange(pad, dtype=jnp.int32) % (NPAD - N))
    src_p = jnp.concatenate(
        [src, loops, jnp.zeros((pad,), jnp.int32)]).reshape(EROWS, CHUNK)
    dst_p = jnp.concatenate([dst, loops, pad_dst]).reshape(EROWS, CHUNK)
    xp = jnp.zeros((NPAD, D), jnp.float32).at[:N].set(x)

    w1p = W1[:, PERM]
    w2p = W2[:, PERM]

    degt = _sc_deg(dst_p).T
    g1 = _tc1(degt, xp, w1p)
    p1 = _sc_agg(src_p, dst_p, g1).reshape(NC, NPAD, D)
    g2 = _tc2(degt, p1, b1.reshape(1, D), w2p)
    p2 = _sc_agg(src_p, dst_p, g2).reshape(NC, NPAD, D)
    out = _tc3(degt, p2, b2.reshape(1, D))
    return out[:N]

# --- scband reference (transcript-rebuilt; emitter-appended) ---
"""Pipeline reference for scband-gcn-52458730553743 (READ-ONLY COPY).

The authoritative reference and input builder live on the scoring server;
editing this copy changes nothing except your own understanding.
"""

import jax, jax.numpy as jnp
import numpy as np

N = 10000
E = 320000
D_IN = 128
D_HID = 128
D_OUT = 128


def glorot(key, shape):
    lim = np.sqrt(6.0 / (shape[0] + shape[1]))
    return jax.random.uniform(key, shape, dtype=jnp.float32, minval=-lim, maxval=lim)


def setup_inputs(seed: int = 0) -> dict:
    key = jax.random.key(seed)
    k1, k2, k3, k4 = jax.random.split(key, 4)
    x = jax.random.normal(k1, (N, D_IN), dtype=jnp.float32)
    edge_index = jax.random.randint(k2, (2, E), 0, N).astype(jnp.int64)
    W1 = glorot(k3, (D_IN, D_HID))
    b1 = jnp.zeros((D_HID,), dtype=jnp.float32)
    W2 = glorot(k4, (D_HID, D_OUT))
    b2 = jnp.zeros((D_OUT,), dtype=jnp.float32)
    return {"x": x, "adj_t": edge_index, "W1": W1, "b1": b1, "W2": W2, "b2": b2}


def gcn_conv(x, edge_index, W, b):
    # GCNConv: out = D^{-1/2} (A + I) D^{-1/2} X W + b  (symmetric normalization, self-loops)
    n = x.shape[0]
    loop = jnp.arange(n, dtype=edge_index.dtype)
    src = jnp.concatenate([edge_index[0], loop])
    dst = jnp.concatenate([edge_index[1], loop])
    deg = jnp.zeros((n,), dtype=x.dtype).at[dst].add(1.0)
    dinv = jax.lax.rsqrt(jnp.maximum(deg, 1e-12))
    norm = dinv[src] * dinv[dst]
    h = x @ W
    msg = h[src] * norm[:, None]
    out = jnp.zeros((n, W.shape[1]), dtype=x.dtype).at[dst].add(msg)
    return out + b


def reference(x, adj_t, W1, b1, W2, b2):
    # dropout is identity in eval mode
    h = jax.nn.relu(gcn_conv(x, adj_t, W1, b1))
    out = gcn_conv(h, adj_t, W2, b2)
    return out

if __name__ == "__main__":
    import jax
    _d = setup_inputs()
    print(jax.jit(kernel)(*tuple(_d.values())))

</pallas_src>

<mosaic_0001>
#map = affine_map<(d0, d1) -> (0, 0)>
module attributes {stable_mosaic.version = 14 : i64} {
  func.func @_agg_body(%arg0: i32, %arg1: i32, %arg2: memref<3456x96xi32, #tpu.memory_space<hbm>>, %arg3: memref<3456x96xi32, #tpu.memory_space<hbm>>, %arg4: memref<10240x128xbf16, #tpu.memory_space<hbm>>, %arg5: memref<20480x128xf32, #tpu.memory_space<hbm>>, %arg6: memref<108x96xi32, #tpu.memory_space<vmem>>, %arg7: memref<108x96xi32, #tpu.memory_space<vmem>>, %arg8: memref<96x128xbf16, #tpu.memory_space<vmem>>, %arg9: memref<96x128xbf16, #tpu.memory_space<vmem>>, %arg10: memref<96x128xf32, #tpu.memory_space<vmem>>, %arg11: memref<10240x128xf32, #tpu.memory_space<vmem_shared>>, %arg12: memref<!tpu.dma_semaphore, #tpu.memory_space<semaphore_mem>>, %arg13: memref<!tpu.dma_semaphore, #tpu.memory_space<semaphore_mem>>) attributes {dimension_semantics = [#tpu.dimension_semantics<core_parallel>, #tpu.dimension_semantics<subcore_parallel>], iteration_bounds = array<i64: 2, 16>, scalar_prefetch = 0 : i64, scratch_operands = 8 : i64, tpu.core_type = #tpu.core_type<sc_vector_subcore>, window_params = [{transform_indices = #map}, {transform_indices = #map}, {transform_indices = #map}, {transform_indices = #map}]} {
    %scan3A = arith.constant 0 : i32
    %scan3A_0 = arith.constant 0 : i32
    %scan3A_1 = arith.constant 64 : i32
    %scan3A_2 = arith.addi %scan3A_0, %scan3A_1 : i32
    %scan3A_3 = arith.constant 1 : i32
    scf.for %scan3A_22 = %scan3A_0 to %scan3A_2 step %scan3A_3  : i32 {
      %scan3A_23 = arith.constant 0 : i32
      %scan3A_24 = arith.constant 8 : i32
      %scan3A_25 = arith.addi %scan3A_23, %scan3A_24 : i32
      %scan3A_26 = arith.constant 1 : i32
      scf.for %scan3A_28 = %scan3A_23 to %scan3A_25 step %scan3A_26  : i32 {
        %broadcast_in_dim3A = arith.constant 0.000000e+00 : f32
        %broadcast_in_dim3A_29 = vector.broadcast %broadcast_in_dim3A : f32 to vector<16xf32>
        %mul3A_30 = arith.constant 16 : i32
        %mul3A_31 = arith.muli %scan3A_28, %mul3A_30 : i32
        %swap3A = arith.index_cast %scan3A_22 : i32 to index
        %swap3A_32 = arith.index_cast %mul3A_31 : i32 to index
        %swap3A_33 = tpu.vector_load %arg10[%swap3A, %swap3A_32] {strides = array<i32>} : memref<96x128xf32, #tpu.memory_space<vmem>>, vector<16xf32>,
        tpu.vector_store %arg10[%swap3A, %swap3A_32], %broadcast_in_dim3A_29 {strides = array<i32>} : memref<96x128xf32, #tpu.memory_space<vmem>>, vector<16xf32>,
      }
      %scan3A_27 = arith.constant 8 : i32
    }
    %scan3A_4 = arith.constant 64 : i32
    %mul3A = arith.constant 640 : i32
    %mul3A_5 = arith.muli %arg1, %mul3A : i32
    %scan3A_6 = arith.constant 0 : i32
    %scan3A_7 = arith.constant 0 : i32
    %scan3A_8 = arith.constant 10 : i32
    %scan3A_9 = arith.addi %scan3A_7, %scan3A_8 : i32
    %scan3A_10 = arith.constant 1 : i32
    scf.for %scan3A_22 = %scan3A_7 to %scan3A_9 step %scan3A_10  : i32 {
      %mul3A_23 = arith.constant 64 : i32
      %mul3A_24 = arith.muli %scan3A_22, %mul3A_23 : i32
      %add3A_25 = arith.addi %mul3A_5, %mul3A_24 : i32
      "tpu.region"() ({
        %run_scoped3A = tpu.sem_alloc : memref<!tpu.dma_semaphore, #tpu.memory_space<semaphore_mem>>
        %dma_start3A = arith.constant 0 : i32
        %dma_start3A_26 = arith.constant 0 : i32
        %dma_start3A_27 = tpu.memref_slice %arg10[%dma_start3A, %dma_start3A_26] : memref<96x128xf32, #tpu.memory_space<vmem>> -> memref<64x128xf32, #tpu.memory_space<vmem>>
        %dma_start3A_28 = arith.constant 0 : i32
        %dma_start3A_29 = tpu.memref_slice %arg11[%add3A_25, %dma_start3A_28] : memref<10240x128xf32, #tpu.memory_space<vmem_shared>> -> memref<64x128xf32, #tpu.memory_space<vmem_shared>>
        %dma_start3A_30 = arith.constant 0 : i32
        %dma_start3A_31 = tpu.memref_slice %arg11[%add3A_25, %dma_start3A_30] : memref<10240x128xf32, #tpu.memory_space<vmem_shared>> -> memref<64x128xf32, #tpu.memory_space<vmem_shared>>
        %dma_start3A_32 = arith.constant 0 : i32
        %dma_start3A_33 = arith.constant 0 : i32
        %dma_start3A_34 = tpu.memref_slice %arg10[%dma_start3A_32, %dma_start3A_33] : memref<96x128xf32, #tpu.memory_space<vmem>> -> memref<64x128xf32, #tpu.memory_space<vmem>>
        tpu.enqueue_dma source(%dma_start3A_34 : memref<64x128xf32, #tpu.memory_space<vmem>>) target(%dma_start3A_31 : memref<64x128xf32, #tpu.memory_space<vmem_shared>>) target_semaphore(%run_scoped3A : memref<!tpu.dma_semaphore, #tpu.memory_space<semaphore_mem>>)
        %dma_wait3A = arith.constant 0 : i32
        %dma_wait3A_35 = arith.constant 0 : i32
        %dma_wait3A_36 = tpu.memref_slice %arg10[%dma_wait3A, %dma_wait3A_35] : memref<96x128xf32, #tpu.memory_space<vmem>> -> memref<64x128xf32, #tpu.memory_space<vmem>>
        %dma_wait3A_37 = arith.constant 0 : i32
        %dma_wait3A_38 = tpu.memref_slice %arg11[%add3A_25, %dma_wait3A_37] : memref<10240x128xf32, #tpu.memory_space<vmem_shared>> -> memref<64x128xf32, #tpu.memory_space<vmem_shared>>
        %dma_wait3A_39 = arith.constant 0 : i32
        %dma_wait3A_40 = tpu.memref_slice %arg11[%add3A_25, %dma_wait3A_39] : memref<10240x128xf32, #tpu.memory_space<vmem_shared>> -> memref<64x128xf32, #tpu.memory_space<vmem_shared>>
        %dma_wait3A_41 = arith.constant 0 : i32
        %dma_wait3A_42 = arith.constant 0 : i32
        %dma_wait3A_43 = tpu.memref_slice %arg10[%dma_wait3A_41, %dma_wait3A_42] : memref<96x128xf32, #tpu.memory_space<vmem>> -> memref<64x128xf32, #tpu.memory_space<vmem>>
        tpu.wait_dma2 semaphore(%run_scoped3A : memref<!tpu.dma_semaphore, #tpu.memory_space<semaphore_mem>>) src(%dma_wait3A_43 : memref<64x128xf32, #tpu.memory_space<vmem>>) dst(%dma_wait3A_40 : memref<64x128xf32, #tpu.memory_space<vmem_shared>>)
        tpu.yield
      }) : () -> ()
    }
    %scan3A_11 = arith.constant 10 : i32
    %barrier3A = arith.constant 0 : index
    tpu.barrier barrier_id(%barrier3A)
    %eq3A = arith.constant 0 : i32
    %eq3A_12 = arith.cmpi eq, %arg0, %eq3A : i32
    %convert_element_type3A = arith.extui %eq3A_12 : i1 to i32
    %cond3A = arith.constant 0 : i32
    %cond3A_13 = arith.cmpi ne, %convert_element_type3A, %cond3A : i32
    scf.if %cond3A_13 {
      %mul3A_22 = arith.constant 116 : i32
      %mul3A_23 = arith.muli %arg1, %mul3A_22 : i32
      "tpu.region"() ({
        %run_scoped3A = tpu.sem_alloc : memref<!tpu.dma_semaphore, #tpu.memory_space<semaphore_mem>>
        %dma_start3A_51 = arith.constant 0 : i32
        %dma_start3A_52 = arith.constant 0 : i32
        %dma_start3A_53 = tpu.memref_slice %arg6[%dma_start3A_51, %dma_start3A_52] : memref<108x96xi32, #tpu.memory_space<vmem>> -> memref<108x96xi32, #tpu.memory_space<vmem>>
        %dma_start3A_54 = arith.constant 0 : i32
        %dma_start3A_55 = tpu.memref_slice %arg2[%mul3A_23, %dma_start3A_54] : memref<3456x96xi32, #tpu.memory_space<hbm>> -> memref<108x96xi32, #tpu.memory_space<hbm>>
        %dma_start3A_56 = arith.constant 0 : i32
        %dma_start3A_57 = arith.constant 0 : i32
        %dma_start3A_58 = tpu.memref_slice %arg6[%dma_start3A_56, %dma_start3A_57] : memref<108x96xi32, #tpu.memory_space<vmem>> -> memref<108x96xi32, #tpu.memory_space<vmem>>
        %dma_start3A_59 = arith.constant 0 : i32
        %dma_start3A_60 = tpu.memref_slice %arg2[%mul3A_23, %dma_start3A_59] : memref<3456x96xi32, #tpu.memory_space<hbm>> -> memref<108x96xi32, #tpu.memory_space<hbm>>
        tpu.enqueue_dma source(%dma_start3A_60 : memref<108x96xi32, #tpu.memory_space<hbm>>) target(%dma_start3A_58 : memref<108x96xi32, #tpu.memory_space<vmem>>) target_semaphore(%run_scoped3A : memref<!tpu.dma_semaphore, #tpu.memory_space<semaphore_mem>>)
        %dma_wait3A = arith.constant 0 : i32
        %dma_wait3A_61 = arith.constant 0 : i32
        %dma_wait3A_62 = tpu.memref_slice %arg6[%dma_wait3A, %dma_wait3A_61] : memref<108x96xi32, #tpu.memory_space<vmem>> -> memref<108x96xi32, #tpu.memory_space<vmem>>
        %dma_wait3A_63 = arith.constant 0 : i32
        %dma_wait3A_64 = tpu.memref_slice %arg2[%mul3A_23, %dma_wait3A_63] : memref<3456x96xi32, #tpu.memory_space<hbm>> -> memref<108x96xi32, #tpu.memory_space<hbm>>
        %dma_wait3A_65 = arith.constant 0 : i32
        %dma_wait3A_66 = arith.constant 0 : i32
        %dma_wait3A_67 = tpu.memref_slice %arg6[%dma_wait3A_65, %dma_wait3A_66] : memref<108x96xi32, #tpu.memory_space<vmem>> -> memref<108x96xi32, #tpu.memory_space<vmem>>
        %dma_wait3A_68 = arith.constant 0 : i32
        %dma_wait3A_69 = tpu.memref_slice %arg2[%mul3A_23, %dma_wait3A_68] : memref<3456x96xi32, #tpu.memory_space<hbm>> -> memref<108x96xi32, #tpu.memory_space<hbm>>
        tpu.wait_dma2 semaphore(%run_scoped3A : memref<!tpu.dma_semaphore, #tpu.memory_space<semaphore_mem>>) src(%dma_wait3A_69 : memref<108x96xi32, #tpu.memory_space<hbm>>) dst(%dma_wait3A_67 : memref<108x96xi32, #tpu.memory_space<vmem>>)
        tpu.yield
      }) : () -> ()
      "tpu.region"() ({
        %run_scoped3A = tpu.sem_alloc : memref<!tpu.dma_semaphore, #tpu.memory_space<semaphore_mem>>
        %dma_start3A_51 = arith.constant 0 : i32
        %dma_start3A_52 = arith.constant 0 : i32
        %dma_start3A_53 = tpu.memref_slice %arg7[%dma_start3A_51, %dma_start3A_52] : memref<108x96xi32, #tpu.memory_space<vmem>> -> memref<108x96xi32, #tpu.memory_space<vmem>>
        %dma_start3A_54 = arith.constant 0 : i32
        %dma_start3A_55 = tpu.memref_slice %arg3[%mul3A_23, %dma_start3A_54] : memref<3456x96xi32, #tpu.memory_space<hbm>> -> memref<108x96xi32, #tpu.memory_space<hbm>>
        %dma_start3A_56 = arith.constant 0 : i32
        %dma_start3A_57 = arith.constant 0 : i32
        %dma_start3A_58 = tpu.memref_slice %arg7[%dma_start3A_56, %dma_start3A_57] : memref<108x96xi32, #tpu.memory_space<vmem>> -> memref<108x96xi32, #tpu.memory_space<vmem>>
        %dma_start3A_59 = arith.constant 0 : i32
        %dma_start3A_60 = tpu.memref_slice %arg3[%mul3A_23, %dma_start3A_59] : memref<3456x96xi32, #tpu.memory_space<hbm>> -> memref<108x96xi32, #tpu.memory_space<hbm>>
        tpu.enqueue_dma source(%dma_start3A_60 : memref<108x96xi32, #tpu.memory_space<hbm>>) target(%dma_start3A_58 : memref<108x96xi32, #tpu.memory_space<vmem>>) target_semaphore(%run_scoped3A : memref<!tpu.dma_semaphore, #tpu.memory_space<semaphore_mem>>)
        %dma_wait3A = arith.constant 0 : i32
        %dma_wait3A_61 = arith.constant 0 : i32
        %dma_wait3A_62 = tpu.memref_slice %arg7[%dma_wait3A, %dma_wait3A_61] : memref<108x96xi32, #tpu.memory_space<vmem>> -> memref<108x96xi32, #tpu.memory_space<vmem>>
        %dma_wait3A_63 = arith.constant 0 : i32
        %dma_wait3A_64 = tpu.memref_slice %arg3[%mul3A_23, %dma_wait3A_63] : memref<3456x96xi32, #tpu.memory_space<hbm>> -> memref<108x96xi32, #tpu.memory_space<hbm>>
        %dma_wait3A_65 = arith.constant 0 : i32
        %dma_wait3A_66 = arith.constant 0 : i32
        %dma_wait3A_67 = tpu.memref_slice %arg7[%dma_wait3A_65, %dma_wait3A_66] : memref<108x96xi32, #tpu.memory_space<vmem>> -> memref<108x96xi32, #tpu.memory_space<vmem>>
        %dma_wait3A_68 = arith.constant 0 : i32
        %dma_wait3A_69 = tpu.memref_slice %arg3[%mul3A_23, %dma_wait3A_68] : memref<3456x96xi32, #tpu.memory_space<hbm>> -> memref<108x96xi32, #tpu.memory_space<hbm>>
        tpu.wait_dma2 semaphore(%run_scoped3A : memref<!tpu.dma_semaphore, #tpu.memory_space<semaphore_mem>>) src(%dma_wait3A_69 : memref<108x96xi32, #tpu.memory_space<hbm>>) dst(%dma_wait3A_67 : memref<108x96xi32, #tpu.memory_space<vmem>>)
        tpu.yield
      }) : () -> ()
      %dma_start3A = arith.constant 0 : i32
      %dma_start3A_24 = arith.constant 0 : i32
      %dma_start3A_25 = tpu.memref_slice %arg6[%dma_start3A, %dma_start3A_24] : memref<108x96xi32, #tpu.memory_space<vmem>> -> memref<1x96xi32, #tpu.memory_space<vmem>>
      %dma_start3A_26 = tpu.memref_squeeze %dma_start3A_25 : memref<1x96xi32, #tpu.memory_space<vmem>> -> memref<96xi32, #tpu.memory_space<vmem>>
      %dma_start3A_27 = arith.constant 0 : i32
      %dma_start3A_28 = arith.constant 0 : i32
      %dma_start3A_29 = tpu.memref_slice %arg4[%dma_start3A_27, %dma_start3A_28] : memref<10240x128xbf16, #tpu.memory_space<hbm>> -> memref<10240x128xbf16, #tpu.memory_space<hbm>>
      tpu.enqueue_indirect_dma source(%dma_start3A_29 : memref<10240x128xbf16, #tpu.memory_space<hbm>>) target(%arg8 : memref<96x128xbf16, #tpu.memory_space<vmem>>) offsets(%dma_start3A_26 : memref<96xi32, #tpu.memory_space<vmem>>) semaphore(%arg12 : memref<!tpu.dma_semaphore, #tpu.memory_space<semaphore_mem>>)
      %scan3A_30 = arith.constant 0 : i32
      %scan3A_31 = arith.constant 0 : i32
      %scan3A_32 = arith.constant 54 : i32
      %scan3A_33 = arith.addi %scan3A_31, %scan3A_32 : i32
      %scan3A_34 = arith.constant 1 : i32
      scf.for %scan3A_51 = %scan3A_31 to %scan3A_33 step %scan3A_34  : i32 {
        %mul3A_52 = arith.constant 2 : i32
        %mul3A_53 = arith.muli %scan3A_51, %mul3A_52 : i32
        %add3A_54 = arith.constant 1 : i32
        %add3A_55 = arith.addi %mul3A_53, %add3A_54 : i32
        %dma_start3A_56 = arith.constant 0 : i32
        %dma_start3A_57 = tpu.memref_slice %arg6[%add3A_55, %dma_start3A_56] : memref<108x96xi32, #tpu.memory_space<vmem>> -> memref<1x96xi32, #tpu.memory_space<vmem>>
        %dma_start3A_58 = tpu.memref_squeeze %dma_start3A_57 : memref<1x96xi32, #tpu.memory_space<vmem>> -> memref<96xi32, #tpu.memory_space<vmem>>
        %dma_start3A_59 = arith.constant 0 : i32
        %dma_start3A_60 = arith.constant 0 : i32
        %dma_start3A_61 = tpu.memref_slice %arg4[%dma_start3A_59, %dma_start3A_60] : memref<10240x128xbf16, #tpu.memory_space<hbm>> -> memref<10240x128xbf16, #tpu.memory_space<hbm>>
        tpu.enqueue_indirect_dma source(%dma_start3A_61 : memref<10240x128xbf16, #tpu.memory_space<hbm>>) target(%arg9 : memref<96x128xbf16, #tpu.memory_space<vmem>>) offsets(%dma_start3A_58 : memref<96xi32, #tpu.memory_space<vmem>>) semaphore(%arg13 : memref<!tpu.dma_semaphore, #tpu.memory_space<semaphore_mem>>)
        %dma_wait3A = arith.constant 0 : i32
        %dma_wait3A_62 = tpu.memref_slice %arg6[%mul3A_53, %dma_wait3A] : memref<108x96xi32, #tpu.memory_space<vmem>> -> memref<1x96xi32, #tpu.memory_space<vmem>>
        %dma_wait3A_63 = tpu.memref_squeeze %dma_wait3A_62 : memref<1x96xi32, #tpu.memory_space<vmem>> -> memref<96xi32, #tpu.memory_space<vmem>>
        %dma_wait3A_64 = arith.constant 0 : i32
        %dma_wait3A_65 = arith.constant 0 : i32
        %dma_wait3A_66 = tpu.memref_slice %arg4[%dma_wait3A_64, %dma_wait3A_65] : memref<10240x128xbf16, #tpu.memory_space<hbm>> -> memref<10240x128xbf16, #tpu.memory_space<hbm>>
        tpu.wait_indirect_dma semaphore(%arg12 : memref<!tpu.dma_semaphore, #tpu.memory_space<semaphore_mem>>) src(%dma_wait3A_66 : memref<10240x128xbf16, #tpu.memory_space<hbm>>) dst(%arg8 : memref<96x128xbf16, #tpu.memory_space<vmem>>)
        %parallel_loop3A = arith.constant 0 : i32
        %parallel_loop3A_67 = arith.constant 96 : i32
        %parallel_loop3A_68 = arith.constant 1 : i32
        scf.for %parallel_loop3A_88 = %parallel_loop3A to %parallel_loop3A_67 step %parallel_loop3A_68  : i32 {
          %parallel_loop3A_89 = arith.index_cast %parallel_loop3A_88 : i32 to index
          %parallel_loop3A_90 = arith.constant 0 : index
          %parallel_loop3A_91 = tpu.vector_load %arg8[%parallel_loop3A_89, %parallel_loop3A_90] {strides = array<i32>} : memref<96x128xbf16, #tpu.memory_space<vmem>>, vector<32xbf16>,
          %parallel_loop3A_92 = vector.bitcast %parallel_loop3A_91 : vector<32xbf16> to vector<16xi32>
          %parallel_loop3A_93 = arith.constant 16 : i32
          %parallel_loop3A_94 = vector.broadcast %parallel_loop3A_93 : i32 to vector<16xi32>
          %parallel_loop3A_95 = arith.shli %parallel_loop3A_92, %parallel_loop3A_94 : vector<16xi32>
          %parallel_loop3A_96 = vector.bitcast %parallel_loop3A_95 : vector<16xi32> to vector<16xf32>
          %parallel_loop3A_97 = arith.index_cast %parallel_loop3A_88 : i32 to index
          %parallel_loop3A_98 = arith.constant 0 : index
          %parallel_loop3A_99 = tpu.vector_load %arg10[%parallel_loop3A_97, %parallel_loop3A_98] {strides = array<i32>} : memref<96x128xf32, #tpu.memory_space<vmem>>, vector<16xf32>,
          tpu.vector_store %arg10[%parallel_loop3A_97, %parallel_loop3A_98], %parallel_loop3A_96 {strides = array<i32>} : memref<96x128xf32, #tpu.memory_space<vmem>>, vector<16xf32>,
          %parallel_loop3A_100 = arith.constant -65536 : i32
          %parallel_loop3A_101 = vector.broadcast %parallel_loop3A_100 : i32 to vector<16xi32>
          %parallel_loop3A_102 = arith.andi %parallel_loop3A_92, %parallel_loop3A_101 : vector<16xi32>
          %parallel_loop3A_103 = vector.bitcast %parallel_loop3A_102 : vector<16xi32> to vector<16xf32>
          %parallel_loop3A_104 = arith.index_cast %parallel_loop3A_88 : i32 to index
          %parallel_loop3A_105 = arith.constant 64 : index
          %parallel_loop3A_106 = tpu.vector_load %arg10[%parallel_loop3A_104, %parallel_loop3A_105] {strides = array<i32>} : memref<96x128xf32, #tpu.memory_space<vmem>>, vector<16xf32>,
          tpu.vector_store %arg10[%parallel_loop3A_104, %parallel_loop3A_105], %parallel_loop3A_103 {strides = array<i32>} : memref<96x128xf32, #tpu.memory_space<vmem>>, vector<16xf32>,
          %parallel_loop3A_107 = arith.index_cast %parallel_loop3A_88 : i32 to index
          %parallel_loop3A_108 = arith.constant 32 : index
          %parallel_loop3A_109 = tpu.vector_load %arg8[%parallel_loop3A_107, %parallel_loop3A_108] {strides = array<i32>} : memref<96x128xbf16, #tpu.memory_space<vmem>>, vector<32xbf16>,
          %parallel_loop3A_110 = vector.bitcast %parallel_loop3A_109 : vector<32xbf16> to vector<16xi32>
          %parallel_loop3A_111 = arith.constant 16 : i32
          %parallel_loop3A_112 = vector.broadcast %parallel_loop3A_111 : i32 to vector<16xi32>
          %parallel_loop3A_113 = arith.shli %parallel_loop3A_110, %parallel_loop3A_112 : vector<16xi32>
          %parallel_loop3A_114 = vector.bitcast %parallel_loop3A_113 : vector<16xi32> to vector<16xf32>
          %parallel_loop3A_115 = arith.index_cast %parallel_loop3A_88 : i32 to index
          %parallel_loop3A_116 = arith.constant 16 : index
          %parallel_loop3A_117 = tpu.vector_load %arg10[%parallel_loop3A_115, %parallel_loop3A_116] {strides = array<i32>} : memref<96x128xf32, #tpu.memory_space<vmem>>, vector<16xf32>,
          tpu.vector_store %arg10[%parallel_loop3A_115, %parallel_loop3A_116], %parallel_loop3A_114 {strides = array<i32>} : memref<96x128xf32, #tpu.memory_space<vmem>>, vector<16xf32>,
          %parallel_loop3A_118 = arith.constant -65536 : i32
          %parallel_loop3A_119 = vector.broadcast %parallel_loop3A_118 : i32 to vector<16xi32>
          %parallel_loop3A_120 = arith.andi %parallel_loop3A_110, %parallel_loop3A_119 : vector<16xi32>
          %parallel_loop3A_121 = vector.bitcast %parallel_loop3A_120 : vector<16xi32> to vector<16xf32>
          %parallel_loop3A_122 = arith.index_cast %parallel_loop3A_88 : i32 to index
          %parallel_loop3A_123 = arith.constant 80 : index
          %parallel_loop3A_124 = tpu.vector_load %arg10[%parallel_loop3A_122, %parallel_loop3A_123] {strides = array<i32>} : memref<96x128xf32, #tpu.memory_space<vmem>>, vector<16xf32>,
          tpu.vector_store %arg10[%parallel_loop3A_122, %parallel_loop3A_123], %parallel_loop3A_121 {strides = array<i32>} : memref<96x128xf32, #tpu.memory_space<vmem>>, vector<16xf32>,
          %parallel_loop3A_125 = arith.index_cast %parallel_loop3A_88 : i32 to index
          %parallel_loop3A_126 = arith.constant 64 : index
          %parallel_loop3A_127 = tpu.vector_load %arg8[%parallel_loop3A_125, %parallel_loop3A_126] {strides = array<i32>} : memref<96x128xbf16, #tpu.memory_space<vmem>>, vector<32xbf16>,
          %parallel_loop3A_128 = vector.bitcast %parallel_loop3A_127 : vector<32xbf16> to vector<16xi32>
          %parallel_loop3A_129 = arith.constant 16 : i32
          %parallel_loop3A_130 = vector.broadcast %parallel_loop3A_129 : i32 to vector<16xi32>
          %parallel_loop3A_131 = arith.shli %parallel_loop3A_128, %parallel_loop3A_130 : vector<16xi32>
          %parallel_loop3A_132 = vector.bitcast %parallel_loop3A_131 : vector<16xi32> to vector<16xf32>
          %parallel_loop3A_133 = arith.index_cast %parallel_loop3A_88 : i32 to index
          %parallel_loop3A_134 = arith.constant 32 : index
          %parallel_loop3A_135 = tpu.vector_load %arg10[%parallel_loop3A_133, %parallel_loop3A_134] {strides = array<i32>} : memref<96x128xf32, #tpu.memory_space<vmem>>, vector<16xf32>,
          tpu.vector_store %arg10[%parallel_loop3A_133, %parallel_loop3A_134], %parallel_loop3A_132 {strides = array<i32>} : memref<96x128xf32, #tpu.memory_space<vmem>>, vector<16xf32>,
          %parallel_loop3A_136 = arith.constant -65536 : i32
          %parallel_loop3A_137 = vector.broadcast %parallel_loop3A_136 : i32 to vector<16xi32>
          %parallel_loop3A_138 = arith.andi %parallel_loop3A_128, %parallel_loop3A_137 : vector<16xi32>
          %parallel_loop3A_139 = vector.bitcast %parallel_loop3A_138 : vector<16xi32> to vector<16xf32>
          %parallel_loop3A_140 = arith.index_cast %parallel_loop3A_88 : i32 to index
          %parallel_loop3A_141 = arith.constant 96 : index
          %parallel_loop3A_142 = tpu.vector_load %arg10[%parallel_loop3A_140, %parallel_loop3A_141] {strides = array<i32>} : memref<96x128xf32, #tpu.memory_space<vmem>>, vector<16xf32>,
          tpu.vector_store %arg10[%parallel_loop3A_140, %parallel_loop3A_141], %parallel_loop3A_139 {strides = array<i32>} : memref<96x128xf32, #tpu.memory_space<vmem>>, vector<16xf32>,
          %parallel_loop3A_143 = arith.index_cast %parallel_loop3A_88 : i32 to index
          %parallel_loop3A_144 = arith.constant 96 : index
          %parallel_loop3A_145 = tpu.vector_load %arg8[%parallel_loop3A_143, %parallel_loop3A_144] {strides = array<i32>} : memref<96x128xbf16, #tpu.memory_space<vmem>>, vector<32xbf16>,
          %parallel_loop3A_146 = vector.bitcast %parallel_loop3A_145 : vector<32xbf16> to vector<16xi32>
          %parallel_loop3A_147 = arith.constant 16 : i32
          %parallel_loop3A_148 = vector.broadcast %parallel_loop3A_147 : i32 to vector<16xi32>
          %parallel_loop3A_149 = arith.shli %parallel_loop3A_146, %parallel_loop3A_148 : vector<16xi32>
          %parallel_loop3A_150 = vector.bitcast %parallel_loop3A_149 : vector<16xi32> to vector<16xf32>
          %parallel_loop3A_151 = arith.index_cast %parallel_loop3A_88 : i32 to index
          %parallel_loop3A_152 = arith.constant 48 : index
          %parallel_loop3A_153 = tpu.vector_load %arg10[%parallel_loop3A_151, %parallel_loop3A_152] {strides = array<i32>} : memref<96x128xf32, #tpu.memory_space<vmem>>, vector<16xf32>,
          tpu.vector_store %arg10[%parallel_loop3A_151, %parallel_loop3A_152], %parallel_loop3A_150 {strides = array<i32>} : memref<96x128xf32, #tpu.memory_space<vmem>>, vector<16xf32>,
          %parallel_loop3A_154 = arith.constant -65536 : i32
          %parallel_loop3A_155 = vector.broadcast %parallel_loop3A_154 : i32 to vector<16xi32>
          %parallel_loop3A_156 = arith.andi %parallel_loop3A_146, %parallel_loop3A_155 : vector<16xi32>
          %parallel_loop3A_157 = vector.bitcast %parallel_loop3A_156 : vector<16xi32> to vector<16xf32>
          %parallel_loop3A_158 = arith.index_cast %parallel_loop3A_88 : i32 to index
          %parallel_loop3A_159 = arith.constant 112 : index
          %parallel_loop3A_160 = tpu.vector_load %arg10[%parallel_loop3A_158, %parallel_loop3A_159] {strides = array<i32>} : memref<96x128xf32, #tpu.memory_space<vmem>>, vector<16xf32>,
          tpu.vector_store %arg10[%parallel_loop3A_158, %parallel_loop3A_159], %parallel_loop3A_157 {strides = array<i32>} : memref<96x128xf32, #tpu.memory_space<vmem>>, vector<16xf32>,
        } {sc.loop_unroll_factor = 8 : i64, sc.parallel_access}
        "tpu.region"() ({
          %run_scoped3A = tpu.sem_alloc : memref<!tpu.dma_semaphore, #tpu.memory_space<semaphore_mem>>
          %dma_start3A_88 = arith.constant 0 : i32
          %dma_start3A_89 = tpu.memref_slice %arg7[%mul3A_53, %dma_start3A_88] : memref<108x96xi32, #tpu.memory_space<vmem>> -> memref<1x96xi32, #tpu.memory_space<vmem>>
          %dma_start3A_90 = tpu.memref_squeeze %dma_start3A_89 : memref<1x96xi32, #tpu.memory_space<vmem>> -> memref<96xi32, #tpu.memory_space<vmem>>
          %dma_start3A_91 = arith.constant 0 : i32
          %dma_start3A_92 = arith.constant 0 : i32
          %dma_start3A_93 = tpu.memref_slice %arg11[%dma_start3A_91, %dma_start3A_92] : memref<10240x128xf32, #tpu.memory_space<vmem_shared>> -> memref<10240x128xf32, #tpu.memory_space<vmem_shared>>
          tpu.enqueue_indirect_dma source(%arg10 : memref<96x128xf32, #tpu.memory_space<vmem>>) target(%dma_start3A_93 : memref<10240x128xf32, #tpu.memory_space<vmem_shared>>) offsets(%dma_start3A_90 : memref<96xi32, #tpu.memory_space<vmem>>) semaphore(%run_scoped3A : memref<!tpu.dma_semaphore, #tpu.memory_space<semaphore_mem>>) {add = true}
          %dma_wait3A_94 = arith.constant 0 : i32
          %dma_wait3A_95 = tpu.memref_slice %arg7[%mul3A_53, %dma_wait3A_94] : memref<108x96xi32, #tpu.memory_space<vmem>> -> memref<1x96xi32, #tpu.memory_space<vmem>>
          %dma_wait3A_96 = tpu.memref_squeeze %dma_wait3A_95 : memref<1x96xi32, #tpu.memory_space<vmem>> -> memref<96xi32, #tpu.memory_space<vmem>>
          %dma_wait3A_97 = arith.constant 0 : i32
          %dma_wait3A_98 = arith.constant 0 : i32
          %dma_wait3A_99 = tpu.memref_slice %arg11[%dma_wait3A_97, %dma_wait3A_98] : memref<10240x128xf32, #tpu.memory_space<vmem_shared>> -> memref<10240x128xf32, #tpu.memory_space<vmem_shared>>
          tpu.wait_indirect_dma semaphore(%run_scoped3A : memref<!tpu.dma_semaphore, #tpu.memory_space<semaphore_mem>>) src(%arg10 : memref<96x128xf32, #tpu.memory_space<vmem>>) dst(%dma_wait3A_99 : memref<10240x128xf32, #tpu.memory_space<vmem_shared>>)
          tpu.yield
        }) : () -> ()
        %add3A_69 = arith.constant 1 : i32
        %add3A_70 = arith.addi %scan3A_51, %add3A_69 : i32
        %lt3A = arith.constant 54 : i32
        %lt3A_71 = arith.cmpi slt, %add3A_70, %lt3A : i32
        %convert_element_type3A_72 = arith.extui %lt3A_71 : i1 to i32
        %cond3A_73 = arith.constant 0 : i32
        %cond3A_74 = arith.cmpi ne, %convert_element_type3A_72, %cond3A_73 : i32
        scf.if %cond3A_74 {
          %add3A_88 = arith.constant 2 : i32
          %add3A_89 = arith.addi %mul3A_53, %add3A_88 : i32
          %dma_start3A_90 = arith.constant 0 : i32
          %dma_start3A_91 = tpu.memref_slice %arg6[%add3A_89, %dma_start3A_90] : memref<108x96xi32, #tpu.memory_space<vmem>> -> memref<1x96xi32, #tpu.memory_space<vmem>>
          %dma_start3A_92 = tpu.memref_squeeze %dma_start3A_91 : memref<1x96xi32, #tpu.memory_space<vmem>> -> memref<96xi32, #tpu.memory_space<vmem>>
          %dma_start3A_93 = arith.constant 0 : i32
          %dma_start3A_94 = arith.constant 0 : i32
          %dma_start3A_95 = tpu.memref_slice %arg4[%dma_start3A_93, %dma_start3A_94] : memref<10240x128xbf16, #tpu.memory_space<hbm>> -> memref<10240x128xbf16, #tpu.memory_space<hbm>>
          tpu.enqueue_indirect_dma source(%dma_start3A_95 : memref<10240x128xbf16, #tpu.memory_space<hbm>>) target(%arg8 : memref<96x128xbf16, #tpu.memory_space<vmem>>) offsets(%dma_start3A_92 : memref<96xi32, #tpu.memory_space<vmem>>) semaphore(%arg12 : memref<!tpu.dma_semaphore, #tpu.memory_space<semaphore_mem>>)
        } else {
        }
        %add3A_75 = arith.constant 1 : i32
        %add3A_76 = arith.addi %mul3A_53, %add3A_75 : i32
        %dma_wait3A_77 = arith.constant 0 : i32
        %dma_wait3A_78 = tpu.memref_slice %arg6[%add3A_76, %dma_wait3A_77] : memref<108x96xi32, #tpu.memory_space<vmem>> -> memref<1x96xi32, #tpu.memory_space<vmem>>
        %dma_wait3A_79 = tpu.memref_squeeze %dma_wait3A_78 : memref<1x96xi32, #tpu.memory_space<vmem>> -> memref<96xi32, #tpu.memory_space<vmem>>
        %dma_wait3A_80 = arith.constant 0 : i32
        %dma_wait3A_81 = arith.constant 0 : i32
        %dma_wait3A_82 = tpu.memref_slice %arg4[%dma_wait3A_80, %dma_wait3A_81] : memref<10240x128xbf16, #tpu.memory_space<hbm>> -> memref<10240x128xbf16, #tpu.memory_space<hbm>>
        tpu.wait_indirect_dma semaphore(%arg13 : memref<!tpu.dma_semaphore, #tpu.memory_space<semaphore_mem>>) src(%dma_wait3A_82 : memref<10240x128xbf16, #tpu.memory_space<hbm>>) dst(%arg9 : memref<96x128xbf16, #tpu.memory_space<vmem>>)
        %parallel_loop3A_83 = arith.constant 0 : i32
        %parallel_loop3A_84 = arith.constant 96 : i32
        %parallel_loop3A_85 = arith.constant 1 : i32
        scf.for %parallel_loop3A_88 = %parallel_loop3A_83 to %parallel_loop3A_84 step %parallel_loop3A_85  : i32 {
          %parallel_loop3A_89 = arith.index_cast %parallel_loop3A_88 : i32 to index
          %parallel_loop3A_90 = arith.constant 0 : index
          %parallel_loop3A_91 = tpu.vector_load %arg9[%parallel_loop3A_89, %parallel_loop3A_90] {strides = array<i32>} : memref<96x128xbf16, #tpu.memory_space<vmem>>, vector<32xbf16>,
          %parallel_loop3A_92 = vector.bitcast %parallel_loop3A_91 : vector<32xbf16> to vector<16xi32>
          %parallel_loop3A_93 = arith.constant 16 : i32
          %parallel_loop3A_94 = vector.broadcast %parallel_loop3A_93 : i32 to vector<16xi32>
          %parallel_loop3A_95 = arith.shli %parallel_loop3A_92, %parallel_loop3A_94 : vector<16xi32>
          %parallel_loop3A_96 = vector.bitcast %parallel_loop3A_95 : vector<16xi32> to vector<16xf32>
          %parallel_loop3A_97 = arith.index_cast %parallel_loop3A_88 : i32 to index
          %parallel_loop3A_98 = arith.constant 0 : index
          %parallel_loop3A_99 = tpu.vector_load %arg10[%parallel_loop3A_97, %parallel_loop3A_98] {strides = array<i32>} : memref<96x128xf32, #tpu.memory_space<vmem>>, vector<16xf32>,
          tpu.vector_store %arg10[%parallel_loop3A_97, %parallel_loop3A_98], %parallel_loop3A_96 {strides = array<i32>} : memref<96x128xf32, #tpu.memory_space<vmem>>, vector<16xf32>,
          %parallel_loop3A_100 = arith.constant -65536 : i32
          %parallel_loop3A_101 = vector.broadcast %parallel_loop3A_100 : i32 to vector<16xi32>
          %parallel_loop3A_102 = arith.andi %parallel_loop3A_92, %parallel_loop3A_101 : vector<16xi32>
          %parallel_loop3A_103 = vector.bitcast %parallel_loop3A_102 : vector<16xi32> to vector<16xf32>
          %parallel_loop3A_104 = arith.index_cast %parallel_loop3A_88 : i32 to index
          %parallel_loop3A_105 = arith.constant 64 : index
          %parallel_loop3A_106 = tpu.vector_load %arg10[%parallel_loop3A_104, %parallel_loop3A_105] {strides = array<i32>} : memref<96x128xf32, #tpu.memory_space<vmem>>, vector<16xf32>,
          tpu.vector_store %arg10[%parallel_loop3A_104, %parallel_loop3A_105], %parallel_loop3A_103 {strides = array<i32>} : memref<96x128xf32, #tpu.memory_space<vmem>>, vector<16xf32>,
          %parallel_loop3A_107 = arith.index_cast %parallel_loop3A_88 : i32 to index
          %parallel_loop3A_108 = arith.constant 32 : index
          %parallel_loop3A_109 = tpu.vector_load %arg9[%parallel_loop3A_107, %parallel_loop3A_108] {strides = array<i32>} : memref<96x128xbf16, #tpu.memory_space<vmem>>, vector<32xbf16>,
          %parallel_loop3A_110 = vector.bitcast %parallel_loop3A_109 : vector<32xbf16> to vector<16xi32>
          %parallel_loop3A_111 = arith.constant 16 : i32
          %parallel_loop3A_112 = vector.broadcast %parallel_loop3A_111 : i32 to vector<16xi32>
          %parallel_loop3A_113 = arith.shli %parallel_loop3A_110, %parallel_loop3A_112 : vector<16xi32>
          %parallel_loop3A_114 = vector.bitcast %parallel_loop3A_113 : vector<16xi32> to vector<16xf32>
          %parallel_loop3A_115 = arith.index_cast %parallel_loop3A_88 : i32 to index
          %parallel_loop3A_116 = arith.constant 16 : index
          %parallel_loop3A_117 = tpu.vector_load %arg10[%parallel_loop3A_115, %parallel_loop3A_116] {strides = array<i32>} : memref<96x128xf32, #tpu.memory_space<vmem>>, vector<16xf32>,
          tpu.vector_store %arg10[%parallel_loop3A_115, %parallel_loop3A_116], %parallel_loop3A_114 {strides = array<i32>} : memref<96x128xf32, #tpu.memory_space<vmem>>, vector<16xf32>,
          %parallel_loop3A_118 = arith.constant -65536 : i32
          %parallel_loop3A_119 = vector.broadcast %parallel_loop3A_118 : i32 to vector<16xi32>
          %parallel_loop3A_120 = arith.andi %parallel_loop3A_110, %parallel_loop3A_119 : vector<16xi32>
          %parallel_loop3A_121 = vector.bitcast %parallel_loop3A_120 : vector<16xi32> to vector<16xf32>
          %parallel_loop3A_122 = arith.index_cast %parallel_loop3A_88 : i32 to index
          %parallel_loop3A_123 = arith.constant 80 : index
          %parallel_loop3A_124 = tpu.vector_load %arg10[%parallel_loop3A_122, %parallel_loop3A_123] {strides = array<i32>} : memref<96x128xf32, #tpu.memory_space<vmem>>, vector<16xf32>,
          tpu.vector_store %arg10[%parallel_loop3A_122, %parallel_loop3A_123], %parallel_loop3A_121 {strides = array<i32>} : memref<96x128xf32, #tpu.memory_space<vmem>>, vector<16xf32>,
          %parallel_loop3A_125 = arith.index_cast %parallel_loop3A_88 : i32 to index
          %parallel_loop3A_126 = arith.constant 64 : index
          %parallel_loop3A_127 = tpu.vector_load %arg9[%parallel_loop3A_125, %parallel_loop3A_126] {strides = array<i32>} : memref<96x128xbf16, #tpu.memory_space<vmem>>, vector<32xbf16>,
          %parallel_loop3A_128 = vector.bitcast %parallel_loop3A_127 : vector<32xbf16> to vector<16xi32>
          %parallel_loop3A_129 = arith.constant 16 : i32
          %parallel_loop3A_130 = vector.broadcast %parallel_loop3A_129 : i32 to vector<16xi32>
          %parallel_loop3A_131 = arith.shli %parallel_loop3A_128, %parallel_loop3A_130 : vector<16xi32>
          %parallel_loop3A_132 = vector.bitcast %parallel_loop3A_131 : vector<16xi32> to vector<16xf32>
          %parallel_loop3A_133 = arith.index_cast %parallel_loop3A_88 : i32 to index
          %parallel_loop3A_134 = arith.constant 32 : index
          %parallel_loop3A_135 = tpu.vector_load %arg10[%parallel_loop3A_133, %parallel_loop3A_134] {strides = array<i32>} : memref<96x128xf32, #tpu.memory_space<vmem>>, vector<16xf32>,
          tpu.vector_store %arg10[%parallel_loop3A_133, %parallel_loop3A_134], %parallel_loop3A_132 {strides = array<i32>} : memref<96x128xf32, #tpu.memory_space<vmem>>, vector<16xf32>,
          %parallel_loop3A_136 = arith.constant -65536 : i32
          %parallel_loop3A_137 = vector.broadcast %parallel_loop3A_136 : i32 to vector<16xi32>
          %parallel_loop3A_138 = arith.andi %parallel_loop3A_128, %parallel_loop3A_137 : vector<16xi32>
          %parallel_loop3A_139 = vector.bitcast %parallel_loop3A_138 : vector<16xi32> to vector<16xf32>
          %parallel_loop3A_140 = arith.index_cast %parallel_loop3A_88 : i32 to index
          %parallel_loop3A_141 = arith.constant 96 : index
          %parallel_loop3A_142 = tpu.vector_load %arg10[%parallel_loop3A_140, %parallel_loop3A_141] {strides = array<i32>} : memref<96x128xf32, #tpu.memory_space<vmem>>, vector<16xf32>,
          tpu.vector_store %arg10[%parallel_loop3A_140, %parallel_loop3A_141], %parallel_loop3A_139 {strides = array<i32>} : memref<96x128xf32, #tpu.memory_space<vmem>>, vector<16xf32>,
          %parallel_loop3A_143 = arith.index_cast %parallel_loop3A_88 : i32 to index
          %parallel_loop3A_144 = arith.constant 96 : index
          %parallel_loop3A_145 = tpu.vector_load %arg9[%parallel_loop3A_143, %parallel_loop3A_144] {strides = array<i32>} : memref<96x128xbf16, #tpu.memory_space<vmem>>, vector<32xbf16>,
          %parallel_loop3A_146 = vector.bitcast %parallel_loop3A_145 : vector<32xbf16> to vector<16xi32>
          %parallel_loop3A_147 = arith.constant 16 : i32
          %parallel_loop3A_148 = vector.broadcast %parallel_loop3A_147 : i32 to vector<16xi32>
          %parallel_loop3A_149 = arith.shli %parallel_loop3A_146, %parallel_loop3A_148 : vector<16xi32>
          %parallel_loop3A_150 = vector.bitcast %parallel_loop3A_149 : vector<16xi32> to vector<16xf32>
          %parallel_loop3A_151 = arith.index_cast %parallel_loop3A_88 : i32 to index
          %parallel_loop3A_152 = arith.constant 48 : index
          %parallel_loop3A_153 = tpu.vector_load %arg10[%parallel_loop3A_151, %parallel_loop3A_152] {strides = array<i32>} : memref<96x128xf32, #tpu.memory_space<vmem>>, vector<16xf32>,
          tpu.vector_store %arg10[%parallel_loop3A_151, %parallel_loop3A_152], %parallel_loop3A_150 {strides = array<i32>} : memref<96x128xf32, #tpu.memory_space<vmem>>, vector<16xf32>,
          %parallel_loop3A_154 = arith.constant -65536 : i32
          %parallel_loop3A_155 = vector.broadcast %parallel_loop3A_154 : i32 to vector<16xi32>
          %parallel_loop3A_156 = arith.andi %parallel_loop3A_146, %parallel_loop3A_155 : vector<16xi32>
          %parallel_loop3A_157 = vector.bitcast %parallel_loop3A_156 : vector<16xi32> to vector<16xf32>
          %parallel_loop3A_158 = arith.index_cast %parallel_loop3A_88 : i32 to index
          %parallel_loop3A_159 = arith.constant 112 : index
          %parallel_loop3A_160 = tpu.vector_load %arg10[%parallel_loop3A_158, %parallel_loop3A_159] {strides = array<i32>} : memref<96x128xf32, #tpu.memory_space<vmem>>, vector<16xf32>,
          tpu.vector_store %arg10[%parallel_loop3A_158, %parallel_loop3A_159], %parallel_loop3A_157 {strides = array<i32>} : memref<96x128xf32, #tpu.memory_space<vmem>>, vector<16xf32>,
        } {sc.loop_unroll_factor = 8 : i64, sc.parallel_access}
        %add3A_86 = arith.constant 1 : i32
        %add3A_87 = arith.addi %mul3A_53, %add3A_86 : i32
        "tpu.region"() ({
          %run_scoped3A = tpu.sem_alloc : memref<!tpu.dma_semaphore, #tpu.memory_space<semaphore_mem>>
          %dma_start3A_88 = arith.constant 0 : i32
          %dma_start3A_89 = tpu.memref_slice %arg7[%add3A_87, %dma_start3A_88] : memref<108x96xi32, #tpu.memory_space<vmem>> -> memref<1x96xi32, #tpu.memory_space<vmem>>
          %dma_start3A_90 = tpu.memref_squeeze %dma_start3A_89 : memref<1x96xi32, #tpu.memory_space<vmem>> -> memref<96xi32, #tpu.memory_space<vmem>>
          %dma_start3A_91 = arith.constant 0 : i32
          %dma_start3A_92 = arith.constant 0 : i32
          %dma_start3A_93 = tpu.memref_slice %arg11[%dma_start3A_91, %dma_start3A_92] : memref<10240x128xf32, #tpu.memory_space<vmem_shared>> -> memref<10240x128xf32, #tpu.memory_space<vmem_shared>>
          tpu.enqueue_indirect_dma source(%arg10 : memref<96x128xf32, #tpu.memory_space<vmem>>) target(%dma_start3A_93 : memref<10240x128xf32, #tpu.memory_space<vmem_shared>>) offsets(%dma_start3A_90 : memref<96xi32, #tpu.memory_space<vmem>>) semaphore(%run_scoped3A : memref<!tpu.dma_semaphore, #tpu.memory_space<semaphore_mem>>) {add = true}
          %dma_wait3A_94 = arith.constant 0 : i32
          %dma_wait3A_95 = tpu.memref_slice %arg7[%add3A_87, %dma_wait3A_94] : memref<108x96xi32, #tpu.memory_space<vmem>> -> memref<1x96xi32, #tpu.memory_space<vmem>>
          %dma_wait3A_96 = tpu.memref_squeeze %dma_wait3A_95 : memref<1x96xi32, #tpu.memory_space<vmem>> -> memref<96xi32, #tpu.memory_space<vmem>>
          %dma_wait3A_97 = arith.constant 0 : i32
          %dma_wait3A_98 = arith.constant 0 : i32
          %dma_wait3A_99 = tpu.memref_slice %arg11[%dma_wait3A_97, %dma_wait3A_98] : memref<10240x128xf32, #tpu.memory_space<vmem_shared>> -> memref<10240x128xf32, #tpu.memory_space<vmem_shared>>
          tpu.wait_indirect_dma semaphore(%run_scoped3A : memref<!tpu.dma_semaphore, #tpu.memory_space<semaphore_mem>>) src(%arg10 : memref<96x128xf32, #tpu.memory_space<vmem>>) dst(%dma_wait3A_99 : memref<10240x128xf32, #tpu.memory_space<vmem_shared>>)
          tpu.yield
        }) : () -> ()
      }
      %scan3A_35 = arith.constant 54 : i32
      %add3A_36 = arith.constant 108 : i32
      %add3A_37 = arith.addi %mul3A_23, %add3A_36 : i32
      "tpu.region"() ({
        %run_scoped3A = tpu.sem_alloc : memref<!tpu.dma_semaphore, #tpu.memory_space<semaphore_mem>>
        %dma_start3A_51 = arith.constant 0 : i32
        %dma_start3A_52 = arith.constant 0 : i32
        %dma_start3A_53 = tpu.memref_slice %arg6[%dma_start3A_51, %dma_start3A_52] : memref<108x96xi32, #tpu.memory_space<vmem>> -> memref<8x96xi32, #tpu.memory_space<vmem>>
        %dma_start3A_54 = arith.constant 0 : i32
        %dma_start3A_55 = tpu.memref_slice %arg2[%add3A_37, %dma_start3A_54] : memref<3456x96xi32, #tpu.memory_space<hbm>> -> memref<8x96xi32, #tpu.memory_space<hbm>>
        %dma_start3A_56 = arith.constant 0 : i32
        %dma_start3A_57 = arith.constant 0 : i32
        %dma_start3A_58 = tpu.memref_slice %arg6[%dma_start3A_56, %dma_start3A_57] : memref<108x96xi32, #tpu.memory_space<vmem>> -> memref<8x96xi32, #tpu.memory_space<vmem>>
        %dma_start3A_59 = arith.constant 0 : i32
        %dma_start3A_60 = tpu.memref_slice %arg2[%add3A_37, %dma_start3A_59] : memref<3456x96xi32, #tpu.memory_space<hbm>> -> memref<8x96xi32, #tpu.memory_space<hbm>>
        tpu.enqueue_dma source(%dma_start3A_60 : memref<8x96xi32, #tpu.memory_space<hbm>>) target(%dma_start3A_58 : memref<8x96xi32, #tpu.memory_space<vmem>>) target_semaphore(%run_scoped3A : memref<!tpu.dma_semaphore, #tpu.memory_space<semaphore_mem>>)
        %dma_wait3A = arith.constant 0 : i32
        %dma_wait3A_61 = arith.constant 0 : i32
        %dma_wait3A_62 = tpu.memref_slice %arg6[%dma_wait3A, %dma_wait3A_61] : memref<108x96xi32, #tpu.memory_space<vmem>> -> memref<8x96xi32, #tpu.memory_space<vmem>>
        %dma_wait3A_63 = arith.constant 0 : i32
        %dma_wait3A_64 = tpu.memref_slice %arg2[%add3A_37, %dma_wait3A_63] : memref<3456x96xi32, #tpu.memory_space<hbm>> -> memref<8x96xi32, #tpu.memory_space<hbm>>
        %dma_wait3A_65 = arith.constant 0 : i32
        %dma_wait3A_66 = arith.constant 0 : i32
        %dma_wait3A_67 = tpu.memref_slice %arg6[%dma_wait3A_65, %dma_wait3A_66] : memref<108x96xi32, #tpu.memory_space<vmem>> -> memref<8x96xi32, #tpu.memory_space<vmem>>
        %dma_wait3A_68 = arith.constant 0 : i32
        %dma_wait3A_69 = tpu.memref_slice %arg2[%add3A_37, %dma_wait3A_68] : memref<3456x96xi32, #tpu.memory_space<hbm>> -> memref<8x96xi32, #tpu.memory_space<hbm>>
        tpu.wait_dma2 semaphore(%run_scoped3A : memref<!tpu.dma_semaphore, #tpu.memory_space<semaphore_mem>>) src(%dma_wait3A_69 : memref<8x96xi32, #tpu.memory_space<hbm>>) dst(%dma_wait3A_67 : memref<8x96xi32, #tpu.memory_space<vmem>>)
        tpu.yield
      }) : () -> ()
      "tpu.region"() ({
        %run_scoped3A = tpu.sem_alloc : memref<!tpu.dma_semaphore, #tpu.memory_space<semaphore_mem>>
        %dma_start3A_51 = arith.constant 0 : i32
        %dma_start3A_52 = arith.constant 0 : i32
        %dma_start3A_53 = tpu.memref_slice %arg7[%dma_start3A_51, %dma_start3A_52] : memref<108x96xi32, #tpu.memory_space<vmem>> -> memref<8x96xi32, #tpu.memory_space<vmem>>
        %dma_start3A_54 = arith.constant 0 : i32
        %dma_start3A_55 = tpu.memref_slice %arg3[%add3A_37, %dma_start3A_54] : memref<3456x96xi32, #tpu.memory_space<hbm>> -> memref<8x96xi32, #tpu.memory_space<hbm>>
        %dma_start3A_56 = arith.constant 0 : i32
        %dma_start3A_57 = arith.constant 0 : i32
        %dma_start3A_58 = tpu.memref_slice %arg7[%dma_start3A_56, %dma_start3A_57] : memref<108x96xi32, #tpu.memory_space<vmem>> -> memref<8x96xi32, #tpu.memory_space<vmem>>
        %dma_start3A_59 = arith.constant 0 : i32
        %dma_start3A_60 = tpu.memref_slice %arg3[%add3A_37, %dma_start3A_59] : memref<3456x96xi32, #tpu.memory_space<hbm>> -> memref<8x96xi32, #tpu.memory_space<hbm>>
        tpu.enqueue_dma source(%dma_start3A_60 : memref<8x96xi32, #tpu.memory_space<hbm>>) target(%dma_start3A_58 : memref<8x96xi32, #tpu.memory_space<vmem>>) target_semaphore(%run_scoped3A : memref<!tpu.dma_semaphore, #tpu.memory_space<semaphore_mem>>)
        %dma_wait3A = arith.constant 0 : i32
        %dma_wait3A_61 = arith.constant 0 : i32
        %dma_wait3A_62 = tpu.memref_slice %arg7[%dma_wait3A, %dma_wait3A_61] : memref<108x96xi32, #tpu.memory_space<vmem>> -> memref<8x96xi32, #tpu.memory_space<vmem>>
        %dma_wait3A_63 = arith.constant 0 : i32
        %dma_wait3A_64 = tpu.memref_slice %arg3[%add3A_37, %dma_wait3A_63] : memref<3456x96xi32, #tpu.memory_space<hbm>> -> memref<8x96xi32, #tpu.memory_space<hbm>>
        %dma_wait3A_65 = arith.constant 0 : i32
        %dma_wait3A_66 = arith.constant 0 : i32
        %dma_wait3A_67 = tpu.memref_slice %arg7[%dma_wait3A_65, %dma_wait3A_66] : memref<108x96xi32, #tpu.memory_space<vmem>> -> memref<8x96xi32, #tpu.memory_space<vmem>>
        %dma_wait3A_68 = arith.constant 0 : i32
        %dma_wait3A_69 = tpu.memref_slice %arg3[%add3A_37, %dma_wait3A_68] : memref<3456x96xi32, #tpu.memory_space<hbm>> -> memref<8x96xi32, #tpu.memory_space<hbm>>
        tpu.wait_dma2 semaphore(%run_scoped3A : memref<!tpu.dma_semaphore, #tpu.memory_space<semaphore_mem>>) src(%dma_wait3A_69 : memref<8x96xi32, #tpu.memory_space<hbm>>) dst(%dma_wait3A_67 : memref<8x96xi32, #tpu.memory_space<vmem>>)
        tpu.yield
      }) : () -> ()
      %dma_start3A_38 = arith.constant 0 : i32
      %dma_start3A_39 = arith.constant 0 : i32
      %dma_start3A_40 = tpu.memref_slice %arg6[%dma_start3A_38, %dma_start3A_39] : memref<108x96xi32, #tpu.memory_space<vmem>> -> memref<1x96xi32, #tpu.memory_space<vmem>>
      %dma_start3A_41 = tpu.memref_squeeze %dma_start3A_40 : memref<1x96xi32, #tpu.memory_space<vmem>> -> memref<96xi32, #tpu.memory_space<vmem>>
      %dma_start3A_42 = arith.constant 0 : i32
      %dma_start3A_43 = arith.constant 0 : i32
      %dma_start3A_44 = tpu.memref_slice %arg4[%dma_start3A_42, %dma_start3A_43] : memref<10240x128xbf16, #tpu.memory_space<hbm>> -> memref<10240x128xbf16, #tpu.memory_space<hbm>>
      tpu.enqueue_indirect_dma source(%dma_start3A_44 : memref<10240x128xbf16, #tpu.memory_space<hbm>>) target(%arg8 : memref<96x128xbf16, #tpu.memory_space<vmem>>) offsets(%dma_start3A_41 : memref<96xi32, #tpu.memory_space<vmem>>) semaphore(%arg12 : memref<!tpu.dma_semaphore, #tpu.memory_space<semaphore_mem>>)
      %scan3A_45 = arith.constant 0 : i32
      %scan3A_46 = arith.constant 0 : i32
      %scan3A_47 = arith.constant 4 : i32
      %scan3A_48 = arith.addi %scan3A_46, %scan3A_47 : i32
      %scan3A_49 = arith.constant 1 : i32
      scf.for %scan3A_51 = %scan3A_46 to %scan3A_48 step %scan3A_49  : i32 {
        %mul3A_52 = arith.constant 2 : i32
        %mul3A_53 = arith.muli %scan3A_51, %mul3A_52 : i32
        %add3A_54 = arith.constant 1 : i32
        %add3A_55 = arith.addi %mul3A_53, %add3A_54 : i32
        %dma_start3A_56 = arith.constant 0 : i32
        %dma_start3A_57 = tpu.memref_slice %arg6[%add3A_55, %dma_start3A_56] : memref<108x96xi32, #tpu.memory_space<vmem>> -> memref<1x96xi32, #tpu.memory_space<vmem>>
        %dma_start3A_58 = tpu.memref_squeeze %dma_start3A_57 : memref<1x96xi32, #tpu.memory_space<vmem>> -> memref<96xi32, #tpu.memory_space<vmem>>
        %dma_start3A_59 = arith.constant 0 : i32
        %dma_start3A_60 = arith.constant 0 : i32
        %dma_start3A_61 = tpu.memref_slice %arg4[%dma_start3A_59, %dma_start3A_60] : memref<10240x128xbf16, #tpu.memory_space<hbm>> -> memref<10240x128xbf16, #tpu.memory_space<hbm>>
        tpu.enqueue_indirect_dma source(%dma_start3A_61 : memref<10240x128xbf16, #tpu.memory_space<hbm>>) target(%arg9 : memref<96x128xbf16, #tpu.memory_space<vmem>>) offsets(%dma_start3A_58 : memref<96xi32, #tpu.memory_space<vmem>>) semaphore(%arg13 : memref<!tpu.dma_semaphore, #tpu.memory_space<semaphore_mem>>)
        %dma_wait3A = arith.constant 0 : i32
        %dma_wait3A_62 = tpu.memref_slice %arg6[%mul3A_53, %dma_wait3A] : memref<108x96xi32, #tpu.memory_space<vmem>> -> memref<1x96xi32, #tpu.memory_space<vmem>>
        %dma_wait3A_63 = tpu.memref_squeeze %dma_wait3A_62 : memref<1x96xi32, #tpu.memory_space<vmem>> -> memref<96xi32, #tpu.memory_space<vmem>>
        %dma_wait3A_64 = arith.constant 0 : i32
        %dma_wait3A_65 = arith.constant 0 : i32
        %dma_wait3A_66 = tpu.memref_slice %arg4[%dma_wait3A_64, %dma_wait3A_65] : memref<10240x128xbf16, #tpu.memory_space<hbm>> -> memref<10240x128xbf16, #tpu.memory_space<hbm>>
        tpu.wait_indirect_dma semaphore(%arg12 : memref<!tpu.dma_semaphore, #tpu.memory_space<semaphore_mem>>) src(%dma_wait3A_66 : memref<10240x128xbf16, #tpu.memory_space<hbm>>) dst(%arg8 : memref<96x128xbf16, #tpu.memory_space<vmem>>)
        %parallel_loop3A = arith.constant 0 : i32
        %parallel_loop3A_67 = arith.constant 96 : i32
        %parallel_loop3A_68 = arith.constant 1 : i32
        scf.for %parallel_loop3A_88 = %parallel_loop3A to %parallel_loop3A_67 step %parallel_loop3A_68  : i32 {
          %parallel_loop3A_89 = arith.index_cast %parallel_loop3A_88 : i32 to index
          %parallel_loop3A_90 = arith.constant 0 : index
          %parallel_loop3A_91 = tpu.vector_load %arg8[%parallel_loop3A_89, %parallel_loop3A_90] {strides = array<i32>} : memref<96x128xbf16, #tpu.memory_space<vmem>>, vector<32xbf16>,
          %parallel_loop3A_92 = vector.bitcast %parallel_loop3A_91 : vector<32xbf16> to vector<16xi32>
          %parallel_loop3A_93 = arith.constant 16 : i32
          %parallel_loop3A_94 = vector.broadcast %parallel_loop3A_93 : i32 to vector<16xi32>
          %parallel_loop3A_95 = arith.shli %parallel_loop3A_92, %parallel_loop3A_94 : vector<16xi32>
          %parallel_loop3A_96 = vector.bitcast %parallel_loop3A_95 : vector<16xi32> to vector<16xf32>
          %parallel_loop3A_97 = arith.index_cast %parallel_loop3A_88 : i32 to index
          %parallel_loop3A_98 = arith.constant 0 : index
          %parallel_loop3A_99 = tpu.vector_load %arg10[%parallel_loop3A_97, %parallel_loop3A_98] {strides = array<i32>} : memref<96x128xf32, #tpu.memory_space<vmem>>, vector<16xf32>,
          tpu.vector_store %arg10[%parallel_loop3A_97, %parallel_loop3A_98], %parallel_loop3A_96 {strides = array<i32>} : memref<96x128xf32, #tpu.memory_space<vmem>>, vector<16xf32>,
          %parallel_loop3A_100 = arith.constant -65536 : i32
          %parallel_loop3A_101 = vector.broadcast %parallel_loop3A_100 : i32 to vector<16xi32>
          %parallel_loop3A_102 = arith.andi %parallel_loop3A_92, %parallel_loop3A_101 : vector<16xi32>
          %parallel_loop3A_103 = vector.bitcast %parallel_loop3A_102 : vector<16xi32> to vector<16xf32>
          %parallel_loop3A_104 = arith.index_cast %parallel_loop3A_88 : i32 to index
          %parallel_loop3A_105 = arith.constant 64 : index
          %parallel_loop3A_106 = tpu.vector_load %arg10[%parallel_loop3A_104, %parallel_loop3A_105] {strides = array<i32>} : memref<96x128xf32, #tpu.memory_space<vmem>>, vector<16xf32>,
          tpu.vector_store %arg10[%parallel_loop3A_104, %parallel_loop3A_105], %parallel_loop3A_103 {strides = array<i32>} : memref<96x128xf32, #tpu.memory_space<vmem>>, vector<16xf32>,
          %parallel_loop3A_107 = arith.index_cast %parallel_loop3A_88 : i32 to index
          %parallel_loop3A_108 = arith.constant 32 : index
          %parallel_loop3A_109 = tpu.vector_load %arg8[%parallel_loop3A_107, %parallel_loop3A_108] {strides = array<i32>} : memref<96x128xbf16, #tpu.memory_space<vmem>>, vector<32xbf16>,
          %parallel_loop3A_110 = vector.bitcast %parallel_loop3A_109 : vector<32xbf16> to vector<16xi32>
          %parallel_loop3A_111 = arith.constant 16 : i32
          %parallel_loop3A_112 = vector.broadcast %parallel_loop3A_111 : i32 to vector<16xi32>
          %parallel_loop3A_113 = arith.shli %parallel_loop3A_110, %parallel_loop3A_112 : vector<16xi32>
          %parallel_loop3A_114 = vector.bitcast %parallel_loop3A_113 : vector<16xi32> to vector<16xf32>
          %parallel_loop3A_115 = arith.index_cast %parallel_loop3A_88 : i32 to index
          %parallel_loop3A_116 = arith.constant 16 : index
          %parallel_loop3A_117 = tpu.vector_load %arg10[%parallel_loop3A_115, %parallel_loop3A_116] {strides = array<i32>} : memref<96x128xf32, #tpu.memory_space<vmem>>, vector<16xf32>,
          tpu.vector_store %arg10[%parallel_loop3A_115, %parallel_loop3A_116], %parallel_loop3A_114 {strides = array<i32>} : memref<96x128xf32, #tpu.memory_space<vmem>>, vector<16xf32>,
          %parallel_loop3A_118 = arith.constant -65536 : i32
          %parallel_loop3A_119 = vector.broadcast %parallel_loop3A_118 : i32 to vector<16xi32>
          %parallel_loop3A_120 = arith.andi %parallel_loop3A_110, %parallel_loop3A_119 : vector<16xi32>
          %parallel_loop3A_121 = vector.bitcast %parallel_loop3A_120 : vector<16xi32> to vector<16xf32>
          %parallel_loop3A_122 = arith.index_cast %parallel_loop3A_88 : i32 to index
          %parallel_loop3A_123 = arith.constant 80 : index
          %parallel_loop3A_124 = tpu.vector_load %arg10[%parallel_loop3A_122, %parallel_loop3A_123] {strides = array<i32>} : memref<96x128xf32, #tpu.memory_space<vmem>>, vector<16xf32>,
          tpu.vector_store %arg10[%parallel_loop3A_122, %parallel_loop3A_123], %parallel_loop3A_121 {strides = array<i32>} : memref<96x128xf32, #tpu.memory_space<vmem>>, vector<16xf32>,
          %parallel_loop3A_125 = arith.index_cast %parallel_loop3A_88 : i32 to index
          %parallel_loop3A_126 = arith.constant 64 : index
          %parallel_loop3A_127 = tpu.vector_load %arg8[%parallel_loop3A_125, %parallel_loop3A_126] {strides = array<i32>} : memref<96x128xbf16, #tpu.memory_space<vmem>>, vector<32xbf16>,
          %parallel_loop3A_128 = vector.bitcast %parallel_loop3A_127 : vector<32xbf16> to vector<16xi32>
          %parallel_loop3A_129 = arith.constant 16 : i32
          %parallel_loop3A_130 = vector.broadcast %parallel_loop3A_129 : i32 to vector<16xi32>
          %parallel_loop3A_131 = arith.shli %parallel_loop3A_128, %parallel_loop3A_130 : vector<16xi32>
          %parallel_loop3A_132 = vector.bitcast %parallel_loop3A_131 : vector<16xi32> to vector<16xf32>
          %parallel_loop3A_133 = arith.index_cast %parallel_loop3A_88 : i32 to index
          %parallel_loop3A_134 = arith.constant 32 : index
          %parallel_loop3A_135 = tpu.vector_load %arg10[%parallel_loop3A_133, %parallel_loop3A_134] {strides = array<i32>} : memref<96x128xf32, #tpu.memory_space<vmem>>, vector<16xf32>,
          tpu.vector_store %arg10[%parallel_loop3A_133, %parallel_loop3A_134], %parallel_loop3A_132 {strides = array<i32>} : memref<96x128xf32, #tpu.memory_space<vmem>>, vector<16xf32>,
          %parallel_loop3A_136 = arith.constant -65536 : i32
          %parallel_loop3A_137 = vector.broadcast %parallel_loop3A_136 : i32 to vector<16xi32>
          %parallel_loop3A_138 = arith.andi %parallel_loop3A_128, %parallel_loop3A_137 : vector<16xi32>
          %parallel_loop3A_139 = vector.bitcast %parallel_loop3A_138 : vector<16xi32> to vector<16xf32>
          %parallel_loop3A_140 = arith.index_cast %parallel_loop3A_88 : i32 to index
          %parallel_loop3A_141 = arith.constant 96 : index
          %parallel_loop3A_142 = tpu.vector_load %arg10[%parallel_loop3A_140, %parallel_loop3A_141] {strides = array<i32>} : memref<96x128xf32, #tpu.memory_space<vmem>>, vector<16xf32>,
          tpu.vector_store %arg10[%parallel_loop3A_140, %parallel_loop3A_141], %parallel_loop3A_139 {strides = array<i32>} : memref<96x128xf32, #tpu.memory_space<vmem>>, vector<16xf32>,
          %parallel_loop3A_143 = arith.index_cast %parallel_loop3A_88 : i32 to index
          %parallel_loop3A_144 = arith.constant 96 : index
          %parallel_loop3A_145 = tpu.vector_load %arg8[%parallel_loop3A_143, %parallel_loop3A_144] {strides = array<i32>} : memref<96x128xbf16, #tpu.memory_space<vmem>>, vector<32xbf16>,
          %parallel_loop3A_146 = vector.bitcast %parallel_loop3A_145 : vector<32xbf16> to vector<16xi32>
          %parallel_loop3A_147 = arith.constant 16 : i32
          %parallel_loop3A_148 = vector.broadcast %parallel_loop3A_147 : i32 to vector<16xi32>
          %parallel_loop3A_149 = arith.shli %parallel_loop3A_146, %parallel_loop3A_148 : vector<16xi32>
          %parallel_loop3A_150 = vector.bitcast %parallel_loop3A_149 : vector<16xi32> to vector<16xf32>
          %parallel_loop3A_151 = arith.index_cast %parallel_loop3A_88 : i32 to index
          %parallel_loop3A_152 = arith.constant 48 : index
          %parallel_loop3A_153 = tpu.vector_load %arg10[%parallel_loop3A_151, %parallel_loop3A_152] {strides = array<i32>} : memref<96x128xf32, #tpu.memory_space<vmem>>, vector<16xf32>,
          tpu.vector_store %arg10[%parallel_loop3A_151, %parallel_loop3A_152], %parallel_loop3A_150 {strides = array<i32>} : memref<96x128xf32, #tpu.memory_space<vmem>>, vector<16xf32>,
          %parallel_loop3A_154 = arith.constant -65536 : i32
          %parallel_loop3A_155 = vector.broadcast %parallel_loop3A_154 : i32 to vector<16xi32>
          %parallel_loop3A_156 = arith.andi %parallel_loop3A_146, %parallel_loop3A_155 : vector<16xi32>
          %parallel_loop3A_157 = vector.bitcast %parallel_loop3A_156 : vector<16xi32> to vector<16xf32>
          %parallel_loop3A_158 = arith.index_cast %parallel_loop3A_88 : i32 to index
          %parallel_loop3A_159 = arith.constant 112 : index
          %parallel_loop3A_160 = tpu.vector_load %arg10[%parallel_loop3A_158, %parallel_loop3A_159] {strides = array<i32>} : memref<96x128xf32, #tpu.memory_space<vmem>>, vector<16xf32>,
          tpu.vector_store %arg10[%parallel_loop3A_158, %parallel_loop3A_159], %parallel_loop3A_157 {strides = array<i32>} : memref<96x128xf32, #tpu.memory_space<vmem>>, vector<16xf32>,
        } {sc.loop_unroll_factor = 8 : i64, sc.parallel_access}
        "tpu.region"() ({
          %run_scoped3A = tpu.sem_alloc : memref<!tpu.dma_semaphore, #tpu.memory_space<semaphore_mem>>
          %dma_start3A_88 = arith.constant 0 : i32
          %dma_start3A_89 = tpu.memref_slice %arg7[%mul3A_53, %dma_start3A_88] : memref<108x96xi32, #tpu.memory_space<vmem>> -> memref<1x96xi32, #tpu.memory_space<vmem>>
          %dma_start3A_90 = tpu.memref_squeeze %dma_start3A_89 : memref<1x96xi32, #tpu.memory_space<vmem>> -> memref<96xi32, #tpu.memory_space<vmem>>
          %dma_start3A_91 = arith.constant 0 : i32
          %dma_start3A_92 = arith.constant 0 : i32
          %dma_start3A_93 = tpu.memref_slice %arg11[%dma_start3A_91, %dma_start3A_92] : memref<10240x128xf32, #tpu.memory_space<vmem_shared>> -> memref<10240x128xf32, #tpu.memory_space<vmem_shared>>
          tpu.enqueue_indirect_dma source(%arg10 : memref<96x128xf32, #tpu.memory_space<vmem>>) target(%dma_start3A_93 : memref<10240x128xf32, #tpu.memory_space<vmem_shared>>) offsets(%dma_start3A_90 : memref<96xi32, #tpu.memory_space<vmem>>) semaphore(%run_scoped3A : memref<!tpu.dma_semaphore, #tpu.memory_space<semaphore_mem>>) {add = true}
          %dma_wait3A_94 = arith.constant 0 : i32
          %dma_wait3A_95 = tpu.memref_slice %arg7[%mul3A_53, %dma_wait3A_94] : memref<108x96xi32, #tpu.memory_space<vmem>> -> memref<1x96xi32, #tpu.memory_space<vmem>>
          %dma_wait3A_96 = tpu.memref_squeeze %dma_wait3A_95 : memref<1x96xi32, #tpu.memory_space<vmem>> -> memref<96xi32, #tpu.memory_space<vmem>>
          %dma_wait3A_97 = arith.constant 0 : i32
          %dma_wait3A_98 = arith.constant 0 : i32
          %dma_wait3A_99 = tpu.memref_slice %arg11[%dma_wait3A_97, %dma_wait3A_98] : memref<10240x128xf32, #tpu.memory_space<vmem_shared>> -> memref<10240x128xf32, #tpu.memory_space<vmem_shared>>
          tpu.wait_indirect_dma semaphore(%run_scoped3A : memref<!tpu.dma_semaphore, #tpu.memory_space<semaphore_mem>>) src(%arg10 : memref<96x128xf32, #tpu.memory_space<vmem>>) dst(%dma_wait3A_99 : memref<10240x128xf32, #tpu.memory_space<vmem_shared>>)
          tpu.yield
        }) : () -> ()
        %add3A_69 = arith.constant 1 : i32
        %add3A_70 = arith.addi %scan3A_51, %add3A_69 : i32
        %lt3A = arith.constant 4 : i32
        %lt3A_71 = arith.cmpi slt, %add3A_70, %lt3A : i32
        %convert_element_type3A_72 = arith.extui %lt3A_71 : i1 to i32
        %cond3A_73 = arith.constant 0 : i32
        %cond3A_74 = arith.cmpi ne, %convert_element_type3A_72, %cond3A_73 : i32
        scf.if %cond3A_74 {
          %add3A_88 = arith.constant 2 : i32
          %add3A_89 = arith.addi %mul3A_53, %add3A_88 : i32
          %dma_start3A_90 = arith.constant 0 : i32
          %dma_start3A_91 = tpu.memref_slice %arg6[%add3A_89, %dma_start3A_90] : memref<108x96xi32, #tpu.memory_space<vmem>> -> memref<1x96xi32, #tpu.memory_space<vmem>>
          %dma_start3A_92 = tpu.memref_squeeze %dma_start3A_91 : memref<1x96xi32, #tpu.memory_space<vmem>> -> memref<96xi32, #tpu.memory_space<vmem>>
          %dma_start3A_93 = arith.constant 0 : i32
          %dma_start3A_94 = arith.constant 0 : i32
          %dma_start3A_95 = tpu.memref_slice %arg4[%dma_start3A_93, %dma_start3A_94] : memref<10240x128xbf16, #tpu.memory_space<hbm>> -> memref<10240x128xbf16, #tpu.memory_space<hbm>>
          tpu.enqueue_indirect_dma source(%dma_start3A_95 : memref<10240x128xbf16, #tpu.memory_space<hbm>>) target(%arg8 : memref<96x128xbf16, #tpu.memory_space<vmem>>) offsets(%dma_start3A_92 : memref<96xi32, #tpu.memory_space<vmem>>) semaphore(%arg12 : memref<!tpu.dma_semaphore, #tpu.memory_space<semaphore_mem>>)
        } else {
        }
        %add3A_75 = arith.constant 1 : i32
        %add3A_76 = arith.addi %mul3A_53, %add3A_75 : i32
        %dma_wait3A_77 = arith.constant 0 : i32
        %dma_wait3A_78 = tpu.memref_slice %arg6[%add3A_76, %dma_wait3A_77] : memref<108x96xi32, #tpu.memory_space<vmem>> -> memref<1x96xi32, #tpu.memory_space<vmem>>
        %dma_wait3A_79 = tpu.memref_squeeze %dma_wait3A_78 : memref<1x96xi32, #tpu.memory_space<vmem>> -> memref<96xi32, #tpu.memory_space<vmem>>
        %dma_wait3A_80 = arith.constant 0 : i32
        %dma_wait3A_81 = arith.constant 0 : i32
        %dma_wait3A_82 = tpu.memref_slice %arg4[%dma_wait3A_80, %dma_wait3A_81] : memref<10240x128xbf16, #tpu.memory_space<hbm>> -> memref<10240x128xbf16, #tpu.memory_space<hbm>>
        tpu.wait_indirect_dma semaphore(%arg13 : memref<!tpu.dma_semaphore, #tpu.memory_space<semaphore_mem>>) src(%dma_wait3A_82 : memref<10240x128xbf16, #tpu.memory_space<hbm>>) dst(%arg9 : memref<96x128xbf16, #tpu.memory_space<vmem>>)
        %parallel_loop3A_83 = arith.constant 0 : i32
        %parallel_loop3A_84 = arith.constant 96 : i32
        %parallel_loop3A_85 = arith.constant 1 : i32
        scf.for %parallel_loop3A_88 = %parallel_loop3A_83 to %parallel_loop3A_84 step %parallel_loop3A_85  : i32 {
          %parallel_loop3A_89 = arith.index_cast %parallel_loop3A_88 : i32 to index
          %parallel_loop3A_90 = arith.constant 0 : index
          %parallel_loop3A_91 = tpu.vector_load %arg9[%parallel_loop3A_89, %parallel_loop3A_90] {strides = array<i32>} : memref<96x128xbf16, #tpu.memory_space<vmem>>, vector<32xbf16>,
          %parallel_loop3A_92 = vector.bitcast %parallel_loop3A_91 : vector<32xbf16> to vector<16xi32>
          %parallel_loop3A_93 = arith.constant 16 : i32
          %parallel_loop3A_94 = vector.broadcast %parallel_loop3A_93 : i32 to vector<16xi32>
          %parallel_loop3A_95 = arith.shli %parallel_loop3A_92, %parallel_loop3A_94 : vector<16xi32>
          %parallel_loop3A_96 = vector.bitcast %parallel_loop3A_95 : vector<16xi32> to vector<16xf32>
          %parallel_loop3A_97 = arith.index_cast %parallel_loop3A_88 : i32 to index
          %parallel_loop3A_98 = arith.constant 0 : index
          %parallel_loop3A_99 = tpu.vector_load %arg10[%parallel_loop3A_97, %parallel_loop3A_98] {strides = array<i32>} : memref<96x128xf32, #tpu.memory_space<vmem>>, vector<16xf32>,
          tpu.vector_store %arg10[%parallel_loop3A_97, %parallel_loop3A_98], %parallel_loop3A_96 {strides = array<i32>} : memref<96x128xf32, #tpu.memory_space<vmem>>, vector<16xf32>,
          %parallel_loop3A_100 = arith.constant -65536 : i32
          %parallel_loop3A_101 = vector.broadcast %parallel_loop3A_100 : i32 to vector<16xi32>
          %parallel_loop3A_102 = arith.andi %parallel_loop3A_92, %parallel_loop3A_101 : vector<16xi32>
          %parallel_loop3A_103 = vector.bitcast %parallel_loop3A_102 : vector<16xi32> to vector<16xf32>
          %parallel_loop3A_104 = arith.index_cast %parallel_loop3A_88 : i32 to index
          %parallel_loop3A_105 = arith.constant 64 : index
          %parallel_loop3A_106 = tpu.vector_load %arg10[%parallel_loop3A_104, %parallel_loop3A_105] {strides = array<i32>} : memref<96x128xf32, #tpu.memory_space<vmem>>, vector<16xf32>,
          tpu.vector_store %arg10[%parallel_loop3A_104, %parallel_loop3A_105], %parallel_loop3A_103 {strides = array<i32>} : memref<96x128xf32, #tpu.memory_space<vmem>>, vector<16xf32>,
          %parallel_loop3A_107 = arith.index_cast %parallel_loop3A_88 : i32 to index
          %parallel_loop3A_108 = arith.constant 32 : index
          %parallel_loop3A_109 = tpu.vector_load %arg9[%parallel_loop3A_107, %parallel_loop3A_108] {strides = array<i32>} : memref<96x128xbf16, #tpu.memory_space<vmem>>, vector<32xbf16>,
          %parallel_loop3A_110 = vector.bitcast %parallel_loop3A_109 : vector<32xbf16> to vector<16xi32>
          %parallel_loop3A_111 = arith.constant 16 : i32
          %parallel_loop3A_112 = vector.broadcast %parallel_loop3A_111 : i32 to vector<16xi32>
          %parallel_loop3A_113 = arith.shli %parallel_loop3A_110, %parallel_loop3A_112 : vector<16xi32>
          %parallel_loop3A_114 = vector.bitcast %parallel_loop3A_113 : vector<16xi32> to vector<16xf32>
          %parallel_loop3A_115 = arith.index_cast %parallel_loop3A_88 : i32 to index
          %parallel_loop3A_116 = arith.constant 16 : index
          %parallel_loop3A_117 = tpu.vector_load %arg10[%parallel_loop3A_115, %parallel_loop3A_116] {strides = array<i32>} : memref<96x128xf32, #tpu.memory_space<vmem>>, vector<16xf32>,
          tpu.vector_store %arg10[%parallel_loop3A_115, %parallel_loop3A_116], %parallel_loop3A_114 {strides = array<i32>} : memref<96x128xf32, #tpu.memory_space<vmem>>, vector<16xf32>,
          %parallel_loop3A_118 = arith.constant -65536 : i32
          %parallel_loop3A_119 = vector.broadcast %parallel_loop3A_118 : i32 to vector<16xi32>
          %parallel_loop3A_120 = arith.andi %parallel_loop3A_110, %parallel_loop3A_119 : vector<16xi32>
          %parallel_loop3A_121 = vector.bitcast %parallel_loop3A_120 : vector<16xi32> to vector<16xf32>
          %parallel_loop3A_122 = arith.index_cast %parallel_loop3A_88 : i32 to index
          %parallel_loop3A_123 = arith.constant 80 : index
          %parallel_loop3A_124 = tpu.vector_load %arg10[%parallel_loop3A_122, %parallel_loop3A_123] {strides = array<i32>} : memref<96x128xf32, #tpu.memory_space<vmem>>, vector<16xf32>,
          tpu.vector_store %arg10[%parallel_loop3A_122, %parallel_loop3A_123], %parallel_loop3A_121 {strides = array<i32>} : memref<96x128xf32, #tpu.memory_space<vmem>>, vector<16xf32>,
          %parallel_loop3A_125 = arith.index_cast %parallel_loop3A_88 : i32 to index
          %parallel_loop3A_126 = arith.constant 64 : index
          %parallel_loop3A_127 = tpu.vector_load %arg9[%parallel_loop3A_125, %parallel_loop3A_126] {strides = array<i32>} : memref<96x128xbf16, #tpu.memory_space<vmem>>, vector<32xbf16>,
          %parallel_loop3A_128 = vector.bitcast %parallel_loop3A_127 : vector<32xbf16> to vector<16xi32>
          %parallel_loop3A_129 = arith.constant 16 : i32
          %parallel_loop3A_130 = vector.broadcast %parallel_loop3A_129 : i32 to vector<16xi32>
          %parallel_loop3A_131 = arith.shli %parallel_loop3A_128, %parallel_loop3A_130 : vector<16xi32>
          %parallel_loop3A_132 = vector.bitcast %parallel_loop3A_131 : vector<16xi32> to vector<16xf32>
          %parallel_loop3A_133 = arith.index_cast %parallel_loop3A_88 : i32 to index
          %parallel_loop3A_134 = arith.constant 32 : index
          %parallel_loop3A_135 = tpu.vector_load %arg10[%parallel_loop3A_133, %parallel_loop3A_134] {strides = array<i32>} : memref<96x128xf32, #tpu.memory_space<vmem>>, vector<16xf32>,
          tpu.vector_store %arg10[%parallel_loop3A_133, %parallel_loop3A_134], %parallel_loop3A_132 {strides = array<i32>} : memref<96x128xf32, #tpu.memory_space<vmem>>, vector<16xf32>,
          %parallel_loop3A_136 = arith.constant -65536 : i32
          %parallel_loop3A_137 = vector.broadcast %parallel_loop3A_136 : i32 to vector<16xi32>
          %parallel_loop3A_138 = arith.andi %parallel_loop3A_128, %parallel_loop3A_137 : vector<16xi32>
          %parallel_loop3A_139 = vector.bitcast %parallel_loop3A_138 : vector<16xi32> to vector<16xf32>
          %parallel_loop3A_140 = arith.index_cast %parallel_loop3A_88 : i32 to index
          %parallel_loop3A_141 = arith.constant 96 : index
          %parallel_loop3A_142 = tpu.vector_load %arg10[%parallel_loop3A_140, %parallel_loop3A_141] {strides = array<i32>} : memref<96x128xf32, #tpu.memory_space<vmem>>, vector<16xf32>,
          tpu.vector_store %arg10[%parallel_loop3A_140, %parallel_loop3A_141], %parallel_loop3A_139 {strides = array<i32>} : memref<96x128xf32, #tpu.memory_space<vmem>>, vector<16xf32>,
          %parallel_loop3A_143 = arith.index_cast %parallel_loop3A_88 : i32 to index
          %parallel_loop3A_144 = arith.constant 96 : index
          %parallel_loop3A_145 = tpu.vector_load %arg9[%parallel_loop3A_143, %parallel_loop3A_144] {strides = array<i32>} : memref<96x128xbf16, #tpu.memory_space<vmem>>, vector<32xbf16>,
          %parallel_loop3A_146 = vector.bitcast %parallel_loop3A_145 : vector<32xbf16> to vector<16xi32>
          %parallel_loop3A_147 = arith.constant 16 : i32
          %parallel_loop3A_148 = vector.broadcast %parallel_loop3A_147 : i32 to vector<16xi32>
          %parallel_loop3A_149 = arith.shli %parallel_loop3A_146, %parallel_loop3A_148 : vector<16xi32>
          %parallel_loop3A_150 = vector.bitcast %parallel_loop3A_149 : vector<16xi32> to vector<16xf32>
          %parallel_loop3A_151 = arith.index_cast %parallel_loop3A_88 : i32 to index
          %parallel_loop3A_152 = arith.constant 48 : index
          %parallel_loop3A_153 = tpu.vector_load %arg10[%parallel_loop3A_151, %parallel_loop3A_152] {strides = array<i32>} : memref<96x128xf32, #tpu.memory_space<vmem>>, vector<16xf32>,
          tpu.vector_store %arg10[%parallel_loop3A_151, %parallel_loop3A_152], %parallel_loop3A_150 {strides = array<i32>} : memref<96x128xf32, #tpu.memory_space<vmem>>, vector<16xf32>,
          %parallel_loop3A_154 = arith.constant -65536 : i32
          %parallel_loop3A_155 = vector.broadcast %parallel_loop3A_154 : i32 to vector<16xi32>
          %parallel_loop3A_156 = arith.andi %parallel_loop3A_146, %parallel_loop3A_155 : vector<16xi32>
          %parallel_loop3A_157 = vector.bitcast %parallel_loop3A_156 : vector<16xi32> to vector<16xf32>
          %parallel_loop3A_158 = arith.index_cast %parallel_loop3A_88 : i32 to index
          %parallel_loop3A_159 = arith.constant 112 : index
          %parallel_loop3A_160 = tpu.vector_load %arg10[%parallel_loop3A_158, %parallel_loop3A_159] {strides = array<i32>} : memref<96x128xf32, #tpu.memory_space<vmem>>, vector<16xf32>,
          tpu.vector_store %arg10[%parallel_loop3A_158, %parallel_loop3A_159], %parallel_loop3A_157 {strides = array<i32>} : memref<96x128xf32, #tpu.memory_space<vmem>>, vector<16xf32>,
        } {sc.loop_unroll_factor = 8 : i64, sc.parallel_access}
        %add3A_86 = arith.constant 1 : i32
        %add3A_87 = arith.addi %mul3A_53, %add3A_86 : i32
        "tpu.region"() ({
          %run_scoped3A = tpu.sem_alloc : memref<!tpu.dma_semaphore, #tpu.memory_space<semaphore_mem>>
          %dma_start3A_88 = arith.constant 0 : i32
          %dma_start3A_89 = tpu.memref_slice %arg7[%add3A_87, %dma_start3A_88] : memref<108x96xi32, #tpu.memory_space<vmem>> -> memref<1x96xi32, #tpu.memory_space<vmem>>
          %dma_start3A_90 = tpu.memref_squeeze %dma_start3A_89 : memref<1x96xi32, #tpu.memory_space<vmem>> -> memref<96xi32, #tpu.memory_space<vmem>>
          %dma_start3A_91 = arith.constant 0 : i32
          %dma_start3A_92 = arith.constant 0 : i32
          %dma_start3A_93 = tpu.memref_slice %arg11[%dma_start3A_91, %dma_start3A_92] : memref<10240x128xf32, #tpu.memory_space<vmem_shared>> -> memref<10240x128xf32, #tpu.memory_space<vmem_shared>>
          tpu.enqueue_indirect_dma source(%arg10 : memref<96x128xf32, #tpu.memory_space<vmem>>) target(%dma_start3A_93 : memref<10240x128xf32, #tpu.memory_space<vmem_shared>>) offsets(%dma_start3A_90 : memref<96xi32, #tpu.memory_space<vmem>>) semaphore(%run_scoped3A : memref<!tpu.dma_semaphore, #tpu.memory_space<semaphore_mem>>) {add = true}
          %dma_wait3A_94 = arith.constant 0 : i32
          %dma_wait3A_95 = tpu.memref_slice %arg7[%add3A_87, %dma_wait3A_94] : memref<108x96xi32, #tpu.memory_space<vmem>> -> memref<1x96xi32, #tpu.memory_space<vmem>>
          %dma_wait3A_96 = tpu.memref_squeeze %dma_wait3A_95 : memref<1x96xi32, #tpu.memory_space<vmem>> -> memref<96xi32, #tpu.memory_space<vmem>>
          %dma_wait3A_97 = arith.constant 0 : i32
          %dma_wait3A_98 = arith.constant 0 : i32
          %dma_wait3A_99 = tpu.memref_slice %arg11[%dma_wait3A_97, %dma_wait3A_98] : memref<10240x128xf32, #tpu.memory_space<vmem_shared>> -> memref<10240x128xf32, #tpu.memory_space<vmem_shared>>
          tpu.wait_indirect_dma semaphore(%run_scoped3A : memref<!tpu.dma_semaphore, #tpu.memory_space<semaphore_mem>>) src(%arg10 : memref<96x128xf32, #tpu.memory_space<vmem>>) dst(%dma_wait3A_99 : memref<10240x128xf32, #tpu.memory_space<vmem_shared>>)
          tpu.yield
        }) : () -> ()
      }
      %scan3A_50 = arith.constant 4 : i32
    } else {
    }
    %eq3A_14 = arith.constant 1 : i32
    %eq3A_15 = arith.cmpi eq, %arg0, %eq3A_14 : i32
    %convert_element_type3A_16 = arith.extui %eq3A_15 : i1 to i32
    %cond3A_17 = arith.constant 0 : i32
    %cond3A_18 = arith.cmpi ne, %convert_element_type3A_16, %cond3A_17 : i32
    scf.if %cond3A_18 {
      %mul3A_22 = arith.constant 100 : i32
      %mul3A_23 = arith.muli %arg1, %mul3A_22 : i32
      %add3A_24 = arith.constant 1856 : i32
      %add3A_25 = arith.addi %add3A_24, %mul3A_23 : i32
      "tpu.region"() ({
        %run_scoped3A = tpu.sem_alloc : memref<!tpu.dma_semaphore, #tpu.memory_space<semaphore_mem>>
        %dma_start3A_38 = arith.constant 0 : i32
        %dma_start3A_39 = arith.constant 0 : i32
        %dma_start3A_40 = tpu.memref_slice %arg6[%dma_start3A_38, %dma_start3A_39] : memref<108x96xi32, #tpu.memory_space<vmem>> -> memref<100x96xi32, #tpu.memory_space<vmem>>
        %dma_start3A_41 = arith.constant 0 : i32
        %dma_start3A_42 = tpu.memref_slice %arg2[%add3A_25, %dma_start3A_41] : memref<3456x96xi32, #tpu.memory_space<hbm>> -> memref<100x96xi32, #tpu.memory_space<hbm>>
        %dma_start3A_43 = arith.constant 0 : i32
        %dma_start3A_44 = arith.constant 0 : i32
        %dma_start3A_45 = tpu.memref_slice %arg6[%dma_start3A_43, %dma_start3A_44] : memref<108x96xi32, #tpu.memory_space<vmem>> -> memref<100x96xi32, #tpu.memory_space<vmem>>
        %dma_start3A_46 = arith.constant 0 : i32
        %dma_start3A_47 = tpu.memref_slice %arg2[%add3A_25, %dma_start3A_46] : memref<3456x96xi32, #tpu.memory_space<hbm>> -> memref<100x96xi32, #tpu.memory_space<hbm>>
        tpu.enqueue_dma source(%dma_start3A_47 : memref<100x96xi32, #tpu.memory_space<hbm>>) target(%dma_start3A_45 : memref<100x96xi32, #tpu.memory_space<vmem>>) target_semaphore(%run_scoped3A : memref<!tpu.dma_semaphore, #tpu.memory_space<semaphore_mem>>)
        %dma_wait3A = arith.constant 0 : i32
        %dma_wait3A_48 = arith.constant 0 : i32
        %dma_wait3A_49 = tpu.memref_slice %arg6[%dma_wait3A, %dma_wait3A_48] : memref<108x96xi32, #tpu.memory_space<vmem>> -> memref<100x96xi32, #tpu.memory_space<vmem>>
        %dma_wait3A_50 = arith.constant 0 : i32
        %dma_wait3A_51 = tpu.memref_slice %arg2[%add3A_25, %dma_wait3A_50] : memref<3456x96xi32, #tpu.memory_space<hbm>> -> memref<100x96xi32, #tpu.memory_space<hbm>>
        %dma_wait3A_52 = arith.constant 0 : i32
        %dma_wait3A_53 = arith.constant 0 : i32
        %dma_wait3A_54 = tpu.memref_slice %arg6[%dma_wait3A_52, %dma_wait3A_53] : memref<108x96xi32, #tpu.memory_space<vmem>> -> memref<100x96xi32, #tpu.memory_space<vmem>>
        %dma_wait3A_55 = arith.constant 0 : i32
        %dma_wait3A_56 = tpu.memref_slice %arg2[%add3A_25, %dma_wait3A_55] : memref<3456x96xi32, #tpu.memory_space<hbm>> -> memref<100x96xi32, #tpu.memory_space<hbm>>
        tpu.wait_dma2 semaphore(%run_scoped3A : memref<!tpu.dma_semaphore, #tpu.memory_space<semaphore_mem>>) src(%dma_wait3A_56 : memref<100x96xi32, #tpu.memory_space<hbm>>) dst(%dma_wait3A_54 : memref<100x96xi32, #tpu.memory_space<vmem>>)
        tpu.yield
      }) : () -> ()
      "tpu.region"() ({
        %run_scoped3A = tpu.sem_alloc : memref<!tpu.dma_semaphore, #tpu.memory_space<semaphore_mem>>
        %dma_start3A_38 = arith.constant 0 : i32
        %dma_start3A_39 = arith.constant 0 : i32
        %dma_start3A_40 = tpu.memref_slice %arg7[%dma_start3A_38, %dma_start3A_39] : memref<108x96xi32, #tpu.memory_space<vmem>> -> memref<100x96xi32, #tpu.memory_space<vmem>>
        %dma_start3A_41 = arith.constant 0 : i32
        %dma_start3A_42 = tpu.memref_slice %arg3[%add3A_25, %dma_start3A_41] : memref<3456x96xi32, #tpu.memory_space<hbm>> -> memref<100x96xi32, #tpu.memory_space<hbm>>
        %dma_start3A_43 = arith.constant 0 : i32
        %dma_start3A_44 = arith.constant 0 : i32
        %dma_start3A_45 = tpu.memref_slice %arg7[%dma_start3A_43, %dma_start3A_44] : memref<108x96xi32, #tpu.memory_space<vmem>> -> memref<100x96xi32, #tpu.memory_space<vmem>>
        %dma_start3A_46 = arith.constant 0 : i32
        %dma_start3A_47 = tpu.memref_slice %arg3[%add3A_25, %dma_start3A_46] : memref<3456x96xi32, #tpu.memory_space<hbm>> -> memref<100x96xi32, #tpu.memory_space<hbm>>
        tpu.enqueue_dma source(%dma_start3A_47 : memref<100x96xi32, #tpu.memory_space<hbm>>) target(%dma_start3A_45 : memref<100x96xi32, #tpu.memory_space<vmem>>) target_semaphore(%run_scoped3A : memref<!tpu.dma_semaphore, #tpu.memory_space<semaphore_mem>>)
        %dma_wait3A = arith.constant 0 : i32
        %dma_wait3A_48 = arith.constant 0 : i32
        %dma_wait3A_49 = tpu.memref_slice %arg7[%dma_wait3A, %dma_wait3A_48] : memref<108x96xi32, #tpu.memory_space<vmem>> -> memref<100x96xi32, #tpu.memory_space<vmem>>
        %dma_wait3A_50 = arith.constant 0 : i32
        %dma_wait3A_51 = tpu.memref_slice %arg3[%add3A_25, %dma_wait3A_50] : memref<3456x96xi32, #tpu.memory_space<hbm>> -> memref<100x96xi32, #tpu.memory_space<hbm>>
        %dma_wait3A_52 = arith.constant 0 : i32
        %dma_wait3A_53 = arith.constant 0 : i32
        %dma_wait3A_54 = tpu.memref_slice %arg7[%dma_wait3A_52, %dma_wait3A_53] : memref<108x96xi32, #tpu.memory_space<vmem>> -> memref<100x96xi32, #tpu.memory_space<vmem>>
        %dma_wait3A_55 = arith.constant 0 : i32
        %dma_wait3A_56 = tpu.memref_slice %arg3[%add3A_25, %dma_wait3A_55] : memref<3456x96xi32, #tpu.memory_space<hbm>> -> memref<100x96xi32, #tpu.memory_space<hbm>>
        tpu.wait_dma2 semaphore(%run_scoped3A : memref<!tpu.dma_semaphore, #tpu.memory_space<semaphore_mem>>) src(%dma_wait3A_56 : memref<100x96xi32, #tpu.memory_space<hbm>>) dst(%dma_wait3A_54 : memref<100x96xi32, #tpu.memory_space<vmem>>)
        tpu.yield
      }) : () -> ()
      %dma_start3A = arith.constant 0 : i32
      %dma_start3A_26 = arith.constant 0 : i32
      %dma_start3A_27 = tpu.memref_slice %arg6[%dma_start3A, %dma_start3A_26] : memref<108x96xi32, #tpu.memory_space<vmem>> -> memref<1x96xi32, #tpu.memory_space<vmem>>
      %dma_start3A_28 = tpu.memref_squeeze %dma_start3A_27 : memref<1x96xi32, #tpu.memory_space<vmem>> -> memref<96xi32, #tpu.memory_space<vmem>>
      %dma_start3A_29 = arith.constant 0 : i32
      %dma_start3A_30 = arith.constant 0 : i32
      %dma_start3A_31 = tpu.memref_slice %arg4[%dma_start3A_29, %dma_start3A_30] : memref<10240x128xbf16, #tpu.memory_space<hbm>> -> memref<10240x128xbf16, #tpu.memory_space<hbm>>
      tpu.enqueue_indirect_dma source(%dma_start3A_31 : memref<10240x128xbf16, #tpu.memory_space<hbm>>) target(%arg8 : memref<96x128xbf16, #tpu.memory_space<vmem>>) offsets(%dma_start3A_28 : memref<96xi32, #tpu.memory_space<vmem>>) semaphore(%arg12 : memref<!tpu.dma_semaphore, #tpu.memory_space<semaphore_mem>>)
      %scan3A_32 = arith.constant 0 : i32
      %scan3A_33 = arith.constant 0 : i32
      %scan3A_34 = arith.constant 50 : i32
      %scan3A_35 = arith.addi %scan3A_33, %scan3A_34 : i32
      %scan3A_36 = arith.constant 1 : i32
      scf.for %scan3A_38 = %scan3A_33 to %scan3A_35 step %scan3A_36  : i32 {
        %mul3A_39 = arith.constant 2 : i32
        %mul3A_40 = arith.muli %scan3A_38, %mul3A_39 : i32
        %add3A_41 = arith.constant 1 : i32
        %add3A_42 = arith.addi %mul3A_40, %add3A_41 : i32
        %dma_start3A_43 = arith.constant 0 : i32
        %dma_start3A_44 = tpu.memref_slice %arg6[%add3A_42, %dma_start3A_43] : memref<108x96xi32, #tpu.memory_space<vmem>> -> memref<1x96xi32, #tpu.memory_space<vmem>>
        %dma_start3A_45 = tpu.memref_squeeze %dma_start3A_44 : memref<1x96xi32, #tpu.memory_space<vmem>> -> memref<96xi32, #tpu.memory_space<vmem>>
        %dma_start3A_46 = arith.constant 0 : i32
        %dma_start3A_47 = arith.constant 0 : i32
        %dma_start3A_48 = tpu.memref_slice %arg4[%dma_start3A_46, %dma_start3A_47] : memref<10240x128xbf16, #tpu.memory_space<hbm>> -> memref<10240x128xbf16, #tpu.memory_space<hbm>>
        tpu.enqueue_indirect_dma source(%dma_start3A_48 : memref<10240x128xbf16, #tpu.memory_space<hbm>>) target(%arg9 : memref<96x128xbf16, #tpu.memory_space<vmem>>) offsets(%dma_start3A_45 : memref<96xi32, #tpu.memory_space<vmem>>) semaphore(%arg13 : memref<!tpu.dma_semaphore, #tpu.memory_space<semaphore_mem>>)
        %dma_wait3A = arith.constant 0 : i32
        %dma_wait3A_49 = tpu.memref_slice %arg6[%mul3A_40, %dma_wait3A] : memref<108x96xi32, #tpu.memory_space<vmem>> -> memref<1x96xi32, #tpu.memory_space<vmem>>
        %dma_wait3A_50 = tpu.memref_squeeze %dma_wait3A_49 : memref<1x96xi32, #tpu.memory_space<vmem>> -> memref<96xi32, #tpu.memory_space<vmem>>
        %dma_wait3A_51 = arith.constant 0 : i32
        %dma_wait3A_52 = arith.constant 0 : i32
        %dma_wait3A_53 = tpu.memref_slice %arg4[%dma_wait3A_51, %dma_wait3A_52] : memref<10240x128xbf16, #tpu.memory_space<hbm>> -> memref<10240x128xbf16, #tpu.memory_space<hbm>>
        tpu.wait_indirect_dma semaphore(%arg12 : memref<!tpu.dma_semaphore, #tpu.memory_space<semaphore_mem>>) src(%dma_wait3A_53 : memref<10240x128xbf16, #tpu.memory_space<hbm>>) dst(%arg8 : memref<96x128xbf16, #tpu.memory_space<vmem>>)
        %parallel_loop3A = arith.constant 0 : i32
        %parallel_loop3A_54 = arith.constant 96 : i32
        %parallel_loop3A_55 = arith.constant 1 : i32
        scf.for %parallel_loop3A_75 = %parallel_loop3A to %parallel_loop3A_54 step %parallel_loop3A_55  : i32 {
          %parallel_loop3A_76 = arith.index_cast %parallel_loop3A_75 : i32 to index
          %parallel_loop3A_77 = arith.constant 0 : index
          %parallel_loop3A_78 = tpu.vector_load %arg8[%parallel_loop3A_76, %parallel_loop3A_77] {strides = array<i32>} : memref<96x128xbf16, #tpu.memory_space<vmem>>, vector<32xbf16>,
          %parallel_loop3A_79 = vector.bitcast %parallel_loop3A_78 : vector<32xbf16> to vector<16xi32>
          %parallel_loop3A_80 = arith.constant 16 : i32
          %parallel_loop3A_81 = vector.broadcast %parallel_loop3A_80 : i32 to vector<16xi32>
          %parallel_loop3A_82 = arith.shli %parallel_loop3A_79, %parallel_loop3A_81 : vector<16xi32>
          %parallel_loop3A_83 = vector.bitcast %parallel_loop3A_82 : vector<16xi32> to vector<16xf32>
          %parallel_loop3A_84 = arith.index_cast %parallel_loop3A_75 : i32 to index
          %parallel_loop3A_85 = arith.constant 0 : index
          %parallel_loop3A_86 = tpu.vector_load %arg10[%parallel_loop3A_84, %parallel_loop3A_85] {strides = array<i32>} : memref<96x128xf32, #tpu.memory_space<vmem>>, vector<16xf32>,
          tpu.vector_store %arg10[%parallel_loop3A_84, %parallel_loop3A_85], %parallel_loop3A_83 {strides = array<i32>} : memref<96x128xf32, #tpu.memory_space<vmem>>, vector<16xf32>,
          %parallel_loop3A_87 = arith.constant -65536 : i32
          %parallel_loop3A_88 = vector.broadcast %parallel_loop3A_87 : i32 to vector<16xi32>
          %parallel_loop3A_89 = arith.andi %parallel_loop3A_79, %parallel_loop3A_88 : vector<16xi32>
          %parallel_loop3A_90 = vector.bitcast %parallel_loop3A_89 : vector<16xi32> to vector<16xf32>
          %parallel_loop3A_91 = arith.index_cast %parallel_loop3A_75 : i32 to index
          %parallel_loop3A_92 = arith.constant 64 : index
          %parallel_loop3A_93 = tpu.vector_load %arg10[%parallel_loop3A_91, %parallel_loop3A_92] {strides = array<i32>} : memref<96x128xf32, #tpu.memory_space<vmem>>, vector<16xf32>,
          tpu.vector_store %arg10[%parallel_loop3A_91, %parallel_loop3A_92], %parallel_loop3A_90 {strides = array<i32>} : memref<96x128xf32, #tpu.memory_space<vmem>>, vector<16xf32>,
          %parallel_loop3A_94 = arith.index_cast %parallel_loop3A_75 : i32 to index
          %parallel_loop3A_95 = arith.constant 32 : index
          %parallel_loop3A_96 = tpu.vector_load %arg8[%parallel_loop3A_94, %parallel_loop3A_95] {strides = array<i32>} : memref<96x128xbf16, #tpu.memory_space<vmem>>, vector<32xbf16>,
          %parallel_loop3A_97 = vector.bitcast %parallel_loop3A_96 : vector<32xbf16> to vector<16xi32>
          %parallel_loop3A_98 = arith.constant 16 : i32
          %parallel_loop3A_99 = vector.broadcast %parallel_loop3A_98 : i32 to vector<16xi32>
          %parallel_loop3A_100 = arith.shli %parallel_loop3A_97, %parallel_loop3A_99 : vector<16xi32>
          %parallel_loop3A_101 = vector.bitcast %parallel_loop3A_100 : vector<16xi32> to vector<16xf32>
          %parallel_loop3A_102 = arith.index_cast %parallel_loop3A_75 : i32 to index
          %parallel_loop3A_103 = arith.constant 16 : index
          %parallel_loop3A_104 = tpu.vector_load %arg10[%parallel_loop3A_102, %parallel_loop3A_103] {strides = array<i32>} : memref<96x128xf32, #tpu.memory_space<vmem>>, vector<16xf32>,
          tpu.vector_store %arg10[%parallel_loop3A_102, %parallel_loop3A_103], %parallel_loop3A_101 {strides = array<i32>} : memref<96x128xf32, #tpu.memory_space<vmem>>, vector<16xf32>,
          %parallel_loop3A_105 = arith.constant -65536 : i32
          %parallel_loop3A_106 = vector.broadcast %parallel_loop3A_105 : i32 to vector<16xi32>
          %parallel_loop3A_107 = arith.andi %parallel_loop3A_97, %parallel_loop3A_106 : vector<16xi32>
          %parallel_loop3A_108 = vector.bitcast %parallel_loop3A_107 : vector<16xi32> to vector<16xf32>
          %parallel_loop3A_109 = arith.index_cast %parallel_loop3A_75 : i32 to index
          %parallel_loop3A_110 = arith.constant 80 : index
          %parallel_loop3A_111 = tpu.vector_load %arg10[%parallel_loop3A_109, %parallel_loop3A_110] {strides = array<i32>} : memref<96x128xf32, #tpu.memory_space<vmem>>, vector<16xf32>,
          tpu.vector_store %arg10[%parallel_loop3A_109, %parallel_loop3A_110], %parallel_loop3A_108 {strides = array<i32>} : memref<96x128xf32, #tpu.memory_space<vmem>>, vector<16xf32>,
          %parallel_loop3A_112 = arith.index_cast %parallel_loop3A_75 : i32 to index
          %parallel_loop3A_113 = arith.constant 64 : index
          %parallel_loop3A_114 = tpu.vector_load %arg8[%parallel_loop3A_112, %parallel_loop3A_113] {strides = array<i32>} : memref<96x128xbf16, #tpu.memory_space<vmem>>, vector<32xbf16>,
          %parallel_loop3A_115 = vector.bitcast %parallel_loop3A_114 : vector<32xbf16> to vector<16xi32>
          %parallel_loop3A_116 = arith.constant 16 : i32
          %parallel_loop3A_117 = vector.broadcast %parallel_loop3A_116 : i32 to vector<16xi32>
          %parallel_loop3A_118 = arith.shli %parallel_loop3A_115, %parallel_loop3A_117 : vector<16xi32>
          %parallel_loop3A_119 = vector.bitcast %parallel_loop3A_118 : vector<16xi32> to vector<16xf32>
          %parallel_loop3A_120 = arith.index_cast %parallel_loop3A_75 : i32 to index
          %parallel_loop3A_121 = arith.constant 32 : index
          %parallel_loop3A_122 = tpu.vector_load %arg10[%parallel_loop3A_120, %parallel_loop3A_121] {strides = array<i32>} : memref<96x128xf32, #tpu.memory_space<vmem>>, vector<16xf32>,
          tpu.vector_store %arg10[%parallel_loop3A_120, %parallel_loop3A_121], %parallel_loop3A_119 {strides = array<i32>} : memref<96x128xf32, #tpu.memory_space<vmem>>, vector<16xf32>,
          %parallel_loop3A_123 = arith.constant -65536 : i32
          %parallel_loop3A_124 = vector.broadcast %parallel_loop3A_123 : i32 to vector<16xi32>
          %parallel_loop3A_125 = arith.andi %parallel_loop3A_115, %parallel_loop3A_124 : vector<16xi32>
          %parallel_loop3A_126 = vector.bitcast %parallel_loop3A_125 : vector<16xi32> to vector<16xf32>
          %parallel_loop3A_127 = arith.index_cast %parallel_loop3A_75 : i32 to index
          %parallel_loop3A_128 = arith.constant 96 : index
          %parallel_loop3A_129 = tpu.vector_load %arg10[%parallel_loop3A_127, %parallel_loop3A_128] {strides = array<i32>} : memref<96x128xf32, #tpu.memory_space<vmem>>, vector<16xf32>,
          tpu.vector_store %arg10[%parallel_loop3A_127, %parallel_loop3A_128], %parallel_loop3A_126 {strides = array<i32>} : memref<96x128xf32, #tpu.memory_space<vmem>>, vector<16xf32>,
          %parallel_loop3A_130 = arith.index_cast %parallel_loop3A_75 : i32 to index
          %parallel_loop3A_131 = arith.constant 96 : index
          %parallel_loop3A_132 = tpu.vector_load %arg8[%parallel_loop3A_130, %parallel_loop3A_131] {strides = array<i32>} : memref<96x128xbf16, #tpu.memory_space<vmem>>, vector<32xbf16>,
          %parallel_loop3A_133 = vector.bitcast %parallel_loop3A_132 : vector<32xbf16> to vector<16xi32>
          %parallel_loop3A_134 = arith.constant 16 : i32
          %parallel_loop3A_135 = vector.broadcast %parallel_loop3A_134 : i32 to vector<16xi32>
          %parallel_loop3A_136 = arith.shli %parallel_loop3A_133, %parallel_loop3A_135 : vector<16xi32>
          %parallel_loop3A_137 = vector.bitcast %parallel_loop3A_136 : vector<16xi32> to vector<16xf32>
          %parallel_loop3A_138 = arith.index_cast %parallel_loop3A_75 : i32 to index
          %parallel_loop3A_139 = arith.constant 48 : index
          %parallel_loop3A_140 = tpu.vector_load %arg10[%parallel_loop3A_138, %parallel_loop3A_139] {strides = array<i32>} : memref<96x128xf32, #tpu.memory_space<vmem>>, vector<16xf32>,
          tpu.vector_store %arg10[%parallel_loop3A_138, %parallel_loop3A_139], %parallel_loop3A_137 {strides = array<i32>} : memref<96x128xf32, #tpu.memory_space<vmem>>, vector<16xf32>,
          %parallel_loop3A_141 = arith.constant -65536 : i32
          %parallel_loop3A_142 = vector.broadcast %parallel_loop3A_141 : i32 to vector<16xi32>
          %parallel_loop3A_143 = arith.andi %parallel_loop3A_133, %parallel_loop3A_142 : vector<16xi32>
          %parallel_loop3A_144 = vector.bitcast %parallel_loop3A_143 : vector<16xi32> to vector<16xf32>
          %parallel_loop3A_145 = arith.index_cast %parallel_loop3A_75 : i32 to index
          %parallel_loop3A_146 = arith.constant 112 : index
          %parallel_loop3A_147 = tpu.vector_load %arg10[%parallel_loop3A_145, %parallel_loop3A_146] {strides = array<i32>} : memref<96x128xf32, #tpu.memory_space<vmem>>, vector<16xf32>,
          tpu.vector_store %arg10[%parallel_loop3A_145, %parallel_loop3A_146], %parallel_loop3A_144 {strides = array<i32>} : memref<96x128xf32, #tpu.memory_space<vmem>>, vector<16xf32>,
        } {sc.loop_unroll_factor = 8 : i64, sc.parallel_access}
        "tpu.region"() ({
          %run_scoped3A = tpu.sem_alloc : memref<!tpu.dma_semaphore, #tpu.memory_space<semaphore_mem>>
          %dma_start3A_75 = arith.constant 0 : i32
          %dma_start3A_76 = tpu.memref_slice %arg7[%mul3A_40, %dma_start3A_75] : memref<108x96xi32, #tpu.memory_space<vmem>> -> memref<1x96xi32, #tpu.memory_space<vmem>>
          %dma_start3A_77 = tpu.memref_squeeze %dma_start3A_76 : memref<1x96xi32, #tpu.memory_space<vmem>> -> memref<96xi32, #tpu.memory_space<vmem>>
          %dma_start3A_78 = arith.constant 0 : i32
          %dma_start3A_79 = arith.constant 0 : i32
          %dma_start3A_80 = tpu.memref_slice %arg11[%dma_start3A_78, %dma_start3A_79] : memref<10240x128xf32, #tpu.memory_space<vmem_shared>> -> memref<10240x128xf32, #tpu.memory_space<vmem_shared>>
          tpu.enqueue_indirect_dma source(%arg10 : memref<96x128xf32, #tpu.memory_space<vmem>>) target(%dma_start3A_80 : memref<10240x128xf32, #tpu.memory_space<vmem_shared>>) offsets(%dma_start3A_77 : memref<96xi32, #tpu.memory_space<vmem>>) semaphore(%run_scoped3A : memref<!tpu.dma_semaphore, #tpu.memory_space<semaphore_mem>>) {add = true}
          %dma_wait3A_81 = arith.constant 0 : i32
          %dma_wait3A_82 = tpu.memref_slice %arg7[%mul3A_40, %dma_wait3A_81] : memref<108x96xi32, #tpu.memory_space<vmem>> -> memref<1x96xi32, #tpu.memory_space<vmem>>
          %dma_wait3A_83 = tpu.memref_squeeze %dma_wait3A_82 : memref<1x96xi32, #tpu.memory_space<vmem>> -> memref<96xi32, #tpu.memory_space<vmem>>
          %dma_wait3A_84 = arith.constant 0 : i32
          %dma_wait3A_85 = arith.constant 0 : i32
          %dma_wait3A_86 = tpu.memref_slice %arg11[%dma_wait3A_84, %dma_wait3A_85] : memref<10240x128xf32, #tpu.memory_space<vmem_shared>> -> memref<10240x128xf32, #tpu.memory_space<vmem_shared>>
          tpu.wait_indirect_dma semaphore(%run_scoped3A : memref<!tpu.dma_semaphore, #tpu.memory_space<semaphore_mem>>) src(%arg10 : memref<96x128xf32, #tpu.memory_space<vmem>>) dst(%dma_wait3A_86 : memref<10240x128xf32, #tpu.memory_space<vmem_shared>>)
          tpu.yield
        }) : () -> ()
        %add3A_56 = arith.constant 1 : i32
        %add3A_57 = arith.addi %scan3A_38, %add3A_56 : i32
        %lt3A = arith.constant 50 : i32
        %lt3A_58 = arith.cmpi slt, %add3A_57, %lt3A : i32
        %convert_element_type3A_59 = arith.extui %lt3A_58 : i1 to i32
        %cond3A_60 = arith.constant 0 : i32
        %cond3A_61 = arith.cmpi ne, %convert_element_type3A_59, %cond3A_60 : i32
        scf.if %cond3A_61 {
          %add3A_75 = arith.constant 2 : i32
          %add3A_76 = arith.addi %mul3A_40, %add3A_75 : i32
          %dma_start3A_77 = arith.constant 0 : i32
          %dma_start3A_78 = tpu.memref_slice %arg6[%add3A_76, %dma_start3A_77] : memref<108x96xi32, #tpu.memory_space<vmem>> -> memref<1x96xi32, #tpu.memory_space<vmem>>
          %dma_start3A_79 = tpu.memref_squeeze %dma_start3A_78 : memref<1x96xi32, #tpu.memory_space<vmem>> -> memref<96xi32, #tpu.memory_space<vmem>>
          %dma_start3A_80 = arith.constant 0 : i32
          %dma_start3A_81 = arith.constant 0 : i32
          %dma_start3A_82 = tpu.memref_slice %arg4[%dma_start3A_80, %dma_start3A_81] : memref<10240x128xbf16, #tpu.memory_space<hbm>> -> memref<10240x128xbf16, #tpu.memory_space<hbm>>
          tpu.enqueue_indirect_dma source(%dma_start3A_82 : memref<10240x128xbf16, #tpu.memory_space<hbm>>) target(%arg8 : memref<96x128xbf16, #tpu.memory_space<vmem>>) offsets(%dma_start3A_79 : memref<96xi32, #tpu.memory_space<vmem>>) semaphore(%arg12 : memref<!tpu.dma_semaphore, #tpu.memory_space<semaphore_mem>>)
        } else {
        }
        %add3A_62 = arith.constant 1 : i32
        %add3A_63 = arith.addi %mul3A_40, %add3A_62 : i32
        %dma_wait3A_64 = arith.constant 0 : i32
        %dma_wait3A_65 = tpu.memref_slice %arg6[%add3A_63, %dma_wait3A_64] : memref<108x96xi32, #tpu.memory_space<vmem>> -> memref<1x96xi32, #tpu.memory_space<vmem>>
        %dma_wait3A_66 = tpu.memref_squeeze %dma_wait3A_65 : memref<1x96xi32, #tpu.memory_space<vmem>> -> memref<96xi32, #tpu.memory_space<vmem>>
        %dma_wait3A_67 = arith.constant 0 : i32
        %dma_wait3A_68 = arith.constant 0 : i32
        %dma_wait3A_69 = tpu.memref_slice %arg4[%dma_wait3A_67, %dma_wait3A_68] : memref<10240x128xbf16, #tpu.memory_space<hbm>> -> memref<10240x128xbf16, #tpu.memory_space<hbm>>
        tpu.wait_indirect_dma semaphore(%arg13 : memref<!tpu.dma_semaphore, #tpu.memory_space<semaphore_mem>>) src(%dma_wait3A_69 : memref<10240x128xbf16, #tpu.memory_space<hbm>>) dst(%arg9 : memref<96x128xbf16, #tpu.memory_space<vmem>>)
        %parallel_loop3A_70 = arith.constant 0 : i32
        %parallel_loop3A_71 = arith.constant 96 : i32
        %parallel_loop3A_72 = arith.constant 1 : i32
        scf.for %parallel_loop3A_75 = %parallel_loop3A_70 to %parallel_loop3A_71 step %parallel_loop3A_72  : i32 {
          %parallel_loop3A_76 = arith.index_cast %parallel_loop3A_75 : i32 to index
          %parallel_loop3A_77 = arith.constant 0 : index
          %parallel_loop3A_78 = tpu.vector_load %arg9[%parallel_loop3A_76, %parallel_loop3A_77] {strides = array<i32>} : memref<96x128xbf16, #tpu.memory_space<vmem>>, vector<32xbf16>,
          %parallel_loop3A_79 = vector.bitcast %parallel_loop3A_78 : vector<32xbf16> to vector<16xi32>
          %parallel_loop3A_80 = arith.constant 16 : i32
          %parallel_loop3A_81 = vector.broadcast %parallel_loop3A_80 : i32 to vector<16xi32>
          %parallel_loop3A_82 = arith.shli %parallel_loop3A_79, %parallel_loop3A_81 : vector<16xi32>
          %parallel_loop3A_83 = vector.bitcast %parallel_loop3A_82 : vector<16xi32> to vector<16xf32>
          %parallel_loop3A_84 = arith.index_cast %parallel_loop3A_75 : i32 to index
          %parallel_loop3A_85 = arith.constant 0 : index
          %parallel_loop3A_86 = tpu.vector_load %arg10[%parallel_loop3A_84, %parallel_loop3A_85] {strides = array<i32>} : memref<96x128xf32, #tpu.memory_space<vmem>>, vector<16xf32>,
          tpu.vector_store %arg10[%parallel_loop3A_84, %parallel_loop3A_85], %parallel_loop3A_83 {strides = array<i32>} : memref<96x128xf32, #tpu.memory_space<vmem>>, vector<16xf32>,
          %parallel_loop3A_87 = arith.constant -65536 : i32
          %parallel_loop3A_88 = vector.broadcast %parallel_loop3A_87 : i32 to vector<16xi32>
          %parallel_loop3A_89 = arith.andi %parallel_loop3A_79, %parallel_loop3A_88 : vector<16xi32>
          %parallel_loop3A_90 = vector.bitcast %parallel_loop3A_89 : vector<16xi32> to vector<16xf32>
          %parallel_loop3A_91 = arith.index_cast %parallel_loop3A_75 : i32 to index
          %parallel_loop3A_92 = arith.constant 64 : index
          %parallel_loop3A_93 = tpu.vector_load %arg10[%parallel_loop3A_91, %parallel_loop3A_92] {strides = array<i32>} : memref<96x128xf32, #tpu.memory_space<vmem>>, vector<16xf32>,
          tpu.vector_store %arg10[%parallel_loop3A_91, %parallel_loop3A_92], %parallel_loop3A_90 {strides = array<i32>} : memref<96x128xf32, #tpu.memory_space<vmem>>, vector<16xf32>,
          %parallel_loop3A_94 = arith.index_cast %parallel_loop3A_75 : i32 to index
          %parallel_loop3A_95 = arith.constant 32 : index
          %parallel_loop3A_96 = tpu.vector_load %arg9[%parallel_loop3A_94, %parallel_loop3A_95] {strides = array<i32>} : memref<96x128xbf16, #tpu.memory_space<vmem>>, vector<32xbf16>,
          %parallel_loop3A_97 = vector.bitcast %parallel_loop3A_96 : vector<32xbf16> to vector<16xi32>
          %parallel_loop3A_98 = arith.constant 16 : i32
          %parallel_loop3A_99 = vector.broadcast %parallel_loop3A_98 : i32 to vector<16xi32>
          %parallel_loop3A_100 = arith.shli %parallel_loop3A_97, %parallel_loop3A_99 : vector<16xi32>
          %parallel_loop3A_101 = vector.bitcast %parallel_loop3A_100 : vector<16xi32> to vector<16xf32>
          %parallel_loop3A_102 = arith.index_cast %parallel_loop3A_75 : i32 to index
          %parallel_loop3A_103 = arith.constant 16 : index
          %parallel_loop3A_104 = tpu.vector_load %arg10[%parallel_loop3A_102, %parallel_loop3A_103] {strides = array<i32>} : memref<96x128xf32, #tpu.memory_space<vmem>>, vector<16xf32>,
          tpu.vector_store %arg10[%parallel_loop3A_102, %parallel_loop3A_103], %parallel_loop3A_101 {strides = array<i32>} : memref<96x128xf32, #tpu.memory_space<vmem>>, vector<16xf32>,
          %parallel_loop3A_105 = arith.constant -65536 : i32
          %parallel_loop3A_106 = vector.broadcast %parallel_loop3A_105 : i32 to vector<16xi32>
          %parallel_loop3A_107 = arith.andi %parallel_loop3A_97, %parallel_loop3A_106 : vector<16xi32>
          %parallel_loop3A_108 = vector.bitcast %parallel_loop3A_107 : vector<16xi32> to vector<16xf32>
          %parallel_loop3A_109 = arith.index_cast %parallel_loop3A_75 : i32 to index
          %parallel_loop3A_110 = arith.constant 80 : index
          %parallel_loop3A_111 = tpu.vector_load %arg10[%parallel_loop3A_109, %parallel_loop3A_110] {strides = array<i32>} : memref<96x128xf32, #tpu.memory_space<vmem>>, vector<16xf32>,
          tpu.vector_store %arg10[%parallel_loop3A_109, %parallel_loop3A_110], %parallel_loop3A_108 {strides = array<i32>} : memref<96x128xf32, #tpu.memory_space<vmem>>, vector<16xf32>,
          %parallel_loop3A_112 = arith.index_cast %parallel_loop3A_75 : i32 to index
          %parallel_loop3A_113 = arith.constant 64 : index
          %parallel_loop3A_114 = tpu.vector_load %arg9[%parallel_loop3A_112, %parallel_loop3A_113] {strides = array<i32>} : memref<96x128xbf16, #tpu.memory_space<vmem>>, vector<32xbf16>,
          %parallel_loop3A_115 = vector.bitcast %parallel_loop3A_114 : vector<32xbf16> to vector<16xi32>
          %parallel_loop3A_116 = arith.constant 16 : i32
          %parallel_loop3A_117 = vector.broadcast %parallel_loop3A_116 : i32 to vector<16xi32>
          %parallel_loop3A_118 = arith.shli %parallel_loop3A_115, %parallel_loop3A_117 : vector<16xi32>
          %parallel_loop3A_119 = vector.bitcast %parallel_loop3A_118 : vector<16xi32> to vector<16xf32>
          %parallel_loop3A_120 = arith.index_cast %parallel_loop3A_75 : i32 to index
          %parallel_loop3A_121 = arith.constant 32 : index
          %parallel_loop3A_122 = tpu.vector_load %arg10[%parallel_loop3A_120, %parallel_loop3A_121] {strides = array<i32>} : memref<96x128xf32, #tpu.memory_space<vmem>>, vector<16xf32>,
          tpu.vector_store %arg10[%parallel_loop3A_120, %parallel_loop3A_121], %parallel_loop3A_119 {strides = array<i32>} : memref<96x128xf32, #tpu.memory_space<vmem>>, vector<16xf32>,
          %parallel_loop3A_123 = arith.constant -65536 : i32
          %parallel_loop3A_124 = vector.broadcast %parallel_loop3A_123 : i32 to vector<16xi32>
          %parallel_loop3A_125 = arith.andi %parallel_loop3A_115, %parallel_loop3A_124 : vector<16xi32>
          %parallel_loop3A_126 = vector.bitcast %parallel_loop3A_125 : vector<16xi32> to vector<16xf32>
          %parallel_loop3A_127 = arith.index_cast %parallel_loop3A_75 : i32 to index
          %parallel_loop3A_128 = arith.constant 96 : index
          %parallel_loop3A_129 = tpu.vector_load %arg10[%parallel_loop3A_127, %parallel_loop3A_128] {strides = array<i32>} : memref<96x128xf32, #tpu.memory_space<vmem>>, vector<16xf32>,
          tpu.vector_store %arg10[%parallel_loop3A_127, %parallel_loop3A_128], %parallel_loop3A_126 {strides = array<i32>} : memref<96x128xf32, #tpu.memory_space<vmem>>, vector<16xf32>,
          %parallel_loop3A_130 = arith.index_cast %parallel_loop3A_75 : i32 to index
          %parallel_loop3A_131 = arith.constant 96 : index
          %parallel_loop3A_132 = tpu.vector_load %arg9[%parallel_loop3A_130, %parallel_loop3A_131] {strides = array<i32>} : memref<96x128xbf16, #tpu.memory_space<vmem>>, vector<32xbf16>,
          %parallel_loop3A_133 = vector.bitcast %parallel_loop3A_132 : vector<32xbf16> to vector<16xi32>
          %parallel_loop3A_134 = arith.constant 16 : i32
          %parallel_loop3A_135 = vector.broadcast %parallel_loop3A_134 : i32 to vector<16xi32>
          %parallel_loop3A_136 = arith.shli %parallel_loop3A_133, %parallel_loop3A_135 : vector<16xi32>
          %parallel_loop3A_137 = vector.bitcast %parallel_loop3A_136 : vector<16xi32> to vector<16xf32>
          %parallel_loop3A_138 = arith.index_cast %parallel_loop3A_75 : i32 to index
          %parallel_loop3A_139 = arith.constant 48 : index
          %parallel_loop3A_140 = tpu.vector_load %arg10[%parallel_loop3A_138, %parallel_loop3A_139] {strides = array<i32>} : memref<96x128xf32, #tpu.memory_space<vmem>>, vector<16xf32>,
          tpu.vector_store %arg10[%parallel_loop3A_138, %parallel_loop3A_139], %parallel_loop3A_137 {strides = array<i32>} : memref<96x128xf32, #tpu.memory_space<vmem>>, vector<16xf32>,
          %parallel_loop3A_141 = arith.constant -65536 : i32
          %parallel_loop3A_142 = vector.broadcast %parallel_loop3A_141 : i32 to vector<16xi32>
          %parallel_loop3A_143 = arith.andi %parallel_loop3A_133, %parallel_loop3A_142 : vector<16xi32>
          %parallel_loop3A_144 = vector.bitcast %parallel_loop3A_143 : vector<16xi32> to vector<16xf32>
          %parallel_loop3A_145 = arith.index_cast %parallel_loop3A_75 : i32 to index
          %parallel_loop3A_146 = arith.constant 112 : index
          %parallel_loop3A_147 = tpu.vector_load %arg10[%parallel_loop3A_145, %parallel_loop3A_146] {strides = array<i32>} : memref<96x128xf32, #tpu.memory_space<vmem>>, vector<16xf32>,
          tpu.vector_store %arg10[%parallel_loop3A_145, %parallel_loop3A_146], %parallel_loop3A_144 {strides = array<i32>} : memref<96x128xf32, #tpu.memory_space<vmem>>, vector<16xf32>,
        } {sc.loop_unroll_factor = 8 : i64, sc.parallel_access}
        %add3A_73 = arith.constant 1 : i32
        %add3A_74 = arith.addi %mul3A_40, %add3A_73 : i32
        "tpu.region"() ({
          %run_scoped3A = tpu.sem_alloc : memref<!tpu.dma_semaphore, #tpu.memory_space<semaphore_mem>>
          %dma_start3A_75 = arith.constant 0 : i32
          %dma_start3A_76 = tpu.memref_slice %arg7[%add3A_74, %dma_start3A_75] : memref<108x96xi32, #tpu.memory_space<vmem>> -> memref<1x96xi32, #tpu.memory_space<vmem>>
          %dma_start3A_77 = tpu.memref_squeeze %dma_start3A_76 : memref<1x96xi32, #tpu.memory_space<vmem>> -> memref<96xi32, #tpu.memory_space<vmem>>
          %dma_start3A_78 = arith.constant 0 : i32
          %dma_start3A_79 = arith.constant 0 : i32
          %dma_start3A_80 = tpu.memref_slice %arg11[%dma_start3A_78, %dma_start3A_79] : memref<10240x128xf32, #tpu.memory_space<vmem_shared>> -> memref<10240x128xf32, #tpu.memory_space<vmem_shared>>
          tpu.enqueue_indirect_dma source(%arg10 : memref<96x128xf32, #tpu.memory_space<vmem>>) target(%dma_start3A_80 : memref<10240x128xf32, #tpu.memory_space<vmem_shared>>) offsets(%dma_start3A_77 : memref<96xi32, #tpu.memory_space<vmem>>) semaphore(%run_scoped3A : memref<!tpu.dma_semaphore, #tpu.memory_space<semaphore_mem>>) {add = true}
          %dma_wait3A_81 = arith.constant 0 : i32
          %dma_wait3A_82 = tpu.memref_slice %arg7[%add3A_74, %dma_wait3A_81] : memref<108x96xi32, #tpu.memory_space<vmem>> -> memref<1x96xi32, #tpu.memory_space<vmem>>
          %dma_wait3A_83 = tpu.memref_squeeze %dma_wait3A_82 : memref<1x96xi32, #tpu.memory_space<vmem>> -> memref<96xi32, #tpu.memory_space<vmem>>
          %dma_wait3A_84 = arith.constant 0 : i32
          %dma_wait3A_85 = arith.constant 0 : i32
          %dma_wait3A_86 = tpu.memref_slice %arg11[%dma_wait3A_84, %dma_wait3A_85] : memref<10240x128xf32, #tpu.memory_space<vmem_shared>> -> memref<10240x128xf32, #tpu.memory_space<vmem_shared>>
          tpu.wait_indirect_dma semaphore(%run_scoped3A : memref<!tpu.dma_semaphore, #tpu.memory_space<semaphore_mem>>) src(%arg10 : memref<96x128xf32, #tpu.memory_space<vmem>>) dst(%dma_wait3A_86 : memref<10240x128xf32, #tpu.memory_space<vmem_shared>>)
          tpu.yield
        }) : () -> ()
      }
      %scan3A_37 = arith.constant 50 : i32
    } else {
    }
    %barrier3A_19 = arith.constant 0 : index
    tpu.barrier barrier_id(%barrier3A_19)
    %mul3A_20 = arith.constant 10240 : i32
    %mul3A_21 = arith.muli %arg0, %mul3A_20 : i32
    %add3A = arith.addi %mul3A_21, %mul3A_5 : i32
    "tpu.region"() ({
      %run_scoped3A = tpu.sem_alloc : memref<!tpu.dma_semaphore, #tpu.memory_space<semaphore_mem>>
      %dma_start3A = arith.constant 0 : i32
      %dma_start3A_22 = tpu.memref_slice %arg5[%add3A, %dma_start3A] : memref<20480x128xf32, #tpu.memory_space<hbm>> -> memref<640x128xf32, #tpu.memory_space<hbm>>
      %dma_start3A_23 = arith.constant 0 : i32
      %dma_start3A_24 = tpu.memref_slice %arg11[%mul3A_5, %dma_start3A_23] : memref<10240x128xf32, #tpu.memory_space<vmem_shared>> -> memref<640x128xf32, #tpu.memory_space<vmem_shared>>
      tpu.enqueue_dma source(%dma_start3A_24 : memref<640x128xf32, #tpu.memory_space<vmem_shared>>) target(%dma_start3A_22 : memref<640x128xf32, #tpu.memory_space<hbm>>) target_semaphore(%run_scoped3A : memref<!tpu.dma_semaphore, #tpu.memory_space<semaphore_mem>>)
      %dma_wait3A = arith.constant 0 : i32
      %dma_wait3A_25 = tpu.memref_slice %arg5[%add3A, %dma_wait3A] : memref<20480x128xf32, #tpu.memory_space<hbm>> -> memref<640x128xf32, #tpu.memory_space<hbm>>
      %dma_wait3A_26 = arith.constant 0 : i32
      %dma_wait3A_27 = tpu.memref_slice %arg11[%mul3A_5, %dma_wait3A_26] : memref<10240x128xf32, #tpu.memory_space<vmem_shared>> -> memref<640x128xf32, #tpu.memory_space<vmem_shared>>
      tpu.wait_dma2 semaphore(%run_scoped3A : memref<!tpu.dma_semaphore, #tpu.memory_space<semaphore_mem>>) src(%dma_wait3A_27 : memref<640x128xf32, #tpu.memory_space<vmem_shared>>) dst(%dma_wait3A_25 : memref<640x128xf32, #tpu.memory_space<hbm>>)
      tpu.yield
    }) : () -> ()
    return
  }
}

#map = affine_map<(d0, d1) -> (0, 0)>
module attributes {stable_mosaic.version = 14 : i64} {
  func.func @_agg_body(%arg0: i32, %arg1: i32, %arg2: memref<3456x96xi32, #tpu.memory_space<hbm>>, %arg3: memref<3456x96xi32, #tpu.memory_space<hbm>>, %arg4: memref<10240x128xbf16, #tpu.memory_space<hbm>>, %arg5: memref<20480x128xf32, #tpu.memory_space<hbm>>, %arg6: memref<108x96xi32, #tpu.memory_space<vmem>>, %arg7: memref<108x96xi32, #tpu.memory_space<vmem>>, %arg8: memref<96x128xbf16, #tpu.memory_space<vmem>>, %arg9: memref<96x128xbf16, #tpu.memory_space<vmem>>, %arg10: memref<96x128xf32, #tpu.memory_space<vmem>>, %arg11: memref<10240x128xf32, #tpu.memory_space<vmem_shared>>, %arg12: memref<!tpu.dma_semaphore, #tpu.memory_space<semaphore_mem>>, %arg13: memref<!tpu.dma_semaphore, #tpu.memory_space<semaphore_mem>>) attributes {dimension_semantics = [#tpu.dimension_semantics<core_parallel>, #tpu.dimension_semantics<subcore_parallel>], iteration_bounds = array<i64: 2, 16>, scalar_prefetch = 0 : i64, scratch_operands = 8 : i64, tpu.core_type = #tpu.core_type<sc_vector_subcore>, window_params = [{transform_indices = #map}, {transform_indices = #map}, {transform_indices = #map}, {transform_indices = #map}]} {
    %scan3A = arith.constant 0 : i32
    %scan3A_0 = arith.constant 0 : i32
    %scan3A_1 = arith.constant 64 : i32
    %scan3A_2 = arith.addi %scan3A_0, %scan3A_1 : i32
    %scan3A_3 = arith.constant 1 : i32
    scf.for %scan3A_22 = %scan3A_0 to %scan3A_2 step %scan3A_3  : i32 {
      %scan3A_23 = arith.constant 0 : i32
      %scan3A_24 = arith.constant 8 : i32
      %scan3A_25 = arith.addi %scan3A_23, %scan3A_24 : i32
      %scan3A_26 = arith.constant 1 : i32
      scf.for %scan3A_28 = %scan3A_23 to %scan3A_25 step %scan3A_26  : i32 {
        %broadcast_in_dim3A = arith.constant 0.000000e+00 : f32
        %broadcast_in_dim3A_29 = vector.broadcast %broadcast_in_dim3A : f32 to vector<16xf32>
        %mul3A_30 = arith.constant 16 : i32
        %mul3A_31 = arith.muli %scan3A_28, %mul3A_30 : i32
        %swap3A = arith.index_cast %scan3A_22 : i32 to index
        %swap3A_32 = arith.index_cast %mul3A_31 : i32 to index
        %swap3A_33 = tpu.vector_load %arg10[%swap3A, %swap3A_32] {strides = array<i32>} : memref<96x128xf32, #tpu.memory_space<vmem>>, vector<16xf32>,
        tpu.vector_store %arg10[%swap3A, %swap3A_32], %broadcast_in_dim3A_29 {strides = array<i32>} : memref<96x128xf32, #tpu.memory_space<vmem>>, vector<16xf32>,
      }
      %scan3A_27 = arith.constant 8 : i32
    }
    %scan3A_4 = arith.constant 64 : i32
    %mul3A = arith.constant 640 : i32
    %mul3A_5 = arith.muli %arg1, %mul3A : i32
    %scan3A_6 = arith.constant 0 : i32
    %scan3A_7 = arith.constant 0 : i32
    %scan3A_8 = arith.constant 10 : i32
    %scan3A_9 = arith.addi %scan3A_7, %scan3A_8 : i32
    %scan3A_10 = arith.constant 1 : i32
    scf.for %scan3A_22 = %scan3A_7 to %scan3A_9 step %scan3A_10  : i32 {
      %mul3A_23 = arith.constant 64 : i32
      %mul3A_24 = arith.muli %scan3A_22, %mul3A_23 : i32
      %add3A_25 = arith.addi %mul3A_5, %mul3A_24 : i32
      "tpu.region"() ({
        %run_scoped3A = tpu.sem_alloc : memref<!tpu.dma_semaphore, #tpu.memory_space<semaphore_mem>>
        %dma_start3A = arith.constant 0 : i32
        %dma_start3A_26 = arith.constant 0 : i32
        %dma_start3A_27 = tpu.memref_slice %arg10[%dma_start3A, %dma_start3A_26] : memref<96x128xf32, #tpu.memory_space<vmem>> -> memref<64x128xf32, #tpu.memory_space<vmem>>
        %dma_start3A_28 = arith.constant 0 : i32
        %dma_start3A_29 = tpu.memref_slice %arg11[%add3A_25, %dma_start3A_28] : memref<10240x128xf32, #tpu.memory_space<vmem_shared>> -> memref<64x128xf32, #tpu.memory_space<vmem_shared>>
        %dma_start3A_30 = arith.constant 0 : i32
        %dma_start3A_31 = tpu.memref_slice %arg11[%add3A_25, %dma_start3A_30] : memref<10240x128xf32, #tpu.memory_space<vmem_shared>> -> memref<64x128xf32, #tpu.memory_space<vmem_shared>>
        %dma_start3A_32 = arith.constant 0 : i32
        %dma_start3A_33 = arith.constant 0 : i32
        %dma_start3A_34 = tpu.memref_slice %arg10[%dma_start3A_32, %dma_start3A_33] : memref<96x128xf32, #tpu.memory_space<vmem>> -> memref<64x128xf32, #tpu.memory_space<vmem>>
        tpu.enqueue_dma source(%dma_start3A_34 : memref<64x128xf32, #tpu.memory_space<vmem>>) target(%dma_start3A_31 : memref<64x128xf32, #tpu.memory_space<vmem_shared>>) target_semaphore(%run_scoped3A : memref<!tpu.dma_semaphore, #tpu.memory_space<semaphore_mem>>)
        %dma_wait3A = arith.constant 0 : i32
        %dma_wait3A_35 = arith.constant 0 : i32
        %dma_wait3A_36 = tpu.memref_slice %arg10[%dma_wait3A, %dma_wait3A_35] : memref<96x128xf32, #tpu.memory_space<vmem>> -> memref<64x128xf32, #tpu.memory_space<vmem>>
        %dma_wait3A_37 = arith.constant 0 : i32
        %dma_wait3A_38 = tpu.memref_slice %arg11[%add3A_25, %dma_wait3A_37] : memref<10240x128xf32, #tpu.memory_space<vmem_shared>> -> memref<64x128xf32, #tpu.memory_space<vmem_shared>>
        %dma_wait3A_39 = arith.constant 0 : i32
        %dma_wait3A_40 = tpu.memref_slice %arg11[%add3A_25, %dma_wait3A_39] : memref<10240x128xf32, #tpu.memory_space<vmem_shared>> -> memref<64x128xf32, #tpu.memory_space<vmem_shared>>
        %dma_wait3A_41 = arith.constant 0 : i32
        %dma_wait3A_42 = arith.constant 0 : i32
        %dma_wait3A_43 = tpu.memref_slice %arg10[%dma_wait3A_41, %dma_wait3A_42] : memref<96x128xf32, #tpu.memory_space<vmem>> -> memref<64x128xf32, #tpu.memory_space<vmem>>
        tpu.wait_dma2 semaphore(%run_scoped3A : memref<!tpu.dma_semaphore, #tpu.memory_space<semaphore_mem>>) src(%dma_wait3A_43 : memref<64x128xf32, #tpu.memory_space<vmem>>) dst(%dma_wait3A_40 : memref<64x128xf32, #tpu.memory_space<vmem_shared>>)
        tpu.yield
      }) : () -> ()
    }
    %scan3A_11 = arith.constant 10 : i32
    %barrier3A = arith.constant 0 : index
    tpu.barrier barrier_id(%barrier3A)
    %eq3A = arith.constant 0 : i32
    %eq3A_12 = arith.cmpi eq, %arg0, %eq3A : i32
    %convert_element_type3A = arith.extui %eq3A_12 : i1 to i32
    %cond3A = arith.constant 0 : i32
    %cond3A_13 = arith.cmpi ne, %convert_element_type3A, %cond3A : i32
    scf.if %cond3A_13 {
      %mul3A_22 = arith.constant 116 : i32
      %mul3A_23 = arith.muli %arg1, %mul3A_22 : i32
      "tpu.region"() ({
        %run_scoped3A = tpu.sem_alloc : memref<!tpu.dma_semaphore, #tpu.memory_space<semaphore_mem>>
        %dma_start3A_51 = arith.constant 0 : i32
        %dma_start3A_52 = arith.constant 0 : i32
        %dma_start3A_53 = tpu.memref_slice %arg6[%dma_start3A_51, %dma_start3A_52] : memref<108x96xi32, #tpu.memory_space<vmem>> -> memref<108x96xi32, #tpu.memory_space<vmem>>
        %dma_start3A_54 = arith.constant 0 : i32
        %dma_start3A_55 = tpu.memref_slice %arg2[%mul3A_23, %dma_start3A_54] : memref<3456x96xi32, #tpu.memory_space<hbm>> -> memref<108x96xi32, #tpu.memory_space<hbm>>
        %dma_start3A_56 = arith.constant 0 : i32
        %dma_start3A_57 = arith.constant 0 : i32
        %dma_start3A_58 = tpu.memref_slice %arg6[%dma_start3A_56, %dma_start3A_57] : memref<108x96xi32, #tpu.memory_space<vmem>> -> memref<108x96xi32, #tpu.memory_space<vmem>>
        %dma_start3A_59 = arith.constant 0 : i32
        %dma_start3A_60 = tpu.memref_slice %arg2[%mul3A_23, %dma_start3A_59] : memref<3456x96xi32, #tpu.memory_space<hbm>> -> memref<108x96xi32, #tpu.memory_space<hbm>>
        tpu.enqueue_dma source(%dma_start3A_60 : memref<108x96xi32, #tpu.memory_space<hbm>>) target(%dma_start3A_58 : memref<108x96xi32, #tpu.memory_space<vmem>>) target_semaphore(%run_scoped3A : memref<!tpu.dma_semaphore, #tpu.memory_space<semaphore_mem>>)
        %dma_wait3A = arith.constant 0 : i32
        %dma_wait3A_61 = arith.constant 0 : i32
        %dma_wait3A_62 = tpu.memref_slice %arg6[%dma_wait3A, %dma_wait3A_61] : memref<108x96xi32, #tpu.memory_space<vmem>> -> memref<108x96xi32, #tpu.memory_space<vmem>>
        %dma_wait3A_63 = arith.constant 0 : i32
        %dma_wait3A_64 = tpu.memref_slice %arg2[%mul3A_23, %dma_wait3A_63] : memref<3456x96xi32, #tpu.memory_space<hbm>> -> memref<108x96xi32, #tpu.memory_space<hbm>>
        %dma_wait3A_65 = arith.constant 0 : i32
        %dma_wait3A_66 = arith.constant 0 : i32
        %dma_wait3A_67 = tpu.memref_slice %arg6[%dma_wait3A_65, %dma_wait3A_66] : memref<108x96xi32, #tpu.memory_space<vmem>> -> memref<108x96xi32, #tpu.memory_space<vmem>>
        %dma_wait3A_68 = arith.constant 0 : i32
        %dma_wait3A_69 = tpu.memref_slice %arg2[%mul3A_23, %dma_wait3A_68] : memref<3456x96xi32, #tpu.memory_space<hbm>> -> memref<108x96xi32, #tpu.memory_space<hbm>>
        tpu.wait_dma2 semaphore(%run_scoped3A : memref<!tpu.dma_semaphore, #tpu.memory_space<semaphore_mem>>) src(%dma_wait3A_69 : memref<108x96xi32, #tpu.memory_space<hbm>>) dst(%dma_wait3A_67 : memref<108x96xi32, #tpu.memory_space<vmem>>)
        tpu.yield
      }) : () -> ()
      "tpu.region"() ({
        %run_scoped3A = tpu.sem_alloc : memref<!tpu.dma_semaphore, #tpu.memory_space<semaphore_mem>>
        %dma_start3A_51 = arith.constant 0 : i32
        %dma_start3A_52 = arith.constant 0 : i32
        %dma_start3A_53 = tpu.memref_slice %arg7[%dma_start3A_51, %dma_start3A_52] : memref<108x96xi32, #tpu.memory_space<vmem>> -> memref<108x96xi32, #tpu.memory_space<vmem>>
        %dma_start3A_54 = arith.constant 0 : i32
        %dma_start3A_55 = tpu.memref_slice %arg3[%mul3A_23, %dma_start3A_54] : memref<3456x96xi32, #tpu.memory_space<hbm>> -> memref<108x96xi32, #tpu.memory_space<hbm>>
        %dma_start3A_56 = arith.constant 0 : i32
        %dma_start3A_57 = arith.constant 0 : i32
        %dma_start3A_58 = tpu.memref_slice %arg7[%dma_start3A_56, %dma_start3A_57] : memref<108x96xi32, #tpu.memory_space<vmem>> -> memref<108x96xi32, #tpu.memory_space<vmem>>
        %dma_start3A_59 = arith.constant 0 : i32
        %dma_start3A_60 = tpu.memref_slice %arg3[%mul3A_23, %dma_start3A_59] : memref<3456x96xi32, #tpu.memory_space<hbm>> -> memref<108x96xi32, #tpu.memory_space<hbm>>
        tpu.enqueue_dma source(%dma_start3A_60 : memref<108x96xi32, #tpu.memory_space<hbm>>) target(%dma_start3A_58 : memref<108x96xi32, #tpu.memory_space<vmem>>) target_semaphore(%run_scoped3A : memref<!tpu.dma_semaphore, #tpu.memory_space<semaphore_mem>>)
        %dma_wait3A = arith.constant 0 : i32
        %dma_wait3A_61 = arith.constant 0 : i32
        %dma_wait3A_62 = tpu.memref_slice %arg7[%dma_wait3A, %dma_wait3A_61] : memref<108x96xi32, #tpu.memory_space<vmem>> -> memref<108x96xi32, #tpu.memory_space<vmem>>
        %dma_wait3A_63 = arith.constant 0 : i32
        %dma_wait3A_64 = tpu.memref_slice %arg3[%mul3A_23, %dma_wait3A_63] : memref<3456x96xi32, #tpu.memory_space<hbm>> -> memref<108x96xi32, #tpu.memory_space<hbm>>
        %dma_wait3A_65 = arith.constant 0 : i32
        %dma_wait3A_66 = arith.constant 0 : i32
        %dma_wait3A_67 = tpu.memref_slice %arg7[%dma_wait3A_65, %dma_wait3A_66] : memref<108x96xi32, #tpu.memory_space<vmem>> -> memref<108x96xi32, #tpu.memory_space<vmem>>
        %dma_wait3A_68 = arith.constant 0 : i32
        %dma_wait3A_69 = tpu.memref_slice %arg3[%mul3A_23, %dma_wait3A_68] : memref<3456x96xi32, #tpu.memory_space<hbm>> -> memref<108x96xi32, #tpu.memory_space<hbm>>
        tpu.wait_dma2 semaphore(%run_scoped3A : memref<!tpu.dma_semaphore, #tpu.memory_space<semaphore_mem>>) src(%dma_wait3A_69 : memref<108x96xi32, #tpu.memory_space<hbm>>) dst(%dma_wait3A_67 : memref<108x96xi32, #tpu.memory_space<vmem>>)
        tpu.yield
      }) : () -> ()
      %dma_start3A = arith.constant 0 : i32
      %dma_start3A_24 = arith.constant 0 : i32
      %dma_start3A_25 = tpu.memref_slice %arg6[%dma_start3A, %dma_start3A_24] : memref<108x96xi32, #tpu.memory_space<vmem>> -> memref<1x96xi32, #tpu.memory_space<vmem>>
      %dma_start3A_26 = tpu.memref_squeeze %dma_start3A_25 : memref<1x96xi32, #tpu.memory_space<vmem>> -> memref<96xi32, #tpu.memory_space<vmem>>
      %dma_start3A_27 = arith.constant 0 : i32
      %dma_start3A_28 = arith.constant 0 : i32
      %dma_start3A_29 = tpu.memref_slice %arg4[%dma_start3A_27, %dma_start3A_28] : memref<10240x128xbf16, #tpu.memory_space<hbm>> -> memref<10240x128xbf16, #tpu.memory_space<hbm>>
      tpu.enqueue_indirect_dma source(%dma_start3A_29 : memref<10240x128xbf16, #tpu.memory_space<hbm>>) target(%arg8 : memref<96x128xbf16, #tpu.memory_space<vmem>>) offsets(%dma_start3A_26 : memref<96xi32, #tpu.memory_space<vmem>>) semaphore(%arg12 : memref<!tpu.dma_semaphore, #tpu.memory_space<semaphore_mem>>)
      %scan3A_30 = arith.constant 0 : i32
      %scan3A_31 = arith.constant 0 : i32
      %scan3A_32 = arith.constant 54 : i32
      %scan3A_33 = arith.addi %scan3A_31, %scan3A_32 : i32
      %scan3A_34 = arith.constant 1 : i32
      scf.for %scan3A_51 = %scan3A_31 to %scan3A_33 step %scan3A_34  : i32 {
        %mul3A_52 = arith.constant 2 : i32
        %mul3A_53 = arith.muli %scan3A_51, %mul3A_52 : i32
        %add3A_54 = arith.constant 1 : i32
        %add3A_55 = arith.addi %mul3A_53, %add3A_54 : i32
        %dma_start3A_56 = arith.constant 0 : i32
        %dma_start3A_57 = tpu.memref_slice %arg6[%add3A_55, %dma_start3A_56] : memref<108x96xi32, #tpu.memory_space<vmem>> -> memref<1x96xi32, #tpu.memory_space<vmem>>
        %dma_start3A_58 = tpu.memref_squeeze %dma_start3A_57 : memref<1x96xi32, #tpu.memory_space<vmem>> -> memref<96xi32, #tpu.memory_space<vmem>>
        %dma_start3A_59 = arith.constant 0 : i32
        %dma_start3A_60 = arith.constant 0 : i32
        %dma_start3A_61 = tpu.memref_slice %arg4[%dma_start3A_59, %dma_start3A_60] : memref<10240x128xbf16, #tpu.memory_space<hbm>> -> memref<10240x128xbf16, #tpu.memory_space<hbm>>
        tpu.enqueue_indirect_dma source(%dma_start3A_61 : memref<10240x128xbf16, #tpu.memory_space<hbm>>) target(%arg9 : memref<96x128xbf16, #tpu.memory_space<vmem>>) offsets(%dma_start3A_58 : memref<96xi32, #tpu.memory_space<vmem>>) semaphore(%arg13 : memref<!tpu.dma_semaphore, #tpu.memory_space<semaphore_mem>>)
        %dma_wait3A = arith.constant 0 : i32
        %dma_wait3A_62 = tpu.memref_slice %arg6[%mul3A_53, %dma_wait3A] : memref<108x96xi32, #tpu.memory_space<vmem>> -> memref<1x96xi32, #tpu.memory_space<vmem>>
        %dma_wait3A_63 = tpu.memref_squeeze %dma_wait3A_62 : memref<1x96xi32, #tpu.memory_space<vmem>> -> memref<96xi32, #tpu.memory_space<vmem>>
        %dma_wait3A_64 = arith.constant 0 : i32
        %dma_wait3A_65 = arith.constant 0 : i32
        %dma_wait3A_66 = tpu.memref_slice %arg4[%dma_wait3A_64, %dma_wait3A_65] : memref<10240x128xbf16, #tpu.memory_space<hbm>> -> memref<10240x128xbf16, #tpu.memory_space<hbm>>
        tpu.wait_indirect_dma semaphore(%arg12 : memref<!tpu.dma_semaphore, #tpu.memory_space<semaphore_mem>>) src(%dma_wait3A_66 : memref<10240x128xbf16, #tpu.memory_space<hbm>>) dst(%arg8 : memref<96x128xbf16, #tpu.memory_space<vmem>>)
        %parallel_loop3A = arith.constant 0 : i32
        %parallel_loop3A_67 = arith.constant 96 : i32
        %parallel_loop3A_68 = arith.constant 1 : i32
        scf.for %parallel_loop3A_88 = %parallel_loop3A to %parallel_loop3A_67 step %parallel_loop3A_68  : i32 {
          %parallel_loop3A_89 = arith.index_cast %parallel_loop3A_88 : i32 to index
          %parallel_loop3A_90 = arith.constant 0 : index
          %parallel_loop3A_91 = tpu.vector_load %arg8[%parallel_loop3A_89, %parallel_loop3A_90] {strides = array<i32>} : memref<96x128xbf16, #tpu.memory_space<vmem>>, vector<32xbf16>,
          %parallel_loop3A_92 = vector.bitcast %parallel_loop3A_91 : vector<32xbf16> to vector<16xi32>
          %parallel_loop3A_93 = arith.constant 16 : i32
          %parallel_loop3A_94 = vector.broadcast %parallel_loop3A_93 : i32 to vector<16xi32>
          %parallel_loop3A_95 = arith.shli %parallel_loop3A_92, %parallel_loop3A_94 : vector<16xi32>
          %parallel_loop3A_96 = vector.bitcast %parallel_loop3A_95 : vector<16xi32> to vector<16xf32>
          %parallel_loop3A_97 = arith.index_cast %parallel_loop3A_88 : i32 to index
          %parallel_loop3A_98 = arith.constant 0 : index
          %parallel_loop3A_99 = tpu.vector_load %arg10[%parallel_loop3A_97, %parallel_loop3A_98] {strides = array<i32>} : memref<96x128xf32, #tpu.memory_space<vmem>>, vector<16xf32>,
          tpu.vector_store %arg10[%parallel_loop3A_97, %parallel_loop3A_98], %parallel_loop3A_96 {strides = array<i32>} : memref<96x128xf32, #tpu.memory_space<vmem>>, vector<16xf32>,
          %parallel_loop3A_100 = arith.constant -65536 : i32
          %parallel_loop3A_101 = vector.broadcast %parallel_loop3A_100 : i32 to vector<16xi32>
          %parallel_loop3A_102 = arith.andi %parallel_loop3A_92, %parallel_loop3A_101 : vector<16xi32>
          %parallel_loop3A_103 = vector.bitcast %parallel_loop3A_102 : vector<16xi32> to vector<16xf32>
          %parallel_loop3A_104 = arith.index_cast %parallel_loop3A_88 : i32 to index
          %parallel_loop3A_105 = arith.constant 64 : index
          %parallel_loop3A_106 = tpu.vector_load %arg10[%parallel_loop3A_104, %parallel_loop3A_105] {strides = array<i32>} : memref<96x128xf32, #tpu.memory_space<vmem>>, vector<16xf32>,
          tpu.vector_store %arg10[%parallel_loop3A_104, %parallel_loop3A_105], %parallel_loop3A_103 {strides = array<i32>} : memref<96x128xf32, #tpu.memory_space<vmem>>, vector<16xf32>,
          %parallel_loop3A_107 = arith.index_cast %parallel_loop3A_88 : i32 to index
          %parallel_loop3A_108 = arith.constant 32 : index
          %parallel_loop3A_109 = tpu.vector_load %arg8[%parallel_loop3A_107, %parallel_loop3A_108] {strides = array<i32>} : memref<96x128xbf16, #tpu.memory_space<vmem>>, vector<32xbf16>,
          %parallel_loop3A_110 = vector.bitcast %parallel_loop3A_109 : vector<32xbf16> to vector<16xi32>
          %parallel_loop3A_111 = arith.constant 16 : i32
          %parallel_loop3A_112 = vector.broadcast %parallel_loop3A_111 : i32 to vector<16xi32>
          %parallel_loop3A_113 = arith.shli %parallel_loop3A_110, %parallel_loop3A_112 : vector<16xi32>
          %parallel_loop3A_114 = vector.bitcast %parallel_loop3A_113 : vector<16xi32> to vector<16xf32>
          %parallel_loop3A_115 = arith.index_cast %parallel_loop3A_88 : i32 to index
          %parallel_loop3A_116 = arith.constant 16 : index
          %parallel_loop3A_117 = tpu.vector_load %arg10[%parallel_loop3A_115, %parallel_loop3A_116] {strides = array<i32>} : memref<96x128xf32, #tpu.memory_space<vmem>>, vector<16xf32>,
          tpu.vector_store %arg10[%parallel_loop3A_115, %parallel_loop3A_116], %parallel_loop3A_114 {strides = array<i32>} : memref<96x128xf32, #tpu.memory_space<vmem>>, vector<16xf32>,
          %parallel_loop3A_118 = arith.constant -65536 : i32
          %parallel_loop3A_119 = vector.broadcast %parallel_loop3A_118 : i32 to vector<16xi32>
          %parallel_loop3A_120 = arith.andi %parallel_loop3A_110, %parallel_loop3A_119 : vector<16xi32>
          %parallel_loop3A_121 = vector.bitcast %parallel_loop3A_120 : vector<16xi32> to vector<16xf32>
          %parallel_loop3A_122 = arith.index_cast %parallel_loop3A_88 : i32 to index
          %parallel_loop3A_123 = arith.constant 80 : index
          %parallel_loop3A_124 = tpu.vector_load %arg10[%parallel_loop3A_122, %parallel_loop3A_123] {strides = array<i32>} : memref<96x128xf32, #tpu.memory_space<vmem>>, vector<16xf32>,
          tpu.vector_store %arg10[%parallel_loop3A_122, %parallel_loop3A_123], %parallel_loop3A_121 {strides = array<i32>} : memref<96x128xf32, #tpu.memory_space<vmem>>, vector<16xf32>,
          %parallel_loop3A_125 = arith.index_cast %parallel_loop3A_88 : i32 to index
          %parallel_loop3A_126 = arith.constant 64 : index
          %parallel_loop3A_127 = tpu.vector_load %arg8[%parallel_loop3A_125, %parallel_loop3A_126] {strides = array<i32>} : memref<96x128xbf16, #tpu.memory_space<vmem>>, vector<32xbf16>,
          %parallel_loop3A_128 = vector.bitcast %parallel_loop3A_127 : vector<32xbf16> to vector<16xi32>
          %parallel_loop3A_129 = arith.constant 16 : i32
          %parallel_loop3A_130 = vector.broadcast %parallel_loop3A_129 : i32 to vector<16xi32>
          %parallel_loop3A_131 = arith.shli %parallel_loop3A_128, %parallel_loop3A_130 : vector<16xi32>
          %parallel_loop3A_132 = vector.bitcast %parallel_loop3A_131 : vector<16xi32> to vector<16xf32>
          %parallel_loop3A_133 = arith.index_cast %parallel_loop3A_88 : i32 to index
          %parallel_loop3A_134 = arith.constant 32 : index
          %parallel_loop3A_135 = tpu.vector_load %arg10[%parallel_loop3A_133, %parallel_loop3A_134] {strides = array<i32>} : memref<96x128xf32, #tpu.memory_space<vmem>>, vector<16xf32>,
          tpu.vector_store %arg10[%parallel_loop3A_133, %parallel_loop3A_134], %parallel_loop3A_132 {strides = array<i32>} : memref<96x128xf32, #tpu.memory_space<vmem>>, vector<16xf32>,
          %parallel_loop3A_136 = arith.constant -65536 : i32
          %parallel_loop3A_137 = vector.broadcast %parallel_loop3A_136 : i32 to vector<16xi32>
          %parallel_loop3A_138 = arith.andi %parallel_loop3A_128, %parallel_loop3A_137 : vector<16xi32>
          %parallel_loop3A_139 = vector.bitcast %parallel_loop3A_138 : vector<16xi32> to vector<16xf32>
          %parallel_loop3A_140 = arith.index_cast %parallel_loop3A_88 : i32 to index
          %parallel_loop3A_141 = arith.constant 96 : index
          %parallel_loop3A_142 = tpu.vector_load %arg10[%parallel_loop3A_140, %parallel_loop3A_141] {strides = array<i32>} : memref<96x128xf32, #tpu.memory_space<vmem>>, vector<16xf32>,
          tpu.vector_store %arg10[%parallel_loop3A_140, %parallel_loop3A_141], %parallel_loop3A_139 {strides = array<i32>} : memref<96x128xf32, #tpu.memory_space<vmem>>, vector<16xf32>,
          %parallel_loop3A_143 = arith.index_cast %parallel_loop3A_88 : i32 to index
          %parallel_loop3A_144 = arith.constant 96 : index
          %parallel_loop3A_145 = tpu.vector_load %arg8[%parallel_loop3A_143, %parallel_loop3A_144] {strides = array<i32>} : memref<96x128xbf16, #tpu.memory_space<vmem>>, vector<32xbf16>,
          %parallel_loop3A_146 = vector.bitcast %parallel_loop3A_145 : vector<32xbf16> to vector<16xi32>
          %parallel_loop3A_147 = arith.constant 16 : i32
          %parallel_loop3A_148 = vector.broadcast %parallel_loop3A_147 : i32 to vector<16xi32>
          %parallel_loop3A_149 = arith.shli %parallel_loop3A_146, %parallel_loop3A_148 : vector<16xi32>
          %parallel_loop3A_150 = vector.bitcast %parallel_loop3A_149 : vector<16xi32> to vector<16xf32>
          %parallel_loop3A_151 = arith.index_cast %parallel_loop3A_88 : i32 to index
          %parallel_loop3A_152 = arith.constant 48 : index
          %parallel_loop3A_153 = tpu.vector_load %arg10[%parallel_loop3A_151, %parallel_loop3A_152] {strides = array<i32>} : memref<96x128xf32, #tpu.memory_space<vmem>>, vector<16xf32>,
          tpu.vector_store %arg10[%parallel_loop3A_151, %parallel_loop3A_152], %parallel_loop3A_150 {strides = array<i32>} : memref<96x128xf32, #tpu.memory_space<vmem>>, vector<16xf32>,
          %parallel_loop3A_154 = arith.constant -65536 : i32
          %parallel_loop3A_155 = vector.broadcast %parallel_loop3A_154 : i32 to vector<16xi32>
          %parallel_loop3A_156 = arith.andi %parallel_loop3A_146, %parallel_loop3A_155 : vector<16xi32>
          %parallel_loop3A_157 = vector.bitcast %parallel_loop3A_156 : vector<16xi32> to vector<16xf32>
          %parallel_loop3A_158 = arith.index_cast %parallel_loop3A_88 : i32 to index
          %parallel_loop3A_159 = arith.constant 112 : index
          %parallel_loop3A_160 = tpu.vector_load %arg10[%parallel_loop3A_158, %parallel_loop3A_159] {strides = array<i32>} : memref<96x128xf32, #tpu.memory_space<vmem>>, vector<16xf32>,
          tpu.vector_store %arg10[%parallel_loop3A_158, %parallel_loop3A_159], %parallel_loop3A_157 {strides = array<i32>} : memref<96x128xf32, #tpu.memory_space<vmem>>, vector<16xf32>,
        } {sc.loop_unroll_factor = 8 : i64, sc.parallel_access}
        "tpu.region"() ({
          %run_scoped3A = tpu.sem_alloc : memref<!tpu.dma_semaphore, #tpu.memory_space<semaphore_mem>>
          %dma_start3A_88 = arith.constant 0 : i32
          %dma_start3A_89 = tpu.memref_slice %arg7[%mul3A_53, %dma_start3A_88] : memref<108x96xi32, #tpu.memory_space<vmem>> -> memref<1x96xi32, #tpu.memory_space<vmem>>
          %dma_start3A_90 = tpu.memref_squeeze %dma_start3A_89 : memref<1x96xi32, #tpu.memory_space<vmem>> -> memref<96xi32, #tpu.memory_space<vmem>>
          %dma_start3A_91 = arith.constant 0 : i32
          %dma_start3A_92 = arith.constant 0 : i32
          %dma_start3A_93 = tpu.memref_slice %arg11[%dma_start3A_91, %dma_start3A_92] : memref<10240x128xf32, #tpu.memory_space<vmem_shared>> -> memref<10240x128xf32, #tpu.memory_space<vmem_shared>>
          tpu.enqueue_indirect_dma source(%arg10 : memref<96x128xf32, #tpu.memory_space<vmem>>) target(%dma_start3A_93 : memref<10240x128xf32, #tpu.memory_space<vmem_shared>>) offsets(%dma_start3A_90 : memref<96xi32, #tpu.memory_space<vmem>>) semaphore(%run_scoped3A : memref<!tpu.dma_semaphore, #tpu.memory_space<semaphore_mem>>) {add = true}
          %dma_wait3A_94 = arith.constant 0 : i32
          %dma_wait3A_95 = tpu.memref_slice %arg7[%mul3A_53, %dma_wait3A_94] : memref<108x96xi32, #tpu.memory_space<vmem>> -> memref<1x96xi32, #tpu.memory_space<vmem>>
          %dma_wait3A_96 = tpu.memref_squeeze %dma_wait3A_95 : memref<1x96xi32, #tpu.memory_space<vmem>> -> memref<96xi32, #tpu.memory_space<vmem>>
          %dma_wait3A_97 = arith.constant 0 : i32
          %dma_wait3A_98 = arith.constant 0 : i32
          %dma_wait3A_99 = tpu.memref_slice %arg11[%dma_wait3A_97, %dma_wait3A_98] : memref<10240x128xf32, #tpu.memory_space<vmem_shared>> -> memref<10240x128xf32, #tpu.memory_space<vmem_shared>>
          tpu.wait_indirect_dma semaphore(%run_scoped3A : memref<!tpu.dma_semaphore, #tpu.memory_space<semaphore_mem>>) src(%arg10 : memref<96x128xf32, #tpu.memory_space<vmem>>) dst(%dma_wait3A_99 : memref<10240x128xf32, #tpu.memory_space<vmem_shared>>)
          tpu.yield
        }) : () -> ()
        %add3A_69 = arith.constant 1 : i32
        %add3A_70 = arith.addi %scan3A_51, %add3A_69 : i32
        %lt3A = arith.constant 54 : i32
        %lt3A_71 = arith.cmpi slt, %add3A_70, %lt3A : i32
        %convert_element_type3A_72 = arith.extui %lt3A_71 : i1 to i32
        %cond3A_73 = arith.constant 0 : i32
        %cond3A_74 = arith.cmpi ne, %convert_element_type3A_72, %cond3A_73 : i32
        scf.if %cond3A_74 {
          %add3A_88 = arith.constant 2 : i32
          %add3A_89 = arith.addi %mul3A_53, %add3A_88 : i32
          %dma_start3A_90 = arith.constant 0 : i32
          %dma_start3A_91 = tpu.memref_slice %arg6[%add3A_89, %dma_start3A_90] : memref<108x96xi32, #tpu.memory_space<vmem>> -> memref<1x96xi32, #tpu.memory_space<vmem>>
          %dma_start3A_92 = tpu.memref_squeeze %dma_start3A_91 : memref<1x96xi32, #tpu.memory_space<vmem>> -> memref<96xi32, #tpu.memory_space<vmem>>
          %dma_start3A_93 = arith.constant 0 : i32
          %dma_start3A_94 = arith.constant 0 : i32
          %dma_start3A_95 = tpu.memref_slice %arg4[%dma_start3A_93, %dma_start3A_94] : memref<10240x128xbf16, #tpu.memory_space<hbm>> -> memref<10240x128xbf16, #tpu.memory_space<hbm>>
          tpu.enqueue_indirect_dma source(%dma_start3A_95 : memref<10240x128xbf16, #tpu.memory_space<hbm>>) target(%arg8 : memref<96x128xbf16, #tpu.memory_space<vmem>>) offsets(%dma_start3A_92 : memref<96xi32, #tpu.memory_space<vmem>>) semaphore(%arg12 : memref<!tpu.dma_semaphore, #tpu.memory_space<semaphore_mem>>)
        } else {
        }
        %add3A_75 = arith.constant 1 : i32
        %add3A_76 = arith.addi %mul3A_53, %add3A_75 : i32
        %dma_wait3A_77 = arith.constant 0 : i32
        %dma_wait3A_78 = tpu.memref_slice %arg6[%add3A_76, %dma_wait3A_77] : memref<108x96xi32, #tpu.memory_space<vmem>> -> memref<1x96xi32, #tpu.memory_space<vmem>>
        %dma_wait3A_79 = tpu.memref_squeeze %dma_wait3A_78 : memref<1x96xi32, #tpu.memory_space<vmem>> -> memref<96xi32, #tpu.memory_space<vmem>>
        %dma_wait3A_80 = arith.constant 0 : i32
        %dma_wait3A_81 = arith.constant 0 : i32
        %dma_wait3A_82 = tpu.memref_slice %arg4[%dma_wait3A_80, %dma_wait3A_81] : memref<10240x128xbf16, #tpu.memory_space<hbm>> -> memref<10240x128xbf16, #tpu.memory_space<hbm>>
        tpu.wait_indirect_dma semaphore(%arg13 : memref<!tpu.dma_semaphore, #tpu.memory_space<semaphore_mem>>) src(%dma_wait3A_82 : memref<10240x128xbf16, #tpu.memory_space<hbm>>) dst(%arg9 : memref<96x128xbf16, #tpu.memory_space<vmem>>)
        %parallel_loop3A_83 = arith.constant 0 : i32
        %parallel_loop3A_84 = arith.constant 96 : i32
        %parallel_loop3A_85 = arith.constant 1 : i32
        scf.for %parallel_loop3A_88 = %parallel_loop3A_83 to %parallel_loop3A_84 step %parallel_loop3A_85  : i32 {
          %parallel_loop3A_89 = arith.index_cast %parallel_loop3A_88 : i32 to index
          %parallel_loop3A_90 = arith.constant 0 : index
          %parallel_loop3A_91 = tpu.vector_load %arg9[%parallel_loop3A_89, %parallel_loop3A_90] {strides = array<i32>} : memref<96x128xbf16, #tpu.memory_space<vmem>>, vector<32xbf16>,
          %parallel_loop3A_92 = vector.bitcast %parallel_loop3A_91 : vector<32xbf16> to vector<16xi32>
          %parallel_loop3A_93 = arith.constant 16 : i32
          %parallel_loop3A_94 = vector.broadcast %parallel_loop3A_93 : i32 to vector<16xi32>
          %parallel_loop3A_95 = arith.shli %parallel_loop3A_92, %parallel_loop3A_94 : vector<16xi32>
          %parallel_loop3A_96 = vector.bitcast %parallel_loop3A_95 : vector<16xi32> to vector<16xf32>
          %parallel_loop3A_97 = arith.index_cast %parallel_loop3A_88 : i32 to index
          %parallel_loop3A_98 = arith.constant 0 : index
          %parallel_loop3A_99 = tpu.vector_load %arg10[%parallel_loop3A_97, %parallel_loop3A_98] {strides = array<i32>} : memref<96x128xf32, #tpu.memory_space<vmem>>, vector<16xf32>,
          tpu.vector_store %arg10[%parallel_loop3A_97, %parallel_loop3A_98], %parallel_loop3A_96 {strides = array<i32>} : memref<96x128xf32, #tpu.memory_space<vmem>>, vector<16xf32>,
          %parallel_loop3A_100 = arith.constant -65536 : i32
          %parallel_loop3A_101 = vector.broadcast %parallel_loop3A_100 : i32 to vector<16xi32>
          %parallel_loop3A_102 = arith.andi %parallel_loop3A_92, %parallel_loop3A_101 : vector<16xi32>
          %parallel_loop3A_103 = vector.bitcast %parallel_loop3A_102 : vector<16xi32> to vector<16xf32>
          %parallel_loop3A_104 = arith.index_cast %parallel_loop3A_88 : i32 to index
          %parallel_loop3A_105 = arith.constant 64 : index
          %parallel_loop3A_106 = tpu.vector_load %arg10[%parallel_loop3A_104, %parallel_loop3A_105] {strides = array<i32>} : memref<96x128xf32, #tpu.memory_space<vmem>>, vector<16xf32>,
          tpu.vector_store %arg10[%parallel_loop3A_104, %parallel_loop3A_105], %parallel_loop3A_103 {strides = array<i32>} : memref<96x128xf32, #tpu.memory_space<vmem>>, vector<16xf32>,
          %parallel_loop3A_107 = arith.index_cast %parallel_loop3A_88 : i32 to index
          %parallel_loop3A_108 = arith.constant 32 : index
          %parallel_loop3A_109 = tpu.vector_load %arg9[%parallel_loop3A_107, %parallel_loop3A_108] {strides = array<i32>} : memref<96x128xbf16, #tpu.memory_space<vmem>>, vector<32xbf16>,
          %parallel_loop3A_110 = vector.bitcast %parallel_loop3A_109 : vector<32xbf16> to vector<16xi32>
          %parallel_loop3A_111 = arith.constant 16 : i32
          %parallel_loop3A_112 = vector.broadcast %parallel_loop3A_111 : i32 to vector<16xi32>
          %parallel_loop3A_113 = arith.shli %parallel_loop3A_110, %parallel_loop3A_112 : vector<16xi32>
          %parallel_loop3A_114 = vector.bitcast %parallel_loop3A_113 : vector<16xi32> to vector<16xf32>
          %parallel_loop3A_115 = arith.index_cast %parallel_loop3A_88 : i32 to index
          %parallel_loop3A_116 = arith.constant 16 : index
          %parallel_loop3A_117 = tpu.vector_load %arg10[%parallel_loop3A_115, %parallel_loop3A_116] {strides = array<i32>} : memref<96x128xf32, #tpu.memory_space<vmem>>, vector<16xf32>,
          tpu.vector_store %arg10[%parallel_loop3A_115, %parallel_loop3A_116], %parallel_loop3A_114 {strides = array<i32>} : memref<96x128xf32, #tpu.memory_space<vmem>>, vector<16xf32>,
          %parallel_loop3A_118 = arith.constant -65536 : i32
          %parallel_loop3A_119 = vector.broadcast %parallel_loop3A_118 : i32 to vector<16xi32>
          %parallel_loop3A_120 = arith.andi %parallel_loop3A_110, %parallel_loop3A_119 : vector<16xi32>
          %parallel_loop3A_121 = vector.bitcast %parallel_loop3A_120 : vector<16xi32> to vector<16xf32>
          %parallel_loop3A_122 = arith.index_cast %parallel_loop3A_88 : i32 to index
          %parallel_loop3A_123 = arith.constant 80 : index
          %parallel_loop3A_124 = tpu.vector_load %arg10[%parallel_loop3A_122, %parallel_loop3A_123] {strides = array<i32>} : memref<96x128xf32, #tpu.memory_space<vmem>>, vector<16xf32>,
          tpu.vector_store %arg10[%parallel_loop3A_122, %parallel_loop3A_123], %parallel_loop3A_121 {strides = array<i32>} : memref<96x128xf32, #tpu.memory_space<vmem>>, vector<16xf32>,
          %parallel_loop3A_125 = arith.index_cast %parallel_loop3A_88 : i32 to index
          %parallel_loop3A_126 = arith.constant 64 : index
          %parallel_loop3A_127 = tpu.vector_load %arg9[%parallel_loop3A_125, %parallel_loop3A_126] {strides = array<i32>} : memref<96x128xbf16, #tpu.memory_space<vmem>>, vector<32xbf16>,
          %parallel_loop3A_128 = vector.bitcast %parallel_loop3A_127 : vector<32xbf16> to vector<16xi32>
          %parallel_loop3A_129 = arith.constant 16 : i32
          %parallel_loop3A_130 = vector.broadcast %parallel_loop3A_129 : i32 to vector<16xi32>
          %parallel_loop3A_131 = arith.shli %parallel_loop3A_128, %parallel_loop3A_130 : vector<16xi32>
          %parallel_loop3A_132 = vector.bitcast %parallel_loop3A_131 : vector<16xi32> to vector<16xf32>
          %parallel_loop3A_133 = arith.index_cast %parallel_loop3A_88 : i32 to index
          %parallel_loop3A_134 = arith.constant 32 : index
          %parallel_loop3A_135 = tpu.vector_load %arg10[%parallel_loop3A_133, %parallel_loop3A_134] {strides = array<i32>} : memref<96x128xf32, #tpu.memory_space<vmem>>, vector<16xf32>,
          tpu.vector_store %arg10[%parallel_loop3A_133, %parallel_loop3A_134], %parallel_loop3A_132 {strides = array<i32>} : memref<96x128xf32, #tpu.memory_space<vmem>>, vector<16xf32>,
          %parallel_loop3A_136 = arith.constant -65536 : i32
          %parallel_loop3A_137 = vector.broadcast %parallel_loop3A_136 : i32 to vector<16xi32>
          %parallel_loop3A_138 = arith.andi %parallel_loop3A_128, %parallel_loop3A_137 : vector<16xi32>
          %parallel_loop3A_139 = vector.bitcast %parallel_loop3A_138 : vector<16xi32> to vector<16xf32>
          %parallel_loop3A_140 = arith.index_cast %parallel_loop3A_88 : i32 to index
          %parallel_loop3A_141 = arith.constant 96 : index
          %parallel_loop3A_142 = tpu.vector_load %arg10[%parallel_loop3A_140, %parallel_loop3A_141] {strides = array<i32>} : memref<96x128xf32, #tpu.memory_space<vmem>>, vector<16xf32>,
          tpu.vector_store %arg10[%parallel_loop3A_140, %parallel_loop3A_141], %parallel_loop3A_139 {strides = array<i32>} : memref<96x128xf32, #tpu.memory_space<vmem>>, vector<16xf32>,
          %parallel_loop3A_143 = arith.index_cast %parallel_loop3A_88 : i32 to index
          %parallel_loop3A_144 = arith.constant 96 : index
          %parallel_loop3A_145 = tpu.vector_load %arg9[%parallel_loop3A_143, %parallel_loop3A_144] {strides = array<i32>} : memref<96x128xbf16, #tpu.memory_space<vmem>>, vector<32xbf16>,
          %parallel_loop3A_146 = vector.bitcast %parallel_loop3A_145 : vector<32xbf16> to vector<16xi32>
          %parallel_loop3A_147 = arith.constant 16 : i32
          %parallel_loop3A_148 = vector.broadcast %parallel_loop3A_147 : i32 to vector<16xi32>
          %parallel_loop3A_149 = arith.shli %parallel_loop3A_146, %parallel_loop3A_148 : vector<16xi32>
          %parallel_loop3A_150 = vector.bitcast %parallel_loop3A_149 : vector<16xi32> to vector<16xf32>
          %parallel_loop3A_151 = arith.index_cast %parallel_loop3A_88 : i32 to index
          %parallel_loop3A_152 = arith.constant 48 : index
          %parallel_loop3A_153 = tpu.vector_load %arg10[%parallel_loop3A_151, %parallel_loop3A_152] {strides = array<i32>} : memref<96x128xf32, #tpu.memory_space<vmem>>, vector<16xf32>,
          tpu.vector_store %arg10[%parallel_loop3A_151, %parallel_loop3A_152], %parallel_loop3A_150 {strides = array<i32>} : memref<96x128xf32, #tpu.memory_space<vmem>>, vector<16xf32>,
          %parallel_loop3A_154 = arith.constant -65536 : i32
          %parallel_loop3A_155 = vector.broadcast %parallel_loop3A_154 : i32 to vector<16xi32>
          %parallel_loop3A_156 = arith.andi %parallel_loop3A_146, %parallel_loop3A_155 : vector<16xi32>
          %parallel_loop3A_157 = vector.bitcast %parallel_loop3A_156 : vector<16xi32> to vector<16xf32>
          %parallel_loop3A_158 = arith.index_cast %parallel_loop3A_88 : i32 to index
          %parallel_loop3A_159 = arith.constant 112 : index
          %parallel_loop3A_160 = tpu.vector_load %arg10[%parallel_loop3A_158, %parallel_loop3A_159] {strides = array<i32>} : memref<96x128xf32, #tpu.memory_space<vmem>>, vector<16xf32>,
          tpu.vector_store %arg10[%parallel_loop3A_158, %parallel_loop3A_159], %parallel_loop3A_157 {strides = array<i32>} : memref<96x128xf32, #tpu.memory_space<vmem>>, vector<16xf32>,
        } {sc.loop_unroll_factor = 8 : i64, sc.parallel_access}
        %add3A_86 = arith.constant 1 : i32
        %add3A_87 = arith.addi %mul3A_53, %add3A_86 : i32
        "tpu.region"() ({
          %run_scoped3A = tpu.sem_alloc : memref<!tpu.dma_semaphore, #tpu.memory_space<semaphore_mem>>
          %dma_start3A_88 = arith.constant 0 : i32
          %dma_start3A_89 = tpu.memref_slice %arg7[%add3A_87, %dma_start3A_88] : memref<108x96xi32, #tpu.memory_space<vmem>> -> memref<1x96xi32, #tpu.memory_space<vmem>>
          %dma_start3A_90 = tpu.memref_squeeze %dma_start3A_89 : memref<1x96xi32, #tpu.memory_space<vmem>> -> memref<96xi32, #tpu.memory_space<vmem>>
          %dma_start3A_91 = arith.constant 0 : i32
          %dma_start3A_92 = arith.constant 0 : i32
          %dma_start3A_93 = tpu.memref_slice %arg11[%dma_start3A_91, %dma_start3A_92] : memref<10240x128xf32, #tpu.memory_space<vmem_shared>> -> memref<10240x128xf32, #tpu.memory_space<vmem_shared>>
          tpu.enqueue_indirect_dma source(%arg10 : memref<96x128xf32, #tpu.memory_space<vmem>>) target(%dma_start3A_93 : memref<10240x128xf32, #tpu.memory_space<vmem_shared>>) offsets(%dma_start3A_90 : memref<96xi32, #tpu.memory_space<vmem>>) semaphore(%run_scoped3A : memref<!tpu.dma_semaphore, #tpu.memory_space<semaphore_mem>>) {add = true}
          %dma_wait3A_94 = arith.constant 0 : i32
          %dma_wait3A_95 = tpu.memref_slice %arg7[%add3A_87, %dma_wait3A_94] : memref<108x96xi32, #tpu.memory_space<vmem>> -> memref<1x96xi32, #tpu.memory_space<vmem>>
          %dma_wait3A_96 = tpu.memref_squeeze %dma_wait3A_95 : memref<1x96xi32, #tpu.memory_space<vmem>> -> memref<96xi32, #tpu.memory_space<vmem>>
          %dma_wait3A_97 = arith.constant 0 : i32
          %dma_wait3A_98 = arith.constant 0 : i32
          %dma_wait3A_99 = tpu.memref_slice %arg11[%dma_wait3A_97, %dma_wait3A_98] : memref<10240x128xf32, #tpu.memory_space<vmem_shared>> -> memref<10240x128xf32, #tpu.memory_space<vmem_shared>>
          tpu.wait_indirect_dma semaphore(%run_scoped3A : memref<!tpu.dma_semaphore, #tpu.memory_space<semaphore_mem>>) src(%arg10 : memref<96x128xf32, #tpu.memory_space<vmem>>) dst(%dma_wait3A_99 : memref<10240x128xf32, #tpu.memory_space<vmem_shared>>)
          tpu.yield
        }) : () -> ()
      }
      %scan3A_35 = arith.constant 54 : i32
      %add3A_36 = arith.constant 108 : i32
      %add3A_37 = arith.addi %mul3A_23, %add3A_36 : i32
      "tpu.region"() ({
        %run_scoped3A = tpu.sem_alloc : memref<!tpu.dma_semaphore, #tpu.memory_space<semaphore_mem>>
        %dma_start3A_51 = arith.constant 0 : i32
        %dma_start3A_52 = arith.constant 0 : i32
        %dma_start3A_53 = tpu.memref_slice %arg6[%dma_start3A_51, %dma_start3A_52] : memref<108x96xi32, #tpu.memory_space<vmem>> -> memref<8x96xi32, #tpu.memory_space<vmem>>
        %dma_start3A_54 = arith.constant 0 : i32
        %dma_start3A_55 = tpu.memref_slice %arg2[%add3A_37, %dma_start3A_54] : memref<3456x96xi32, #tpu.memory_space<hbm>> -> memref<8x96xi32, #tpu.memory_space<hbm>>
        %dma_start3A_56 = arith.constant 0 : i32
        %dma_start3A_57 = arith.constant 0 : i32
        %dma_start3A_58 = tpu.memref_slice %arg6[%dma_start3A_56, %dma_start3A_57] : memref<108x96xi32, #tpu.memory_space<vmem>> -> memref<8x96xi32, #tpu.memory_space<vmem>>
        %dma_start3A_59 = arith.constant 0 : i32
        %dma_start3A_60 = tpu.memref_slice %arg2[%add3A_37, %dma_start3A_59] : memref<3456x96xi32, #tpu.memory_space<hbm>> -> memref<8x96xi32, #tpu.memory_space<hbm>>
        tpu.enqueue_dma source(%dma_start3A_60 : memref<8x96xi32, #tpu.memory_space<hbm>>) target(%dma_start3A_58 : memref<8x96xi32, #tpu.memory_space<vmem>>) target_semaphore(%run_scoped3A : memref<!tpu.dma_semaphore, #tpu.memory_space<semaphore_mem>>)
        %dma_wait3A = arith.constant 0 : i32
        %dma_wait3A_61 = arith.constant 0 : i32
        %dma_wait3A_62 = tpu.memref_slice %arg6[%dma_wait3A, %dma_wait3A_61] : memref<108x96xi32, #tpu.memory_space<vmem>> -> memref<8x96xi32, #tpu.memory_space<vmem>>
        %dma_wait3A_63 = arith.constant 0 : i32
        %dma_wait3A_64 = tpu.memref_slice %arg2[%add3A_37, %dma_wait3A_63] : memref<3456x96xi32, #tpu.memory_space<hbm>> -> memref<8x96xi32, #tpu.memory_space<hbm>>
        %dma_wait3A_65 = arith.constant 0 : i32
        %dma_wait3A_66 = arith.constant 0 : i32
        %dma_wait3A_67 = tpu.memref_slice %arg6[%dma_wait3A_65, %dma_wait3A_66] : memref<108x96xi32, #tpu.memory_space<vmem>> -> memref<8x96xi32, #tpu.memory_space<vmem>>
        %dma_wait3A_68 = arith.constant 0 : i32
        %dma_wait3A_69 = tpu.memref_slice %arg2[%add3A_37, %dma_wait3A_68] : memref<3456x96xi32, #tpu.memory_space<hbm>> -> memref<8x96xi32, #tpu.memory_space<hbm>>
        tpu.wait_dma2 semaphore(%run_scoped3A : memref<!tpu.dma_semaphore, #tpu.memory_space<semaphore_mem>>) src(%dma_wait3A_69 : memref<8x96xi32, #tpu.memory_space<hbm>>) dst(%dma_wait3A_67 : memref<8x96xi32, #tpu.memory_space<vmem>>)
        tpu.yield
      }) : () -> ()
      "tpu.region"() ({
        %run_scoped3A = tpu.sem_alloc : memref<!tpu.dma_semaphore, #tpu.memory_space<semaphore_mem>>
        %dma_start3A_51 = arith.constant 0 : i32
        %dma_start3A_52 = arith.constant 0 : i32
        %dma_start3A_53 = tpu.memref_slice %arg7[%dma_start3A_51, %dma_start3A_52] : memref<108x96xi32, #tpu.memory_space<vmem>> -> memref<8x96xi32, #tpu.memory_space<vmem>>
        %dma_start3A_54 = arith.constant 0 : i32
        %dma_start3A_55 = tpu.memref_slice %arg3[%add3A_37, %dma_start3A_54] : memref<3456x96xi32, #tpu.memory_space<hbm>> -> memref<8x96xi32, #tpu.memory_space<hbm>>
        %dma_start3A_56 = arith.constant 0 : i32
        %dma_start3A_57 = arith.constant 0 : i32
        %dma_start3A_58 = tpu.memref_slice %arg7[%dma_start3A_56, %dma_start3A_57] : memref<108x96xi32, #tpu.memory_space<vmem>> -> memref<8x96xi32, #tpu.memory_space<vmem>>
        %dma_start3A_59 = arith.constant 0 : i32
        %dma_start3A_60 = tpu.memref_slice %arg3[%add3A_37, %dma_start3A_59] : memref<3456x96xi32, #tpu.memory_space<hbm>> -> memref<8x96xi32, #tpu.memory_space<hbm>>
        tpu.enqueue_dma source(%dma_start3A_60 : memref<8x96xi32, #tpu.memory_space<hbm>>) target(%dma_start3A_58 : memref<8x96xi32, #tpu.memory_space<vmem>>) target_semaphore(%run_scoped3A : memref<!tpu.dma_semaphore, #tpu.memory_space<semaphore_mem>>)
        %dma_wait3A = arith.constant 0 : i32
        %dma_wait3A_61 = arith.constant 0 : i32
        %dma_wait3A_62 = tpu.memref_slice %arg7[%dma_wait3A, %dma_wait3A_61] : memref<108x96xi32, #tpu.memory_space<vmem>> -> memref<8x96xi32, #tpu.memory_space<vmem>>
        %dma_wait3A_63 = arith.constant 0 : i32
        %dma_wait3A_64 = tpu.memref_slice %arg3[%add3A_37, %dma_wait3A_63] : memref<3456x96xi32, #tpu.memory_space<hbm>> -> memref<8x96xi32, #tpu.memory_space<hbm>>
        %dma_wait3A_65 = arith.constant 0 : i32
        %dma_wait3A_66 = arith.constant 0 : i32
        %dma_wait3A_67 = tpu.memref_slice %arg7[%dma_wait3A_65, %dma_wait3A_66] : memref<108x96xi32, #tpu.memory_space<vmem>> -> memref<8x96xi32, #tpu.memory_space<vmem>>
        %dma_wait3A_68 = arith.constant 0 : i32
        %dma_wait3A_69 = tpu.memref_slice %arg3[%add3A_37, %dma_wait3A_68] : memref<3456x96xi32, #tpu.memory_space<hbm>> -> memref<8x96xi32, #tpu.memory_space<hbm>>
        tpu.wait_dma2 semaphore(%run_scoped3A : memref<!tpu.dma_semaphore, #tpu.memory_space<semaphore_mem>>) src(%dma_wait3A_69 : memref<8x96xi32, #tpu.memory_space<hbm>>) dst(%dma_wait3A_67 : memref<8x96xi32, #tpu.memory_space<vmem>>)
        tpu.yield
      }) : () -> ()
      %dma_start3A_38 = arith.constant 0 : i32
      %dma_start3A_39 = arith.constant 0 : i32
      %dma_start3A_40 = tpu.memref_slice %arg6[%dma_start3A_38, %dma_start3A_39] : memref<108x96xi32, #tpu.memory_space<vmem>> -> memref<1x96xi32, #tpu.memory_space<vmem>>
      %dma_start3A_41 = tpu.memref_squeeze %dma_start3A_40 : memref<1x96xi32, #tpu.memory_space<vmem>> -> memref<96xi32, #tpu.memory_space<vmem>>
      %dma_start3A_42 = arith.constant 0 : i32
      %dma_start3A_43 = arith.constant 0 : i32
      %dma_start3A_44 = tpu.memref_slice %arg4[%dma_start3A_42, %dma_start3A_43] : memref<10240x128xbf16, #tpu.memory_space<hbm>> -> memref<10240x128xbf16, #tpu.memory_space<hbm>>
      tpu.enqueue_indirect_dma source(%dma_start3A_44 : memref<10240x128xbf16, #tpu.memory_space<hbm>>) target(%arg8 : memref<96x128xbf16, #tpu.memory_space<vmem>>) offsets(%dma_start3A_41 : memref<96xi32, #tpu.memory_space<vmem>>) semaphore(%arg12 : memref<!tpu.dma_semaphore, #tpu.memory_space<semaphore_mem>>)
      %scan3A_45 = arith.constant 0 : i32
      %scan3A_46 = arith.constant 0 : i32
      %scan3A_47 = arith.constant 4 : i32
      %scan3A_48 = arith.addi %scan3A_46, %scan3A_47 : i32
      %scan3A_49 = arith.constant 1 : i32
      scf.for %scan3A_51 = %scan3A_46 to %scan3A_48 step %scan3A_49  : i32 {
        %mul3A_52 = arith.constant 2 : i32
        %mul3A_53 = arith.muli %scan3A_51, %mul3A_52 : i32
        %add3A_54 = arith.constant 1 : i32
        %add3A_55 = arith.addi %mul3A_53, %add3A_54 : i32
        %dma_start3A_56 = arith.constant 0 : i32
        %dma_start3A_57 = tpu.memref_slice %arg6[%add3A_55, %dma_start3A_56] : memref<108x96xi32, #tpu.memory_space<vmem>> -> memref<1x96xi32, #tpu.memory_space<vmem>>
        %dma_start3A_58 = tpu.memref_squeeze %dma_start3A_57 : memref<1x96xi32, #tpu.memory_space<vmem>> -> memref<96xi32, #tpu.memory_space<vmem>>
        %dma_start3A_59 = arith.constant 0 : i32
        %dma_start3A_60 = arith.constant 0 : i32
        %dma_start3A_61 = tpu.memref_slice %arg4[%dma_start3A_59, %dma_start3A_60] : memref<10240x128xbf16, #tpu.memory_space<hbm>> -> memref<10240x128xbf16, #tpu.memory_space<hbm>>
        tpu.enqueue_indirect_dma source(%dma_start3A_61 : memref<10240x128xbf16, #tpu.memory_space<hbm>>) target(%arg9 : memref<96x128xbf16, #tpu.memory_space<vmem>>) offsets(%dma_start3A_58 : memref<96xi32, #tpu.memory_space<vmem>>) semaphore(%arg13 : memref<!tpu.dma_semaphore, #tpu.memory_space<semaphore_mem>>)
        %dma_wait3A = arith.constant 0 : i32
        %dma_wait3A_62 = tpu.memref_slice %arg6[%mul3A_53, %dma_wait3A] : memref<108x96xi32, #tpu.memory_space<vmem>> -> memref<1x96xi32, #tpu.memory_space<vmem>>
        %dma_wait3A_63 = tpu.memref_squeeze %dma_wait3A_62 : memref<1x96xi32, #tpu.memory_space<vmem>> -> memref<96xi32, #tpu.memory_space<vmem>>
        %dma_wait3A_64 = arith.constant 0 : i32
        %dma_wait3A_65 = arith.constant 0 : i32
        %dma_wait3A_66 = tpu.memref_slice %arg4[%dma_wait3A_64, %dma_wait3A_65] : memref<10240x128xbf16, #tpu.memory_space<hbm>> -> memref<10240x128xbf16, #tpu.memory_space<hbm>>
        tpu.wait_indirect_dma semaphore(%arg12 : memref<!tpu.dma_semaphore, #tpu.memory_space<semaphore_mem>>) src(%dma_wait3A_66 : memref<10240x128xbf16, #tpu.memory_space<hbm>>) dst(%arg8 : memref<96x128xbf16, #tpu.memory_space<vmem>>)
        %parallel_loop3A = arith.constant 0 : i32
        %parallel_loop3A_67 = arith.constant 96 : i32
        %parallel_loop3A_68 = arith.constant 1 : i32
        scf.for %parallel_loop3A_88 = %parallel_loop3A to %parallel_loop3A_67 step %parallel_loop3A_68  : i32 {
          %parallel_loop3A_89 = arith.index_cast %parallel_loop3A_88 : i32 to index
          %parallel_loop3A_90 = arith.constant 0 : index
          %parallel_loop3A_91 = tpu.vector_load %arg8[%parallel_loop3A_89, %parallel_loop3A_90] {strides = array<i32>} : memref<96x128xbf16, #tpu.memory_space<vmem>>, vector<32xbf16>,
          %parallel_loop3A_92 = vector.bitcast %parallel_loop3A_91 : vector<32xbf16> to vector<16xi32>
          %parallel_loop3A_93 = arith.constant 16 : i32
          %parallel_loop3A_94 = vector.broadcast %parallel_loop3A_93 : i32 to vector<16xi32>
          %parallel_loop3A_95 = arith.shli %parallel_loop3A_92, %parallel_loop3A_94 : vector<16xi32>
          %parallel_loop3A_96 = vector.bitcast %parallel_loop3A_95 : vector<16xi32> to vector<16xf32>
          %parallel_loop3A_97 = arith.index_cast %parallel_loop3A_88 : i32 to index
          %parallel_loop3A_98 = arith.constant 0 : index
          %parallel_loop3A_99 = tpu.vector_load %arg10[%parallel_loop3A_97, %parallel_loop3A_98] {strides = array<i32>} : memref<96x128xf32, #tpu.memory_space<vmem>>, vector<16xf32>,
          tpu.vector_store %arg10[%parallel_loop3A_97, %parallel_loop3A_98], %parallel_loop3A_96 {strides = array<i32>} : memref<96x128xf32, #tpu.memory_space<vmem>>, vector<16xf32>,
          %parallel_loop3A_100 = arith.constant -65536 : i32
          %parallel_loop3A_101 = vector.broadcast %parallel_loop3A_100 : i32 to vector<16xi32>
          %parallel_loop3A_102 = arith.andi %parallel_loop3A_92, %parallel_loop3A_101 : vector<16xi32>
          %parallel_loop3A_103 = vector.bitcast %parallel_loop3A_102 : vector<16xi32> to vector<16xf32>
          %parallel_loop3A_104 = arith.index_cast %parallel_loop3A_88 : i32 to index
          %parallel_loop3A_105 = arith.constant 64 : index
          %parallel_loop3A_106 = tpu.vector_load %arg10[%parallel_loop3A_104, %parallel_loop3A_105] {strides = array<i32>} : memref<96x128xf32, #tpu.memory_space<vmem>>, vector<16xf32>,
          tpu.vector_store %arg10[%parallel_loop3A_104, %parallel_loop3A_105], %parallel_loop3A_103 {strides = array<i32>} : memref<96x128xf32, #tpu.memory_space<vmem>>, vector<16xf32>,
          %parallel_loop3A_107 = arith.index_cast %parallel_loop3A_88 : i32 to index
          %parallel_loop3A_108 = arith.constant 32 : index
          %parallel_loop3A_109 = tpu.vector_load %arg8[%parallel_loop3A_107, %parallel_loop3A_108] {strides = array<i32>} : memref<96x128xbf16, #tpu.memory_space<vmem>>, vector<32xbf16>,
          %parallel_loop3A_110 = vector.bitcast %parallel_loop3A_109 : vector<32xbf16> to vector<16xi32>
          %parallel_loop3A_111 = arith.constant 16 : i32
          %parallel_loop3A_112 = vector.broadcast %parallel_loop3A_111 : i32 to vector<16xi32>
          %parallel_loop3A_113 = arith.shli %parallel_loop3A_110, %parallel_loop3A_112 : vector<16xi32>
          %parallel_loop3A_114 = vector.bitcast %parallel_loop3A_113 : vector<16xi32> to vector<16xf32>
          %parallel_loop3A_115 = arith.index_cast %parallel_loop3A_88 : i32 to index
          %parallel_loop3A_116 = arith.constant 16 : index
          %parallel_loop3A_117 = tpu.vector_load %arg10[%parallel_loop3A_115, %parallel_loop3A_116] {strides = array<i32>} : memref<96x128xf32, #tpu.memory_space<vmem>>, vector<16xf32>,
          tpu.vector_store %arg10[%parallel_loop3A_115, %parallel_loop3A_116], %parallel_loop3A_114 {strides = array<i32>} : memref<96x128xf32, #tpu.memory_space<vmem>>, vector<16xf32>,
          %parallel_loop3A_118 = arith.constant -65536 : i32
          %parallel_loop3A_119 = vector.broadcast %parallel_loop3A_118 : i32 to vector<16xi32>
          %parallel_loop3A_120 = arith.andi %parallel_loop3A_110, %parallel_loop3A_119 : vector<16xi32>
          %parallel_loop3A_121 = vector.bitcast %parallel_loop3A_120 : vector<16xi32> to vector<16xf32>
          %parallel_loop3A_122 = arith.index_cast %parallel_loop3A_88 : i32 to index
          %parallel_loop3A_123 = arith.constant 80 : index
          %parallel_loop3A_124 = tpu.vector_load %arg10[%parallel_loop3A_122, %parallel_loop3A_123] {strides = array<i32>} : memref<96x128xf32, #tpu.memory_space<vmem>>, vector<16xf32>,
          tpu.vector_store %arg10[%parallel_loop3A_122, %parallel_loop3A_123], %parallel_loop3A_121 {strides = array<i32>} : memref<96x128xf32, #tpu.memory_space<vmem>>, vector<16xf32>,
          %parallel_loop3A_125 = arith.index_cast %parallel_loop3A_88 : i32 to index
          %parallel_loop3A_126 = arith.constant 64 : index
          %parallel_loop3A_127 = tpu.vector_load %arg8[%parallel_loop3A_125, %parallel_loop3A_126] {strides = array<i32>} : memref<96x128xbf16, #tpu.memory_space<vmem>>, vector<32xbf16>,
          %parallel_loop3A_128 = vector.bitcast %parallel_loop3A_127 : vector<32xbf16> to vector<16xi32>
          %parallel_loop3A_129 = arith.constant 16 : i32
          %parallel_loop3A_130 = vector.broadcast %parallel_loop3A_129 : i32 to vector<16xi32>
          %parallel_loop3A_131 = arith.shli %parallel_loop3A_128, %parallel_loop3A_130 : vector<16xi32>
          %parallel_loop3A_132 = vector.bitcast %parallel_loop3A_131 : vector<16xi32> to vector<16xf32>
          %parallel_loop3A_133 = arith.index_cast %parallel_loop3A_88 : i32 to index
          %parallel_loop3A_134 = arith.constant 32 : index
          %parallel_loop3A_135 = tpu.vector_load %arg10[%parallel_loop3A_133, %parallel_loop3A_134] {strides = array<i32>} : memref<96x128xf32, #tpu.memory_space<vmem>>, vector<16xf32>,
          tpu.vector_store %arg10[%parallel_loop3A_133, %parallel_loop3A_134], %parallel_loop3A_132 {strides = array<i32>} : memref<96x128xf32, #tpu.memory_space<vmem>>, vector<16xf32>,
          %parallel_loop3A_136 = arith.constant -65536 : i32
          %parallel_loop3A_137 = vector.broadcast %parallel_loop3A_136 : i32 to vector<16xi32>
          %parallel_loop3A_138 = arith.andi %parallel_loop3A_128, %parallel_loop3A_137 : vector<16xi32>
          %parallel_loop3A_139 = vector.bitcast %parallel_loop3A_138 : vector<16xi32> to vector<16xf32>
          %parallel_loop3A_140 = arith.index_cast %parallel_loop3A_88 : i32 to index
          %parallel_loop3A_141 = arith.constant 96 : index
          %parallel_loop3A_142 = tpu.vector_load %arg10[%parallel_loop3A_140, %parallel_loop3A_141] {strides = array<i32>} : memref<96x128xf32, #tpu.memory_space<vmem>>, vector<16xf32>,
          tpu.vector_store %arg10[%parallel_loop3A_140, %parallel_loop3A_141], %parallel_loop3A_139 {strides = array<i32>} : memref<96x128xf32, #tpu.memory_space<vmem>>, vector<16xf32>,
          %parallel_loop3A_143 = arith.index_cast %parallel_loop3A_88 : i32 to index
          %parallel_loop3A_144 = arith.constant 96 : index
          %parallel_loop3A_145 = tpu.vector_load %arg8[%parallel_loop3A_143, %parallel_loop3A_144] {strides = array<i32>} : memref<96x128xbf16, #tpu.memory_space<vmem>>, vector<32xbf16>,
          %parallel_loop3A_146 = vector.bitcast %parallel_loop3A_145 : vector<32xbf16> to vector<16xi32>
          %parallel_loop3A_147 = arith.constant 16 : i32
          %parallel_loop3A_148 = vector.broadcast %parallel_loop3A_147 : i32 to vector<16xi32>
          %parallel_loop3A_149 = arith.shli %parallel_loop3A_146, %parallel_loop3A_148 : vector<16xi32>
          %parallel_loop3A_150 = vector.bitcast %parallel_loop3A_149 : vector<16xi32> to vector<16xf32>
          %parallel_loop3A_151 = arith.index_cast %parallel_loop3A_88 : i32 to index
          %parallel_loop3A_152 = arith.constant 48 : index
          %parallel_loop3A_153 = tpu.vector_load %arg10[%parallel_loop3A_151, %parallel_loop3A_152] {strides = array<i32>} : memref<96x128xf32, #tpu.memory_space<vmem>>, vector<16xf32>,
          tpu.vector_store %arg10[%parallel_loop3A_151, %parallel_loop3A_152], %parallel_loop3A_150 {strides = array<i32>} : memref<96x128xf32, #tpu.memory_space<vmem>>, vector<16xf32>,
          %parallel_loop3A_154 = arith.constant -65536 : i32
          %parallel_loop3A_155 = vector.broadcast %parallel_loop3A_154 : i32 to vector<16xi32>
          %parallel_loop3A_156 = arith.andi %parallel_loop3A_146, %parallel_loop3A_155 : vector<16xi32>
          %parallel_loop3A_157 = vector.bitcast %parallel_loop3A_156 : vector<16xi32> to vector<16xf32>
          %parallel_loop3A_158 = arith.index_cast %parallel_loop3A_88 : i32 to index
          %parallel_loop3A_159 = arith.constant 112 : index
          %parallel_loop3A_160 = tpu.vector_load %arg10[%parallel_loop3A_158, %parallel_loop3A_159] {strides = array<i32>} : memref<96x128xf32, #tpu.memory_space<vmem>>, vector<16xf32>,
          tpu.vector_store %arg10[%parallel_loop3A_158, %parallel_loop3A_159], %parallel_loop3A_157 {strides = array<i32>} : memref<96x128xf32, #tpu.memory_space<vmem>>, vector<16xf32>,
        } {sc.loop_unroll_factor = 8 : i64, sc.parallel_access}
        "tpu.region"() ({
          %run_scoped3A = tpu.sem_alloc : memref<!tpu.dma_semaphore, #tpu.memory_space<semaphore_mem>>
          %dma_start3A_88 = arith.constant 0 : i32
          %dma_start3A_89 = tpu.memref_slice %arg7[%mul3A_53, %dma_start3A_88] : memref<108x96xi32, #tpu.memory_space<vmem>> -> memref<1x96xi32, #tpu.memory_space<vmem>>
          %dma_start3A_90 = tpu.memref_squeeze %dma_start3A_89 : memref<1x96xi32, #tpu.memory_space<vmem>> -> memref<96xi32, #tpu.memory_space<vmem>>
          %dma_start3A_91 = arith.constant 0 : i32
          %dma_start3A_92 = arith.constant 0 : i32
          %dma_start3A_93 = tpu.memref_slice %arg11[%dma_start3A_91, %dma_start3A_92] : memref<10240x128xf32, #tpu.memory_space<vmem_shared>> -> memref<10240x128xf32, #tpu.memory_space<vmem_shared>>
          tpu.enqueue_indirect_dma source(%arg10 : memref<96x128xf32, #tpu.memory_space<vmem>>) target(%dma_start3A_93 : memref<10240x128xf32, #tpu.memory_space<vmem_shared>>) offsets(%dma_start3A_90 : memref<96xi32, #tpu.memory_space<vmem>>) semaphore(%run_scoped3A : memref<!tpu.dma_semaphore, #tpu.memory_space<semaphore_mem>>) {add = true}
          %dma_wait3A_94 = arith.constant 0 : i32
          %dma_wait3A_95 = tpu.memref_slice %arg7[%mul3A_53, %dma_wait3A_94] : memref<108x96xi32, #tpu.memory_space<vmem>> -> memref<1x96xi32, #tpu.memory_space<vmem>>
          %dma_wait3A_96 = tpu.memref_squeeze %dma_wait3A_95 : memref<1x96xi32, #tpu.memory_space<vmem>> -> memref<96xi32, #tpu.memory_space<vmem>>
          %dma_wait3A_97 = arith.constant 0 : i32
          %dma_wait3A_98 = arith.constant 0 : i32
          %dma_wait3A_99 = tpu.memref_slice %arg11[%dma_wait3A_97, %dma_wait3A_98] : memref<10240x128xf32, #tpu.memory_space<vmem_shared>> -> memref<10240x128xf32, #tpu.memory_space<vmem_shared>>
          tpu.wait_indirect_dma semaphore(%run_scoped3A : memref<!tpu.dma_semaphore, #tpu.memory_space<semaphore_mem>>) src(%arg10 : memref<96x128xf32, #tpu.memory_space<vmem>>) dst(%dma_wait3A_99 : memref<10240x128xf32, #tpu.memory_space<vmem_shared>>)
          tpu.yield
        }) : () -> ()
        %add3A_69 = arith.constant 1 : i32
        %add3A_70 = arith.addi %scan3A_51, %add3A_69 : i32
        %lt3A = arith.constant 4 : i32
        %lt3A_71 = arith.cmpi slt, %add3A_70, %lt3A : i32
        %convert_element_type3A_72 = arith.extui %lt3A_71 : i1 to i32
        %cond3A_73 = arith.constant 0 : i32
        %cond3A_74 = arith.cmpi ne, %convert_element_type3A_72, %cond3A_73 : i32
        scf.if %cond3A_74 {
          %add3A_88 = arith.constant 2 : i32
          %add3A_89 = arith.addi %mul3A_53, %add3A_88 : i32
          %dma_start3A_90 = arith.constant 0 : i32
          %dma_start3A_91 = tpu.memref_slice %arg6[%add3A_89, %dma_start3A_90] : memref<108x96xi32, #tpu.memory_space<vmem>> -> memref<1x96xi32, #tpu.memory_space<vmem>>
          %dma_start3A_92 = tpu.memref_squeeze %dma_start3A_91 : memref<1x96xi32, #tpu.memory_space<vmem>> -> memref<96xi32, #tpu.memory_space<vmem>>
          %dma_start3A_93 = arith.constant 0 : i32
          %dma_start3A_94 = arith.constant 0 : i32
          %dma_start3A_95 = tpu.memref_slice %arg4[%dma_start3A_93, %dma_start3A_94] : memref<10240x128xbf16, #tpu.memory_space<hbm>> -> memref<10240x128xbf16, #tpu.memory_space<hbm>>
          tpu.enqueue_indirect_dma source(%dma_start3A_95 : memref<10240x128xbf16, #tpu.memory_space<hbm>>) target(%arg8 : memref<96x128xbf16, #tpu.memory_space<vmem>>) offsets(%dma_start3A_92 : memref<96xi32, #tpu.memory_space<vmem>>) semaphore(%arg12 : memref<!tpu.dma_semaphore, #tpu.memory_space<semaphore_mem>>)
        } else {
        }
        %add3A_75 = arith.constant 1 : i32
        %add3A_76 = arith.addi %mul3A_53, %add3A_75 : i32
        %dma_wait3A_77 = arith.constant 0 : i32
        %dma_wait3A_78 = tpu.memref_slice %arg6[%add3A_76, %dma_wait3A_77] : memref<108x96xi32, #tpu.memory_space<vmem>> -> memref<1x96xi32, #tpu.memory_space<vmem>>
        %dma_wait3A_79 = tpu.memref_squeeze %dma_wait3A_78 : memref<1x96xi32, #tpu.memory_space<vmem>> -> memref<96xi32, #tpu.memory_space<vmem>>
        %dma_wait3A_80 = arith.constant 0 : i32
        %dma_wait3A_81 = arith.constant 0 : i32
        %dma_wait3A_82 = tpu.memref_slice %arg4[%dma_wait3A_80, %dma_wait3A_81] : memref<10240x128xbf16, #tpu.memory_space<hbm>> -> memref<10240x128xbf16, #tpu.memory_space<hbm>>
        tpu.wait_indirect_dma semaphore(%arg13 : memref<!tpu.dma_semaphore, #tpu.memory_space<semaphore_mem>>) src(%dma_wait3A_82 : memref<10240x128xbf16, #tpu.memory_space<hbm>>) dst(%arg9 : memref<96x128xbf16, #tpu.memory_space<vmem>>)
        %parallel_loop3A_83 = arith.constant 0 : i32
        %parallel_loop3A_84 = arith.constant 96 : i32
        %parallel_loop3A_85 = arith.constant 1 : i32
        scf.for %parallel_loop3A_88 = %parallel_loop3A_83 to %parallel_loop3A_84 step %parallel_loop3A_85  : i32 {
          %parallel_loop3A_89 = arith.index_cast %parallel_loop3A_88 : i32 to index
          %parallel_loop3A_90 = arith.constant 0 : index
          %parallel_loop3A_91 = tpu.vector_load %arg9[%parallel_loop3A_89, %parallel_loop3A_90] {strides = array<i32>} : memref<96x128xbf16, #tpu.memory_space<vmem>>, vector<32xbf16>,
          %parallel_loop3A_92 = vector.bitcast %parallel_loop3A_91 : vector<32xbf16> to vector<16xi32>
          %parallel_loop3A_93 = arith.constant 16 : i32
          %parallel_loop3A_94 = vector.broadcast %parallel_loop3A_93 : i32 to vector<16xi32>
          %parallel_loop3A_95 = arith.shli %parallel_loop3A_92, %parallel_loop3A_94 : vector<16xi32>
          %parallel_loop3A_96 = vector.bitcast %parallel_loop3A_95 : vector<16xi32> to vector<16xf32>
          %parallel_loop3A_97 = arith.index_cast %parallel_loop3A_88 : i32 to index
          %parallel_loop3A_98 = arith.constant 0 : index
          %parallel_loop3A_99 = tpu.vector_load %arg10[%parallel_loop3A_97, %parallel_loop3A_98] {strides = array<i32>} : memref<96x128xf32, #tpu.memory_space<vmem>>, vector<16xf32>,
          tpu.vector_store %arg10[%parallel_loop3A_97, %parallel_loop3A_98], %parallel_loop3A_96 {strides = array<i32>} : memref<96x128xf32, #tpu.memory_space<vmem>>, vector<16xf32>,
          %parallel_loop3A_100 = arith.constant -65536 : i32
          %parallel_loop3A_101 = vector.broadcast %parallel_loop3A_100 : i32 to vector<16xi32>
          %parallel_loop3A_102 = arith.andi %parallel_loop3A_92, %parallel_loop3A_101 : vector<16xi32>
          %parallel_loop3A_103 = vector.bitcast %parallel_loop3A_102 : vector<16xi32> to vector<16xf32>
          %parallel_loop3A_104 = arith.index_cast %parallel_loop3A_88 : i32 to index
          %parallel_loop3A_105 = arith.constant 64 : index
          %parallel_loop3A_106 = tpu.vector_load %arg10[%parallel_loop3A_104, %parallel_loop3A_105] {strides = array<i32>} : memref<96x128xf32, #tpu.memory_space<vmem>>, vector<16xf32>,
          tpu.vector_store %arg10[%parallel_loop3A_104, %parallel_loop3A_105], %parallel_loop3A_103 {strides = array<i32>} : memref<96x128xf32, #tpu.memory_space<vmem>>, vector<16xf32>,
          %parallel_loop3A_107 = arith.index_cast %parallel_loop3A_88 : i32 to index
          %parallel_loop3A_108 = arith.constant 32 : index
          %parallel_loop3A_109 = tpu.vector_load %arg9[%parallel_loop3A_107, %parallel_loop3A_108] {strides = array<i32>} : memref<96x128xbf16, #tpu.memory_space<vmem>>, vector<32xbf16>,
          %parallel_loop3A_110 = vector.bitcast %parallel_loop3A_109 : vector<32xbf16> to vector<16xi32>
          %parallel_loop3A_111 = arith.constant 16 : i32
          %parallel_loop3A_112 = vector.broadcast %parallel_loop3A_111 : i32 to vector<16xi32>
          %parallel_loop3A_113 = arith.shli %parallel_loop3A_110, %parallel_loop3A_112 : vector<16xi32>
          %parallel_loop3A_114 = vector.bitcast %parallel_loop3A_113 : vector<16xi32> to vector<16xf32>
          %parallel_loop3A_115 = arith.index_cast %parallel_loop3A_88 : i32 to index
          %parallel_loop3A_116 = arith.constant 16 : index
          %parallel_loop3A_117 = tpu.vector_load %arg10[%parallel_loop3A_115, %parallel_loop3A_116] {strides = array<i32>} : memref<96x128xf32, #tpu.memory_space<vmem>>, vector<16xf32>,
          tpu.vector_store %arg10[%parallel_loop3A_115, %parallel_loop3A_116], %parallel_loop3A_114 {strides = array<i32>} : memref<96x128xf32, #tpu.memory_space<vmem>>, vector<16xf32>,
          %parallel_loop3A_118 = arith.constant -65536 : i32
          %parallel_loop3A_119 = vector.broadcast %parallel_loop3A_118 : i32 to vector<16xi32>
          %parallel_loop3A_120 = arith.andi %parallel_loop3A_110, %parallel_loop3A_119 : vector<16xi32>
          %parallel_loop3A_121 = vector.bitcast %parallel_loop3A_120 : vector<16xi32> to vector<16xf32>
          %parallel_loop3A_122 = arith.index_cast %parallel_loop3A_88 : i32 to index
          %parallel_loop3A_123 = arith.constant 80 : index
          %parallel_loop3A_124 = tpu.vector_load %arg10[%parallel_loop3A_122, %parallel_loop3A_123] {strides = array<i32>} : memref<96x128xf32, #tpu.memory_space<vmem>>, vector<16xf32>,
          tpu.vector_store %arg10[%parallel_loop3A_122, %parallel_loop3A_123], %parallel_loop3A_121 {strides = array<i32>} : memref<96x128xf32, #tpu.memory_space<vmem>>, vector<16xf32>,
          %parallel_loop3A_125 = arith.index_cast %parallel_loop3A_88 : i32 to index
          %parallel_loop3A_126 = arith.constant 64 : index
          %parallel_loop3A_127 = tpu.vector_load %arg9[%parallel_loop3A_125, %parallel_loop3A_126] {strides = array<i32>} : memref<96x128xbf16, #tpu.memory_space<vmem>>, vector<32xbf16>,
          %parallel_loop3A_128 = vector.bitcast %parallel_loop3A_127 : vector<32xbf16> to vector<16xi32>
          %parallel_loop3A_129 = arith.constant 16 : i32
          %parallel_loop3A_130 = vector.broadcast %parallel_loop3A_129 : i32 to vector<16xi32>
          %parallel_loop3A_131 = arith.shli %parallel_loop3A_128, %parallel_loop3A_130 : vector<16xi32>
          %parallel_loop3A_132 = vector.bitcast %parallel_loop3A_131 : vector<16xi32> to vector<16xf32>
          %parallel_loop3A_133 = arith.index_cast %parallel_loop3A_88 : i32 to index
          %parallel_loop3A_134 = arith.constant 32 : index
          %parallel_loop3A_135 = tpu.vector_load %arg10[%parallel_loop3A_133, %parallel_loop3A_134] {strides = array<i32>} : memref<96x128xf32, #tpu.memory_space<vmem>>, vector<16xf32>,
          tpu.vector_store %arg10[%parallel_loop3A_133, %parallel_loop3A_134], %parallel_loop3A_132 {strides = array<i32>} : memref<96x128xf32, #tpu.memory_space<vmem>>, vector<16xf32>,
          %parallel_loop3A_136 = arith.constant -65536 : i32
          %parallel_loop3A_137 = vector.broadcast %parallel_loop3A_136 : i32 to vector<16xi32>
          %parallel_loop3A_138 = arith.andi %parallel_loop3A_128, %parallel_loop3A_137 : vector<16xi32>
          %parallel_loop3A_139 = vector.bitcast %parallel_loop3A_138 : vector<16xi32> to vector<16xf32>
          %parallel_loop3A_140 = arith.index_cast %parallel_loop3A_88 : i32 to index
          %parallel_loop3A_141 = arith.constant 96 : index
          %parallel_loop3A_142 = tpu.vector_load %arg10[%parallel_loop3A_140, %parallel_loop3A_141] {strides = array<i32>} : memref<96x128xf32, #tpu.memory_space<vmem>>, vector<16xf32>,
          tpu.vector_store %arg10[%parallel_loop3A_140, %parallel_loop3A_141], %parallel_loop3A_139 {strides = array<i32>} : memref<96x128xf32, #tpu.memory_space<vmem>>, vector<16xf32>,
          %parallel_loop3A_143 = arith.index_cast %parallel_loop3A_88 : i32 to index
          %parallel_loop3A_144 = arith.constant 96 : index
          %parallel_loop3A_145 = tpu.vector_load %arg9[%parallel_loop3A_143, %parallel_loop3A_144] {strides = array<i32>} : memref<96x128xbf16, #tpu.memory_space<vmem>>, vector<32xbf16>,
          %parallel_loop3A_146 = vector.bitcast %parallel_loop3A_145 : vector<32xbf16> to vector<16xi32>
          %parallel_loop3A_147 = arith.constant 16 : i32
          %parallel_loop3A_148 = vector.broadcast %parallel_loop3A_147 : i32 to vector<16xi32>
          %parallel_loop3A_149 = arith.shli %parallel_loop3A_146, %parallel_loop3A_148 : vector<16xi32>
          %parallel_loop3A_150 = vector.bitcast %parallel_loop3A_149 : vector<16xi32> to vector<16xf32>
          %parallel_loop3A_151 = arith.index_cast %parallel_loop3A_88 : i32 to index
          %parallel_loop3A_152 = arith.constant 48 : index
          %parallel_loop3A_153 = tpu.vector_load %arg10[%parallel_loop3A_151, %parallel_loop3A_152] {strides = array<i32>} : memref<96x128xf32, #tpu.memory_space<vmem>>, vector<16xf32>,
          tpu.vector_store %arg10[%parallel_loop3A_151, %parallel_loop3A_152], %parallel_loop3A_150 {strides = array<i32>} : memref<96x128xf32, #tpu.memory_space<vmem>>, vector<16xf32>,
          %parallel_loop3A_154 = arith.constant -65536 : i32
          %parallel_loop3A_155 = vector.broadcast %parallel_loop3A_154 : i32 to vector<16xi32>
          %parallel_loop3A_156 = arith.andi %parallel_loop3A_146, %parallel_loop3A_155 : vector<16xi32>
          %parallel_loop3A_157 = vector.bitcast %parallel_loop3A_156 : vector<16xi32> to vector<16xf32>
          %parallel_loop3A_158 = arith.index_cast %parallel_loop3A_88 : i32 to index
          %parallel_loop3A_159 = arith.constant 112 : index
          %parallel_loop3A_160 = tpu.vector_load %arg10[%parallel_loop3A_158, %parallel_loop3A_159] {strides = array<i32>} : memref<96x128xf32, #tpu.memory_space<vmem>>, vector<16xf32>,
          tpu.vector_store %arg10[%parallel_loop3A_158, %parallel_loop3A_159], %parallel_loop3A_157 {strides = array<i32>} : memref<96x128xf32, #tpu.memory_space<vmem>>, vector<16xf32>,
        } {sc.loop_unroll_factor = 8 : i64, sc.parallel_access}
        %add3A_86 = arith.constant 1 : i32
        %add3A_87 = arith.addi %mul3A_53, %add3A_86 : i32
        "tpu.region"() ({
          %run_scoped3A = tpu.sem_alloc : memref<!tpu.dma_semaphore, #tpu.memory_space<semaphore_mem>>
          %dma_start3A_88 = arith.constant 0 : i32
          %dma_start3A_89 = tpu.memref_slice %arg7[%add3A_87, %dma_start3A_88] : memref<108x96xi32, #tpu.memory_space<vmem>> -> memref<1x96xi32, #tpu.memory_space<vmem>>
          %dma_start3A_90 = tpu.memref_squeeze %dma_start3A_89 : memref<1x96xi32, #tpu.memory_space<vmem>> -> memref<96xi32, #tpu.memory_space<vmem>>
          %dma_start3A_91 = arith.constant 0 : i32
          %dma_start3A_92 = arith.constant 0 : i32
          %dma_start3A_93 = tpu.memref_slice %arg11[%dma_start3A_91, %dma_start3A_92] : memref<10240x128xf32, #tpu.memory_space<vmem_shared>> -> memref<10240x128xf32, #tpu.memory_space<vmem_shared>>
          tpu.enqueue_indirect_dma source(%arg10 : memref<96x128xf32, #tpu.memory_space<vmem>>) target(%dma_start3A_93 : memref<10240x128xf32, #tpu.memory_space<vmem_shared>>) offsets(%dma_start3A_90 : memref<96xi32, #tpu.memory_space<vmem>>) semaphore(%run_scoped3A : memref<!tpu.dma_semaphore, #tpu.memory_space<semaphore_mem>>) {add = true}
          %dma_wait3A_94 = arith.constant 0 : i32
          %dma_wait3A_95 = tpu.memref_slice %arg7[%add3A_87, %dma_wait3A_94] : memref<108x96xi32, #tpu.memory_space<vmem>> -> memref<1x96xi32, #tpu.memory_space<vmem>>
          %dma_wait3A_96 = tpu.memref_squeeze %dma_wait3A_95 : memref<1x96xi32, #tpu.memory_space<vmem>> -> memref<96xi32, #tpu.memory_space<vmem>>
          %dma_wait3A_97 = arith.constant 0 : i32
          %dma_wait3A_98 = arith.constant 0 : i32
          %dma_wait3A_99 = tpu.memref_slice %arg11[%dma_wait3A_97, %dma_wait3A_98] : memref<10240x128xf32, #tpu.memory_space<vmem_shared>> -> memref<10240x128xf32, #tpu.memory_space<vmem_shared>>
          tpu.wait_indirect_dma semaphore(%run_scoped3A : memref<!tpu.dma_semaphore, #tpu.memory_space<semaphore_mem>>) src(%arg10 : memref<96x128xf32, #tpu.memory_space<vmem>>) dst(%dma_wait3A_99 : memref<10240x128xf32, #tpu.memory_space<vmem_shared>>)
          tpu.yield
        }) : () -> ()
      }
      %scan3A_50 = arith.constant 4 : i32
    } else {
    }
    %eq3A_14 = arith.constant 1 : i32
    %eq3A_15 = arith.cmpi eq, %arg0, %eq3A_14 : i32
    %convert_element_type3A_16 = arith.extui %eq3A_15 : i1 to i32
    %cond3A_17 = arith.constant 0 : i32
    %cond3A_18 = arith.cmpi ne, %convert_element_type3A_16, %cond3A_17 : i32
    scf.if %cond3A_18 {
      %mul3A_22 = arith.constant 100 : i32
      %mul3A_23 = arith.muli %arg1, %mul3A_22 : i32
      %add3A_24 = arith.constant 1856 : i32
      %add3A_25 = arith.addi %add3A_24, %mul3A_23 : i32
      "tpu.region"() ({
        %run_scoped3A = tpu.sem_alloc : memref<!tpu.dma_semaphore, #tpu.memory_space<semaphore_mem>>
        %dma_start3A_38 = arith.constant 0 : i32
        %dma_start3A_39 = arith.constant 0 : i32
        %dma_start3A_40 = tpu.memref_slice %arg6[%dma_start3A_38, %dma_start3A_39] : memref<108x96xi32, #tpu.memory_space<vmem>> -> memref<100x96xi32, #tpu.memory_space<vmem>>
        %dma_start3A_41 = arith.constant 0 : i32
        %dma_start3A_42 = tpu.memref_slice %arg2[%add3A_25, %dma_start3A_41] : memref<3456x96xi32, #tpu.memory_space<hbm>> -> memref<100x96xi32, #tpu.memory_space<hbm>>
        %dma_start3A_43 = arith.constant 0 : i32
        %dma_start3A_44 = arith.constant 0 : i32
        %dma_start3A_45 = tpu.memref_slice %arg6[%dma_start3A_43, %dma_start3A_44] : memref<108x96xi32, #tpu.memory_space<vmem>> -> memref<100x96xi32, #tpu.memory_space<vmem>>
        %dma_start3A_46 = arith.constant 0 : i32
        %dma_start3A_47 = tpu.memref_slice %arg2[%add3A_25, %dma_start3A_46] : memref<3456x96xi32, #tpu.memory_space<hbm>> -> memref<100x96xi32, #tpu.memory_space<hbm>>
        tpu.enqueue_dma source(%dma_start3A_47 : memref<100x96xi32, #tpu.memory_space<hbm>>) target(%dma_start3A_45 : memref<100x96xi32, #tpu.memory_space<vmem>>) target_semaphore(%run_scoped3A : memref<!tpu.dma_semaphore, #tpu.memory_space<semaphore_mem>>)
        %dma_wait3A = arith.constant 0 : i32
        %dma_wait3A_48 = arith.constant 0 : i32
        %dma_wait3A_49 = tpu.memref_slice %arg6[%dma_wait3A, %dma_wait3A_48] : memref<108x96xi32, #tpu.memory_space<vmem>> -> memref<100x96xi32, #tpu.memory_space<vmem>>
        %dma_wait3A_50 = arith.constant 0 : i32
        %dma_wait3A_51 = tpu.memref_slice %arg2[%add3A_25, %dma_wait3A_50] : memref<3456x96xi32, #tpu.memory_space<hbm>> -> memref<100x96xi32, #tpu.memory_space<hbm>>
        %dma_wait3A_52 = arith.constant 0 : i32
        %dma_wait3A_53 = arith.constant 0 : i32
        %dma_wait3A_54 = tpu.memref_slice %arg6[%dma_wait3A_52, %dma_wait3A_53] : memref<108x96xi32, #tpu.memory_space<vmem>> -> memref<100x96xi32, #tpu.memory_space<vmem>>
        %dma_wait3A_55 = arith.constant 0 : i32
        %dma_wait3A_56 = tpu.memref_slice %arg2[%add3A_25, %dma_wait3A_55] : memref<3456x96xi32, #tpu.memory_space<hbm>> -> memref<100x96xi32, #tpu.memory_space<hbm>>
        tpu.wait_dma2 semaphore(%run_scoped3A : memref<!tpu.dma_semaphore, #tpu.memory_space<semaphore_mem>>) src(%dma_wait3A_56 : memref<100x96xi32, #tpu.memory_space<hbm>>) dst(%dma_wait3A_54 : memref<100x96xi32, #tpu.memory_space<vmem>>)
        tpu.yield
      }) : () -> ()
      "tpu.region"() ({
        %run_scoped3A = tpu.sem_alloc : memref<!tpu.dma_semaphore, #tpu.memory_space<semaphore_mem>>
        %dma_start3A_38 = arith.constant 0 : i32
        %dma_start3A_39 = arith.constant 0 : i32
        %dma_start3A_40 = tpu.memref_slice %arg7[%dma_start3A_38, %dma_start3A_39] : memref<108x96xi32, #tpu.memory_space<vmem>> -> memref<100x96xi32, #tpu.memory_space<vmem>>
        %dma_start3A_41 = arith.constant 0 : i32
        %dma_start3A_42 = tpu.memref_slice %arg3[%add3A_25, %dma_start3A_41] : memref<3456x96xi32, #tpu.memory_space<hbm>> -> memref<100x96xi32, #tpu.memory_space<hbm>>
        %dma_start3A_43 = arith.constant 0 : i32
        %dma_start3A_44 = arith.constant 0 : i32
        %dma_start3A_45 = tpu.memref_slice %arg7[%dma_start3A_43, %dma_start3A_44] : memref<108x96xi32, #tpu.memory_space<vmem>> -> memref<100x96xi32, #tpu.memory_space<vmem>>
        %dma_start3A_46 = arith.constant 0 : i32
        %dma_start3A_47 = tpu.memref_slice %arg3[%add3A_25, %dma_start3A_46] : memref<3456x96xi32, #tpu.memory_space<hbm>> -> memref<100x96xi32, #tpu.memory_space<hbm>>
        tpu.enqueue_dma source(%dma_start3A_47 : memref<100x96xi32, #tpu.memory_space<hbm>>) target(%dma_start3A_45 : memref<100x96xi32, #tpu.memory_space<vmem>>) target_semaphore(%run_scoped3A : memref<!tpu.dma_semaphore, #tpu.memory_space<semaphore_mem>>)
        %dma_wait3A = arith.constant 0 : i32
        %dma_wait3A_48 = arith.constant 0 : i32
        %dma_wait3A_49 = tpu.memref_slice %arg7[%dma_wait3A, %dma_wait3A_48] : memref<108x96xi32, #tpu.memory_space<vmem>> -> memref<100x96xi32, #tpu.memory_space<vmem>>
        %dma_wait3A_50 = arith.constant 0 : i32
        %dma_wait3A_51 = tpu.memref_slice %arg3[%add3A_25, %dma_wait3A_50] : memref<3456x96xi32, #tpu.memory_space<hbm>> -> memref<100x96xi32, #tpu.memory_space<hbm>>
        %dma_wait3A_52 = arith.constant 0 : i32
        %dma_wait3A_53 = arith.constant 0 : i32
        %dma_wait3A_54 = tpu.memref_slice %arg7[%dma_wait3A_52, %dma_wait3A_53] : memref<108x96xi32, #tpu.memory_space<vmem>> -> memref<100x96xi32, #tpu.memory_space<vmem>>
        %dma_wait3A_55 = arith.constant 0 : i32
        %dma_wait3A_56 = tpu.memref_slice %arg3[%add3A_25, %dma_wait3A_55] : memref<3456x96xi32, #tpu.memory_space<hbm>> -> memref<100x96xi32, #tpu.memory_space<hbm>>
        tpu.wait_dma2 semaphore(%run_scoped3A : memref<!tpu.dma_semaphore, #tpu.memory_space<semaphore_mem>>) src(%dma_wait3A_56 : memref<100x96xi32, #tpu.memory_space<hbm>>) dst(%dma_wait3A_54 : memref<100x96xi32, #tpu.memory_space<vmem>>)
        tpu.yield
      }) : () -> ()
      %dma_start3A = arith.constant 0 : i32
      %dma_start3A_26 = arith.constant 0 : i32
      %dma_start3A_27 = tpu.memref_slice %arg6[%dma_start3A, %dma_start3A_26] : memref<108x96xi32, #tpu.memory_space<vmem>> -> memref<1x96xi32, #tpu.memory_space<vmem>>
      %dma_start3A_28 = tpu.memref_squeeze %dma_start3A_27 : memref<1x96xi32, #tpu.memory_space<vmem>> -> memref<96xi32, #tpu.memory_space<vmem>>
      %dma_start3A_29 = arith.constant 0 : i32
      %dma_start3A_30 = arith.constant 0 : i32
      %dma_start3A_31 = tpu.memref_slice %arg4[%dma_start3A_29, %dma_start3A_30] : memref<10240x128xbf16, #tpu.memory_space<hbm>> -> memref<10240x128xbf16, #tpu.memory_space<hbm>>
      tpu.enqueue_indirect_dma source(%dma_start3A_31 : memref<10240x128xbf16, #tpu.memory_space<hbm>>) target(%arg8 : memref<96x128xbf16, #tpu.memory_space<vmem>>) offsets(%dma_start3A_28 : memref<96xi32, #tpu.memory_space<vmem>>) semaphore(%arg12 : memref<!tpu.dma_semaphore, #tpu.memory_space<semaphore_mem>>)
      %scan3A_32 = arith.constant 0 : i32
      %scan3A_33 = arith.constant 0 : i32
      %scan3A_34 = arith.constant 50 : i32
      %scan3A_35 = arith.addi %scan3A_33, %scan3A_34 : i32
      %scan3A_36 = arith.constant 1 : i32
      scf.for %scan3A_38 = %scan3A_33 to %scan3A_35 step %scan3A_36  : i32 {
        %mul3A_39 = arith.constant 2 : i32
        %mul3A_40 = arith.muli %scan3A_38, %mul3A_39 : i32
        %add3A_41 = arith.constant 1 : i32
        %add3A_42 = arith.addi %mul3A_40, %add3A_41 : i32
        %dma_start3A_43 = arith.constant 0 : i32
        %dma_start3A_44 = tpu.memref_slice %arg6[%add3A_42, %dma_start3A_43] : memref<108x96xi32, #tpu.memory_space<vmem>> -> memref<1x96xi32, #tpu.memory_space<vmem>>
        %dma_start3A_45 = tpu.memref_squeeze %dma_start3A_44 : memref<1x96xi32, #tpu.memory_space<vmem>> -> memref<96xi32, #tpu.memory_space<vmem>>
        %dma_start3A_46 = arith.constant 0 : i32
        %dma_start3A_47 = arith.constant 0 : i32
        %dma_start3A_48 = tpu.memref_slice %arg4[%dma_start3A_46, %dma_start3A_47] : memref<10240x128xbf16, #tpu.memory_space<hbm>> -> memref<10240x128xbf16, #tpu.memory_space<hbm>>
        tpu.enqueue_indirect_dma source(%dma_start3A_48 : memref<10240x128xbf16, #tpu.memory_space<hbm>>) target(%arg9 : memref<96x128xbf16, #tpu.memory_space<vmem>>) offsets(%dma_start3A_45 : memref<96xi32, #tpu.memory_space<vmem>>) semaphore(%arg13 : memref<!tpu.dma_semaphore, #tpu.memory_space<semaphore_mem>>)
        %dma_wait3A = arith.constant 0 : i32
        %dma_wait3A_49 = tpu.memref_slice %arg6[%mul3A_40, %dma_wait3A] : memref<108x96xi32, #tpu.memory_space<vmem>> -> memref<1x96xi32, #tpu.memory_space<vmem>>
        %dma_wait3A_50 = tpu.memref_squeeze %dma_wait3A_49 : memref<1x96xi32, #tpu.memory_space<vmem>> -> memref<96xi32, #tpu.memory_space<vmem>>
        %dma_wait3A_51 = arith.constant 0 : i32
        %dma_wait3A_52 = arith.constant 0 : i32
        %dma_wait3A_53 = tpu.memref_slice %arg4[%dma_wait3A_51, %dma_wait3A_52] : memref<10240x128xbf16, #tpu.memory_space<hbm>> -> memref<10240x128xbf16, #tpu.memory_space<hbm>>
        tpu.wait_indirect_dma semaphore(%arg12 : memref<!tpu.dma_semaphore, #tpu.memory_space<semaphore_mem>>) src(%dma_wait3A_53 : memref<10240x128xbf16, #tpu.memory_space<hbm>>) dst(%arg8 : memref<96x128xbf16, #tpu.memory_space<vmem>>)
        %parallel_loop3A = arith.constant 0 : i32
        %parallel_loop3A_54 = arith.constant 96 : i32
        %parallel_loop3A_55 = arith.constant 1 : i32
        scf.for %parallel_loop3A_75 = %parallel_loop3A to %parallel_loop3A_54 step %parallel_loop3A_55  : i32 {
          %parallel_loop3A_76 = arith.index_cast %parallel_loop3A_75 : i32 to index
          %parallel_loop3A_77 = arith.constant 0 : index
          %parallel_loop3A_78 = tpu.vector_load %arg8[%parallel_loop3A_76, %parallel_loop3A_77] {strides = array<i32>} : memref<96x128xbf16, #tpu.memory_space<vmem>>, vector<32xbf16>,
          %parallel_loop3A_79 = vector.bitcast %parallel_loop3A_78 : vector<32xbf16> to vector<16xi32>
          %parallel_loop3A_80 = arith.constant 16 : i32
          %parallel_loop3A_81 = vector.broadcast %parallel_loop3A_80 : i32 to vector<16xi32>
          %parallel_loop3A_82 = arith.shli %parallel_loop3A_79, %parallel_loop3A_81 : vector<16xi32>
          %parallel_loop3A_83 = vector.bitcast %parallel_loop3A_82 : vector<16xi32> to vector<16xf32>
          %parallel_loop3A_84 = arith.index_cast %parallel_loop3A_75 : i32 to index
          %parallel_loop3A_85 = arith.constant 0 : index
          %parallel_loop3A_86 = tpu.vector_load %arg10[%parallel_loop3A_84, %parallel_loop3A_85] {strides = array<i32>} : memref<96x128xf32, #tpu.memory_space<vmem>>, vector<16xf32>,
          tpu.vector_store %arg10[%parallel_loop3A_84, %parallel_loop3A_85], %parallel_loop3A_83 {strides = array<i32>} : memref<96x128xf32, #tpu.memory_space<vmem>>, vector<16xf32>,
          %parallel_loop3A_87 = arith.constant -65536 : i32
          %parallel_loop3A_88 = vector.broadcast %parallel_loop3A_87 : i32 to vector<16xi32>
          %parallel_loop3A_89 = arith.andi %parallel_loop3A_79, %parallel_loop3A_88 : vector<16xi32>
          %parallel_loop3A_90 = vector.bitcast %parallel_loop3A_89 : vector<16xi32> to vector<16xf32>
          %parallel_loop3A_91 = arith.index_cast %parallel_loop3A_75 : i32 to index
          %parallel_loop3A_92 = arith.constant 64 : index
          %parallel_loop3A_93 = tpu.vector_load %arg10[%parallel_loop3A_91, %parallel_loop3A_92] {strides = array<i32>} : memref<96x128xf32, #tpu.memory_space<vmem>>, vector<16xf32>,
          tpu.vector_store %arg10[%parallel_loop3A_91, %parallel_loop3A_92], %parallel_loop3A_90 {strides = array<i32>} : memref<96x128xf32, #tpu.memory_space<vmem>>, vector<16xf32>,
          %parallel_loop3A_94 = arith.index_cast %parallel_loop3A_75 : i32 to index
          %parallel_loop3A_95 = arith.constant 32 : index
          %parallel_loop3A_96 = tpu.vector_load %arg8[%parallel_loop3A_94, %parallel_loop3A_95] {strides = array<i32>} : memref<96x128xbf16, #tpu.memory_space<vmem>>, vector<32xbf16>,
          %parallel_loop3A_97 = vector.bitcast %parallel_loop3A_96 : vector<32xbf16> to vector<16xi32>
          %parallel_loop3A_98 = arith.constant 16 : i32
          %parallel_loop3A_99 = vector.broadcast %parallel_loop3A_98 : i32 to vector<16xi32>
          %parallel_loop3A_100 = arith.shli %parallel_loop3A_97, %parallel_loop3A_99 : vector<16xi32>
          %parallel_loop3A_101 = vector.bitcast %parallel_loop3A_100 : vector<16xi32> to vector<16xf32>
          %parallel_loop3A_102 = arith.index_cast %parallel_loop3A_75 : i32 to index
          %parallel_loop3A_103 = arith.constant 16 : index
          %parallel_loop3A_104 = tpu.vector_load %arg10[%parallel_loop3A_102, %parallel_loop3A_103] {strides = array<i32>} : memref<96x128xf32, #tpu.memory_space<vmem>>, vector<16xf32>,
          tpu.vector_store %arg10[%parallel_loop3A_102, %parallel_loop3A_103], %parallel_loop3A_101 {strides = array<i32>} : memref<96x128xf32, #tpu.memory_space<vmem>>, vector<16xf32>,
          %parallel_loop3A_105 = arith.constant -65536 : i32
          %parallel_loop3A_106 = vector.broadcast %parallel_loop3A_105 : i32 to vector<16xi32>
          %parallel_loop3A_107 = arith.andi %parallel_loop3A_97, %parallel_loop3A_106 : vector<16xi32>
          %parallel_loop3A_108 = vector.bitcast %parallel_loop3A_107 : vector<16xi32> to vector<16xf32>
          %parallel_loop3A_109 = arith.index_cast %parallel_loop3A_75 : i32 to index
          %parallel_loop3A_110 = arith.constant 80 : index
          %parallel_loop3A_111 = tpu.vector_load %arg10[%parallel_loop3A_109, %parallel_loop3A_110] {strides = array<i32>} : memref<96x128xf32, #tpu.memory_space<vmem>>, vector<16xf32>,
          tpu.vector_store %arg10[%parallel_loop3A_109, %parallel_loop3A_110], %parallel_loop3A_108 {strides = array<i32>} : memref<96x128xf32, #tpu.memory_space<vmem>>, vector<16xf32>,
          %parallel_loop3A_112 = arith.index_cast %parallel_loop3A_75 : i32 to index
          %parallel_loop3A_113 = arith.constant 64 : index
          %parallel_loop3A_114 = tpu.vector_load %arg8[%parallel_loop3A_112, %parallel_loop3A_113] {strides = array<i32>} : memref<96x128xbf16, #tpu.memory_space<vmem>>, vector<32xbf16>,
          %parallel_loop3A_115 = vector.bitcast %parallel_loop3A_114 : vector<32xbf16> to vector<16xi32>
          %parallel_loop3A_116 = arith.constant 16 : i32
          %parallel_loop3A_117 = vector.broadcast %parallel_loop3A_116 : i32 to vector<16xi32>
          %parallel_loop3A_118 = arith.shli %parallel_loop3A_115, %parallel_loop3A_117 : vector<16xi32>
          %parallel_loop3A_119 = vector.bitcast %parallel_loop3A_118 : vector<16xi32> to vector<16xf32>
          %parallel_loop3A_120 = arith.index_cast %parallel_loop3A_75 : i32 to index
          %parallel_loop3A_121 = arith.constant 32 : index
          %parallel_loop3A_122 = tpu.vector_load %arg10[%parallel_loop3A_120, %parallel_loop3A_121] {strides = array<i32>} : memref<96x128xf32, #tpu.memory_space<vmem>>, vector<16xf32>,
          tpu.vector_store %arg10[%parallel_loop3A_120, %parallel_loop3A_121], %parallel_loop3A_119 {strides = array<i32>} : memref<96x128xf32, #tpu.memory_space<vmem>>, vector<16xf32>,
          %parallel_loop3A_123 = arith.constant -65536 : i32
          %parallel_loop3A_124 = vector.broadcast %parallel_loop3A_123 : i32 to vector<16xi32>
          %parallel_loop3A_125 = arith.andi %parallel_loop3A_115, %parallel_loop3A_124 : vector<16xi32>
          %parallel_loop3A_126 = vector.bitcast %parallel_loop3A_125 : vector<16xi32> to vector<16xf32>
          %parallel_loop3A_127 = arith.index_cast %parallel_loop3A_75 : i32 to index
          %parallel_loop3A_128 = arith.constant 96 : index
          %parallel_loop3A_129 = tpu.vector_load %arg10[%parallel_loop3A_127, %parallel_loop3A_128] {strides = array<i32>} : memref<96x128xf32, #tpu.memory_space<vmem>>, vector<16xf32>,
          tpu.vector_store %arg10[%parallel_loop3A_127, %parallel_loop3A_128], %parallel_loop3A_126 {strides = array<i32>} : memref<96x128xf32, #tpu.memory_space<vmem>>, vector<16xf32>,
          %parallel_loop3A_130 = arith.index_cast %parallel_loop3A_75 : i32 to index
          %parallel_loop3A_131 = arith.constant 96 : index
          %parallel_loop3A_132 = tpu.vector_load %arg8[%parallel_loop3A_130, %parallel_loop3A_131] {strides = array<i32>} : memref<96x128xbf16, #tpu.memory_space<vmem>>, vector<32xbf16>,
          %parallel_loop3A_133 = vector.bitcast %parallel_loop3A_132 : vector<32xbf16> to vector<16xi32>
          %parallel_loop3A_134 = arith.constant 16 : i32
          %parallel_loop3A_135 = vector.broadcast %parallel_loop3A_134 : i32 to vector<16xi32>
          %parallel_loop3A_136 = arith.shli %parallel_loop3A_133, %parallel_loop3A_135 : vector<16xi32>
          %parallel_loop3A_137 = vector.bitcast %parallel_loop3A_136 : vector<16xi32> to vector<16xf32>
          %parallel_loop3A_138 = arith.index_cast %parallel_loop3A_75 : i32 to index
          %parallel_loop3A_139 = arith.constant 48 : index
          %parallel_loop3A_140 = tpu.vector_load %arg10[%parallel_loop3A_138, %parallel_loop3A_139] {strides = array<i32>} : memref<96x128xf32, #tpu.memory_space<vmem>>, vector<16xf32>,
          tpu.vector_store %arg10[%parallel_loop3A_138, %parallel_loop3A_139], %parallel_loop3A_137 {strides = array<i32>} : memref<96x128xf32, #tpu.memory_space<vmem>>, vector<16xf32>,
          %parallel_loop3A_141 = arith.constant -65536 : i32
          %parallel_loop3A_142 = vector.broadcast %parallel_loop3A_141 : i32 to vector<16xi32>
          %parallel_loop3A_143 = arith.andi %parallel_loop3A_133, %parallel_loop3A_142 : vector<16xi32>
          %parallel_loop3A_144 = vector.bitcast %parallel_loop3A_143 : vector<16xi32> to vector<16xf32>
          %parallel_loop3A_145 = arith.index_cast %parallel_loop3A_75 : i32 to index
          %parallel_loop3A_146 = arith.constant 112 : index
          %parallel_loop3A_147 = tpu.vector_load %arg10[%parallel_loop3A_145, %parallel_loop3A_146] {strides = array<i32>} : memref<96x128xf32, #tpu.memory_space<vmem>>, vector<16xf32>,
          tpu.vector_store %arg10[%parallel_loop3A_145, %parallel_loop3A_146], %parallel_loop3A_144 {strides = array<i32>} : memref<96x128xf32, #tpu.memory_space<vmem>>, vector<16xf32>,
        } {sc.loop_unroll_factor = 8 : i64, sc.parallel_access}
        "tpu.region"() ({
          %run_scoped3A = tpu.sem_alloc : memref<!tpu.dma_semaphore, #tpu.memory_space<semaphore_mem>>
          %dma_start3A_75 = arith.constant 0 : i32
          %dma_start3A_76 = tpu.memref_slice %arg7[%mul3A_40, %dma_start3A_75] : memref<108x96xi32, #tpu.memory_space<vmem>> -> memref<1x96xi32, #tpu.memory_space<vmem>>
          %dma_start3A_77 = tpu.memref_squeeze %dma_start3A_76 : memref<1x96xi32, #tpu.memory_space<vmem>> -> memref<96xi32, #tpu.memory_space<vmem>>
          %dma_start3A_78 = arith.constant 0 : i32
          %dma_start3A_79 = arith.constant 0 : i32
          %dma_start3A_80 = tpu.memref_slice %arg11[%dma_start3A_78, %dma_start3A_79] : memref<10240x128xf32, #tpu.memory_space<vmem_shared>> -> memref<10240x128xf32, #tpu.memory_space<vmem_shared>>
          tpu.enqueue_indirect_dma source(%arg10 : memref<96x128xf32, #tpu.memory_space<vmem>>) target(%dma_start3A_80 : memref<10240x128xf32, #tpu.memory_space<vmem_shared>>) offsets(%dma_start3A_77 : memref<96xi32, #tpu.memory_space<vmem>>) semaphore(%run_scoped3A : memref<!tpu.dma_semaphore, #tpu.memory_space<semaphore_mem>>) {add = true}
          %dma_wait3A_81 = arith.constant 0 : i32
          %dma_wait3A_82 = tpu.memref_slice %arg7[%mul3A_40, %dma_wait3A_81] : memref<108x96xi32, #tpu.memory_space<vmem>> -> memref<1x96xi32, #tpu.memory_space<vmem>>
          %dma_wait3A_83 = tpu.memref_squeeze %dma_wait3A_82 : memref<1x96xi32, #tpu.memory_space<vmem>> -> memref<96xi32, #tpu.memory_space<vmem>>
          %dma_wait3A_84 = arith.constant 0 : i32
          %dma_wait3A_85 = arith.constant 0 : i32
          %dma_wait3A_86 = tpu.memref_slice %arg11[%dma_wait3A_84, %dma_wait3A_85] : memref<10240x128xf32, #tpu.memory_space<vmem_shared>> -> memref<10240x128xf32, #tpu.memory_space<vmem_shared>>
          tpu.wait_indirect_dma semaphore(%run_scoped3A : memref<!tpu.dma_semaphore, #tpu.memory_space<semaphore_mem>>) src(%arg10 : memref<96x128xf32, #tpu.memory_space<vmem>>) dst(%dma_wait3A_86 : memref<10240x128xf32, #tpu.memory_space<vmem_shared>>)
          tpu.yield
        }) : () -> ()
        %add3A_56 = arith.constant 1 : i32
        %add3A_57 = arith.addi %scan3A_38, %add3A_56 : i32
        %lt3A = arith.constant 50 : i32
        %lt3A_58 = arith.cmpi slt, %add3A_57, %lt3A : i32
        %convert_element_type3A_59 = arith.extui %lt3A_58 : i1 to i32
        %cond3A_60 = arith.constant 0 : i32
        %cond3A_61 = arith.cmpi ne, %convert_element_type3A_59, %cond3A_60 : i32
        scf.if %cond3A_61 {
          %add3A_75 = arith.constant 2 : i32
          %add3A_76 = arith.addi %mul3A_40, %add3A_75 : i32
          %dma_start3A_77 = arith.constant 0 : i32
          %dma_start3A_78 = tpu.memref_slice %arg6[%add3A_76, %dma_start3A_77] : memref<108x96xi32, #tpu.memory_space<vmem>> -> memref<1x96xi32, #tpu.memory_space<vmem>>
          %dma_start3A_79 = tpu.memref_squeeze %dma_start3A_78 : memref<1x96xi32, #tpu.memory_space<vmem>> -> memref<96xi32, #tpu.memory_space<vmem>>
          %dma_start3A_80 = arith.constant 0 : i32
          %dma_start3A_81 = arith.constant 0 : i32
          %dma_start3A_82 = tpu.memref_slice %arg4[%dma_start3A_80, %dma_start3A_81] : memref<10240x128xbf16, #tpu.memory_space<hbm>> -> memref<10240x128xbf16, #tpu.memory_space<hbm>>
          tpu.enqueue_indirect_dma source(%dma_start3A_82 : memref<10240x128xbf16, #tpu.memory_space<hbm>>) target(%arg8 : memref<96x128xbf16, #tpu.memory_space<vmem>>) offsets(%dma_start3A_79 : memref<96xi32, #tpu.memory_space<vmem>>) semaphore(%arg12 : memref<!tpu.dma_semaphore, #tpu.memory_space<semaphore_mem>>)
        } else {
        }
        %add3A_62 = arith.constant 1 : i32
        %add3A_63 = arith.addi %mul3A_40, %add3A_62 : i32
        %dma_wait3A_64 = arith.constant 0 : i32
        %dma_wait3A_65 = tpu.memref_slice %arg6[%add3A_63, %dma_wait3A_64] : memref<108x96xi32, #tpu.memory_space<vmem>> -> memref<1x96xi32, #tpu.memory_space<vmem>>
        %dma_wait3A_66 = tpu.memref_squeeze %dma_wait3A_65 : memref<1x96xi32, #tpu.memory_space<vmem>> -> memref<96xi32, #tpu.memory_space<vmem>>
        %dma_wait3A_67 = arith.constant 0 : i32
        %dma_wait3A_68 = arith.constant 0 : i32
        %dma_wait3A_69 = tpu.memref_slice %arg4[%dma_wait3A_67, %dma_wait3A_68] : memref<10240x128xbf16, #tpu.memory_space<hbm>> -> memref<10240x128xbf16, #tpu.memory_space<hbm>>
        tpu.wait_indirect_dma semaphore(%arg13 : memref<!tpu.dma_semaphore, #tpu.memory_space<semaphore_mem>>) src(%dma_wait3A_69 : memref<10240x128xbf16, #tpu.memory_space<hbm>>) dst(%arg9 : memref<96x128xbf16, #tpu.memory_space<vmem>>)
        %parallel_loop3A_70 = arith.constant 0 : i32
        %parallel_loop3A_71 = arith.constant 96 : i32
        %parallel_loop3A_72 = arith.constant 1 : i32
        scf.for %parallel_loop3A_75 = %parallel_loop3A_70 to %parallel_loop3A_71 step %parallel_loop3A_72  : i32 {
          %parallel_loop3A_76 = arith.index_cast %parallel_loop3A_75 : i32 to index
          %parallel_loop3A_77 = arith.constant 0 : index
          %parallel_loop3A_78 = tpu.vector_load %arg9[%parallel_loop3A_76, %parallel_loop3A_77] {strides = array<i32>} : memref<96x128xbf16, #tpu.memory_space<vmem>>, vector<32xbf16>,
          %parallel_loop3A_79 = vector.bitcast %parallel_loop3A_78 : vector<32xbf16> to vector<16xi32>
          %parallel_loop3A_80 = arith.constant 16 : i32
          %parallel_loop3A_81 = vector.broadcast %parallel_loop3A_80 : i32 to vector<16xi32>
          %parallel_loop3A_82 = arith.shli %parallel_loop3A_79, %parallel_loop3A_81 : vector<16xi32>
          %parallel_loop3A_83 = vector.bitcast %parallel_loop3A_82 : vector<16xi32> to vector<16xf32>
          %parallel_loop3A_84 = arith.index_cast %parallel_loop3A_75 : i32 to index
          %parallel_loop3A_85 = arith.constant 0 : index
          %parallel_loop3A_86 = tpu.vector_load %arg10[%parallel_loop3A_84, %parallel_loop3A_85] {strides = array<i32>} : memref<96x128xf32, #tpu.memory_space<vmem>>, vector<16xf32>,
          tpu.vector_store %arg10[%parallel_loop3A_84, %parallel_loop3A_85], %parallel_loop3A_83 {strides = array<i32>} : memref<96x128xf32, #tpu.memory_space<vmem>>, vector<16xf32>,
          %parallel_loop3A_87 = arith.constant -65536 : i32
          %parallel_loop3A_88 = vector.broadcast %parallel_loop3A_87 : i32 to vector<16xi32>
          %parallel_loop3A_89 = arith.andi %parallel_loop3A_79, %parallel_loop3A_88 : vector<16xi32>
          %parallel_loop3A_90 = vector.bitcast %parallel_loop3A_89 : vector<16xi32> to vector<16xf32>
          %parallel_loop3A_91 = arith.index_cast %parallel_loop3A_75 : i32 to index
          %parallel_loop3A_92 = arith.constant 64 : index
          %parallel_loop3A_93 = tpu.vector_load %arg10[%parallel_loop3A_91, %parallel_loop3A_92] {strides = array<i32>} : memref<96x128xf32, #tpu.memory_space<vmem>>, vector<16xf32>,
          tpu.vector_store %arg10[%parallel_loop3A_91, %parallel_loop3A_92], %parallel_loop3A_90 {strides = array<i32>} : memref<96x128xf32, #tpu.memory_space<vmem>>, vector<16xf32>,
          %parallel_loop3A_94 = arith.index_cast %parallel_loop3A_75 : i32 to index
          %parallel_loop3A_95 = arith.constant 32 : index
          %parallel_loop3A_96 = tpu.vector_load %arg9[%parallel_loop3A_94, %parallel_loop3A_95] {strides = array<i32>} : memref<96x128xbf16, #tpu.memory_space<vmem>>, vector<32xbf16>,
          %parallel_loop3A_97 = vector.bitcast %parallel_loop3A_96 : vector<32xbf16> to vector<16xi32>
          %parallel_loop3A_98 = arith.constant 16 : i32
          %parallel_loop3A_99 = vector.broadcast %parallel_loop3A_98 : i32 to vector<16xi32>
          %parallel_loop3A_100 = arith.shli %parallel_loop3A_97, %parallel_loop3A_99 : vector<16xi32>
          %parallel_loop3A_101 = vector.bitcast %parallel_loop3A_100 : vector<16xi32> to vector<16xf32>
          %parallel_loop3A_102 = arith.index_cast %parallel_loop3A_75 : i32 to index
          %parallel_loop3A_103 = arith.constant 16 : index
          %parallel_loop3A_104 = tpu.vector_load %arg10[%parallel_loop3A_102, %parallel_loop3A_103] {strides = array<i32>} : memref<96x128xf32, #tpu.memory_space<vmem>>, vector<16xf32>,
          tpu.vector_store %arg10[%parallel_loop3A_102, %parallel_loop3A_103], %parallel_loop3A_101 {strides = array<i32>} : memref<96x128xf32, #tpu.memory_space<vmem>>, vector<16xf32>,
          %parallel_loop3A_105 = arith.constant -65536 : i32
          %parallel_loop3A_106 = vector.broadcast %parallel_loop3A_105 : i32 to vector<16xi32>
          %parallel_loop3A_107 = arith.andi %parallel_loop3A_97, %parallel_loop3A_106 : vector<16xi32>
          %parallel_loop3A_108 = vector.bitcast %parallel_loop3A_107 : vector<16xi32> to vector<16xf32>
          %parallel_loop3A_109 = arith.index_cast %parallel_loop3A_75 : i32 to index
          %parallel_loop3A_110 = arith.constant 80 : index
          %parallel_loop3A_111 = tpu.vector_load %arg10[%parallel_loop3A_109, %parallel_loop3A_110] {strides = array<i32>} : memref<96x128xf32, #tpu.memory_space<vmem>>, vector<16xf32>,
          tpu.vector_store %arg10[%parallel_loop3A_109, %parallel_loop3A_110], %parallel_loop3A_108 {strides = array<i32>} : memref<96x128xf32, #tpu.memory_space<vmem>>, vector<16xf32>,
          %parallel_loop3A_112 = arith.index_cast %parallel_loop3A_75 : i32 to index
          %parallel_loop3A_113 = arith.constant 64 : index
          %parallel_loop3A_114 = tpu.vector_load %arg9[%parallel_loop3A_112, %parallel_loop3A_113] {strides = array<i32>} : memref<96x128xbf16, #tpu.memory_space<vmem>>, vector<32xbf16>,
          %parallel_loop3A_115 = vector.bitcast %parallel_loop3A_114 : vector<32xbf16> to vector<16xi32>
          %parallel_loop3A_116 = arith.constant 16 : i32
          %parallel_loop3A_117 = vector.broadcast %parallel_loop3A_116 : i32 to vector<16xi32>
          %parallel_loop3A_118 = arith.shli %parallel_loop3A_115, %parallel_loop3A_117 : vector<16xi32>
          %parallel_loop3A_119 = vector.bitcast %parallel_loop3A_118 : vector<16xi32> to vector<16xf32>
          %parallel_loop3A_120 = arith.index_cast %parallel_loop3A_75 : i32 to index
          %parallel_loop3A_121 = arith.constant 32 : index
          %parallel_loop3A_122 = tpu.vector_load %arg10[%parallel_loop3A_120, %parallel_loop3A_121] {strides = array<i32>} : memref<96x128xf32, #tpu.memory_space<vmem>>, vector<16xf32>,
          tpu.vector_store %arg10[%parallel_loop3A_120, %parallel_loop3A_121], %parallel_loop3A_119 {strides = array<i32>} : memref<96x128xf32, #tpu.memory_space<vmem>>, vector<16xf32>,
          %parallel_loop3A_123 = arith.constant -65536 : i32
          %parallel_loop3A_124 = vector.broadcast %parallel_loop3A_123 : i32 to vector<16xi32>
          %parallel_loop3A_125 = arith.andi %parallel_loop3A_115, %parallel_loop3A_124 : vector<16xi32>
          %parallel_loop3A_126 = vector.bitcast %parallel_loop3A_125 : vector<16xi32> to vector<16xf32>
          %parallel_loop3A_127 = arith.index_cast %parallel_loop3A_75 : i32 to index
          %parallel_loop3A_128 = arith.constant 96 : index
          %parallel_loop3A_129 = tpu.vector_load %arg10[%parallel_loop3A_127, %parallel_loop3A_128] {strides = array<i32>} : memref<96x128xf32, #tpu.memory_space<vmem>>, vector<16xf32>,
          tpu.vector_store %arg10[%parallel_loop3A_127, %parallel_loop3A_128], %parallel_loop3A_126 {strides = array<i32>} : memref<96x128xf32, #tpu.memory_space<vmem>>, vector<16xf32>,
          %parallel_loop3A_130 = arith.index_cast %parallel_loop3A_75 : i32 to index
          %parallel_loop3A_131 = arith.constant 96 : index
          %parallel_loop3A_132 = tpu.vector_load %arg9[%parallel_loop3A_130, %parallel_loop3A_131] {strides = array<i32>} : memref<96x128xbf16, #tpu.memory_space<vmem>>, vector<32xbf16>,
          %parallel_loop3A_133 = vector.bitcast %parallel_loop3A_132 : vector<32xbf16> to vector<16xi32>
          %parallel_loop3A_134 = arith.constant 16 : i32
          %parallel_loop3A_135 = vector.broadcast %parallel_loop3A_134 : i32 to vector<16xi32>
          %parallel_loop3A_136 = arith.shli %parallel_loop3A_133, %parallel_loop3A_135 : vector<16xi32>
          %parallel_loop3A_137 = vector.bitcast %parallel_loop3A_136 : vector<16xi32> to vector<16xf32>
          %parallel_loop3A_138 = arith.index_cast %parallel_loop3A_75 : i32 to index
          %parallel_loop3A_139 = arith.constant 48 : index
          %parallel_loop3A_140 = tpu.vector_load %arg10[%parallel_loop3A_138, %parallel_loop3A_139] {strides = array<i32>} : memref<96x128xf32, #tpu.memory_space<vmem>>, vector<16xf32>,
          tpu.vector_store %arg10[%parallel_loop3A_138, %parallel_loop3A_139], %parallel_loop3A_137 {strides = array<i32>} : memref<96x128xf32, #tpu.memory_space<vmem>>, vector<16xf32>,
          %parallel_loop3A_141 = arith.constant -65536 : i32
          %parallel_loop3A_142 = vector.broadcast %parallel_loop3A_141 : i32 to vector<16xi32>
          %parallel_loop3A_143 = arith.andi %parallel_loop3A_133, %parallel_loop3A_142 : vector<16xi32>
          %parallel_loop3A_144 = vector.bitcast %parallel_loop3A_143 : vector<16xi32> to vector<16xf32>
          %parallel_loop3A_145 = arith.index_cast %parallel_loop3A_75 : i32 to index
          %parallel_loop3A_146 = arith.constant 112 : index
          %parallel_loop3A_147 = tpu.vector_load %arg10[%parallel_loop3A_145, %parallel_loop3A_146] {strides = array<i32>} : memref<96x128xf32, #tpu.memory_space<vmem>>, vector<16xf32>,
          tpu.vector_store %arg10[%parallel_loop3A_145, %parallel_loop3A_146], %parallel_loop3A_144 {strides = array<i32>} : memref<96x128xf32, #tpu.memory_space<vmem>>, vector<16xf32>,
        } {sc.loop_unroll_factor = 8 : i64, sc.parallel_access}
        %add3A_73 = arith.constant 1 : i32
        %add3A_74 = arith.addi %mul3A_40, %add3A_73 : i32
        "tpu.region"() ({
          %run_scoped3A = tpu.sem_alloc : memref<!tpu.dma_semaphore, #tpu.memory_space<semaphore_mem>>
          %dma_start3A_75 = arith.constant 0 : i32
          %dma_start3A_76 = tpu.memref_slice %arg7[%add3A_74, %dma_start3A_75] : memref<108x96xi32, #tpu.memory_space<vmem>> -> memref<1x96xi32, #tpu.memory_space<vmem>>
          %dma_start3A_77 = tpu.memref_squeeze %dma_start3A_76 : memref<1x96xi32, #tpu.memory_space<vmem>> -> memref<96xi32, #tpu.memory_space<vmem>>
          %dma_start3A_78 = arith.constant 0 : i32
          %dma_start3A_79 = arith.constant 0 : i32
          %dma_start3A_80 = tpu.memref_slice %arg11[%dma_start3A_78, %dma_start3A_79] : memref<10240x128xf32, #tpu.memory_space<vmem_shared>> -> memref<10240x128xf32, #tpu.memory_space<vmem_shared>>
          tpu.enqueue_indirect_dma source(%arg10 : memref<96x128xf32, #tpu.memory_space<vmem>>) target(%dma_start3A_80 : memref<10240x128xf32, #tpu.memory_space<vmem_shared>>) offsets(%dma_start3A_77 : memref<96xi32, #tpu.memory_space<vmem>>) semaphore(%run_scoped3A : memref<!tpu.dma_semaphore, #tpu.memory_space<semaphore_mem>>) {add = true}
          %dma_wait3A_81 = arith.constant 0 : i32
          %dma_wait3A_82 = tpu.memref_slice %arg7[%add3A_74, %dma_wait3A_81] : memref<108x96xi32, #tpu.memory_space<vmem>> -> memref<1x96xi32, #tpu.memory_space<vmem>>
          %dma_wait3A_83 = tpu.memref_squeeze %dma_wait3A_82 : memref<1x96xi32, #tpu.memory_space<vmem>> -> memref<96xi32, #tpu.memory_space<vmem>>
          %dma_wait3A_84 = arith.constant 0 : i32
          %dma_wait3A_85 = arith.constant 0 : i32
          %dma_wait3A_86 = tpu.memref_slice %arg11[%dma_wait3A_84, %dma_wait3A_85] : memref<10240x128xf32, #tpu.memory_space<vmem_shared>> -> memref<10240x128xf32, #tpu.memory_space<vmem_shared>>
          tpu.wait_indirect_dma semaphore(%run_scoped3A : memref<!tpu.dma_semaphore, #tpu.memory_space<semaphore_mem>>) src(%arg10 : memref<96x128xf32, #tpu.memory_space<vmem>>) dst(%dma_wait3A_86 : memref<10240x128xf32, #tpu.memory_space<vmem_shared>>)
          tpu.yield
        }) : () -> ()
      }
      %scan3A_37 = arith.constant 50 : i32
    } else {
    }
    %barrier3A_19 = arith.constant 0 : index
    tpu.barrier barrier_id(%barrier3A_19)
    %mul3A_20 = arith.constant 10240 : i32
    %mul3A_21 = arith.muli %arg0, %mul3A_20 : i32
    %add3A = arith.addi %mul3A_21, %mul3A_5 : i32
    "tpu.region"() ({
      %run_scoped3A = tpu.sem_alloc : memref<!tpu.dma_semaphore, #tpu.memory_space<semaphore_mem>>
      %dma_start3A = arith.constant 0 : i32
      %dma_start3A_22 = tpu.memref_slice %arg5[%add3A, %dma_start3A] : memref<20480x128xf32, #tpu.memory_space<hbm>> -> memref<640x128xf32, #tpu.memory_space<hbm>>
      %dma_start3A_23 = arith.constant 0 : i32
      %dma_start3A_24 = tpu.memref_slice %arg11[%mul3A_5, %dma_start3A_23] : memref<10240x128xf32, #tpu.memory_space<vmem_shared>> -> memref<640x128xf32, #tpu.memory_space<vmem_shared>>
      tpu.enqueue_dma source(%dma_start3A_24 : memref<640x128xf32, #tpu.memory_space<vmem_shared>>) target(%dma_start3A_22 : memref<640x128xf32, #tpu.memory_space<hbm>>) target_semaphore(%run_scoped3A : memref<!tpu.dma_semaphore, #tpu.memory_space<semaphore_mem>>)
      %dma_wait3A = arith.constant 0 : i32
      %dma_wait3A_25 = tpu.memref_slice %arg5[%add3A, %dma_wait3A] : memref<20480x128xf32, #tpu.memory_space<hbm>> -> memref<640x128xf32, #tpu.memory_space<hbm>>
      %dma_wait3A_26 = arith.constant 0 : i32
      %dma_wait3A_27 = tpu.memref_slice %arg11[%mul3A_5, %dma_wait3A_26] : memref<10240x128xf32, #tpu.memory_space<vmem_shared>> -> memref<640x128xf32, #tpu.memory_space<vmem_shared>>
      tpu.wait_dma2 semaphore(%run_scoped3A : memref<!tpu.dma_semaphore, #tpu.memory_space<semaphore_mem>>) src(%dma_wait3A_27 : memref<640x128xf32, #tpu.memory_space<vmem_shared>>) dst(%dma_wait3A_25 : memref<640x128xf32, #tpu.memory_space<hbm>>)
      tpu.yield
    }) : () -> ()
    return
  }
}

#map = affine_map<(d0, d1) -> (0, 0)>
module attributes {stable_mosaic.version = 14 : i64} {
  func.func @_deg_body(%arg0: i32, %arg1: i32, %arg2: memref<3456x96xi32, #tpu.memory_space<hbm>>, %arg3: memref<32x10240xf32, #tpu.memory_space<hbm>>, %arg4: memref<108x96xi32, #tpu.memory_space<vmem>>, %arg5: memref<10240xf32, #tpu.memory_space<vmem>>) attributes {dimension_semantics = [#tpu.dimension_semantics<core_parallel>, #tpu.dimension_semantics<subcore_parallel>], iteration_bounds = array<i64: 2, 16>, scalar_prefetch = 0 : i64, scratch_operands = 2 : i64, tpu.core_type = #tpu.core_type<sc_vector_subcore>, window_params = [{transform_indices = #map}, {transform_indices = #map}]} {
    %mul3A = arith.constant 16 : i32
    %mul3A_0 = arith.muli %arg0, %mul3A : i32
    %add3A = arith.addi %mul3A_0, %arg1 : i32
    %scan3A = arith.constant 0 : i32
    %scan3A_1 = arith.constant 0 : i32
    %scan3A_2 = arith.constant 640 : i32
    %scan3A_3 = arith.addi %scan3A_1, %scan3A_2 : i32
    %scan3A_4 = arith.constant 1 : i32
    scf.for %scan3A_15 = %scan3A_1 to %scan3A_3 step %scan3A_4  : i32 {
      %broadcast_in_dim3A_16 = arith.constant 0.000000e+00 : f32
      %broadcast_in_dim3A_17 = vector.broadcast %broadcast_in_dim3A_16 : f32 to vector<16xf32>
      %mul3A_18 = arith.constant 16 : i32
      %mul3A_19 = arith.muli %scan3A_15, %mul3A_18 : i32
      %swap3A = arith.index_cast %mul3A_19 : i32 to index
      %swap3A_20 = tpu.vector_load %arg5[%swap3A] {strides = array<i32>} : memref<10240xf32, #tpu.memory_space<vmem>>, vector<16xf32>,
      tpu.vector_store %arg5[%swap3A], %broadcast_in_dim3A_17 {strides = array<i32>} : memref<10240xf32, #tpu.memory_space<vmem>>, vector<16xf32>,
    }
    %scan3A_5 = arith.constant 640 : i32
    %mul3A_6 = arith.constant 108 : i32
    %mul3A_7 = arith.muli %add3A, %mul3A_6 : i32
    "tpu.region"() ({
      %run_scoped3A = tpu.sem_alloc : memref<!tpu.dma_semaphore, #tpu.memory_space<semaphore_mem>>
      %dma_start3A = arith.constant 0 : i32
      %dma_start3A_15 = tpu.memref_slice %arg2[%mul3A_7, %dma_start3A] : memref<3456x96xi32, #tpu.memory_space<hbm>> -> memref<108x96xi32, #tpu.memory_space<hbm>>
      %dma_start3A_16 = arith.constant 0 : i32
      %dma_start3A_17 = tpu.memref_slice %arg2[%mul3A_7, %dma_start3A_16] : memref<3456x96xi32, #tpu.memory_space<hbm>> -> memref<108x96xi32, #tpu.memory_space<hbm>>
      tpu.enqueue_dma source(%dma_start3A_17 : memref<108x96xi32, #tpu.memory_space<hbm>>) target(%arg4 : memref<108x96xi32, #tpu.memory_space<vmem>>) target_semaphore(%run_scoped3A : memref<!tpu.dma_semaphore, #tpu.memory_space<semaphore_mem>>)
      %dma_wait3A = arith.constant 0 : i32
      %dma_wait3A_18 = tpu.memref_slice %arg2[%mul3A_7, %dma_wait3A] : memref<3456x96xi32, #tpu.memory_space<hbm>> -> memref<108x96xi32, #tpu.memory_space<hbm>>
      %dma_wait3A_19 = arith.constant 0 : i32
      %dma_wait3A_20 = tpu.memref_slice %arg2[%mul3A_7, %dma_wait3A_19] : memref<3456x96xi32, #tpu.memory_space<hbm>> -> memref<108x96xi32, #tpu.memory_space<hbm>>
      tpu.wait_dma2 semaphore(%run_scoped3A : memref<!tpu.dma_semaphore, #tpu.memory_space<semaphore_mem>>) src(%dma_wait3A_20 : memref<108x96xi32, #tpu.memory_space<hbm>>) dst(%arg4 : memref<108x96xi32, #tpu.memory_space<vmem>>)
      tpu.yield
    }) : () -> ()
    %broadcast_in_dim3A = arith.constant 1.000000e+00 : f32
    %broadcast_in_dim3A_8 = vector.broadcast %broadcast_in_dim3A : f32 to vector<16xf32>
    %scan3A_9 = arith.constant 0 : i32
    %scan3A_10 = arith.constant 0 : i32
    %scan3A_11 = arith.constant 108 : i32
    %scan3A_12 = arith.addi %scan3A_10, %scan3A_11 : i32
    %scan3A_13 = arith.constant 1 : i32
    scf.for %scan3A_15 = %scan3A_10 to %scan3A_12 step %scan3A_13  : i32 {
      %scan3A_16 = arith.constant 0 : i32
      %scan3A_17 = arith.constant 6 : i32
      %scan3A_18 = arith.addi %scan3A_16, %scan3A_17 : i32
      %scan3A_19 = arith.constant 1 : i32
      scf.for %scan3A_21 = %scan3A_16 to %scan3A_18 step %scan3A_19  : i32 {
        %mul3A_22 = arith.constant 16 : i32
        %mul3A_23 = arith.muli %scan3A_21, %mul3A_22 : i32
        %get3A = arith.index_cast %scan3A_15 : i32 to index
        %get3A_24 = arith.index_cast %mul3A_23 : i32 to index
        %get3A_25 = tpu.vector_load %arg4[%get3A, %get3A_24] {strides = array<i32>} : memref<108x96xi32, #tpu.memory_space<vmem>>, vector<16xi32>,
        tpu.vector_store_idx %arg5[%get3A_25], %broadcast_in_dim3A_8 {add = true} : memref<10240xf32, #tpu.memory_space<vmem>>[vector<16xi32>], vector<16xf32>,
      }
      %scan3A_20 = arith.constant 6 : i32
    }
    %scan3A_14 = arith.constant 108 : i32
    "tpu.region"() ({
      %run_scoped3A = tpu.sem_alloc : memref<!tpu.dma_semaphore, #tpu.memory_space<semaphore_mem>>
      %dma_start3A = arith.constant 0 : i32
      %dma_start3A_15 = tpu.memref_slice %arg3[%add3A, %dma_start3A] : memref<32x10240xf32, #tpu.memory_space<hbm>> -> memref<1x10240xf32, #tpu.memory_space<hbm>>
      %dma_start3A_16 = tpu.memref_squeeze %dma_start3A_15 : memref<1x10240xf32, #tpu.memory_space<hbm>> -> memref<10240xf32, #tpu.memory_space<hbm>>
      %dma_start3A_17 = arith.constant 0 : i32
      %dma_start3A_18 = tpu.memref_slice %arg3[%add3A, %dma_start3A_17] : memref<32x10240xf32, #tpu.memory_space<hbm>> -> memref<1x10240xf32, #tpu.memory_space<hbm>>
      %dma_start3A_19 = tpu.memref_squeeze %dma_start3A_18 : memref<1x10240xf32, #tpu.memory_space<hbm>> -> memref<10240xf32, #tpu.memory_space<hbm>>
      tpu.enqueue_dma source(%arg5 : memref<10240xf32, #tpu.memory_space<vmem>>) target(%dma_start3A_19 : memref<10240xf32, #tpu.memory_space<hbm>>) target_semaphore(%run_scoped3A : memref<!tpu.dma_semaphore, #tpu.memory_space<semaphore_mem>>)
      %dma_wait3A = arith.constant 0 : i32
      %dma_wait3A_20 = tpu.memref_slice %arg3[%add3A, %dma_wait3A] : memref<32x10240xf32, #tpu.memory_space<hbm>> -> memref<1x10240xf32, #tpu.memory_space<hbm>>
      %dma_wait3A_21 = tpu.memref_squeeze %dma_wait3A_20 : memref<1x10240xf32, #tpu.memory_space<hbm>> -> memref<10240xf32, #tpu.memory_space<hbm>>
      %dma_wait3A_22 = arith.constant 0 : i32
      %dma_wait3A_23 = tpu.memref_slice %arg3[%add3A, %dma_wait3A_22] : memref<32x10240xf32, #tpu.memory_space<hbm>> -> memref<1x10240xf32, #tpu.memory_space<hbm>>
      %dma_wait3A_24 = tpu.memref_squeeze %dma_wait3A_23 : memref<1x10240xf32, #tpu.memory_space<hbm>> -> memref<10240xf32, #tpu.memory_space<hbm>>
      tpu.wait_dma2 semaphore(%run_scoped3A : memref<!tpu.dma_semaphore, #tpu.memory_space<semaphore_mem>>) src(%arg5 : memref<10240xf32, #tpu.memory_space<vmem>>) dst(%dma_wait3A_24 : memref<10240xf32, #tpu.memory_space<hbm>>)
      tpu.yield
    }) : () -> ()
    return
  }
}

module attributes {stable_mosaic.version = 14 : i64} {
  func.func @_tc1_body(%arg0: i32, %arg1: memref<1024x32xf32, #tpu.memory_space<vmem>>, %arg2: memref<1024x128xf32, #tpu.memory_space<vmem>>, %arg3: memref<128x128xf32, #tpu.memory_space<vmem>>, %arg4: memref<1024x128xbf16, #tpu.memory_space<vmem>>) attributes {dimension_semantics = [#tpu.dimension_semantics<arbitrary>], iteration_bounds = array<i64: 10>, scalar_prefetch = 0 : i64, scratch_operands = 0 : i64, tpu.core_type = #tpu.core_type<tc>, window_params = [{transform_indices = @transform_0, window_bounds = array<i64: 1024, 32>}, {transform_indices = @transform_1, window_bounds = array<i64: 1024, 128>}, {pipeline_mode = #tpu.pipeline_mode<synchronous>, transform_indices = @transform_2, window_bounds = array<i64: 128, 128>}, {transform_indices = @transform_3, window_bounds = array<i64: 1024, 128>}]} {
    %get3A = arith.constant 0 : index
    %get3A_0 = arith.constant 0 : index
    %get3A_1 = vector.load %arg1[%get3A, %get3A_0] : memref<1024x32xf32, #tpu.memory_space<vmem>>, vector<1024x32xf32>
    %broadcast_in_dim3A = arith.constant 1.000000e+00 : f32
    %broadcast_in_dim3A_2 = vector.broadcast %broadcast_in_dim3A : f32 to vector<32x1xf32>
    %dot_general3A = arith.constant dense<0.000000e+00> : vector<1024x1xf32>
    %dot_general3A_3 = tpu.matmul %get3A_1, %broadcast_in_dim3A_2, %dot_general3A {dimension_numbers = #tpu.dot_dimension_numbers<[1], [0], [0], [1], [0, 0, 1, 1], [], []>, precision = #tpu.contract_precision<fp32>, transpose_lhs_hint = false} : vector<1024x32xf32>, vector<32x1xf32>, vector<1024x1xf32> -> vector<1024x1xf32>
    %rsqrt3A = math.rsqrt %dot_general3A_3 : vector<1024x1xf32>
    %get3A_4 = arith.constant 0 : index
    %get3A_5 = arith.constant 0 : index
    %get3A_6 = vector.load %arg2[%get3A_4, %get3A_5] : memref<1024x128xf32, #tpu.memory_space<vmem>>, vector<1024x128xf32>
    %get3A_7 = arith.constant 0 : index
    %get3A_8 = arith.constant 0 : index
    %get3A_9 = vector.load %arg3[%get3A_7, %get3A_8] : memref<128x128xf32, #tpu.memory_space<vmem>>, vector<128x128xf32>
    %dot_general3A_10 = arith.constant dense<0.000000e+00> : vector<1024x128xf32>
    %dot_general3A_11 = tpu.matmul %get3A_6, %get3A_9, %dot_general3A_10 {dimension_numbers = #tpu.dot_dimension_numbers<[1], [0], [0], [1], [0, 0, 1, 1], [], []>, precision = #tpu.contract_precision<fp32>, transpose_lhs_hint = false} : vector<1024x128xf32>, vector<128x128xf32>, vector<1024x128xf32> -> vector<1024x128xf32>
    %mul3A = vector.broadcast %rsqrt3A : vector<1024x1xf32> to vector<1024x128xf32>
    %mul3A_12 = arith.mulf %mul3A, %dot_general3A_11 : vector<1024x128xf32>
    %convert_element_type3A = arith.truncf %mul3A_12 : vector<1024x128xf32> to vector<1024x128xbf16>
    %swap3A = arith.constant 0 : index
    %swap3A_13 = arith.constant 0 : index
    %swap3A_14 = vector.load %arg4[%swap3A, %swap3A_13] : memref<1024x128xbf16, #tpu.memory_space<vmem>>, vector<1024x128xbf16>
    tpu.vector_store %arg4[%swap3A, %swap3A_13], %convert_element_type3A {strides = array<i32>} : memref<1024x128xbf16, #tpu.memory_space<vmem>>, vector<1024x128xbf16>,
    return
  }
  func.func @transform_0(%arg0: i32) -> (i32, i32) {
    %c0_i32 = arith.constant 0 : i32
    %c0_i32_0 = arith.constant 0 : i32
    return %arg0, %c0_i32 : i32, i32
  }
  func.func @transform_1(%arg0: i32) -> (i32, i32) {
    %c0_i32 = arith.constant 0 : i32
    %c0_i32_0 = arith.constant 0 : i32
    return %arg0, %c0_i32 : i32, i32
  }
  func.func @transform_2(%arg0: i32) -> (i32, i32) {
    %c0_i32 = arith.constant 0 : i32
    %c0_i32_0 = arith.constant 0 : i32
    %c0_i32_1 = arith.constant 0 : i32
    return %c0_i32, %c0_i32_0 : i32, i32
  }
  func.func @transform_3(%arg0: i32) -> (i32, i32) {
    %c0_i32 = arith.constant 0 : i32
    %c0_i32_0 = arith.constant 0 : i32
    return %arg0, %c0_i32 : i32, i32
  }
}

module attributes {stable_mosaic.version = 14 : i64} {
  func.func @_tc2_body(%arg0: i32, %arg1: memref<1024x32xf32, #tpu.memory_space<vmem>>, %arg2: memref<2x1024x128xf32, #tpu.memory_space<vmem>>, %arg3: memref<1x128xf32, #tpu.memory_space<vmem>>, %arg4: memref<128x128xf32, #tpu.memory_space<vmem>>, %arg5: memref<1024x128xbf16, #tpu.memory_space<vmem>>) attributes {dimension_semantics = [#tpu.dimension_semantics<arbitrary>], iteration_bounds = array<i64: 10>, scalar_prefetch = 0 : i64, scratch_operands = 0 : i64, tpu.core_type = #tpu.core_type<tc>, window_params = [{transform_indices = @transform_0, window_bounds = array<i64: 1024, 32>}, {transform_indices = @transform_1, window_bounds = array<i64: 2, 1024, 128>}, {pipeline_mode = #tpu.pipeline_mode<synchronous>, transform_indices = @transform_2, window_bounds = array<i64: 1, 128>}, {pipeline_mode = #tpu.pipeline_mode<synchronous>, transform_indices = @transform_3, window_bounds = array<i64: 128, 128>}, {transform_indices = @transform_4, window_bounds = array<i64: 1024, 128>}]} {
    %get3A = arith.constant 0 : index
    %get3A_0 = arith.constant 0 : index
    %get3A_1 = vector.load %arg1[%get3A, %get3A_0] : memref<1024x32xf32, #tpu.memory_space<vmem>>, vector<1024x32xf32>
    %broadcast_in_dim3A = arith.constant 1.000000e+00 : f32
    %broadcast_in_dim3A_2 = vector.broadcast %broadcast_in_dim3A : f32 to vector<32x1xf32>
    %dot_general3A = arith.constant dense<0.000000e+00> : vector<1024x1xf32>
    %dot_general3A_3 = tpu.matmul %get3A_1, %broadcast_in_dim3A_2, %dot_general3A {dimension_numbers = #tpu.dot_dimension_numbers<[1], [0], [0], [1], [0, 0, 1, 1], [], []>, precision = #tpu.contract_precision<fp32>, transpose_lhs_hint = false} : vector<1024x32xf32>, vector<32x1xf32>, vector<1024x1xf32> -> vector<1024x1xf32>
    %rsqrt3A = math.rsqrt %dot_general3A_3 : vector<1024x1xf32>
    %get3A_4 = arith.constant 0 : index
    %get3A_5 = arith.constant 0 : index
    %get3A_6 = arith.constant 0 : index
    %get3A_7 = vector.load %arg2[%get3A_4, %get3A_5, %get3A_6] : memref<2x1024x128xf32, #tpu.memory_space<vmem>>, vector<1x1024x128xf32>
    %get3A_8 = vector.shape_cast %get3A_7 : vector<1x1024x128xf32> to vector<1024x128xf32>
    %get3A_9 = arith.constant 1 : index
    %get3A_10 = arith.constant 0 : index
    %get3A_11 = arith.constant 0 : index
    %get3A_12 = vector.load %arg2[%get3A_9, %get3A_10, %get3A_11] : memref<2x1024x128xf32, #tpu.memory_space<vmem>>, vector<1x1024x128xf32>
    %get3A_13 = vector.shape_cast %get3A_12 : vector<1x1024x128xf32> to vector<1024x128xf32>
    %add3A = arith.addf %get3A_8, %get3A_13 : vector<1024x128xf32>
    %mul3A = vector.broadcast %rsqrt3A : vector<1024x1xf32> to vector<1024x128xf32>
    %mul3A_14 = arith.mulf %mul3A, %add3A : vector<1024x128xf32>
    %get3A_15 = arith.constant 0 : index
    %get3A_16 = arith.constant 0 : index
    %get3A_17 = vector.load %arg3[%get3A_15, %get3A_16] : memref<1x128xf32, #tpu.memory_space<vmem>>, vector<1x128xf32>
    %add3A_18 = vector.broadcast %get3A_17 : vector<1x128xf32> to vector<1024x128xf32>
    %add3A_19 = arith.addf %mul3A_14, %add3A_18 : vector<1024x128xf32>
    %max3A = arith.constant 0.000000e+00 : f32
    %max3A_20 = vector.broadcast %max3A : f32 to vector<1024x128xf32>
    %max3A_21 = arith.maximumf %add3A_19, %max3A_20 : vector<1024x128xf32>
    %get3A_22 = arith.constant 0 : index
    %get3A_23 = arith.constant 0 : index
    %get3A_24 = vector.load %arg4[%get3A_22, %get3A_23] : memref<128x128xf32, #tpu.memory_space<vmem>>, vector<128x128xf32>
    %dot_general3A_25 = arith.constant dense<0.000000e+00> : vector<1024x128xf32>
    %dot_general3A_26 = tpu.matmul %max3A_21, %get3A_24, %dot_general3A_25 {dimension_numbers = #tpu.dot_dimension_numbers<[1], [0], [0], [1], [0, 0, 1, 1], [], []>, precision = #tpu.contract_precision<fp32>, transpose_lhs_hint = false} : vector<1024x128xf32>, vector<128x128xf32>, vector<1024x128xf32> -> vector<1024x128xf32>
    %mul3A_27 = vector.broadcast %rsqrt3A : vector<1024x1xf32> to vector<1024x128xf32>
    %mul3A_28 = arith.mulf %mul3A_27, %dot_general3A_26 : vector<1024x128xf32>
    %convert_element_type3A = arith.truncf %mul3A_28 : vector<1024x128xf32> to vector<1024x128xbf16>
    %swap3A = arith.constant 0 : index
    %swap3A_29 = arith.constant 0 : index
    %swap3A_30 = vector.load %arg5[%swap3A, %swap3A_29] : memref<1024x128xbf16, #tpu.memory_space<vmem>>, vector<1024x128xbf16>
    tpu.vector_store %arg5[%swap3A, %swap3A_29], %convert_element_type3A {strides = array<i32>} : memref<1024x128xbf16, #tpu.memory_space<vmem>>, vector<1024x128xbf16>,
    return
  }
  func.func @transform_0(%arg0: i32) -> (i32, i32) {
    %c0_i32 = arith.constant 0 : i32
    %c0_i32_0 = arith.constant 0 : i32
    return %arg0, %c0_i32 : i32, i32
  }
  func.func @transform_1(%arg0: i32) -> (i32, i32, i32) {
    %c0_i32 = arith.constant 0 : i32
    %c0_i32_0 = arith.constant 0 : i32
    %c0_i32_1 = arith.constant 0 : i32
    return %c0_i32, %arg0, %c0_i32_0 : i32, i32, i32
  }
  func.func @transform_2(%arg0: i32) -> (i32, i32) {
    %c0_i32 = arith.constant 0 : i32
    %c0_i32_0 = arith.constant 0 : i32
    %c0_i32_1 = arith.constant 0 : i32
    return %c0_i32, %c0_i32_0 : i32, i32
  }
  func.func @transform_3(%arg0: i32) -> (i32, i32) {
    %c0_i32 = arith.constant 0 : i32
    %c0_i32_0 = arith.constant 0 : i32
    %c0_i32_1 = arith.constant 0 : i32
    return %c0_i32, %c0_i32_0 : i32, i32
  }
  func.func @transform_4(%arg0: i32) -> (i32, i32) {
    %c0_i32 = arith.constant 0 : i32
    %c0_i32_0 = arith.constant 0 : i32
    return %arg0, %c0_i32 : i32, i32
  }
}

module attributes {stable_mosaic.version = 14 : i64} {
  func.func @_tc3_body(%arg0: i32, %arg1: memref<1024x32xf32, #tpu.memory_space<vmem>>, %arg2: memref<2x1024x128xf32, #tpu.memory_space<vmem>>, %arg3: memref<1x128xf32, #tpu.memory_space<vmem>>, %arg4: memref<1024x128xf32, #tpu.memory_space<vmem>>) attributes {dimension_semantics = [#tpu.dimension_semantics<arbitrary>], iteration_bounds = array<i64: 10>, scalar_prefetch = 0 : i64, scratch_operands = 0 : i64, tpu.core_type = #tpu.core_type<tc>, window_params = [{transform_indices = @transform_0, window_bounds = array<i64: 1024, 32>}, {transform_indices = @transform_1, window_bounds = array<i64: 2, 1024, 128>}, {pipeline_mode = #tpu.pipeline_mode<synchronous>, transform_indices = @transform_2, window_bounds = array<i64: 1, 128>}, {transform_indices = @transform_3, window_bounds = array<i64: 1024, 128>}]} {
    %get3A = arith.constant 0 : index
    %get3A_0 = arith.constant 0 : index
    %get3A_1 = vector.load %arg1[%get3A, %get3A_0] : memref<1024x32xf32, #tpu.memory_space<vmem>>, vector<1024x32xf32>
    %broadcast_in_dim3A = arith.constant 1.000000e+00 : f32
    %broadcast_in_dim3A_2 = vector.broadcast %broadcast_in_dim3A : f32 to vector<32x1xf32>
    %dot_general3A = arith.constant dense<0.000000e+00> : vector<1024x1xf32>
    %dot_general3A_3 = tpu.matmul %get3A_1, %broadcast_in_dim3A_2, %dot_general3A {dimension_numbers = #tpu.dot_dimension_numbers<[1], [0], [0], [1], [0, 0, 1, 1], [], []>, precision = #tpu.contract_precision<fp32>, transpose_lhs_hint = false} : vector<1024x32xf32>, vector<32x1xf32>, vector<1024x1xf32> -> vector<1024x1xf32>
    %rsqrt3A = math.rsqrt %dot_general3A_3 : vector<1024x1xf32>
    %get3A_4 = arith.constant 0 : index
    %get3A_5 = arith.constant 0 : index
    %get3A_6 = arith.constant 0 : index
    %get3A_7 = vector.load %arg2[%get3A_4, %get3A_5, %get3A_6] : memref<2x1024x128xf32, #tpu.memory_space<vmem>>, vector<1x1024x128xf32>
    %get3A_8 = vector.shape_cast %get3A_7 : vector<1x1024x128xf32> to vector<1024x128xf32>
    %get3A_9 = arith.constant 1 : index
    %get3A_10 = arith.constant 0 : index
    %get3A_11 = arith.constant 0 : index
    %get3A_12 = vector.load %arg2[%get3A_9, %get3A_10, %get3A_11] : memref<2x1024x128xf32, #tpu.memory_space<vmem>>, vector<1x1024x128xf32>
    %get3A_13 = vector.shape_cast %get3A_12 : vector<1x1024x128xf32> to vector<1024x128xf32>
    %add3A = arith.addf %get3A_8, %get3A_13 : vector<1024x128xf32>
    %mul3A = vector.broadcast %rsqrt3A : vector<1024x1xf32> to vector<1024x128xf32>
    %mul3A_14 = arith.mulf %mul3A, %add3A : vector<1024x128xf32>
    %get3A_15 = arith.constant 0 : index
    %get3A_16 = arith.constant 0 : index
    %get3A_17 = vector.load %arg3[%get3A_15, %get3A_16] : memref<1x128xf32, #tpu.memory_space<vmem>>, vector<1x128xf32>
    %add3A_18 = vector.broadcast %get3A_17 : vector<1x128xf32> to vector<1024x128xf32>
    %add3A_19 = arith.addf %mul3A_14, %add3A_18 : vector<1024x128xf32>
    %swap3A = arith.constant 0 : index
    %swap3A_20 = arith.constant 0 : index
    %swap3A_21 = vector.load %arg4[%swap3A, %swap3A_20] : memref<1024x128xf32, #tpu.memory_space<vmem>>, vector<1024x128xf32>
    tpu.vector_store %arg4[%swap3A, %swap3A_20], %add3A_19 {strides = array<i32>} : memref<1024x128xf32, #tpu.memory_space<vmem>>, vector<1024x128xf32>,
    return
  }
  func.func @transform_0(%arg0: i32) -> (i32, i32) {
    %c0_i32 = arith.constant 0 : i32
    %c0_i32_0 = arith.constant 0 : i32
    return %arg0, %c0_i32 : i32, i32
  }
  func.func @transform_1(%arg0: i32) -> (i32, i32, i32) {
    %c0_i32 = arith.constant 0 : i32
    %c0_i32_0 = arith.constant 0 : i32
    %c0_i32_1 = arith.constant 0 : i32
    return %c0_i32, %arg0, %c0_i32_0 : i32, i32, i32
  }
  func.func @transform_2(%arg0: i32) -> (i32, i32) {
    %c0_i32 = arith.constant 0 : i32
    %c0_i32_0 = arith.constant 0 : i32
    %c0_i32_1 = arith.constant 0 : i32
    return %c0_i32, %c0_i32_0 : i32, i32
  }
  func.func @transform_3(%arg0: i32) -> (i32, i32) {
    %c0_i32 = arith.constant 0 : i32
    %c0_i32_0 = arith.constant 0 : i32
    return %arg0, %c0_i32 : i32, i32
  }
}

</mosaic_0001>

<sc_bundles>
// kernel: kernel.11.cloned.1.call-start
scs
__scs_entry_jumppad:
0x0: {  	(pc) =	sbr.rel $0x88, $3  }
0x1: {  	(tag) =	ssettag $0x0;
	lr =	simm.s32 $0x1  }
0x2: {  	[smem:$0x3F9B] =	sst lr;
	_ =	strace $0xD0000000  }
0x3: {  	_ = 	snop  }
0x4: {  	_ = 	snop  }
0x5: {  	_ = 	snop  }
0x6: {  	_ = 	snop  }
0x7: {  	_ = 	snop  }
__scs_overlays_trampoline_lowered:
0x8: {  	[smem:$0x3FAA] =	sst s0  }
0x9: {  	[smem:$0x3FAB] =	sst s1  }
0xa: {  	[smem:$0x3FAC] =	sst s2  }
0xb: {  	[smem:$0x3FAD] =	sst s3  }
0xc: {  	[smem:$0x3FAE] =	sst s4  }
0xd: {  	[smem:$0x3FAF] =	sst s5  }
0xe: {  	[smem:$0x3FB0] =	sst s6  }
0xf: {  	[smem:$0x3FB1] =	sst s7  }
0x10: {  	[smem:$0x3FB2] =	sst s8  }
0x11: {  	[smem:$0x3FB3] =	sst s9;
	s0 =	simm.s32 @!p0 $0x0  }
0x12: {  	s1 =	sld [smem:$0x3F99];
	s0 =	simm.s32 @p0 $0x1  }
0x13: {  	[smem:$0x3FB4] =	sst s0;
	s0 =	simm.s32 @!p1 $0x0  }
0x14: {  	s2 =	sld [smem:$0x3F98];
	s0 =	simm.s32 @p1 $0x1  }
0x15: {  	[smem:$0x3FB5] =	sst s0;
	s0 =	simm.s32 @!p2 $0x0  }
0x16: {  	s3 =	sld [smem:$0x3FDB];
	s0 =	simm.s32 @p2 $0x1  }
0x17: {  	s4 =	simm.s32 $0x1BF5;
	[smem:$0x3FB7] =	sst s0  }
0x18: {  	s0 =	sld [smem:$0x3F9A];
	_ =	swait.ge [sflag:s4], $0x0  }
0x19: {  	s7 =	sld [smem:$0x3F9B]  }
0x1a: {  	s8 =	sadd.s32 $0xFFFFE003, lr  }
0x1b: {  	s9 =	sadd.s32 $0xFFFFFEF7, lr;
	s5 =	simm.s32 $0xFFFFFFFF;
	p2 =	slt.u32 s8, $0xFFFFF086  }
0x1c: {  	p1 =	slt.u32 s9, $0xF7A;
	s5 =	simm.s32 @!p2 $0x0  }
0x1d: {  	s5 =	simm.s32 @p1 $0x1;
	p0 =	seq.s32 s7, s2  }
0x1e: {  	s7 =	smul.u32 @!p0 $0xF7A, s2;
	p2 =	seq.s32 @!p0 s5, $0x0  }
0x1f: {  	s9 =	smul.u32 $0xF7A, s1;
	s8 =	simm.s32 @!p0 $0x1BF5;
	p2 =	por !p2, p0  }
0x20: {  	[sflag:s8] =	ssyncset.s32 @!p0 $0xFFFFF086;
	s6 =	sadd.s32 @!p0 s3, s7;
	s7 =	simm.s32 @!p0 $0x108  }
0x21: {  	s3 =	sadd.s32 s3, s9;
	s6 =	sadd.s32 @!p0 $0x88, s6;
	s7 =	simm.s32 @p2 $0x1082  }
0x22: {  	[simem:s7], [sflag:s8] =	dma.local @!p0 [hbm:s6], $0xF7A  }
0x23: {  	s9 =	sor.u32 $0xD0000000, s2;
	s6 =	simm.s32 $0x108;
	_ =	swait.ge @!p0 [sflag:s8], $0x0  }
0x24: {  	s3 =	sadd.s32 $0x88, s3;
	s6 =	simm.s32 @!p1 $0x1082;
	[sflag:s4] =	ssyncset.s32 $0xFFFFF086  }
0x25: {  	[simem:s6], [sflag:s4] =	dma.local [hbm:s3], $0xF7A  }
0x26: {  	[smem:$0x3F9B] =	sst s1;
	(tag) =	ssettag s2;
	_ =	strace s9  }
0x27: {  	s1 =	sld [smem:$0x3FAB]  }
0x28: {  	s2 =	sld [smem:$0x3FAC]  }
0x29: {  	s4 =	sld [smem:$0x3FAE]  }
0x2a: {  	p0 =	seq.s32 s5, $0x0;
	s5 =	sld [smem:$0x3FAF]  }
0x2b: {  	s6 =	sld [smem:$0x3FB0]  }
0x2c: {  	s7 =	sld [smem:$0x3FB1]  }
0x2d: {  	s3 =	simm.s32 $0x108;
	s8 =	sld [smem:$0x3FB2]  }
0x2e: {  	s3 =	simm.s32 @!p0 $0x1082;
	s9 =	sld [smem:$0x3FB3]  }
0x2f: {  	lr =	sadd.s32 s0, s3;
	s0 =	sld [smem:$0x3FAA]  }
0x30: {  	s3 =	sld [smem:$0x3FAD]  }
0x31: {  	[smem:$0x3FB6] =	sst s10  }
0x32: {  	s10 =	sld [smem:$0x3FB4];
	_ =	sdelay $0x3  }
0x33: {  	p0 =	seq.s32 s10, $0x1;
	s10 =	sld [smem:$0x3FB6];
	_ =	sdelay $0x3  }
0x34: {  	[smem:$0x3FB6] =	sst s10  }
0x35: {  	s10 =	sld [smem:$0x3FB5];
	_ =	sdelay $0x3  }
0x36: {  	p1 =	seq.s32 s10, $0x1;
	s10 =	sld [smem:$0x3FB6];
	_ =	sdelay $0x3  }
0x37: {  	[smem:$0x3FB6] =	sst s10  }
0x38: {  	s10 =	sld [smem:$0x3FB7]  }
0x39: {  	_ = 	snop;
	(pc) =	sbr.ind lr, $3  }
0x3a: {  	_ = 	snop  }
0x3b: {  	_ = 	snop  }
0x3c: {  	p2 =	seq.s32 s10, $0x1;
	s10 =	sld [smem:$0x3FB6]  }
0x3d: {  	_ =	shalt  }
0x3e: {  	_ =	shalt  }
0x3f: {  	_ =	shalt  }
0x40: {  	_ =	shalt  }
0x41: {  	_ =	shalt  }
0x42: {  	_ =	shalt  }
0x43: {  	_ =	shalt  }
0x44: {  	_ =	shalt  }
0x45: {  	_ =	shalt  }
0x46: {  	_ =	shalt  }
0x47: {  	_ =	shalt  }
0x48: {  	_ =	shalt  }
0x49: {  	_ =	shalt  }
0x4a: {  	_ =	shalt  }
0x4b: {  	_ =	shalt  }
0x4c: {  	_ =	shalt  }
0x4d: {  	_ =	shalt  }
0x4e: {  	_ =	shalt  }
0x4f: {  	_ =	shalt  }
0x50: {  	_ =	shalt  }
0x51: {  	_ =	shalt  }
0x52: {  	_ =	shalt  }
0x53: {  	_ =	shalt  }
0x54: {  	_ =	shalt  }
0x55: {  	_ =	shalt  }
0x56: {  	_ =	shalt  }
0x57: {  	_ =	shalt  }
0x58: {  	_ =	shalt  }
0x59: {  	_ =	shalt  }
0x5a: {  	_ =	shalt  }
0x5b: {  	_ =	shalt  }
0x5c: {  	_ =	shalt  }
0x5d: {  	_ =	shalt  }
0x5e: {  	_ =	shalt  }
0x5f: {  	_ =	shalt  }
0x60: {  	_ =	shalt  }
0x61: {  	_ =	shalt  }
0x62: {  	_ =	shalt  }
0x63: {  	_ =	shalt  }
0x64: {  	_ =	shalt  }
0x65: {  	_ =	shalt  }
0x66: {  	_ =	shalt  }
0x67: {  	_ =	shalt  }
0x68: {  	_ =	shalt  }
0x69: {  	_ =	shalt  }
0x6a: {  	_ =	shalt  }
0x6b: {  	_ =	shalt  }
0x6c: {  	_ =	shalt  }
0x6d: {  	_ =	shalt  }
0x6e: {  	_ =	shalt  }
0x6f: {  	_ =	shalt  }
0x70: {  	_ =	shalt  }
0x71: {  	_ =	shalt  }
0x72: {  	_ =	shalt  }
0x73: {  	_ =	shalt  }
0x74: {  	_ =	shalt  }
0x75: {  	_ =	shalt  }
0x76: {  	_ =	shalt  }
0x77: {  	_ =	shalt  }
0x78: {  	_ =	shalt  }
0x79: {  	_ =	shalt  }
0x7a: {  	_ =	shalt  }
0x7b: {  	_ =	shalt  }
0x7c: {  	_ =	shalt  }
0x7d: {  	_ =	shalt  }
0x7e: {  	_ =	shalt  }
0x7f: {  	_ =	shalt  }
0x80: {  	_ =	shalt  }
0x81: {  	_ =	shalt  }
0x82: {  	_ =	shalt  }
0x83: {  	_ =	shalt  }
0x84: {  	_ =	shalt  }
0x85: {  	_ =	shalt  }
0x86: {  	_ =	shalt  }
0x87: {  	_ =	shalt  }
.Lfunc_end0:
.L_simem_size_0:
called_computation.1_lowered:
.L_overlay_start_0:
0x88: {  	s2 =	sld [smem:$0x3FD9]  }
0x89: {  	s3 =	sld [smem:$0x3FFE];
	_ =	sdelay $0x1  }
0x8a: {  	s1 =	srdreg.scid  }
0x8b: {  	s0 =	sand.u32 $0x1, s1  }
0x8c: {  	s17 =	sshll.u32 s0, $0xA;
	s2 =	sadd.s32 s3, s2  }
0x8d: {  	s2 =	sadd.s32 s2, s17  }
0x8e: {  	[smem:$0x3FC2] =	sst s2  }
0x8f: {  	_ = 	snop  }
0x90: {  	s2 =	sld [smem:$0x3FD0];
	(tm) =	ssettm $0x1  }
0x91: {  	s18 =	sld [smem:$0x3FFB];
	_ =	sdelay $0x3  }
0x92: {  	_ =	strace s18  }
0x93: {  	s3 =	sld [smem:$0x3FFC];
	_ =	sdelay $0x3  }
0x94: {  	_ =	strace s3  }
0x95: {  	s3 =	sld [smem:$0x3FFD];
	_ =	sdelay $0x3  }
0x96: {  	_ =	strace s3  }
0x97: {  	_ =	strace $0x8FFFFFFF  }
0x98: {  	s19 =	sld [smem:$0x3FDB];
	_ =	sdelay $0x1  }
0x99: {  	s4 =	simm.s32 $_scs_section_size  }
0x9a: {  	s5 =	simm.s32 $_size__tile_overlayer_lowered;
	s6 =	simm.s32 $_tile_overlayer_lowered  }
0x9b: {  	s22 =	simm.s32 $0x1BFF;
	s21 =	sshll.u32 s6, $0x1;
	s3 =	sadd.s32 s4, s19  }
0x9c: {  	s7 =	simm.s32 $0x0;
	s20 =	sshll.u32 s5, $0x1;
	s5 =	sadd.s32 s21, s3  }
0x9d: {  	[timem:s7], [sflag:s22] =	dma.local [hbm:s5], s20  }
0x9e: {  	_ =	swait.ge [sflag:s22], s20  }
0x9f: {  	s4 =	ssub.s32 $0x0, s20;
	[sflag:s22] =	ssyncset.done $0x0  }
0xa0: {  	[sflag:s22] =	ssyncadd.s32 s4;
	_ =	sdelay $0x1  }
0xa1: {  	s23 =	simm.s32 $0x1B8B  }
0xa2: {  	_ =	swait.ge [sflag:s23], $0x1  }
0xa3: {  	[sflag:s23] =	ssyncset.done $0x0  }
0xa4: {  	s25 =	simm.s32 $0x1B8E;
	s24 =	sld [smem:$0x3FFE];
	[sflag:s23] =	ssyncadd.s32 $0xFFFFFFFF  }
0xa5: {  	s26 =	simm.s32 $execute0_lowered;
	[smem:$0x3FD2] =	sst s25  }
0xa6: {  	s5 =	sshll.u32 s26, $0x1;
	_ =	strace $0x80000049;
	[dreg:$0x1] =	wrdreg $0xFFFFFFFF  }
0xa7: {  	s28 =	simm.s32 $_size_execute0_lowered;
	s3 =	sadd.s32 s3, s5;
	[dreg:$0x0] =	wrdreg $0x0  }
0xa8: {  	s5 =	sshll.u32 s28, $0x1;
	[dreg:$0x2] =	wrdreg s3  }
0xa9: {  	[dreg:$0x3] =	wrdreg s5  }
0xaa: {  	[dreg:$0x4] =	wrdreg $0xC0  }
0xab: {  	_ =	task [dreg:s7], $0x5FFFF  }
0xac: {  	[dreg:$0x1] =	wrdreg $0xFFFFFFFF  }
0xad: {  	[dreg:$0x0] =	wrdreg $0x60  }
0xae: {  	[dreg:$0x2] =	wrdreg s24  }
0xaf: {  	[dreg:$0x3] =	wrdreg s2  }
0xb0: {  	[dreg:$0x4] =	wrdreg $0xB1000  }
0xb1: {  	[dreg:$0x5] =	wrdreg $0x9  }
0xb2: {  	_ =	task.clear_ibuf [dreg:s7], $0x6FFFF;
	_ =	strace $0x90000049  }
0xb3: {  	s29 =	simm.s32 $0x9;
	_ =	strace $0x8000004B  }
0xb4: {  	_ =	swait.ge [sflag:s29], $0x1  }
0xb5: {  	[sflag:s29] =	ssyncadd.s32 $0xFFFFFFFF  }
0xb6: {  	_ =	strace $0x9000004B  }
0xb7: {  	_ =	sfence  }
0xb8: {  	s30 =	sld [smem:$0x0];
	_ =	sdelay $0x2  }
0xb9: {  	s31 =	sshll.u32 s1, $0xD;
	s1 =	sshrl.u32 s1, $0x2  }
0xba: {  	s3 =	sand.u32 $0x4000, s31;
	s1 =	sadd.s32 s1, s30  }
0xbb: {  	s0 =	sor.u32 s3, s0;
	s1 =	sshll.u32 s1, $0x11  }
0xbc: {  	s0 =	sor.u32 s1, s0  }
0xbd: {  	s0 =	sadd.s32 $0x8F2B, s0  }
0xbe: {  	[sflag:s0] =	ssyncadd.remote.s32 $0x1  }
0xbf: {  	_ =	sfence.sel $0xFFFF  }
0xc0: {  	[dreg:$0x0] =	wrdreg $0xFFFFFFFF;
	(pc) =	sbr.abs _section_cstart, $3  }
0xc1: {  	[dreg:$0x1] =	wrdreg $0xFFFFFFFF  }
0xc2: {  	_ =	task.clear_ibuf [dreg:s7], $0x2FFFF;
	_ =	strace $0x9FFFFFFF  }
0xc3: {  	(tm) =	ssettm $0x7FFFFFFF  }
tec
execute0_lowered:
.L_overlay_start_1:
0x0: {  	(tag) =	ssettag $0x1  }
0x1: {  	s0 =	rddreg [dreg:$0x0]  }
0x2: {  	s2 =	rddreg [dreg:$0x1];
	s1 =	stileid.u32  }
0x3: {  	s3 =	rddreg [dreg:$0x2];
	s19 =	smul.u32 $0x2800, s1  }
0x4: {  	s5 =	srdreg.scid;
	s4 =	simm.s32 $0x0;
	s20 =	smul.u32 $0x50000, s1  }
0x5: {  	s28 =	simm.s32 $0x5100;
	s29 =	simm.s32 $0x6900;
	s10 =	smul.u32 $0x570, s1  }
0x6: {  	s30 =	simm.s32 $0x1;
	s31 =	simm.s32 $0x2;
	s12 =	smul.u32 $0x2B80, s1  }
0x7: {  	s6 =	sand.u32 $0x1, s5;
	[smem:$0x7FF] =	sst s4;
	s22 =	smul.u32 $0x2580, s1  }
0x8: {  	s8 =	sadd.s32 $0x1C00, s0;
	s9 =	sadd.s32 $0xBE00, s0;
	s7 =	smul.u32 $0x28000, s6  }
0x9: {  	_ =	strace $0x8000004A;
	s21 =	ssub.s32 $0x2, s6;
	p0 =	seq.s32 s6, $0x1  }
0xa: {  	s11 =	sshrl.u32 s21, $0x1;
	s23 =	sadd.s32 s8, s10;
	s24 =	sshrl.u32 s12, $0x3  }
0xb: {  	s10 =	sadd.s32 s9, s10;
	s5 =	sadd.s32 s19, s7;
	[dreg:$0x4] =	wrdreg s23  }
0xc: {  	s7 =	sshrl.u32 s20, $0x2;
	s13 =	ssub.s32 s21, s11;
	[dreg:$0x5] =	wrdreg s10  }
0xd: {  	s6 =	sadd.s32 $0x510, s24;
	s23 =	simm.s32 $0x8100;
	s24 =	simm.s32 $0x3  }
0xe: {  	s0 =	sadd.s32 s5, s0;
	s5 =	sadd.s32 s7, s3;
	s25 =	sadd.s32 s8, s6  }
0xf: {  	s7 =	sshrl.u32 s22, $0x3;
	s6 =	sadd.s32 s9, s6;
	[dreg:$0x6] =	wrdreg s25  }
0x10: {  	s13 =	smax.u32 s13, $0x1;
	[dreg:$0x7] =	wrdreg s6;
	s26 =	sadd.s32 $0x5700, s7  }
.Ltmp0:
0x11: {  	s12 =	sadd.s32 $0x16000, s0;
	s14 =	sadd.s32 $0x2000, s5;
	(pc) =	sbr.rel .LBB2_1-.Ltmp0, $4  }
0x12: {  	s15 =	sadd.s32 $0x4000, s5;
	s16 =	sadd.s32 $0x6000, s5;
	s17 =	sadd.s32 $0x8000, s5  }
0x13: {  	s18 =	sadd.s32 $0xA000, s5;
	s19 =	sadd.s32 $0xC000, s5;
	s20 =	sadd.s32 $0xE000, s5  }
0x14: {  	s21 =	sadd.s32 $0x10000, s5;
	s22 =	sadd.s32 $0x12000, s5;
	s25 =	simm.s32 $0x2880  }
0x15: {  	v0 =	vimm.f32 $0.0e+00;
	s10 =	sadd.s32 s8, s26;
	s11 =	sadd.s32 s9, s26;
	s26 =	simm.s32 $0x60  }
.LBB2_22:
0x16: {  	s4 =	sadd.s32 $0x1, s4  }
0x17: {  	s0 =	sshll.u32 s1, $0x6;
	[bflag:$0x0] =	sbarrier.arrive $0xFFFF;
	p1 =	sne.s32 s4, s13  }
.Ltmp1:
0x18: {  	s6 =	sshrl.u32 s5, $0x3;
	s0 =	sor.u32 $0x1C03, s0;
	(pc) =	sbr.rel @!p1 .LBB2_23-.Ltmp1, $4  }
0x19: {  	[hbm:s12], [sflag:s0] =	dma.local [spmem:s6], $0x2800  }
0x1a: {  	_ =	swait.ge [sflag:s24], $0x2800  }
0x1b: {  	[sflag:s24] =	ssyncset.done $0x0  }
0x1c: {  	[sflag:s24] =	ssyncadd.s32 $0xFFFFD800  }
.LBB2_1:
0x1d: {  	s0 =	simm.s32 $0x0;
	s6 =	simm.s32 $0x200  }
.LBB2_2:
0x1e: {  	p1 =	sne.s32 s6, $0x7E00;
	[tilespmem:s0+$0x8170] =	vst v0  }
0x1f: {  	[tilespmem:s0+$0x8100] =	vst v0  }
0x20: {  	[tilespmem:s0+$0x8110] =	vst v0  }
.Ltmp2:
0x21: {  	[tilespmem:s0+$0x8120] =	vst v0;
	(pc) =	sbr.rel @p1 .LBB2_2-.Ltmp2, $4  }
0x22: {  	[tilespmem:s0+$0x8130] =	vst v0  }
0x23: {  	[tilespmem:s0+$0x8140] =	vst v0  }
0x24: {  	[tilespmem:s0+$0x8150] =	vst v0  }
0x25: {  	[tilespmem:s0+$0x8160] =	vst v0;
	s0 =	sshra.s32 s6, $0x2;
	s6 =	sadd.s32 $0x200, s6  }
0x26: {  	[tilespmem:s0+$0x8170] =	vst v0  }
0x27: {  	[tilespmem:s0+$0x8100] =	vst v0  }
0x28: {  	[tilespmem:s0+$0x8110] =	vst v0  }
0x29: {  	[tilespmem:s0+$0x8120] =	vst v0  }
0x2a: {  	[tilespmem:s0+$0x8130] =	vst v0  }
0x2b: {  	[tilespmem:s0+$0x8140] =	vst v0  }
0x2c: {  	[tilespmem:s0+$0x8150] =	vst v0  }
0x2d: {  	[tilespmem:s0+$0x8160] =	vst v0  }
0x2e: {  	[spmem:s5] =	stream.linear.scatter [tilespmem:s23], [sflag:$0x3], $0x2000, $0x38;
	[tilespmem:$0x1F100] =	vst v63  }
0x2f: {  	_ =	swait.ge [sflag:s24], $0x2000  }
0x30: {  	[sflag:s24] =	ssyncset.done $0x0  }
0x31: {  	[sflag:s24] =	ssyncadd.s32 $0xFFFFE000  }
0x32: {  	[spmem:s14] =	stream.linear.scatter [tilespmem:s23], [sflag:$0x3], $0x2000, $0x38;
	[tilespmem:$0x1F100] =	vst v63  }
0x33: {  	_ =	swait.ge [sflag:s24], $0x2000  }
0x34: {  	[sflag:s24] =	ssyncset.done $0x0  }
0x35: {  	[sflag:s24] =	ssyncadd.s32 $0xFFFFE000  }
0x36: {  	[spmem:s15] =	stream.linear.scatter [tilespmem:s23], [sflag:$0x3], $0x2000, $0x38;
	[tilespmem:$0x1F100] =	vst v63  }
0x37: {  	_ =	swait.ge [sflag:s24], $0x2000  }
0x38: {  	[sflag:s24] =	ssyncset.done $0x0  }
0x39: {  	[sflag:s24] =	ssyncadd.s32 $0xFFFFE000  }
0x3a: {  	[spmem:s16] =	stream.linear.scatter [tilespmem:s23], [sflag:$0x3], $0x2000, $0x38;
	[tilespmem:$0x1F100] =	vst v63  }
0x3b: {  	_ =	swait.ge [sflag:s24], $0x2000  }
0x3c: {  	[sflag:s24] =	ssyncset.done $0x0  }
0x3d: {  	[sflag:s24] =	ssyncadd.s32 $0xFFFFE000  }
0x3e: {  	[spmem:s17] =	stream.linear.scatter [tilespmem:s23], [sflag:$0x3], $0x2000, $0x38;
	[tilespmem:$0x1F100] =	vst v63  }
0x3f: {  	_ =	swait.ge [sflag:s24], $0x2000  }
0x40: {  	[sflag:s24] =	ssyncset.done $0x0  }
0x41: {  	[sflag:s24] =	ssyncadd.s32 $0xFFFFE000  }
0x42: {  	[spmem:s18] =	stream.linear.scatter [tilespmem:s23], [sflag:$0x3], $0x2000, $0x38;
	[tilespmem:$0x1F100] =	vst v63  }
0x43: {  	_ =	swait.ge [sflag:s24], $0x2000  }
0x44: {  	[sflag:s24] =	ssyncset.done $0x0  }
0x45: {  	[sflag:s24] =	ssyncadd.s32 $0xFFFFE000  }
0x46: {  	[spmem:s19] =	stream.linear.scatter [tilespmem:s23], [sflag:$0x3], $0x2000, $0x38;
	[tilespmem:$0x1F100] =	vst v63  }
0x47: {  	_ =	swait.ge [sflag:s24], $0x2000  }
0x48: {  	[sflag:s24] =	ssyncset.done $0x0  }
0x49: {  	[sflag:s24] =	ssyncadd.s32 $0xFFFFE000  }
0x4a: {  	[spmem:s20] =	stream.linear.scatter [tilespmem:s23], [sflag:$0x3], $0x2000, $0x38;
	[tilespmem:$0x1F100] =	vst v63  }
0x4b: {  	_ =	swait.ge [sflag:s24], $0x2000  }
0x4c: {  	[sflag:s24] =	ssyncset.done $0x0  }
0x4d: {  	[sflag:s24] =	ssyncadd.s32 $0xFFFFE000  }
0x4e: {  	[spmem:s21] =	stream.linear.scatter [tilespmem:s23], [sflag:$0x3], $0x2000, $0x38;
	[tilespmem:$0x1F100] =	vst v63  }
0x4f: {  	_ =	swait.ge [sflag:s24], $0x2000  }
0x50: {  	[sflag:s24] =	ssyncset.done $0x0  }
0x51: {  	[sflag:s24] =	ssyncadd.s32 $0xFFFFE000  }
0x52: {  	[spmem:s22] =	stream.linear.scatter [tilespmem:s23], [sflag:$0x3], $0x2000, $0x38;
	[tilespmem:$0x1F100] =	vst v63  }
.Ltmp3:
0x53: {  	_ =	swait.ge [sflag:s24], $0x2000;
	(pc) =	sbr.rel @!p0 .LBB2_4-.Ltmp3, $4  }
0x54: {  	[sflag:s24] =	ssyncset.done $0x0  }
0x55: {  	[sflag:s24] =	ssyncadd.s32 $0xFFFFE000  }
0x56: {  	[bflag:$0x0] =	sbarrier.arrive $0xFFFF  }
0x57: {  	s6 =	simm.s32 $0x0  }
0x58: {  	[tilespmem:s6], [sflag:$0x3] =	stream.linear.gather [hbm4b:s10+s6], $0x2580, $0x38;
	[tilespmem:$0x1F100] =	vst v63  }
0x59: {  	_ =	swait.ge [sflag:s24], $0x2580  }
0x5a: {  	[sflag:s24] =	ssyncset.done $0x0  }
0x5b: {  	[sflag:s24] =	ssyncadd.s32 $0xFFFFDA80  }
0x5c: {  	[tilespmem:s25], [sflag:$0x3] =	stream.linear.gather [hbm4b:s11+s6], $0x2580, $0x38;
	[tilespmem:$0x1F100] =	vst v63  }
0x5d: {  	_ =	swait.ge [sflag:s24], $0x2580  }
0x5e: {  	[sflag:s24] =	ssyncset.done $0x0  }
0x5f: {  	[sflag:s24] =	ssyncadd.s32 $0xFFFFDA80  }
0x60: {  	[tilespmem:s28], [sflag:$0x1] =	stream.indirect.gather [hbm4b:s2+s26], $0x40, s6, s26, $0xb8;
	[tilespmem:$0x1F100] =	vst v63  }
.LBB2_17:
0x61: {  	s0 =	smul.u32 $0xC0, s6;
	_ =	sdelay $0x1  }
0x62: {  	s0 =	sadd.s32 $0x60, s0  }
0x63: {  	[tilespmem:s29], [sflag:$0x2] =	stream.indirect.gather [hbm4b:s2+s26], $0x40, s0, s26, $0xb8;
	[tilespmem:$0x1F100] =	vst v63  }
0x64: {  	_ =	swait.ge [sflag:s30], $0x1800  }
0x65: {  	[sflag:s30] =	ssyncset.done $0x0  }
0x66: {  	s8 =	simm.s32 $0x5200;
	[sflag:s30] =	ssyncadd.s32 $0xFFFFE800  }
0x67: {  	v1 =	vld [tilespmem:s8+$0xC0];
	_ =	sdelay $0x1  }
0x68: {  	v2 =	vld [tilespmem:s8+$0xFFFFFF40];
	_ =	sdelay $0x1  }
0x69: {  	v3 =	vld [tilespmem:s8+$0xFFFFFF80]  }
0x6a: {  	s7 =	simm.s32 $0x8300;
	v4 =	vshll.u32 v1, $0x10  }
0x6b: {  	v5 =	vld [tilespmem:s8+$0xFFFFFFC0];
	v1 =	vand.u32 $0xFFFF0000, v1;
	[tilespmem:s7+$0x180] =	vst v4  }
0x6c: {  	v6 =	vld [tilespmem:s8+$0xFFFFFF00];
	v4 =	vshll.u32 v2, $0x10;
	[tilespmem:s7+$0x1C0] =	vst v1  }
0x6d: {  	v1 =	vand.u32 $0xFFFF0000, v2;
	[tilespmem:s7+$0xFFFFFE80] =	vst v4;
	v2 =	vld [tilespmem:s8+$0xD0]  }
0x6e: {  	v4 =	vshll.u32 v3, $0x10;
	[tilespmem:s7+$0xFFFFFEC0] =	vst v1  }
0x6f: {  	v1 =	vand.u32 $0xFFFF0000, v3;
	[tilespmem:s7+$0xFFFFFF00] =	vst v4  }
0x70: {  	v3 =	vshll.u32 v5, $0x10;
	[tilespmem:s7+$0xFFFFFF40] =	vst v1  }
0x71: {  	v1 =	vld [tilespmem:s8+$0x0];
	v4 =	vshll.u32 v6, $0x10;
	[tilespmem:s7+$0xFFFFFF80] =	vst v3  }
0x72: {  	[tilespmem:s7+$0xFFFFFE00] =	vst v4;
	v3 =	vshll.u32 v2, $0x10  }
0x73: {  	v4 =	vld [tilespmem:s8+$0x40];
	v2 =	vand.u32 $0xFFFF0000, v2;
	[tilespmem:s7+$0x190] =	vst v3  }
0x74: {  	v3 =	vand.u32 $0xFFFF0000, v6;
	[tilespmem:s7+$0x1D0] =	vst v2  }
0x75: {  	v2 =	vand.u32 $0xFFFF0000, v5;
	[tilespmem:s7+$0xFFFFFE40] =	vst v3;
	v3 =	vld [tilespmem:s8+$0xE0]  }
0x76: {  	v5 =	vshll.u32 v1, $0x10;
	[tilespmem:s7+$0xFFFFFFC0] =	vst v2  }
0x77: {  	v1 =	vand.u32 $0xFFFF0000, v1;
	v2 =	vld [tilespmem:s8+$0x80];
	[tilespmem:s7+$0x0] =	vst v5  }
0x78: {  	v5 =	vshll.u32 v4, $0x10;
	[tilespmem:s7+$0x40] =	vst v1;
	v1 =	vand.u32 $0xFFFF0000, v4;
	v4 =	vld [tilespmem:s8+$0xFFFFFF10]  }
0x79: {  	[tilespmem:s7+$0x80] =	vst v5  }
0x7a: {  	[tilespmem:s7+$0xC0] =	vst v1;
	v1 =	vshll.u32 v3, $0x10  }
0x7b: {  	v5 =	vld [tilespmem:s8+$0xFFFFFF50];
	[tilespmem:s7+$0x1A0] =	vst v1;
	v1 =	vand.u32 $0xFFFF0000, v3  }
0x7c: {  	v3 =	vshll.u32 v2, $0x10;
	[tilespmem:s7+$0x1E0] =	vst v1  }
0x7d: {  	v6 =	vshll.u32 v4, $0x10;
	[tilespmem:s7+$0x100] =	vst v3;
	v3 =	vld [tilespmem:s8+$0xFFFFFF90]  }
0x7e: {  	v1 =	vand.u32 $0xFFFF0000, v2;
	[tilespmem:s7+$0xFFFFFE10] =	vst v6;
	v2 =	vld [tilespmem:s8+$0xF0]  }
0x7f: {  	v6 =	vld [tilespmem:s8+$0xFFFFFFD0];
	[tilespmem:s7+$0x140] =	vst v1;
	v1 =	vand.u32 $0xFFFF0000, v4  }
0x80: {  	v4 =	vshll.u32 v5, $0x10;
	[tilespmem:s7+$0xFFFFFE50] =	vst v1  }
0x81: {  	v1 =	vand.u32 $0xFFFF0000, v5;
	[tilespmem:s7+$0xFFFFFE90] =	vst v4;
	v4 =	vld [tilespmem:s8+$0x10]  }
0x82: {  	[tilespmem:s7+$0xFFFFFED0] =	vst v1;
	v5 =	vshll.u32 v3, $0x10  }
0x83: {  	v1 =	vand.u32 $0xFFFF0000, v2;
	[tilespmem:s7+$0xFFFFFF10] =	vst v5  }
0x84: {  	v5 =	vshll.u32 v6, $0x10;
	[tilespmem:s7+$0x1F0] =	vst v1;
	v1 =	vand.u32 $0xFFFF0000, v3;
	v3 =	vld [tilespmem:s8+$0x50]  }
0x85: {  	[tilespmem:s7+$0xFFFFFF90] =	vst v5  }
0x86: {  	v5 =	vshll.u32 v4, $0x10;
	[tilespmem:s7+$0xFFFFFF50] =	vst v1;
	v1 =	vand.u32 $0xFFFF0000, v6;
	v6 =	vld [tilespmem:s8+$0x90]  }
0x87: {  	[tilespmem:s7+$0x10] =	vst v5  }
0x88: {  	[tilespmem:s7+$0xFFFFFFD0] =	vst v1;
	v1 =	vand.u32 $0xFFFF0000, v4;
	v4 =	vld [tilespmem:s8+$0xFFFFFF20]  }
0x89: {  	[tilespmem:s7+$0x50] =	vst v1;
	v5 =	vshll.u32 v3, $0x10  }
0x8a: {  	v1 =	vand.u32 $0xFFFF0000, v3;
	v3 =	vld [tilespmem:s8+$0xFFFFFF60];
	[tilespmem:s7+$0x90] =	vst v5  }
0x8b: {  	v5 =	vshll.u32 v6, $0x10;
	[tilespmem:s7+$0xD0] =	vst v1  }
0x8c: {  	v1 =	vand.u32 $0xFFFF0000, v6;
	v6 =	vld [tilespmem:s8+$0xFFFFFFA0];
	[tilespmem:s7+$0x110] =	vst v5  }
0x8d: {  	v5 =	vshll.u32 v4, $0x10;
	[tilespmem:s7+$0x150] =	vst v1  }
0x8e: {  	v1 =	vand.u32 $0xFFFF0000, v4;
	v4 =	vld [tilespmem:s8+$0xFFFFFFE0];
	[tilespmem:s7+$0xFFFFFE20] =	vst v5  }
0x8f: {  	[tilespmem:s7+$0xFFFFFE60] =	vst v1;
	v5 =	vshll.u32 v3, $0x10  }
0x90: {  	v1 =	vand.u32 $0xFFFF0000, v3;
	v3 =	vld [tilespmem:s8+$0x20];
	[tilespmem:s7+$0xFFFFFEA0] =	vst v5  }
0x91: {  	v5 =	vshll.u32 v6, $0x10;
	[tilespmem:s7+$0xFFFFFEE0] =	vst v1  }
0x92: {  	v1 =	vand.u32 $0xFFFF0000, v6;
	v6 =	vld [tilespmem:s8+$0x60];
	[tilespmem:s7+$0xFFFFFF20] =	vst v5  }
0x93: {  	v5 =	vshll.u32 v4, $0x10;
	[tilespmem:s7+$0xFFFFFF60] =	vst v1  }
0x94: {  	v1 =	vand.u32 $0xFFFF0000, v4;
	v4 =	vld [tilespmem:s8+$0xA0];
	[tilespmem:s7+$0xFFFFFFA0] =	vst v5  }
0x95: {  	[tilespmem:s7+$0xFFFFFFE0] =	vst v1;
	v5 =	vshll.u32 v3, $0x10  }
0x96: {  	v1 =	vand.u32 $0xFFFF0000, v3;
	v3 =	vld [tilespmem:s8+$0xFFFFFF30];
	[tilespmem:s7+$0x20] =	vst v5  }
0x97: {  	v5 =	vshll.u32 v6, $0x10;
	[tilespmem:s7+$0x60] =	vst v1  }
0x98: {  	v1 =	vand.u32 $0xFFFF0000, v6;
	v6 =	vld [tilespmem:s8+$0xFFFFFF70];
	[tilespmem:s7+$0xA0] =	vst v5  }
0x99: {  	v5 =	vshll.u32 v4, $0x10;
	[tilespmem:s7+$0xE0] =	vst v1  }
0x9a: {  	v1 =	vand.u32 $0xFFFF0000, v4;
	v4 =	vld [tilespmem:s8+$0xFFFFFFB0];
	[tilespmem:s7+$0x120] =	vst v5  }
0x9b: {  	[tilespmem:s7+$0x160] =	vst v1;
	v5 =	vshll.u32 v3, $0x10  }
0x9c: {  	v7 =	vld [tilespmem:s8+$0x30];
	v1 =	vand.u32 $0xFFFF0000, v3;
	[tilespmem:s7+$0xFFFFFE30] =	vst v5  }
0x9d: {  	v3 =	vld [tilespmem:s8+$0xFFFFFFF0];
	v5 =	vshll.u32 v6, $0x10;
	[tilespmem:s7+$0xFFFFFE70] =	vst v1  }
0x9e: {  	v1 =	vand.u32 $0xFFFF0000, v6;
	v6 =	vld [tilespmem:s8+$0x70];
	[tilespmem:s7+$0xFFFFFEB0] =	vst v5  }
0x9f: {  	v8 =	vld [tilespmem:s8+$0xB0];
	v5 =	vshll.u32 v4, $0x10;
	[tilespmem:s7+$0xFFFFFEF0] =	vst v1  }
0xa0: {  	v1 =	vand.u32 $0xFFFF0000, v4;
	[tilespmem:s7+$0xFFFFFF30] =	vst v5  }
0xa1: {  	v9 =	vshll.u32 v7, $0x10;
	[tilespmem:s7+$0xFFFFFF70] =	vst v1  }
0xa2: {  	v1 =	vshll.u32 v2, $0x10;
	[tilespmem:s7+$0x30] =	vst v9;
	v4 =	vshll.u32 v3, $0x10  }
0xa3: {  	v2 =	vand.u32 $0xFFFF0000, v3;
	v3 =	vand.u32 $0xFFFF0000, v7;
	[tilespmem:s7+$0xFFFFFFB0] =	vst v4;
	v4 =	vshll.u32 v6, $0x10  }
0xa4: {  	s9 =	simm.s32 $0x5400;
	s8 =	simm.s32 $0x0;
	[tilespmem:s7+$0xFFFFFFF0] =	vst v2;
	v5 =	vand.u32 $0xFFFF0000, v6;
	v6 =	vshll.u32 v8, $0x10;
	v2 =	vand.u32 $0xFFFF0000, v8  }
.LBB2_18:
0xa5: {  	v7 =	vld [tilespmem:s9+$0xC0];
	[tilespmem:s7+$0x70] =	vst v3  }
0xa6: {  	v3 =	vld [tilespmem:s9+$0xFFFFFF40];
	[tilespmem:s7+$0xB0] =	vst v4  }
0xa7: {  	v4 =	vld [tilespmem:s9+$0xFFFFFF80];
	[tilespmem:s7+$0xF0] =	vst v5  }
0xa8: {  	s8 =	sadd.s32 $0x8, s8;
	v5 =	vld [tilespmem:s9+$0xFFFFFFC0];
	[tilespmem:s7+$0x130] =	vst v6  }
0xa9: {  	p1 =	slt.u32 s8, $0x58;
	v6 =	vld [tilespmem:s9+$0x0];
	[tilespmem:s7+$0x170] =	vst v2  }
0xaa: {  	v2 =	vld [tilespmem:s9+$0x40];
	v8 =	vshll.u32 v7, $0x10;
	[tilespmem:s7+$0x1B0] =	vst v1;
	s7 =	sadd.s32 $0x400, s7  }
0xab: {  	v7 =	vand.u32 $0xFFFF0000, v7;
	v1 =	vshll.u32 v3, $0x10;
	v3 =	vand.u32 $0xFFFF0000, v3;
	v9 =	vld [tilespmem:s9+$0x80];
	[tilespmem:s7+$0x180] =	vst v8  }
0xac: {  	v8 =	vld [tilespmem:s9+$0xFFFFFF00];
	v10 =	vshll.u32 v4, $0x10;
	v4 =	vand.u32 $0xFFFF0000, v4;
	[tilespmem:s7+$0x1C0] =	vst v7  }
0xad: {  	[tilespmem:s7+$0xFFFFFE80] =	vst v1;
	v1 =	vshll.u32 v5, $0x10;
	v5 =	vand.u32 $0xFFFF0000, v5;
	v7 =	vld [tilespmem:s9+$0xD0]  }
0xae: {  	[tilespmem:s7+$0xFFFFFEC0] =	vst v3;
	v3 =	vshll.u32 v6, $0x10;
	v6 =	vand.u32 $0xFFFF0000, v6  }
0xaf: {  	v11 =	vld [tilespmem:s9+$0xFFFFFF50];
	[tilespmem:s7+$0xFFFFFF00] =	vst v10;
	v10 =	vshll.u32 v2, $0x10;
	v2 =	vand.u32 $0xFFFF0000, v2  }
0xb0: {  	[tilespmem:s7+$0xFFFFFF40] =	vst v4;
	v4 =	vshll.u32 v9, $0x10;
	v9 =	vand.u32 $0xFFFF0000, v9  }
0xb1: {  	v12 =	vshll.u32 v8, $0x10;
	v8 =	vand.u32 $0xFFFF0000, v8;
	v13 =	vld [tilespmem:s9+$0xFFFFFF90];
	[tilespmem:s7+$0xFFFFFF80] =	vst v1  }
0xb2: {  	[tilespmem:s7+$0xFFFFFE00] =	vst v12;
	v1 =	vshll.u32 v7, $0x10  }
0xb3: {  	[tilespmem:s7+$0x190] =	vst v1;
	v1 =	vand.u32 $0xFFFF0000, v7  }
0xb4: {  	v7 =	vshll.u32 v11, $0x10;
	v11 =	vand.u32 $0xFFFF0000, v11;
	[tilespmem:s7+$0x1D0] =	vst v1  }
0xb5: {  	[tilespmem:s7+$0xFFFFFE40] =	vst v8;
	v1 =	vld [tilespmem:s9+$0xE0]  }
0xb6: {  	v8 =	vld [tilespmem:s9+$0xFFFFFF10];
	v12 =	vshll.u32 v13, $0x10;
	v13 =	vand.u32 $0xFFFF0000, v13;
	[tilespmem:s7+$0xFFFFFFC0] =	vst v5  }
0xb7: {  	v5 =	vld [tilespmem:s9+$0xFFFFFFD0];
	[tilespmem:s7+$0x0] =	vst v3  }
0xb8: {  	[tilespmem:s7+$0x40] =	vst v6  }
0xb9: {  	v3 =	vld [tilespmem:s9+$0x10];
	[tilespmem:s7+$0x80] =	vst v10  }
0xba: {  	[tilespmem:s7+$0xC0] =	vst v2;
	v2 =	vshll.u32 v1, $0x10  }
0xbb: {  	v1 =	vand.u32 $0xFFFF0000, v1;
	v6 =	vshll.u32 v8, $0x10;
	v8 =	vand.u32 $0xFFFF0000, v8;
	v10 =	vld [tilespmem:s9+$0x50];
	[tilespmem:s7+$0x1A0] =	vst v2  }
0xbc: {  	v2 =	vshll.u32 v5, $0x10;
	v5 =	vand.u32 $0xFFFF0000, v5;
	[tilespmem:s7+$0x1E0] =	vst v1  }
0xbd: {  	[tilespmem:s7+$0x100] =	vst v4;
	v4 =	vld [tilespmem:s9+$0xF0]  }
0xbe: {  	v14 =	vshll.u32 v3, $0x10;
	v3 =	vand.u32 $0xFFFF0000, v3;
	[tilespmem:s7+$0x140] =	vst v9  }
0xbf: {  	[tilespmem:s7+$0xFFFFFE10] =	vst v6;
	v6 =	vld [tilespmem:s9+$0x90]  }
0xc0: {  	[tilespmem:s7+$0xFFFFFE50] =	vst v8;
	v8 =	vshll.u32 v10, $0x10;
	v9 =	vand.u32 $0xFFFF0000, v10  }
0xc1: {  	v10 =	vld [tilespmem:s9+$0xFFFFFF20];
	[tilespmem:s7+$0xFFFFFE90] =	vst v7  }
0xc2: {  	[tilespmem:s7+$0xFFFFFED0] =	vst v11;
	v1 =	vshll.u32 v4, $0x10;
	v4 =	vand.u32 $0xFFFF0000, v4  }
0xc3: {  	v7 =	vld [tilespmem:s9+$0xFFFFFF60];
	[tilespmem:s7+$0x1F0] =	vst v4  }
0xc4: {  	[tilespmem:s7+$0xFFFFFF10] =	vst v12;
	v4 =	vshll.u32 v6, $0x10;
	v6 =	vand.u32 $0xFFFF0000, v6  }
0xc5: {  	[tilespmem:s7+$0xFFFFFF50] =	vst v13  }
0xc6: {  	v11 =	vshll.u32 v10, $0x10;
	v10 =	vand.u32 $0xFFFF0000, v10;
	v12 =	vld [tilespmem:s9+$0xFFFFFFA0];
	[tilespmem:s7+$0xFFFFFF90] =	vst v2  }
0xc7: {  	[tilespmem:s7+$0xFFFFFFD0] =	vst v5  }
0xc8: {  	v2 =	vshll.u32 v7, $0x10;
	v5 =	vand.u32 $0xFFFF0000, v7;
	v7 =	vld [tilespmem:s9+$0xFFFFFFE0];
	[tilespmem:s7+$0x10] =	vst v14  }
0xc9: {  	[tilespmem:s7+$0x50] =	vst v3  }
0xca: {  	v3 =	vld [tilespmem:s9+$0x20];
	[tilespmem:s7+$0x90] =	vst v8  }
0xcb: {  	v8 =	vshll.u32 v12, $0x10;
	v12 =	vand.u32 $0xFFFF0000, v12;
	[tilespmem:s7+$0xD0] =	vst v9  }
0xcc: {  	v9 =	vld [tilespmem:s9+$0x60];
	[tilespmem:s7+$0x110] =	vst v4  }
0xcd: {  	v4 =	vshll.u32 v7, $0x10;
	v7 =	vand.u32 $0xFFFF0000, v7;
	[tilespmem:s7+$0x150] =	vst v6  }
0xce: {  	[tilespmem:s7+$0xFFFFFE20] =	vst v11;
	v6 =	vld [tilespmem:s9+$0xA0]  }
0xcf: {  	[tilespmem:s7+$0xFFFFFE60] =	vst v10;
	v10 =	vshll.u32 v3, $0x10;
	v3 =	vand.u32 $0xFFFF0000, v3  }
0xd0: {  	v11 =	vld [tilespmem:s9+$0xFFFFFF30];
	[tilespmem:s7+$0xFFFFFEA0] =	vst v2  }
0xd1: {  	[tilespmem:s7+$0xFFFFFEE0] =	vst v5;
	v2 =	vshll.u32 v9, $0x10;
	v5 =	vand.u32 $0xFFFF0000, v9  }
0xd2: {  	v9 =	vld [tilespmem:s9+$0xFFFFFF70];
	[tilespmem:s7+$0xFFFFFF20] =	vst v8  }
0xd3: {  	[tilespmem:s7+$0xFFFFFF60] =	vst v12;
	v8 =	vshll.u32 v6, $0x10;
	v6 =	vand.u32 $0xFFFF0000, v6  }
0xd4: {  	v12 =	vld [tilespmem:s9+$0xFFFFFFB0];
	[tilespmem:s7+$0xFFFFFFA0] =	vst v4  }
0xd5: {  	v4 =	vshll.u32 v11, $0x10;
	v11 =	vand.u32 $0xFFFF0000, v11;
	[tilespmem:s7+$0xFFFFFFE0] =	vst v7  }
0xd6: {  	v7 =	vld [tilespmem:s9+$0xFFFFFFF0];
	[tilespmem:s7+$0x20] =	vst v10  }
0xd7: {  	v10 =	vshll.u32 v9, $0x10;
	v9 =	vand.u32 $0xFFFF0000, v9;
	[tilespmem:s7+$0x60] =	vst v3  }
0xd8: {  	v3 =	vld [tilespmem:s9+$0x30];
	[tilespmem:s7+$0xA0] =	vst v2  }
0xd9: {  	v2 =	vshll.u32 v12, $0x10;
	v12 =	vand.u32 $0xFFFF0000, v12;
	[tilespmem:s7+$0xE0] =	vst v5  }
0xda: {  	v5 =	vld [tilespmem:s9+$0x70];
	[tilespmem:s7+$0x120] =	vst v8  }
0xdb: {  	v8 =	vshll.u32 v7, $0x10;
	v7 =	vand.u32 $0xFFFF0000, v7;
	[tilespmem:s7+$0x160] =	vst v6  }
0xdc: {  	[tilespmem:s7+$0xFFFFFE30] =	vst v4;
	v13 =	vld [tilespmem:s9+$0xB0]  }
0xdd: {  	[tilespmem:s7+$0xFFFFFE70] =	vst v11;
	v11 =	vshll.u32 v3, $0x10;
	v3 =	vand.u32 $0xFFFF0000, v3  }
0xde: {  	[tilespmem:s7+$0xFFFFFEB0] =	vst v10  }
0xdf: {  	[tilespmem:s7+$0xFFFFFEF0] =	vst v9;
	v4 =	vshll.u32 v5, $0x10;
	v5 =	vand.u32 $0xFFFF0000, v5  }
.Ltmp4:
0xe0: {  	[tilespmem:s7+$0xFFFFFF30] =	vst v2;
	(pc) =	sbr.rel @p1 .LBB2_18-.Ltmp4, $4  }
0xe1: {  	[tilespmem:s7+$0xFFFFFF70] =	vst v12;
	v6 =	vshll.u32 v13, $0x10;
	v2 =	vand.u32 $0xFFFF0000, v13  }
0xe2: {  	[tilespmem:s7+$0xFFFFFFB0] =	vst v8  }
0xe3: {  	[tilespmem:s7+$0xFFFFFFF0] =	vst v7  }
0xe4: {  	s9 =	sadd.s32 $0x200, s9;
	[tilespmem:s7+$0x30] =	vst v11  }
0xe5: {  	[tilespmem:s7+$0x70] =	vst v3  }
0xe6: {  	[tilespmem:s7+$0xB0] =	vst v4  }
0xe7: {  	[tilespmem:s7+$0xF0] =	vst v5;
	s8 =	smul.u32 $0x300, s6  }
0xe8: {  	[tilespmem:s7+$0x130] =	vst v6  }
0xe9: {  	[tilespmem:s7+$0x170] =	vst v2;
	s9 =	sshra.s32 s8, $0x2  }
0xea: {  	[tilespmem:s7+$0x1B0] =	vst v1;
	s9 =	sadd.s32 $0x2880, s9  }
0xeb: {  	[spmem:s3] =	stream.indirect.scatter.add.f32 [tilespmem:s23], [sflag:$0x3], $0x80, s9, s26, $0xb8;
	[tilespmem:$0x1F100] =	vst v63  }
0xec: {  	p1 =	seq.s32 s6, $0x31;
	_ =	swait.ge [sflag:s24], $0x3000  }
0xed: {  	s7 =	sshra.s32 @!p1 s8, $0x2;
	s8 =	simm.s32 @!p1 $0x60;
	[sflag:s24] =	ssyncset.done $0x0  }
0xee: {  	s7 =	sadd.s32 @!p1 $0xC0, s7;
	s9 =	simm.s32 @!p1 $0x5100;
	[sflag:s24] =	ssyncadd.s32 $0xFFFFD000  }
0xef: {  	[tilespmem:s9], [sflag:$0x1] =	stream.indirect.gather @!p1 [hbm4b:s2+s8], $0x40, s7, s8, $0xb8;
	[tilespmem:$0x1F100] =	vst v63  }
0xf0: {  	_ =	swait.ge [sflag:s31], $0x1800  }
0xf1: {  	[sflag:s31] =	ssyncset.done $0x0  }
0xf2: {  	s9 =	simm.s32 $0x6A00;
	[sflag:s31] =	ssyncadd.s32 $0xFFFFE800  }
0xf3: {  	v1 =	vld [tilespmem:s9+$0xC0];
	_ =	sdelay $0x1  }
0xf4: {  	v2 =	vld [tilespmem:s9+$0xFFFFFF40];
	_ =	sdelay $0x1  }
0xf5: {  	v3 =	vld [tilespmem:s9+$0xFFFFFF80]  }
0xf6: {  	s7 =	simm.s32 $0x8300;
	v4 =	vshll.u32 v1, $0x10  }
0xf7: {  	v5 =	vld [tilespmem:s9+$0xFFFFFFC0];
	v1 =	vand.u32 $0xFFFF0000, v1;
	[tilespmem:s7+$0x180] =	vst v4  }
0xf8: {  	v6 =	vld [tilespmem:s9+$0xFFFFFF00];
	v4 =	vshll.u32 v2, $0x10;
	[tilespmem:s7+$0x1C0] =	vst v1  }
0xf9: {  	v1 =	vand.u32 $0xFFFF0000, v2;
	[tilespmem:s7+$0xFFFFFE80] =	vst v4;
	v2 =	vld [tilespmem:s9+$0xD0]  }
0xfa: {  	v4 =	vshll.u32 v3, $0x10;
	[tilespmem:s7+$0xFFFFFEC0] =	vst v1  }
0xfb: {  	v1 =	vand.u32 $0xFFFF0000, v3;
	[tilespmem:s7+$0xFFFFFF00] =	vst v4  }
0xfc: {  	v3 =	vshll.u32 v5, $0x10;
	[tilespmem:s7+$0xFFFFFF40] =	vst v1  }
0xfd: {  	v1 =	vld [tilespmem:s9+$0x0];
	v4 =	vshll.u32 v6, $0x10;
	[tilespmem:s7+$0xFFFFFF80] =	vst v3  }
0xfe: {  	[tilespmem:s7+$0xFFFFFE00] =	vst v4;
	v3 =	vshll.u32 v2, $0x10  }
0xff: {  	v4 =	vld [tilespmem:s9+$0x40];
	v2 =	vand.u32 $0xFFFF0000, v2;
	[tilespmem:s7+$0x190] =	vst v3  }
0x100: {  	v3 =	vand.u32 $0xFFFF0000, v6;
	[tilespmem:s7+$0x1D0] =	vst v2  }
0x101: {  	v2 =	vand.u32 $0xFFFF0000, v5;
	[tilespmem:s7+$0xFFFFFE40] =	vst v3;
	v3 =	vld [tilespmem:s9+$0xE0]  }
0x102: {  	v5 =	vshll.u32 v1, $0x10;
	[tilespmem:s7+$0xFFFFFFC0] =	vst v2  }
0x103: {  	v1 =	vand.u32 $0xFFFF0000, v1;
	v2 =	vld [tilespmem:s9+$0x80];
	[tilespmem:s7+$0x0] =	vst v5  }
0x104: {  	v5 =	vshll.u32 v4, $0x10;
	[tilespmem:s7+$0x40] =	vst v1;
	v1 =	vand.u32 $0xFFFF0000, v4;
	v4 =	vld [tilespmem:s9+$0xFFFFFF10]  }
0x105: {  	[tilespmem:s7+$0x80] =	vst v5  }
0x106: {  	[tilespmem:s7+$0xC0] =	vst v1;
	v1 =	vshll.u32 v3, $0x10  }
0x107: {  	v5 =	vld [tilespmem:s9+$0xFFFFFF50];
	[tilespmem:s7+$0x1A0] =	vst v1;
	v1 =	vand.u32 $0xFFFF0000, v3  }
0x108: {  	v3 =	vshll.u32 v2, $0x10;
	[tilespmem:s7+$0x1E0] =	vst v1  }
0x109: {  	v6 =	vshll.u32 v4, $0x10;
	[tilespmem:s7+$0x100] =	vst v3;
	v3 =	vld [tilespmem:s9+$0xFFFFFF90]  }
0x10a: {  	v1 =	vand.u32 $0xFFFF0000, v2;
	[tilespmem:s7+$0xFFFFFE10] =	vst v6;
	v2 =	vld [tilespmem:s9+$0xF0]  }
0x10b: {  	v6 =	vld [tilespmem:s9+$0xFFFFFFD0];
	[tilespmem:s7+$0x140] =	vst v1;
	v1 =	vand.u32 $0xFFFF0000, v4  }
0x10c: {  	v4 =	vshll.u32 v5, $0x10;
	[tilespmem:s7+$0xFFFFFE50] =	vst v1  }
0x10d: {  	v1 =	vand.u32 $0xFFFF0000, v5;
	[tilespmem:s7+$0xFFFFFE90] =	vst v4;
	v4 =	vld [tilespmem:s9+$0x10]  }
0x10e: {  	[tilespmem:s7+$0xFFFFFED0] =	vst v1;
	v5 =	vshll.u32 v3, $0x10  }
0x10f: {  	v1 =	vand.u32 $0xFFFF0000, v2;
	[tilespmem:s7+$0xFFFFFF10] =	vst v5  }
0x110: {  	v5 =	vshll.u32 v6, $0x10;
	[tilespmem:s7+$0x1F0] =	vst v1;
	v1 =	vand.u32 $0xFFFF0000, v3;
	v3 =	vld [tilespmem:s9+$0x50]  }
0x111: {  	[tilespmem:s7+$0xFFFFFF90] =	vst v5  }
0x112: {  	v5 =	vshll.u32 v4, $0x10;
	[tilespmem:s7+$0xFFFFFF50] =	vst v1;
	v1 =	vand.u32 $0xFFFF0000, v6;
	v6 =	vld [tilespmem:s9+$0x90]  }
0x113: {  	[tilespmem:s7+$0x10] =	vst v5  }
0x114: {  	[tilespmem:s7+$0xFFFFFFD0] =	vst v1;
	v1 =	vand.u32 $0xFFFF0000, v4;
	v4 =	vld [tilespmem:s9+$0xFFFFFF20]  }
0x115: {  	[tilespmem:s7+$0x50] =	vst v1;
	v5 =	vshll.u32 v3, $0x10  }
0x116: {  	v1 =	vand.u32 $0xFFFF0000, v3;
	v3 =	vld [tilespmem:s9+$0xFFFFFF60];
	[tilespmem:s7+$0x90] =	vst v5  }
0x117: {  	v5 =	vshll.u32 v6, $0x10;
	[tilespmem:s7+$0xD0] =	vst v1  }
0x118: {  	v1 =	vand.u32 $0xFFFF0000, v6;
	v6 =	vld [tilespmem:s9+$0xFFFFFFA0];
	[tilespmem:s7+$0x110] =	vst v5  }
0x119: {  	v5 =	vshll.u32 v4, $0x10;
	[tilespmem:s7+$0x150] =	vst v1  }
0x11a: {  	v1 =	vand.u32 $0xFFFF0000, v4;
	v4 =	vld [tilespmem:s9+$0xFFFFFFE0];
	[tilespmem:s7+$0xFFFFFE20] =	vst v5  }
0x11b: {  	[tilespmem:s7+$0xFFFFFE60] =	vst v1;
	v5 =	vshll.u32 v3, $0x10  }
0x11c: {  	v1 =	vand.u32 $0xFFFF0000, v3;
	v3 =	vld [tilespmem:s9+$0x20];
	[tilespmem:s7+$0xFFFFFEA0] =	vst v5  }
0x11d: {  	v5 =	vshll.u32 v6, $0x10;
	[tilespmem:s7+$0xFFFFFEE0] =	vst v1  }
0x11e: {  	v1 =	vand.u32 $0xFFFF0000, v6;
	v6 =	vld [tilespmem:s9+$0x60];
	[tilespmem:s7+$0xFFFFFF20] =	vst v5  }
0x11f: {  	v5 =	vshll.u32 v4, $0x10;
	[tilespmem:s7+$0xFFFFFF60] =	vst v1  }
0x120: {  	v1 =	vand.u32 $0xFFFF0000, v4;
	v4 =	vld [tilespmem:s9+$0xA0];
	[tilespmem:s7+$0xFFFFFFA0] =	vst v5  }
0x121: {  	[tilespmem:s7+$0xFFFFFFE0] =	vst v1;
	v5 =	vshll.u32 v3, $0x10  }
0x122: {  	v1 =	vand.u32 $0xFFFF0000, v3;
	v3 =	vld [tilespmem:s9+$0xFFFFFF30];
	[tilespmem:s7+$0x20] =	vst v5  }
0x123: {  	v5 =	vshll.u32 v6, $0x10;
	[tilespmem:s7+$0x60] =	vst v1  }
0x124: {  	v1 =	vand.u32 $0xFFFF0000, v6;
	v6 =	vld [tilespmem:s9+$0xFFFFFF70];
	[tilespmem:s7+$0xA0] =	vst v5  }
0x125: {  	v5 =	vshll.u32 v4, $0x10;
	[tilespmem:s7+$0xE0] =	vst v1  }
0x126: {  	v1 =	vand.u32 $0xFFFF0000, v4;
	v4 =	vld [tilespmem:s9+$0xFFFFFFB0];
	[tilespmem:s7+$0x120] =	vst v5  }
0x127: {  	[tilespmem:s7+$0x160] =	vst v1;
	v5 =	vshll.u32 v3, $0x10  }
0x128: {  	v7 =	vld [tilespmem:s9+$0x30];
	v1 =	vand.u32 $0xFFFF0000, v3;
	[tilespmem:s7+$0xFFFFFE30] =	vst v5  }
0x129: {  	v3 =	vld [tilespmem:s9+$0xFFFFFFF0];
	v5 =	vshll.u32 v6, $0x10;
	[tilespmem:s7+$0xFFFFFE70] =	vst v1  }
0x12a: {  	v1 =	vand.u32 $0xFFFF0000, v6;
	v6 =	vld [tilespmem:s9+$0x70];
	[tilespmem:s7+$0xFFFFFEB0] =	vst v5  }
0x12b: {  	v8 =	vld [tilespmem:s9+$0xB0];
	v5 =	vshll.u32 v4, $0x10;
	[tilespmem:s7+$0xFFFFFEF0] =	vst v1  }
0x12c: {  	v1 =	vand.u32 $0xFFFF0000, v4;
	[tilespmem:s7+$0xFFFFFF30] =	vst v5  }
0x12d: {  	v9 =	vshll.u32 v7, $0x10;
	[tilespmem:s7+$0xFFFFFF70] =	vst v1  }
0x12e: {  	v1 =	vshll.u32 v2, $0x10;
	[tilespmem:s7+$0x30] =	vst v9;
	v4 =	vshll.u32 v3, $0x10  }
0x12f: {  	v2 =	vand.u32 $0xFFFF0000, v7;
	v3 =	vand.u32 $0xFFFF0000, v3;
	[tilespmem:s7+$0xFFFFFFB0] =	vst v4;
	v4 =	vshll.u32 v6, $0x10  }
0x130: {  	s6 =	sadd.s32 $0x1, s6;
	s8 =	simm.s32 $0x0;
	s9 =	simm.s32 $0x6C00;
	[tilespmem:s7+$0xFFFFFFF0] =	vst v3;
	v5 =	vand.u32 $0xFFFF0000, v6;
	v6 =	vshll.u32 v8, $0x10;
	v3 =	vand.u32 $0xFFFF0000, v8  }
.LBB2_20:
0x131: {  	v7 =	vld [tilespmem:s9+$0xC0];
	[tilespmem:s7+$0x70] =	vst v2  }
0x132: {  	v2 =	vld [tilespmem:s9+$0xFFFFFF40];
	[tilespmem:s7+$0xB0] =	vst v4  }
0x133: {  	v4 =	vld [tilespmem:s9+$0xFFFFFF80];
	[tilespmem:s7+$0xF0] =	vst v5  }
0x134: {  	s8 =	sadd.s32 $0x8, s8;
	v5 =	vld [tilespmem:s9+$0xFFFFFFC0];
	[tilespmem:s7+$0x130] =	vst v6  }
0x135: {  	p1 =	slt.u32 s8, $0x58;
	v6 =	vld [tilespmem:s9+$0x0];
	[tilespmem:s7+$0x170] =	vst v3  }
0x136: {  	v3 =	vld [tilespmem:s9+$0x40];
	v8 =	vshll.u32 v7, $0x10;
	[tilespmem:s7+$0x1B0] =	vst v1;
	s7 =	sadd.s32 $0x400, s7  }
0x137: {  	v7 =	vand.u32 $0xFFFF0000, v7;
	v1 =	vshll.u32 v2, $0x10;
	v2 =	vand.u32 $0xFFFF0000, v2;
	v9 =	vld [tilespmem:s9+$0x80];
	[tilespmem:s7+$0x180] =	vst v8  }
0x138: {  	v8 =	vld [tilespmem:s9+$0xFFFFFF00];
	v10 =	vshll.u32 v4, $0x10;
	v4 =	vand.u32 $0xFFFF0000, v4;
	[tilespmem:s7+$0x1C0] =	vst v7  }
0x139: {  	[tilespmem:s7+$0xFFFFFE80] =	vst v1;
	v1 =	vshll.u32 v5, $0x10;
	v5 =	vand.u32 $0xFFFF0000, v5;
	v7 =	vld [tilespmem:s9+$0xD0]  }
0x13a: {  	[tilespmem:s7+$0xFFFFFEC0] =	vst v2;
	v2 =	vshll.u32 v6, $0x10;
	v6 =	vand.u32 $0xFFFF0000, v6  }
0x13b: {  	v11 =	vld [tilespmem:s9+$0xFFFFFF50];
	[tilespmem:s7+$0xFFFFFF00] =	vst v10;
	v10 =	vshll.u32 v3, $0x10;
	v3 =	vand.u32 $0xFFFF0000, v3  }
0x13c: {  	[tilespmem:s7+$0xFFFFFF40] =	vst v4;
	v4 =	vshll.u32 v9, $0x10;
	v9 =	vand.u32 $0xFFFF0000, v9  }
0x13d: {  	v12 =	vshll.u32 v8, $0x10;
	v8 =	vand.u32 $0xFFFF0000, v8;
	v13 =	vld [tilespmem:s9+$0xFFFFFF90];
	[tilespmem:s7+$0xFFFFFF80] =	vst v1  }
0x13e: {  	[tilespmem:s7+$0xFFFFFE00] =	vst v12;
	v1 =	vshll.u32 v7, $0x10  }
0x13f: {  	[tilespmem:s7+$0x190] =	vst v1;
	v1 =	vand.u32 $0xFFFF0000, v7  }
0x140: {  	v7 =	vshll.u32 v11, $0x10;
	v11 =	vand.u32 $0xFFFF0000, v11;
	[tilespmem:s7+$0x1D0] =	vst v1  }
0x141: {  	[tilespmem:s7+$0xFFFFFE40] =	vst v8;
	v1 =	vld [tilespmem:s9+$0xE0]  }
0x142: {  	v8 =	vld [tilespmem:s9+$0xFFFFFF10];
	v12 =	vshll.u32 v13, $0x10;
	v13 =	vand.u32 $0xFFFF0000, v13;
	[tilespmem:s7+$0xFFFFFFC0] =	vst v5  }
0x143: {  	v5 =	vld [tilespmem:s9+$0xFFFFFFD0];
	[tilespmem:s7+$0x0] =	vst v2  }
0x144: {  	[tilespmem:s7+$0x40] =	vst v6  }
0x145: {  	v2 =	vld [tilespmem:s9+$0x10];
	[tilespmem:s7+$0x80] =	vst v10  }
0x146: {  	[tilespmem:s7+$0xC0] =	vst v3;
	v3 =	vshll.u32 v1, $0x10  }
0x147: {  	v1 =	vand.u32 $0xFFFF0000, v1;
	v6 =	vshll.u32 v8, $0x10;
	v8 =	vand.u32 $0xFFFF0000, v8;
	v10 =	vld [tilespmem:s9+$0x50];
	[tilespmem:s7+$0x1A0] =	vst v3  }
0x148: {  	v3 =	vshll.u32 v5, $0x10;
	v5 =	vand.u32 $0xFFFF0000, v5;
	[tilespmem:s7+$0x1E0] =	vst v1  }
0x149: {  	[tilespmem:s7+$0x100] =	vst v4;
	v4 =	vld [tilespmem:s9+$0xF0]  }
0x14a: {  	v14 =	vshll.u32 v2, $0x10;
	v2 =	vand.u32 $0xFFFF0000, v2;
	[tilespmem:s7+$0x140] =	vst v9  }
0x14b: {  	[tilespmem:s7+$0xFFFFFE10] =	vst v6;
	v6 =	vld [tilespmem:s9+$0x90]  }
0x14c: {  	[tilespmem:s7+$0xFFFFFE50] =	vst v8;
	v8 =	vshll.u32 v10, $0x10;
	v9 =	vand.u32 $0xFFFF0000, v10  }
0x14d: {  	v10 =	vld [tilespmem:s9+$0xFFFFFF20];
	[tilespmem:s7+$0xFFFFFE90] =	vst v7  }
0x14e: {  	[tilespmem:s7+$0xFFFFFED0] =	vst v11;
	v1 =	vshll.u32 v4, $0x10;
	v4 =	vand.u32 $0xFFFF0000, v4  }
0x14f: {  	v7 =	vld [tilespmem:s9+$0xFFFFFF60];
	[tilespmem:s7+$0x1F0] =	vst v4  }
0x150: {  	[tilespmem:s7+$0xFFFFFF10] =	vst v12;
	v4 =	vshll.u32 v6, $0x10;
	v6 =	vand.u32 $0xFFFF0000, v6  }
0x151: {  	[tilespmem:s7+$0xFFFFFF50] =	vst v13  }
0x152: {  	v11 =	vshll.u32 v10, $0x10;
	v10 =	vand.u32 $0xFFFF0000, v10;
	v12 =	vld [tilespmem:s9+$0xFFFFFFA0];
	[tilespmem:s7+$0xFFFFFF90] =	vst v3  }
0x153: {  	[tilespmem:s7+$0xFFFFFFD0] =	vst v5  }
0x154: {  	v3 =	vshll.u32 v7, $0x10;
	v5 =	vand.u32 $0xFFFF0000, v7;
	v7 =	vld [tilespmem:s9+$0xFFFFFFE0];
	[tilespmem:s7+$0x10] =	vst v14  }
0x155: {  	[tilespmem:s7+$0x50] =	vst v2  }
0x156: {  	v2 =	vld [tilespmem:s9+$0x20];
	[tilespmem:s7+$0x90] =	vst v8  }
0x157: {  	v8 =	vshll.u32 v12, $0x10;
	v12 =	vand.u32 $0xFFFF0000, v12;
	[tilespmem:s7+$0xD0] =	vst v9  }
0x158: {  	v9 =	vld [tilespmem:s9+$0x60];
	[tilespmem:s7+$0x110] =	vst v4  }
0x159: {  	v4 =	vshll.u32 v7, $0x10;
	v7 =	vand.u32 $0xFFFF0000, v7;
	[tilespmem:s7+$0x150] =	vst v6  }
0x15a: {  	[tilespmem:s7+$0xFFFFFE20] =	vst v11;
	v6 =	vld [tilespmem:s9+$0xA0]  }
0x15b: {  	[tilespmem:s7+$0xFFFFFE60] =	vst v10;
	v10 =	vshll.u32 v2, $0x10;
	v2 =	vand.u32 $0xFFFF0000, v2  }
0x15c: {  	v11 =	vld [tilespmem:s9+$0xFFFFFF30];
	[tilespmem:s7+$0xFFFFFEA0] =	vst v3  }
0x15d: {  	[tilespmem:s7+$0xFFFFFEE0] =	vst v5;
	v3 =	vshll.u32 v9, $0x10;
	v5 =	vand.u32 $0xFFFF0000, v9  }
0x15e: {  	v9 =	vld [tilespmem:s9+$0xFFFFFF70];
	[tilespmem:s7+$0xFFFFFF20] =	vst v8  }
0x15f: {  	[tilespmem:s7+$0xFFFFFF60] =	vst v12;
	v8 =	vshll.u32 v6, $0x10;
	v6 =	vand.u32 $0xFFFF0000, v6  }
0x160: {  	v12 =	vld [tilespmem:s9+$0xFFFFFFB0];
	[tilespmem:s7+$0xFFFFFFA0] =	vst v4  }
0x161: {  	v4 =	vshll.u32 v11, $0x10;
	v11 =	vand.u32 $0xFFFF0000, v11;
	[tilespmem:s7+$0xFFFFFFE0] =	vst v7  }
0x162: {  	v7 =	vld [tilespmem:s9+$0xFFFFFFF0];
	[tilespmem:s7+$0x20] =	vst v10  }
0x163: {  	v10 =	vshll.u32 v9, $0x10;
	v9 =	vand.u32 $0xFFFF0000, v9;
	[tilespmem:s7+$0x60] =	vst v2  }
0x164: {  	v2 =	vld [tilespmem:s9+$0x30];
	[tilespmem:s7+$0xA0] =	vst v3  }
0x165: {  	v3 =	vshll.u32 v12, $0x10;
	v12 =	vand.u32 $0xFFFF0000, v12;
	[tilespmem:s7+$0xE0] =	vst v5  }
0x166: {  	v5 =	vld [tilespmem:s9+$0x70];
	[tilespmem:s7+$0x120] =	vst v8  }
0x167: {  	v8 =	vshll.u32 v7, $0x10;
	v7 =	vand.u32 $0xFFFF0000, v7;
	[tilespmem:s7+$0x160] =	vst v6  }
0x168: {  	[tilespmem:s7+$0xFFFFFE30] =	vst v4;
	v13 =	vld [tilespmem:s9+$0xB0]  }
0x169: {  	[tilespmem:s7+$0xFFFFFE70] =	vst v11;
	v11 =	vshll.u32 v2, $0x10;
	v2 =	vand.u32 $0xFFFF0000, v2  }
0x16a: {  	[tilespmem:s7+$0xFFFFFEB0] =	vst v10  }
0x16b: {  	[tilespmem:s7+$0xFFFFFEF0] =	vst v9;
	v4 =	vshll.u32 v5, $0x10;
	v5 =	vand.u32 $0xFFFF0000, v5  }
.Ltmp5:
0x16c: {  	[tilespmem:s7+$0xFFFFFF30] =	vst v3;
	(pc) =	sbr.rel @p1 .LBB2_20-.Ltmp5, $4  }
0x16d: {  	[tilespmem:s7+$0xFFFFFF70] =	vst v12;
	v6 =	vshll.u32 v13, $0x10;
	v3 =	vand.u32 $0xFFFF0000, v13  }
0x16e: {  	[tilespmem:s7+$0xFFFFFFB0] =	vst v8  }
0x16f: {  	[tilespmem:s7+$0xFFFFFFF0] =	vst v7  }
0x170: {  	s9 =	sadd.s32 $0x200, s9;
	[tilespmem:s7+$0x30] =	vst v11  }
0x171: {  	[tilespmem:s7+$0x70] =	vst v2  }
0x172: {  	[tilespmem:s7+$0xB0] =	vst v4  }
0x173: {  	[tilespmem:s7+$0xF0] =	vst v5  }
0x174: {  	[tilespmem:s7+$0x130] =	vst v6  }
0x175: {  	[tilespmem:s7+$0x170] =	vst v3  }
0x176: {  	[tilespmem:s7+$0x1B0] =	vst v1;
	s0 =	sadd.s32 $0x2880, s0;
	p1 =	sne.s32 s6, $0x32  }
0x177: {  	[spmem:s3] =	stream.indirect.scatter.add.f32 [tilespmem:s23], [sflag:$0x3], $0x80, s0, s26, $0xb8;
	[tilespmem:$0x1F100] =	vst v63  }
.Ltmp6:
0x178: {  	_ = 	snop;
	(pc) =	sbr.rel @p1 .LBB2_17-.Ltmp6, $4  }
.Ltmp7:
0x179: {  	_ = 	snop;
	(pc) =	sbr.rel @!p1 .LBB2_22-.Ltmp7, $4  }
0x17a: {  	_ =	swait.ge [sflag:s24], $0x3000  }
0x17b: {  	[sflag:s24] =	ssyncset.done $0x0  }
0x17c: {  	[sflag:s24] =	ssyncadd.s32 $0xFFFFD000  }
0x17d: {  	_ = 	snop  }
.LBB2_4:
0x17e: {  	s0 =	rddreg [dreg:$0x4]  }
0x17f: {  	[tilespmem:s6], [sflag:$0x3] =	stream.linear.gather [hbm4b:s0+s6], $0x2880, $0x38;
	[tilespmem:$0x1F100] =	vst v63  }
0x180: {  	_ =	swait.ge [sflag:s24], $0x2880  }
0x181: {  	[sflag:s24] =	ssyncset.done $0x0  }
0x182: {  	s9 =	rddreg [dreg:$0x5];
	[sflag:s24] =	ssyncadd.s32 $0xFFFFD780  }
0x183: {  	[tilespmem:s25], [sflag:$0x3] =	stream.linear.gather [hbm4b:s9+s6], $0x2880, $0x38;
	[tilespmem:$0x1F100] =	vst v63  }
0x184: {  	_ =	swait.ge [sflag:s24], $0x2880  }
0x185: {  	[sflag:s24] =	ssyncset.done $0x0  }
0x186: {  	[sflag:s24] =	ssyncadd.s32 $0xFFFFD780  }
0x187: {  	[tilespmem:s28], [sflag:$0x1] =	stream.indirect.gather [hbm4b:s2+s26], $0x40, s6, s26, $0xb8;
	[tilespmem:$0x1F100] =	vst v63  }
.LBB2_5:
0x188: {  	s0 =	smul.u32 $0xC0, s6;
	_ =	sdelay $0x1  }
0x189: {  	s0 =	sadd.s32 $0x60, s0  }
0x18a: {  	[tilespmem:s29], [sflag:$0x2] =	stream.indirect.gather [hbm4b:s2+s26], $0x40, s0, s26, $0xb8;
	[tilespmem:$0x1F100] =	vst v63  }
0x18b: {  	_ =	swait.ge [sflag:s30], $0x1800  }
0x18c: {  	[sflag:s30] =	ssyncset.done $0x0  }
0x18d: {  	s8 =	simm.s32 $0x5200;
	[sflag:s30] =	ssyncadd.s32 $0xFFFFE800  }
0x18e: {  	v1 =	vld [tilespmem:s8+$0xC0];
	_ =	sdelay $0x1  }
0x18f: {  	v2 =	vld [tilespmem:s8+$0xFFFFFF40];
	_ =	sdelay $0x1  }
0x190: {  	v3 =	vld [tilespmem:s8+$0xFFFFFF80]  }
0x191: {  	s7 =	simm.s32 $0x8300;
	v4 =	vshll.u32 v1, $0x10  }
0x192: {  	v5 =	vld [tilespmem:s8+$0xFFFFFFC0];
	v1 =	vand.u32 $0xFFFF0000, v1;
	[tilespmem:s7+$0x180] =	vst v4  }
0x193: {  	v6 =	vld [tilespmem:s8+$0xFFFFFF00];
	v4 =	vshll.u32 v2, $0x10;
	[tilespmem:s7+$0x1C0] =	vst v1  }
0x194: {  	v1 =	vand.u32 $0xFFFF0000, v2;
	[tilespmem:s7+$0xFFFFFE80] =	vst v4;
	v2 =	vld [tilespmem:s8+$0xD0]  }
0x195: {  	v4 =	vshll.u32 v3, $0x10;
	[tilespmem:s7+$0xFFFFFEC0] =	vst v1  }
0x196: {  	v1 =	vand.u32 $0xFFFF0000, v3;
	[tilespmem:s7+$0xFFFFFF00] =	vst v4  }
0x197: {  	v3 =	vshll.u32 v5, $0x10;
	[tilespmem:s7+$0xFFFFFF40] =	vst v1  }
0x198: {  	v1 =	vld [tilespmem:s8+$0x0];
	v4 =	vshll.u32 v6, $0x10;
	[tilespmem:s7+$0xFFFFFF80] =	vst v3  }
0x199: {  	[tilespmem:s7+$0xFFFFFE00] =	vst v4;
	v3 =	vshll.u32 v2, $0x10  }
0x19a: {  	v4 =	vld [tilespmem:s8+$0x40];
	v2 =	vand.u32 $0xFFFF0000, v2;
	[tilespmem:s7+$0x190] =	vst v3  }
0x19b: {  	v3 =	vand.u32 $0xFFFF0000, v6;
	[tilespmem:s7+$0x1D0] =	vst v2  }
0x19c: {  	v2 =	vand.u32 $0xFFFF0000, v5;
	[tilespmem:s7+$0xFFFFFE40] =	vst v3;
	v3 =	vld [tilespmem:s8+$0xE0]  }
0x19d: {  	v5 =	vshll.u32 v1, $0x10;
	[tilespmem:s7+$0xFFFFFFC0] =	vst v2  }
0x19e: {  	v1 =	vand.u32 $0xFFFF0000, v1;
	v2 =	vld [tilespmem:s8+$0x80];
	[tilespmem:s7+$0x0] =	vst v5  }
0x19f: {  	v5 =	vshll.u32 v4, $0x10;
	[tilespmem:s7+$0x40] =	vst v1;
	v1 =	vand.u32 $0xFFFF0000, v4;
	v4 =	vld [tilespmem:s8+$0xFFFFFF10]  }
0x1a0: {  	[tilespmem:s7+$0x80] =	vst v5  }
0x1a1: {  	[tilespmem:s7+$0xC0] =	vst v1;
	v1 =	vshll.u32 v3, $0x10  }
0x1a2: {  	v5 =	vld [tilespmem:s8+$0xFFFFFF50];
	[tilespmem:s7+$0x1A0] =	vst v1;
	v1 =	vand.u32 $0xFFFF0000, v3  }
0x1a3: {  	v3 =	vshll.u32 v2, $0x10;
	[tilespmem:s7+$0x1E0] =	vst v1  }
0x1a4: {  	v6 =	vshll.u32 v4, $0x10;
	[tilespmem:s7+$0x100] =	vst v3;
	v3 =	vld [tilespmem:s8+$0xFFFFFF90]  }
0x1a5: {  	v1 =	vand.u32 $0xFFFF0000, v2;
	[tilespmem:s7+$0xFFFFFE10] =	vst v6;
	v2 =	vld [tilespmem:s8+$0xF0]  }
0x1a6: {  	v6 =	vld [tilespmem:s8+$0xFFFFFFD0];
	[tilespmem:s7+$0x140] =	vst v1;
	v1 =	vand.u32 $0xFFFF0000, v4  }
0x1a7: {  	v4 =	vshll.u32 v5, $0x10;
	[tilespmem:s7+$0xFFFFFE50] =	vst v1  }
0x1a8: {  	v1 =	vand.u32 $0xFFFF0000, v5;
	[tilespmem:s7+$0xFFFFFE90] =	vst v4;
	v4 =	vld [tilespmem:s8+$0x10]  }
0x1a9: {  	[tilespmem:s7+$0xFFFFFED0] =	vst v1;
	v5 =	vshll.u32 v3, $0x10  }
0x1aa: {  	v1 =	vand.u32 $0xFFFF0000, v2;
	[tilespmem:s7+$0xFFFFFF10] =	vst v5  }
0x1ab: {  	v5 =	vshll.u32 v6, $0x10;
	[tilespmem:s7+$0x1F0] =	vst v1;
	v1 =	vand.u32 $0xFFFF0000, v3;
	v3 =	vld [tilespmem:s8+$0x50]  }
0x1ac: {  	[tilespmem:s7+$0xFFFFFF90] =	vst v5  }
0x1ad: {  	v5 =	vshll.u32 v4, $0x10;
	[tilespmem:s7+$0xFFFFFF50] =	vst v1;
	v1 =	vand.u32 $0xFFFF0000, v6;
	v6 =	vld [tilespmem:s8+$0x90]  }
0x1ae: {  	[tilespmem:s7+$0x10] =	vst v5  }
0x1af: {  	[tilespmem:s7+$0xFFFFFFD0] =	vst v1;
	v1 =	vand.u32 $0xFFFF0000, v4;
	v4 =	vld [tilespmem:s8+$0xFFFFFF20]  }
0x1b0: {  	[tilespmem:s7+$0x50] =	vst v1;
	v5 =	vshll.u32 v3, $0x10  }
0x1b1: {  	v1 =	vand.u32 $0xFFFF0000, v3;
	v3 =	vld [tilespmem:s8+$0xFFFFFF60];
	[tilespmem:s7+$0x90] =	vst v5  }
0x1b2: {  	v5 =	vshll.u32 v6, $0x10;
	[tilespmem:s7+$0xD0] =	vst v1  }
0x1b3: {  	v1 =	vand.u32 $0xFFFF0000, v6;
	v6 =	vld [tilespmem:s8+$0xFFFFFFA0];
	[tilespmem:s7+$0x110] =	vst v5  }
0x1b4: {  	v5 =	vshll.u32 v4, $0x10;
	[tilespmem:s7+$0x150] =	vst v1  }
0x1b5: {  	v1 =	vand.u32 $0xFFFF0000, v4;
	v4 =	vld [tilespmem:s8+$0xFFFFFFE0];
	[tilespmem:s7+$0xFFFFFE20] =	vst v5  }
0x1b6: {  	[tilespmem:s7+$0xFFFFFE60] =	vst v1;
	v5 =	vshll.u32 v3, $0x10  }
0x1b7: {  	v1 =	vand.u32 $0xFFFF0000, v3;
	v3 =	vld [tilespmem:s8+$0x20];
	[tilespmem:s7+$0xFFFFFEA0] =	vst v5  }
0x1b8: {  	v5 =	vshll.u32 v6, $0x10;
	[tilespmem:s7+$0xFFFFFEE0] =	vst v1  }
0x1b9: {  	v1 =	vand.u32 $0xFFFF0000, v6;
	v6 =	vld [tilespmem:s8+$0x60];
	[tilespmem:s7+$0xFFFFFF20] =	vst v5  }
0x1ba: {  	v5 =	vshll.u32 v4, $0x10;
	[tilespmem:s7+$0xFFFFFF60] =	vst v1  }
0x1bb: {  	v1 =	vand.u32 $0xFFFF0000, v4;
	v4 =	vld [tilespmem:s8+$0xA0];
	[tilespmem:s7+$0xFFFFFFA0] =	vst v5  }
0x1bc: {  	[tilespmem:s7+$0xFFFFFFE0] =	vst v1;
	v5 =	vshll.u32 v3, $0x10  }
0x1bd: {  	v1 =	vand.u32 $0xFFFF0000, v3;
	v3 =	vld [tilespmem:s8+$0xFFFFFF30];
	[tilespmem:s7+$0x20] =	vst v5  }
0x1be: {  	v5 =	vshll.u32 v6, $0x10;
	[tilespmem:s7+$0x60] =	vst v1  }
0x1bf: {  	v1 =	vand.u32 $0xFFFF0000, v6;
	v6 =	vld [tilespmem:s8+$0xFFFFFF70];
	[tilespmem:s7+$0xA0] =	vst v5  }
0x1c0: {  	v5 =	vshll.u32 v4, $0x10;
	[tilespmem:s7+$0xE0] =	vst v1  }
0x1c1: {  	v1 =	vand.u32 $0xFFFF0000, v4;
	v4 =	vld [tilespmem:s8+$0xFFFFFFB0];
	[tilespmem:s7+$0x120] =	vst v5  }
0x1c2: {  	[tilespmem:s7+$0x160] =	vst v1;
	v5 =	vshll.u32 v3, $0x10  }
0x1c3: {  	v7 =	vld [tilespmem:s8+$0x30];
	v1 =	vand.u32 $0xFFFF0000, v3;
	[tilespmem:s7+$0xFFFFFE30] =	vst v5  }
0x1c4: {  	v3 =	vld [tilespmem:s8+$0xFFFFFFF0];
	v5 =	vshll.u32 v6, $0x10;
	[tilespmem:s7+$0xFFFFFE70] =	vst v1  }
0x1c5: {  	v1 =	vand.u32 $0xFFFF0000, v6;
	v6 =	vld [tilespmem:s8+$0x70];
	[tilespmem:s7+$0xFFFFFEB0] =	vst v5  }
0x1c6: {  	v8 =	vld [tilespmem:s8+$0xB0];
	v5 =	vshll.u32 v4, $0x10;
	[tilespmem:s7+$0xFFFFFEF0] =	vst v1  }
0x1c7: {  	v1 =	vand.u32 $0xFFFF0000, v4;
	[tilespmem:s7+$0xFFFFFF30] =	vst v5  }
0x1c8: {  	v9 =	vshll.u32 v7, $0x10;
	[tilespmem:s7+$0xFFFFFF70] =	vst v1  }
0x1c9: {  	v1 =	vshll.u32 v2, $0x10;
	[tilespmem:s7+$0x30] =	vst v9;
	v4 =	vshll.u32 v3, $0x10  }
0x1ca: {  	v2 =	vand.u32 $0xFFFF0000, v3;
	v3 =	vand.u32 $0xFFFF0000, v7;
	[tilespmem:s7+$0xFFFFFFB0] =	vst v4;
	v4 =	vshll.u32 v6, $0x10  }
0x1cb: {  	s9 =	simm.s32 $0x5400;
	s8 =	simm.s32 $0x0;
	[tilespmem:s7+$0xFFFFFFF0] =	vst v2;
	v5 =	vand.u32 $0xFFFF0000, v6;
	v6 =	vshll.u32 v8, $0x10;
	v2 =	vand.u32 $0xFFFF0000, v8  }
.LBB2_6:
0x1cc: {  	v7 =	vld [tilespmem:s9+$0xC0];
	[tilespmem:s7+$0x70] =	vst v3  }
0x1cd: {  	v3 =	vld [tilespmem:s9+$0xFFFFFF40];
	[tilespmem:s7+$0xB0] =	vst v4  }
0x1ce: {  	v4 =	vld [tilespmem:s9+$0xFFFFFF80];
	[tilespmem:s7+$0xF0] =	vst v5  }
0x1cf: {  	s8 =	sadd.s32 $0x8, s8;
	v5 =	vld [tilespmem:s9+$0xFFFFFFC0];
	[tilespmem:s7+$0x130] =	vst v6  }
0x1d0: {  	p1 =	slt.u32 s8, $0x58;
	v6 =	vld [tilespmem:s9+$0x0];
	[tilespmem:s7+$0x170] =	vst v2  }
0x1d1: {  	v2 =	vld [tilespmem:s9+$0x40];
	v8 =	vshll.u32 v7, $0x10;
	[tilespmem:s7+$0x1B0] =	vst v1;
	s7 =	sadd.s32 $0x400, s7  }
0x1d2: {  	v7 =	vand.u32 $0xFFFF0000, v7;
	v1 =	vshll.u32 v3, $0x10;
	v3 =	vand.u32 $0xFFFF0000, v3;
	v9 =	vld [tilespmem:s9+$0x80];
	[tilespmem:s7+$0x180] =	vst v8  }
0x1d3: {  	v8 =	vld [tilespmem:s9+$0xFFFFFF00];
	v10 =	vshll.u32 v4, $0x10;
	v4 =	vand.u32 $0xFFFF0000, v4;
	[tilespmem:s7+$0x1C0] =	vst v7  }
0x1d4: {  	[tilespmem:s7+$0xFFFFFE80] =	vst v1;
	v1 =	vshll.u32 v5, $0x10;
	v5 =	vand.u32 $0xFFFF0000, v5;
	v7 =	vld [tilespmem:s9+$0xD0]  }
0x1d5: {  	[tilespmem:s7+$0xFFFFFEC0] =	vst v3;
	v3 =	vshll.u32 v6, $0x10;
	v6 =	vand.u32 $0xFFFF0000, v6  }
0x1d6: {  	v11 =	vld [tilespmem:s9+$0xFFFFFF50];
	[tilespmem:s7+$0xFFFFFF00] =	vst v10;
	v10 =	vshll.u32 v2, $0x10;
	v2 =	vand.u32 $0xFFFF0000, v2  }
0x1d7: {  	[tilespmem:s7+$0xFFFFFF40] =	vst v4;
	v4 =	vshll.u32 v9, $0x10;
	v9 =	vand.u32 $0xFFFF0000, v9  }
0x1d8: {  	v12 =	vshll.u32 v8, $0x10;
	v8 =	vand.u32 $0xFFFF0000, v8;
	v13 =	vld [tilespmem:s9+$0xFFFFFF90];
	[tilespmem:s7+$0xFFFFFF80] =	vst v1  }
0x1d9: {  	[tilespmem:s7+$0xFFFFFE00] =	vst v12;
	v1 =	vshll.u32 v7, $0x10  }
0x1da: {  	[tilespmem:s7+$0x190] =	vst v1;
	v1 =	vand.u32 $0xFFFF0000, v7  }
0x1db: {  	v7 =	vshll.u32 v11, $0x10;
	v11 =	vand.u32 $0xFFFF0000, v11;
	[tilespmem:s7+$0x1D0] =	vst v1  }
0x1dc: {  	[tilespmem:s7+$0xFFFFFE40] =	vst v8;
	v1 =	vld [tilespmem:s9+$0xE0]  }
0x1dd: {  	v8 =	vld [tilespmem:s9+$0xFFFFFF10];
	v12 =	vshll.u32 v13, $0x10;
	v13 =	vand.u32 $0xFFFF0000, v13;
	[tilespmem:s7+$0xFFFFFFC0] =	vst v5  }
0x1de: {  	v5 =	vld [tilespmem:s9+$0xFFFFFFD0];
	[tilespmem:s7+$0x0] =	vst v3  }
0x1df: {  	[tilespmem:s7+$0x40] =	vst v6  }
0x1e0: {  	v3 =	vld [tilespmem:s9+$0x10];
	[tilespmem:s7+$0x80] =	vst v10  }
0x1e1: {  	[tilespmem:s7+$0xC0] =	vst v2;
	v2 =	vshll.u32 v1, $0x10  }
0x1e2: {  	v1 =	vand.u32 $0xFFFF0000, v1;
	v6 =	vshll.u32 v8, $0x10;
	v8 =	vand.u32 $0xFFFF0000, v8;
	v10 =	vld [tilespmem:s9+$0x50];
	[tilespmem:s7+$0x1A0] =	vst v2  }
0x1e3: {  	v2 =	vshll.u32 v5, $0x10;
	v5 =	vand.u32 $0xFFFF0000, v5;
	[tilespmem:s7+$0x1E0] =	vst v1  }
0x1e4: {  	[tilespmem:s7+$0x100] =	vst v4;
	v4 =	vld [tilespmem:s9+$0xF0]  }
0x1e5: {  	v14 =	vshll.u32 v3, $0x10;
	v3 =	vand.u32 $0xFFFF0000, v3;
	[tilespmem:s7+$0x140] =	vst v9  }
0x1e6: {  	[tilespmem:s7+$0xFFFFFE10] =	vst v6;
	v6 =	vld [tilespmem:s9+$0x90]  }
0x1e7: {  	[tilespmem:s7+$0xFFFFFE50] =	vst v8;
	v8 =	vshll.u32 v10, $0x10;
	v9 =	vand.u32 $0xFFFF0000, v10  }
0x1e8: {  	v10 =	vld [tilespmem:s9+$0xFFFFFF20];
	[tilespmem:s7+$0xFFFFFE90] =	vst v7  }
0x1e9: {  	[tilespmem:s7+$0xFFFFFED0] =	vst v11;
	v1 =	vshll.u32 v4, $0x10;
	v4 =	vand.u32 $0xFFFF0000, v4  }
0x1ea: {  	v7 =	vld [tilespmem:s9+$0xFFFFFF60];
	[tilespmem:s7+$0x1F0] =	vst v4  }
0x1eb: {  	[tilespmem:s7+$0xFFFFFF10] =	vst v12;
	v4 =	vshll.u32 v6, $0x10;
	v6 =	vand.u32 $0xFFFF0000, v6  }
0x1ec: {  	[tilespmem:s7+$0xFFFFFF50] =	vst v13  }
0x1ed: {  	v11 =	vshll.u32 v10, $0x10;
	v10 =	vand.u32 $0xFFFF0000, v10;
	v12 =	vld [tilespmem:s9+$0xFFFFFFA0];
	[tilespmem:s7+$0xFFFFFF90] =	vst v2  }
0x1ee: {  	[tilespmem:s7+$0xFFFFFFD0] =	vst v5  }
0x1ef: {  	v2 =	vshll.u32 v7, $0x10;
	v5 =	vand.u32 $0xFFFF0000, v7;
	v7 =	vld [tilespmem:s9+$0xFFFFFFE0];
	[tilespmem:s7+$0x10] =	vst v14  }
0x1f0: {  	[tilespmem:s7+$0x50] =	vst v3  }
0x1f1: {  	v3 =	vld [tilespmem:s9+$0x20];
	[tilespmem:s7+$0x90] =	vst v8  }
0x1f2: {  	v8 =	vshll.u32 v12, $0x10;
	v12 =	vand.u32 $0xFFFF0000, v12;
	[tilespmem:s7+$0xD0] =	vst v9  }
0x1f3: {  	v9 =	vld [tilespmem:s9+$0x60];
	[tilespmem:s7+$0x110] =	vst v4  }
0x1f4: {  	v4 =	vshll.u32 v7, $0x10;
	v7 =	vand.u32 $0xFFFF0000, v7;
	[tilespmem:s7+$0x150] =	vst v6  }
0x1f5: {  	[tilespmem:s7+$0xFFFFFE20] =	vst v11;
	v6 =	vld [tilespmem:s9+$0xA0]  }
0x1f6: {  	[tilespmem:s7+$0xFFFFFE60] =	vst v10;
	v10 =	vshll.u32 v3, $0x10;
	v3 =	vand.u32 $0xFFFF0000, v3  }
0x1f7: {  	v11 =	vld [tilespmem:s9+$0xFFFFFF30];
	[tilespmem:s7+$0xFFFFFEA0] =	vst v2  }
0x1f8: {  	[tilespmem:s7+$0xFFFFFEE0] =	vst v5;
	v2 =	vshll.u32 v9, $0x10;
	v5 =	vand.u32 $0xFFFF0000, v9  }
0x1f9: {  	v9 =	vld [tilespmem:s9+$0xFFFFFF70];
	[tilespmem:s7+$0xFFFFFF20] =	vst v8  }
0x1fa: {  	[tilespmem:s7+$0xFFFFFF60] =	vst v12;
	v8 =	vshll.u32 v6, $0x10;
	v6 =	vand.u32 $0xFFFF0000, v6  }
0x1fb: {  	v12 =	vld [tilespmem:s9+$0xFFFFFFB0];
	[tilespmem:s7+$0xFFFFFFA0] =	vst v4  }
0x1fc: {  	v4 =	vshll.u32 v11, $0x10;
	v11 =	vand.u32 $0xFFFF0000, v11;
	[tilespmem:s7+$0xFFFFFFE0] =	vst v7  }
0x1fd: {  	v7 =	vld [tilespmem:s9+$0xFFFFFFF0];
	[tilespmem:s7+$0x20] =	vst v10  }
0x1fe: {  	v10 =	vshll.u32 v9, $0x10;
	v9 =	vand.u32 $0xFFFF0000, v9;
	[tilespmem:s7+$0x60] =	vst v3  }
0x1ff: {  	v3 =	vld [tilespmem:s9+$0x30];
	[tilespmem:s7+$0xA0] =	vst v2  }
0x200: {  	v2 =	vshll.u32 v12, $0x10;
	v12 =	vand.u32 $0xFFFF0000, v12;
	[tilespmem:s7+$0xE0] =	vst v5  }
0x201: {  	v5 =	vld [tilespmem:s9+$0x70];
	[tilespmem:s7+$0x120] =	vst v8  }
0x202: {  	v8 =	vshll.u32 v7, $0x10;
	v7 =	vand.u32 $0xFFFF0000, v7;
	[tilespmem:s7+$0x160] =	vst v6  }
0x203: {  	[tilespmem:s7+$0xFFFFFE30] =	vst v4;
	v13 =	vld [tilespmem:s9+$0xB0]  }
0x204: {  	[tilespmem:s7+$0xFFFFFE70] =	vst v11;
	v11 =	vshll.u32 v3, $0x10;
	v3 =	vand.u32 $0xFFFF0000, v3  }
0x205: {  	[tilespmem:s7+$0xFFFFFEB0] =	vst v10  }
0x206: {  	[tilespmem:s7+$0xFFFFFEF0] =	vst v9;
	v4 =	vshll.u32 v5, $0x10;
	v5 =	vand.u32 $0xFFFF0000, v5  }
.Ltmp8:
0x207: {  	[tilespmem:s7+$0xFFFFFF30] =	vst v2;
	(pc) =	sbr.rel @p1 .LBB2_6-.Ltmp8, $4  }
0x208: {  	[tilespmem:s7+$0xFFFFFF70] =	vst v12;
	v6 =	vshll.u32 v13, $0x10;
	v2 =	vand.u32 $0xFFFF0000, v13  }
0x209: {  	[tilespmem:s7+$0xFFFFFFB0] =	vst v8  }
0x20a: {  	[tilespmem:s7+$0xFFFFFFF0] =	vst v7  }
0x20b: {  	s9 =	sadd.s32 $0x200, s9;
	[tilespmem:s7+$0x30] =	vst v11  }
0x20c: {  	[tilespmem:s7+$0x70] =	vst v3  }
0x20d: {  	[tilespmem:s7+$0xB0] =	vst v4  }
0x20e: {  	[tilespmem:s7+$0xF0] =	vst v5;
	s8 =	smul.u32 $0x300, s6  }
0x20f: {  	[tilespmem:s7+$0x130] =	vst v6  }
0x210: {  	[tilespmem:s7+$0x170] =	vst v2;
	s9 =	sshra.s32 s8, $0x2  }
0x211: {  	[tilespmem:s7+$0x1B0] =	vst v1;
	s9 =	sadd.s32 $0x2880, s9  }
0x212: {  	[spmem:s3] =	stream.indirect.scatter.add.f32 [tilespmem:s23], [sflag:$0x3], $0x80, s9, s26, $0xb8;
	[tilespmem:$0x1F100] =	vst v63  }
0x213: {  	p1 =	seq.s32 s6, $0x35;
	_ =	swait.ge [sflag:s24], $0x3000  }
0x214: {  	s7 =	sshra.s32 @!p1 s8, $0x2;
	s8 =	simm.s32 @!p1 $0x60;
	[sflag:s24] =	ssyncset.done $0x0  }
0x215: {  	s7 =	sadd.s32 @!p1 $0xC0, s7;
	s9 =	simm.s32 @!p1 $0x5100;
	[sflag:s24] =	ssyncadd.s32 $0xFFFFD000  }
0x216: {  	[tilespmem:s9], [sflag:$0x1] =	stream.indirect.gather @!p1 [hbm4b:s2+s8], $0x40, s7, s8, $0xb8;
	[tilespmem:$0x1F100] =	vst v63  }
0x217: {  	_ =	swait.ge [sflag:s31], $0x1800  }
0x218: {  	[sflag:s31] =	ssyncset.done $0x0  }
0x219: {  	s9 =	simm.s32 $0x6A00;
	[sflag:s31] =	ssyncadd.s32 $0xFFFFE800  }
0x21a: {  	v1 =	vld [tilespmem:s9+$0xC0];
	_ =	sdelay $0x1  }
0x21b: {  	v2 =	vld [tilespmem:s9+$0xFFFFFF40];
	_ =	sdelay $0x1  }
0x21c: {  	v3 =	vld [tilespmem:s9+$0xFFFFFF80]  }
0x21d: {  	s7 =	simm.s32 $0x8300;
	v4 =	vshll.u32 v1, $0x10  }
0x21e: {  	v5 =	vld [tilespmem:s9+$0xFFFFFFC0];
	v1 =	vand.u32 $0xFFFF0000, v1;
	[tilespmem:s7+$0x180] =	vst v4  }
0x21f: {  	v6 =	vld [tilespmem:s9+$0xFFFFFF00];
	v4 =	vshll.u32 v2, $0x10;
	[tilespmem:s7+$0x1C0] =	vst v1  }
0x220: {  	v1 =	vand.u32 $0xFFFF0000, v2;
	[tilespmem:s7+$0xFFFFFE80] =	vst v4;
	v2 =	vld [tilespmem:s9+$0xD0]  }
0x221: {  	v4 =	vshll.u32 v3, $0x10;
	[tilespmem:s7+$0xFFFFFEC0] =	vst v1  }
0x222: {  	v1 =	vand.u32 $0xFFFF0000, v3;
	[tilespmem:s7+$0xFFFFFF00] =	vst v4  }
0x223: {  	v3 =	vshll.u32 v5, $0x10;
	[tilespmem:s7+$0xFFFFFF40] =	vst v1  }
0x224: {  	v1 =	vld [tilespmem:s9+$0x0];
	v4 =	vshll.u32 v6, $0x10;
	[tilespmem:s7+$0xFFFFFF80] =	vst v3  }
0x225: {  	[tilespmem:s7+$0xFFFFFE00] =	vst v4;
	v3 =	vshll.u32 v2, $0x10  }
0x226: {  	v4 =	vld [tilespmem:s9+$0x40];
	v2 =	vand.u32 $0xFFFF0000, v2;
	[tilespmem:s7+$0x190] =	vst v3  }
0x227: {  	v3 =	vand.u32 $0xFFFF0000, v6;
	[tilespmem:s7+$0x1D0] =	vst v2  }
0x228: {  	v2 =	vand.u32 $0xFFFF0000, v5;
	[tilespmem:s7+$0xFFFFFE40] =	vst v3;
	v3 =	vld [tilespmem:s9+$0xE0]  }
0x229: {  	v5 =	vshll.u32 v1, $0x10;
	[tilespmem:s7+$0xFFFFFFC0] =	vst v2  }
0x22a: {  	v1 =	vand.u32 $0xFFFF0000, v1;
	v2 =	vld [tilespmem:s9+$0x80];
	[tilespmem:s7+$0x0] =	vst v5  }
0x22b: {  	v5 =	vshll.u32 v4, $0x10;
	[tilespmem:s7+$0x40] =	vst v1;
	v1 =	vand.u32 $0xFFFF0000, v4;
	v4 =	vld [tilespmem:s9+$0xFFFFFF10]  }
0x22c: {  	[tilespmem:s7+$0x80] =	vst v5  }
0x22d: {  	[tilespmem:s7+$0xC0] =	vst v1;
	v1 =	vshll.u32 v3, $0x10  }
0x22e: {  	v5 =	vld [tilespmem:s9+$0xFFFFFF50];
	[tilespmem:s7+$0x1A0] =	vst v1;
	v1 =	vand.u32 $0xFFFF0000, v3  }
0x22f: {  	v3 =	vshll.u32 v2, $0x10;
	[tilespmem:s7+$0x1E0] =	vst v1  }
0x230: {  	v6 =	vshll.u32 v4, $0x10;
	[tilespmem:s7+$0x100] =	vst v3;
	v3 =	vld [tilespmem:s9+$0xFFFFFF90]  }
0x231: {  	v1 =	vand.u32 $0xFFFF0000, v2;
	[tilespmem:s7+$0xFFFFFE10] =	vst v6;
	v2 =	vld [tilespmem:s9+$0xF0]  }
0x232: {  	v6 =	vld [tilespmem:s9+$0xFFFFFFD0];
	[tilespmem:s7+$0x140] =	vst v1;
	v1 =	vand.u32 $0xFFFF0000, v4  }
0x233: {  	v4 =	vshll.u32 v5, $0x10;
	[tilespmem:s7+$0xFFFFFE50] =	vst v1  }
0x234: {  	v1 =	vand.u32 $0xFFFF0000, v5;
	[tilespmem:s7+$0xFFFFFE90] =	vst v4;
	v4 =	vld [tilespmem:s9+$0x10]  }
0x235: {  	[tilespmem:s7+$0xFFFFFED0] =	vst v1;
	v5 =	vshll.u32 v3, $0x10  }
0x236: {  	v1 =	vand.u32 $0xFFFF0000, v2;
	[tilespmem:s7+$0xFFFFFF10] =	vst v5  }
0x237: {  	v5 =	vshll.u32 v6, $0x10;
	[tilespmem:s7+$0x1F0] =	vst v1;
	v1 =	vand.u32 $0xFFFF0000, v3;
	v3 =	vld [tilespmem:s9+$0x50]  }
0x238: {  	[tilespmem:s7+$0xFFFFFF90] =	vst v5  }
0x239: {  	v5 =	vshll.u32 v4, $0x10;
	[tilespmem:s7+$0xFFFFFF50] =	vst v1;
	v1 =	vand.u32 $0xFFFF0000, v6;
	v6 =	vld [tilespmem:s9+$0x90]  }
0x23a: {  	[tilespmem:s7+$0x10] =	vst v5  }
0x23b: {  	[tilespmem:s7+$0xFFFFFFD0] =	vst v1;
	v1 =	vand.u32 $0xFFFF0000, v4;
	v4 =	vld [tilespmem:s9+$0xFFFFFF20]  }
0x23c: {  	[tilespmem:s7+$0x50] =	vst v1;
	v5 =	vshll.u32 v3, $0x10  }
0x23d: {  	v1 =	vand.u32 $0xFFFF0000, v3;
	v3 =	vld [tilespmem:s9+$0xFFFFFF60];
	[tilespmem:s7+$0x90] =	vst v5  }
0x23e: {  	v5 =	vshll.u32 v6, $0x10;
	[tilespmem:s7+$0xD0] =	vst v1  }
0x23f: {  	v1 =	vand.u32 $0xFFFF0000, v6;
	v6 =	vld [tilespmem:s9+$0xFFFFFFA0];
	[tilespmem:s7+$0x110] =	vst v5  }
0x240: {  	v5 =	vshll.u32 v4, $0x10;
	[tilespmem:s7+$0x150] =	vst v1  }
0x241: {  	v1 =	vand.u32 $0xFFFF0000, v4;
	v4 =	vld [tilespmem:s9+$0xFFFFFFE0];
	[tilespmem:s7+$0xFFFFFE20] =	vst v5  }
0x242: {  	[tilespmem:s7+$0xFFFFFE60] =	vst v1;
	v5 =	vshll.u32 v3, $0x10  }
0x243: {  	v1 =	vand.u32 $0xFFFF0000, v3;
	v3 =	vld [tilespmem:s9+$0x20];
	[tilespmem:s7+$0xFFFFFEA0] =	vst v5  }
0x244: {  	v5 =	vshll.u32 v6, $0x10;
	[tilespmem:s7+$0xFFFFFEE0] =	vst v1  }
0x245: {  	v1 =	vand.u32 $0xFFFF0000, v6;
	v6 =	vld [tilespmem:s9+$0x60];
	[tilespmem:s7+$0xFFFFFF20] =	vst v5  }
0x246: {  	v5 =	vshll.u32 v4, $0x10;
	[tilespmem:s7+$0xFFFFFF60] =	vst v1  }
0x247: {  	v1 =	vand.u32 $0xFFFF0000, v4;
	v4 =	vld [tilespmem:s9+$0xA0];
	[tilespmem:s7+$0xFFFFFFA0] =	vst v5  }
0x248: {  	[tilespmem:s7+$0xFFFFFFE0] =	vst v1;
	v5 =	vshll.u32 v3, $0x10  }
0x249: {  	v1 =	vand.u32 $0xFFFF0000, v3;
	v3 =	vld [tilespmem:s9+$0xFFFFFF30];
	[tilespmem:s7+$0x20] =	vst v5  }
0x24a: {  	v5 =	vshll.u32 v6, $0x10;
	[tilespmem:s7+$0x60] =	vst v1  }
0x24b: {  	v1 =	vand.u32 $0xFFFF0000, v6;
	v6 =	vld [tilespmem:s9+$0xFFFFFF70];
	[tilespmem:s7+$0xA0] =	vst v5  }
0x24c: {  	v5 =	vshll.u32 v4, $0x10;
	[tilespmem:s7+$0xE0] =	vst v1  }
0x24d: {  	v1 =	vand.u32 $0xFFFF0000, v4;
	v4 =	vld [tilespmem:s9+$0xFFFFFFB0];
	[tilespmem:s7+$0x120] =	vst v5  }
0x24e: {  	[tilespmem:s7+$0x160] =	vst v1;
	v5 =	vshll.u32 v3, $0x10  }
0x24f: {  	v7 =	vld [tilespmem:s9+$0x30];
	v1 =	vand.u32 $0xFFFF0000, v3;
	[tilespmem:s7+$0xFFFFFE30] =	vst v5  }
0x250: {  	v3 =	vld [tilespmem:s9+$0xFFFFFFF0];
	v5 =	vshll.u32 v6, $0x10;
	[tilespmem:s7+$0xFFFFFE70] =	vst v1  }
0x251: {  	v1 =	vand.u32 $0xFFFF0000, v6;
	v6 =	vld [tilespmem:s9+$0x70];
	[tilespmem:s7+$0xFFFFFEB0] =	vst v5  }
0x252: {  	v8 =	vld [tilespmem:s9+$0xB0];
	v5 =	vshll.u32 v4, $0x10;
	[tilespmem:s7+$0xFFFFFEF0] =	vst v1  }
0x253: {  	v1 =	vand.u32 $0xFFFF0000, v4;
	[tilespmem:s7+$0xFFFFFF30] =	vst v5  }
0x254: {  	v9 =	vshll.u32 v7, $0x10;
	[tilespmem:s7+$0xFFFFFF70] =	vst v1  }
0x255: {  	v1 =	vshll.u32 v2, $0x10;
	[tilespmem:s7+$0x30] =	vst v9;
	v4 =	vshll.u32 v3, $0x10  }
0x256: {  	v2 =	vand.u32 $0xFFFF0000, v7;
	v3 =	vand.u32 $0xFFFF0000, v3;
	[tilespmem:s7+$0xFFFFFFB0] =	vst v4;
	v4 =	vshll.u32 v6, $0x10  }
0x257: {  	s6 =	sadd.s32 $0x1, s6;
	s8 =	simm.s32 $0x0;
	s9 =	simm.s32 $0x6C00;
	[tilespmem:s7+$0xFFFFFFF0] =	vst v3;
	v5 =	vand.u32 $0xFFFF0000, v6;
	v6 =	vshll.u32 v8, $0x10;
	v3 =	vand.u32 $0xFFFF0000, v8  }
.LBB2_8:
0x258: {  	v7 =	vld [tilespmem:s9+$0xC0];
	[tilespmem:s7+$0x70] =	vst v2  }
0x259: {  	v2 =	vld [tilespmem:s9+$0xFFFFFF40];
	[tilespmem:s7+$0xB0] =	vst v4  }
0x25a: {  	v4 =	vld [tilespmem:s9+$0xFFFFFF80];
	[tilespmem:s7+$0xF0] =	vst v5  }
0x25b: {  	s8 =	sadd.s32 $0x8, s8;
	v5 =	vld [tilespmem:s9+$0xFFFFFFC0];
	[tilespmem:s7+$0x130] =	vst v6  }
0x25c: {  	p1 =	slt.u32 s8, $0x58;
	v6 =	vld [tilespmem:s9+$0x0];
	[tilespmem:s7+$0x170] =	vst v3  }
0x25d: {  	v3 =	vld [tilespmem:s9+$0x40];
	v8 =	vshll.u32 v7, $0x10;
	[tilespmem:s7+$0x1B0] =	vst v1;
	s7 =	sadd.s32 $0x400, s7  }
0x25e: {  	v7 =	vand.u32 $0xFFFF0000, v7;
	v1 =	vshll.u32 v2, $0x10;
	v2 =	vand.u32 $0xFFFF0000, v2;
	v9 =	vld [tilespmem:s9+$0x80];
	[tilespmem:s7+$0x180] =	vst v8  }
0x25f: {  	v8 =	vld [tilespmem:s9+$0xFFFFFF00];
	v10 =	vshll.u32 v4, $0x10;
	v4 =	vand.u32 $0xFFFF0000, v4;
	[tilespmem:s7+$0x1C0] =	vst v7  }
0x260: {  	[tilespmem:s7+$0xFFFFFE80] =	vst v1;
	v1 =	vshll.u32 v5, $0x10;
	v5 =	vand.u32 $0xFFFF0000, v5;
	v7 =	vld [tilespmem:s9+$0xD0]  }
0x261: {  	[tilespmem:s7+$0xFFFFFEC0] =	vst v2;
	v2 =	vshll.u32 v6, $0x10;
	v6 =	vand.u32 $0xFFFF0000, v6  }
0x262: {  	v11 =	vld [tilespmem:s9+$0xFFFFFF50];
	[tilespmem:s7+$0xFFFFFF00] =	vst v10;
	v10 =	vshll.u32 v3, $0x10;
	v3 =	vand.u32 $0xFFFF0000, v3  }
0x263: {  	[tilespmem:s7+$0xFFFFFF40] =	vst v4;
	v4 =	vshll.u32 v9, $0x10;
	v9 =	vand.u32 $0xFFFF0000, v9  }
0x264: {  	v12 =	vshll.u32 v8, $0x10;
	v8 =	vand.u32 $0xFFFF0000, v8;
	v13 =	vld [tilespmem:s9+$0xFFFFFF90];
	[tilespmem:s7+$0xFFFFFF80] =	vst v1  }
0x265: {  	[tilespmem:s7+$0xFFFFFE00] =	vst v12;
	v1 =	vshll.u32 v7, $0x10  }
0x266: {  	[tilespmem:s7+$0x190] =	vst v1;
	v1 =	vand.u32 $0xFFFF0000, v7  }
0x267: {  	v7 =	vshll.u32 v11, $0x10;
	v11 =	vand.u32 $0xFFFF0000, v11;
	[tilespmem:s7+$0x1D0] =	vst v1  }
0x268: {  	[tilespmem:s7+$0xFFFFFE40] =	vst v8;
	v1 =	vld [tilespmem:s9+$0xE0]  }
0x269: {  	v8 =	vld [tilespmem:s9+$0xFFFFFF10];
	v12 =	vshll.u32 v13, $0x10;
	v13 =	vand.u32 $0xFFFF0000, v13;
	[tilespmem:s7+$0xFFFFFFC0] =	vst v5  }
0x26a: {  	v5 =	vld [tilespmem:s9+$0xFFFFFFD0];
	[tilespmem:s7+$0x0] =	vst v2  }
0x26b: {  	[tilespmem:s7+$0x40] =	vst v6  }
0x26c: {  	v2 =	vld [tilespmem:s9+$0x10];
	[tilespmem:s7+$0x80] =	vst v10  }
0x26d: {  	[tilespmem:s7+$0xC0] =	vst v3;
	v3 =	vshll.u32 v1, $0x10  }
0x26e: {  	v1 =	vand.u32 $0xFFFF0000, v1;
	v6 =	vshll.u32 v8, $0x10;
	v8 =	vand.u32 $0xFFFF0000, v8;
	v10 =	vld [tilespmem:s9+$0x50];
	[tilespmem:s7+$0x1A0] =	vst v3  }
0x26f: {  	v3 =	vshll.u32 v5, $0x10;
	v5 =	vand.u32 $0xFFFF0000, v5;
	[tilespmem:s7+$0x1E0] =	vst v1  }
0x270: {  	[tilespmem:s7+$0x100] =	vst v4;
	v4 =	vld [tilespmem:s9+$0xF0]  }
0x271: {  	v14 =	vshll.u32 v2, $0x10;
	v2 =	vand.u32 $0xFFFF0000, v2;
	[tilespmem:s7+$0x140] =	vst v9  }
0x272: {  	[tilespmem:s7+$0xFFFFFE10] =	vst v6;
	v6 =	vld [tilespmem:s9+$0x90]  }
0x273: {  	[tilespmem:s7+$0xFFFFFE50] =	vst v8;
	v8 =	vshll.u32 v10, $0x10;
	v9 =	vand.u32 $0xFFFF0000, v10  }
0x274: {  	v10 =	vld [tilespmem:s9+$0xFFFFFF20];
	[tilespmem:s7+$0xFFFFFE90] =	vst v7  }
0x275: {  	[tilespmem:s7+$0xFFFFFED0] =	vst v11;
	v1 =	vshll.u32 v4, $0x10;
	v4 =	vand.u32 $0xFFFF0000, v4  }
0x276: {  	v7 =	vld [tilespmem:s9+$0xFFFFFF60];
	[tilespmem:s7+$0x1F0] =	vst v4  }
0x277: {  	[tilespmem:s7+$0xFFFFFF10] =	vst v12;
	v4 =	vshll.u32 v6, $0x10;
	v6 =	vand.u32 $0xFFFF0000, v6  }
0x278: {  	[tilespmem:s7+$0xFFFFFF50] =	vst v13  }
0x279: {  	v11 =	vshll.u32 v10, $0x10;
	v10 =	vand.u32 $0xFFFF0000, v10;
	v12 =	vld [tilespmem:s9+$0xFFFFFFA0];
	[tilespmem:s7+$0xFFFFFF90] =	vst v3  }
0x27a: {  	[tilespmem:s7+$0xFFFFFFD0] =	vst v5  }
0x27b: {  	v3 =	vshll.u32 v7, $0x10;
	v5 =	vand.u32 $0xFFFF0000, v7;
	v7 =	vld [tilespmem:s9+$0xFFFFFFE0];
	[tilespmem:s7+$0x10] =	vst v14  }
0x27c: {  	[tilespmem:s7+$0x50] =	vst v2  }
0x27d: {  	v2 =	vld [tilespmem:s9+$0x20];
	[tilespmem:s7+$0x90] =	vst v8  }
0x27e: {  	v8 =	vshll.u32 v12, $0x10;
	v12 =	vand.u32 $0xFFFF0000, v12;
	[tilespmem:s7+$0xD0] =	vst v9  }
0x27f: {  	v9 =	vld [tilespmem:s9+$0x60];
	[tilespmem:s7+$0x110] =	vst v4  }
0x280: {  	v4 =	vshll.u32 v7, $0x10;
	v7 =	vand.u32 $0xFFFF0000, v7;
	[tilespmem:s7+$0x150] =	vst v6  }
0x281: {  	[tilespmem:s7+$0xFFFFFE20] =	vst v11;
	v6 =	vld [tilespmem:s9+$0xA0]  }
0x282: {  	[tilespmem:s7+$0xFFFFFE60] =	vst v10;
	v10 =	vshll.u32 v2, $0x10;
	v2 =	vand.u32 $0xFFFF0000, v2  }
0x283: {  	v11 =	vld [tilespmem:s9+$0xFFFFFF30];
	[tilespmem:s7+$0xFFFFFEA0] =	vst v3  }
0x284: {  	[tilespmem:s7+$0xFFFFFEE0] =	vst v5;
	v3 =	vshll.u32 v9, $0x10;
	v5 =	vand.u32 $0xFFFF0000, v9  }
0x285: {  	v9 =	vld [tilespmem:s9+$0xFFFFFF70];
	[tilespmem:s7+$0xFFFFFF20] =	vst v8  }
0x286: {  	[tilespmem:s7+$0xFFFFFF60] =	vst v12;
	v8 =	vshll.u32 v6, $0x10;
	v6 =	vand.u32 $0xFFFF0000, v6  }
0x287: {  	v12 =	vld [tilespmem:s9+$0xFFFFFFB0];
	[tilespmem:s7+$0xFFFFFFA0] =	vst v4  }
0x288: {  	v4 =	vshll.u32 v11, $0x10;
	v11 =	vand.u32 $0xFFFF0000, v11;
	[tilespmem:s7+$0xFFFFFFE0] =	vst v7  }
0x289: {  	v7 =	vld [tilespmem:s9+$0xFFFFFFF0];
	[tilespmem:s7+$0x20] =	vst v10  }
0x28a: {  	v10 =	vshll.u32 v9, $0x10;
	v9 =	vand.u32 $0xFFFF0000, v9;
	[tilespmem:s7+$0x60] =	vst v2  }
0x28b: {  	v2 =	vld [tilespmem:s9+$0x30];
	[tilespmem:s7+$0xA0] =	vst v3  }
0x28c: {  	v3 =	vshll.u32 v12, $0x10;
	v12 =	vand.u32 $0xFFFF0000, v12;
	[tilespmem:s7+$0xE0] =	vst v5  }
0x28d: {  	v5 =	vld [tilespmem:s9+$0x70];
	[tilespmem:s7+$0x120] =	vst v8  }
0x28e: {  	v8 =	vshll.u32 v7, $0x10;
	v7 =	vand.u32 $0xFFFF0000, v7;
	[tilespmem:s7+$0x160] =	vst v6  }
0x28f: {  	[tilespmem:s7+$0xFFFFFE30] =	vst v4;
	v13 =	vld [tilespmem:s9+$0xB0]  }
0x290: {  	[tilespmem:s7+$0xFFFFFE70] =	vst v11;
	v11 =	vshll.u32 v2, $0x10;
	v2 =	vand.u32 $0xFFFF0000, v2  }
0x291: {  	[tilespmem:s7+$0xFFFFFEB0] =	vst v10  }
0x292: {  	[tilespmem:s7+$0xFFFFFEF0] =	vst v9;
	v4 =	vshll.u32 v5, $0x10;
	v5 =	vand.u32 $0xFFFF0000, v5  }
.Ltmp9:
0x293: {  	[tilespmem:s7+$0xFFFFFF30] =	vst v3;
	(pc) =	sbr.rel @p1 .LBB2_8-.Ltmp9, $4  }
0x294: {  	[tilespmem:s7+$0xFFFFFF70] =	vst v12;
	v6 =	vshll.u32 v13, $0x10;
	v3 =	vand.u32 $0xFFFF0000, v13  }
0x295: {  	[tilespmem:s7+$0xFFFFFFB0] =	vst v8  }
0x296: {  	[tilespmem:s7+$0xFFFFFFF0] =	vst v7  }
0x297: {  	s9 =	sadd.s32 $0x200, s9;
	[tilespmem:s7+$0x30] =	vst v11  }
0x298: {  	[tilespmem:s7+$0x70] =	vst v2  }
0x299: {  	[tilespmem:s7+$0xB0] =	vst v4  }
0x29a: {  	[tilespmem:s7+$0xF0] =	vst v5  }
0x29b: {  	[tilespmem:s7+$0x130] =	vst v6  }
0x29c: {  	[tilespmem:s7+$0x170] =	vst v3;
	p1 =	sne.s32 s6, $0x36  }
.Ltmp10:
0x29d: {  	[tilespmem:s7+$0x1B0] =	vst v1;
	s0 =	sadd.s32 $0x2880, s0;
	(pc) =	sbr.rel @p1 .LBB2_5-.Ltmp10, $4  }
0x29e: {  	[spmem:s3] =	stream.indirect.scatter.add.f32 [tilespmem:s23], [sflag:$0x3], $0x80, s0, s26, $0xb8;
	[tilespmem:$0x1F100] =	vst v63  }
0x29f: {  	_ =	swait.ge [sflag:s24], $0x3000  }
0x2a0: {  	[sflag:s24] =	ssyncset.done $0x0  }
0x2a1: {  	[sflag:s24] =	ssyncadd.s32 $0xFFFFD000  }
0x2a2: {  	s6 =	simm.s32 $0x0;
	s0 =	rddreg [dreg:$0x6]  }
0x2a3: {  	[tilespmem:s6], [sflag:$0x3] =	stream.linear.gather [hbm4b:s0+s6], $0x300, $0x38;
	[tilespmem:$0x1F100] =	vst v63  }
0x2a4: {  	_ =	swait.ge [sflag:s24], $0x300  }
0x2a5: {  	[sflag:s24] =	ssyncset.done $0x0  }
0x2a6: {  	s9 =	rddreg [dreg:$0x7];
	[sflag:s24] =	ssyncadd.s32 $0xFFFFFD00  }
0x2a7: {  	[tilespmem:s25], [sflag:$0x3] =	stream.linear.gather [hbm4b:s9+s6], $0x300, $0x38;
	[tilespmem:$0x1F100] =	vst v63  }
0x2a8: {  	_ =	swait.ge [sflag:s24], $0x300  }
0x2a9: {  	[sflag:s24] =	ssyncset.done $0x0  }
0x2aa: {  	[sflag:s24] =	ssyncadd.s32 $0xFFFFFD00  }
0x2ab: {  	[tilespmem:s28], [sflag:$0x1] =	stream.indirect.gather [hbm4b:s2+s26], $0x40, s6, s26, $0xb8;
	[tilespmem:$0x1F100] =	vst v63  }
.LBB2_11:
0x2ac: {  	s0 =	smul.u32 $0xC0, s6;
	_ =	sdelay $0x1  }
0x2ad: {  	s0 =	sadd.s32 $0x60, s0  }
0x2ae: {  	[tilespmem:s29], [sflag:$0x2] =	stream.indirect.gather [hbm4b:s2+s26], $0x40, s0, s26, $0xb8;
	[tilespmem:$0x1F100] =	vst v63  }
0x2af: {  	_ =	swait.ge [sflag:s30], $0x1800  }
0x2b0: {  	[sflag:s30] =	ssyncset.done $0x0  }
0x2b1: {  	s8 =	simm.s32 $0x5200;
	[sflag:s30] =	ssyncadd.s32 $0xFFFFE800  }
0x2b2: {  	v1 =	vld [tilespmem:s8+$0xC0];
	_ =	sdelay $0x1  }
0x2b3: {  	v2 =	vld [tilespmem:s8+$0xFFFFFF40];
	_ =	sdelay $0x1  }
0x2b4: {  	v3 =	vld [tilespmem:s8+$0xFFFFFF80]  }
0x2b5: {  	s7 =	simm.s32 $0x8300;
	v4 =	vshll.u32 v1, $0x10  }
0x2b6: {  	v5 =	vld [tilespmem:s8+$0xFFFFFFC0];
	v1 =	vand.u32 $0xFFFF0000, v1;
	[tilespmem:s7+$0x180] =	vst v4  }
0x2b7: {  	v6 =	vld [tilespmem:s8+$0xFFFFFF00];
	v4 =	vshll.u32 v2, $0x10;
	[tilespmem:s7+$0x1C0] =	vst v1  }
0x2b8: {  	v1 =	vand.u32 $0xFFFF0000, v2;
	[tilespmem:s7+$0xFFFFFE80] =	vst v4;
	v2 =	vld [tilespmem:s8+$0xD0]  }
0x2b9: {  	v4 =	vshll.u32 v3, $0x10;
	[tilespmem:s7+$0xFFFFFEC0] =	vst v1  }
0x2ba: {  	v1 =	vand.u32 $0xFFFF0000, v3;
	[tilespmem:s7+$0xFFFFFF00] =	vst v4  }
0x2bb: {  	v3 =	vshll.u32 v5, $0x10;
	[tilespmem:s7+$0xFFFFFF40] =	vst v1  }
0x2bc: {  	v1 =	vld [tilespmem:s8+$0x0];
	v4 =	vshll.u32 v6, $0x10;
	[tilespmem:s7+$0xFFFFFF80] =	vst v3  }
0x2bd: {  	[tilespmem:s7+$0xFFFFFE00] =	vst v4;
	v3 =	vshll.u32 v2, $0x10  }
0x2be: {  	v4 =	vld [tilespmem:s8+$0x40];
	v2 =	vand.u32 $0xFFFF0000, v2;
	[tilespmem:s7+$0x190] =	vst v3  }
0x2bf: {  	v3 =	vand.u32 $0xFFFF0000, v6;
	[tilespmem:s7+$0x1D0] =	vst v2  }
0x2c0: {  	v2 =	vand.u32 $0xFFFF0000, v5;
	[tilespmem:s7+$0xFFFFFE40] =	vst v3;
	v3 =	vld [tilespmem:s8+$0xE0]  }
0x2c1: {  	v5 =	vshll.u32 v1, $0x10;
	[tilespmem:s7+$0xFFFFFFC0] =	vst v2  }
0x2c2: {  	v1 =	vand.u32 $0xFFFF0000, v1;
	v2 =	vld [tilespmem:s8+$0x80];
	[tilespmem:s7+$0x0] =	vst v5  }
0x2c3: {  	v5 =	vshll.u32 v4, $0x10;
	[tilespmem:s7+$0x40] =	vst v1;
	v1 =	vand.u32 $0xFFFF0000, v4;
	v4 =	vld [tilespmem:s8+$0xFFFFFF10]  }
0x2c4: {  	[tilespmem:s7+$0x80] =	vst v5  }
0x2c5: {  	[tilespmem:s7+$0xC0] =	vst v1;
	v1 =	vshll.u32 v3, $0x10  }
0x2c6: {  	v5 =	vld [tilespmem:s8+$0xFFFFFF50];
	[tilespmem:s7+$0x1A0] =	vst v1;
	v1 =	vand.u32 $0xFFFF0000, v3  }
0x2c7: {  	v3 =	vshll.u32 v2, $0x10;
	[tilespmem:s7+$0x1E0] =	vst v1  }
0x2c8: {  	v6 =	vshll.u32 v4, $0x10;
	[tilespmem:s7+$0x100] =	vst v3;
	v3 =	vld [tilespmem:s8+$0xFFFFFF90]  }
0x2c9: {  	v1 =	vand.u32 $0xFFFF0000, v2;
	[tilespmem:s7+$0xFFFFFE10] =	vst v6;
	v2 =	vld [tilespmem:s8+$0xF0]  }
0x2ca: {  	v6 =	vld [tilespmem:s8+$0xFFFFFFD0];
	[tilespmem:s7+$0x140] =	vst v1;
	v1 =	vand.u32 $0xFFFF0000, v4  }
0x2cb: {  	v4 =	vshll.u32 v5, $0x10;
	[tilespmem:s7+$0xFFFFFE50] =	vst v1  }
0x2cc: {  	v1 =	vand.u32 $0xFFFF0000, v5;
	[tilespmem:s7+$0xFFFFFE90] =	vst v4;
	v4 =	vld [tilespmem:s8+$0x10]  }
0x2cd: {  	[tilespmem:s7+$0xFFFFFED0] =	vst v1;
	v5 =	vshll.u32 v3, $0x10  }
0x2ce: {  	v1 =	vand.u32 $0xFFFF0000, v2;
	[tilespmem:s7+$0xFFFFFF10] =	vst v5  }
0x2cf: {  	v5 =	vshll.u32 v6, $0x10;
	[tilespmem:s7+$0x1F0] =	vst v1;
	v1 =	vand.u32 $0xFFFF0000, v3;
	v3 =	vld [tilespmem:s8+$0x50]  }
0x2d0: {  	[tilespmem:s7+$0xFFFFFF90] =	vst v5  }
0x2d1: {  	v5 =	vshll.u32 v4, $0x10;
	[tilespmem:s7+$0xFFFFFF50] =	vst v1;
	v1 =	vand.u32 $0xFFFF0000, v6;
	v6 =	vld [tilespmem:s8+$0x90]  }
0x2d2: {  	[tilespmem:s7+$0x10] =	vst v5  }
0x2d3: {  	[tilespmem:s7+$0xFFFFFFD0] =	vst v1;
	v1 =	vand.u32 $0xFFFF0000, v4;
	v4 =	vld [tilespmem:s8+$0xFFFFFF20]  }
0x2d4: {  	[tilespmem:s7+$0x50] =	vst v1;
	v5 =	vshll.u32 v3, $0x10  }
0x2d5: {  	v1 =	vand.u32 $0xFFFF0000, v3;
	v3 =	vld [tilespmem:s8+$0xFFFFFF60];
	[tilespmem:s7+$0x90] =	vst v5  }
0x2d6: {  	v5 =	vshll.u32 v6, $0x10;
	[tilespmem:s7+$0xD0] =	vst v1  }
0x2d7: {  	v1 =	vand.u32 $0xFFFF0000, v6;
	v6 =	vld [tilespmem:s8+$0xFFFFFFA0];
	[tilespmem:s7+$0x110] =	vst v5  }
0x2d8: {  	v5 =	vshll.u32 v4, $0x10;
	[tilespmem:s7+$0x150] =	vst v1  }
0x2d9: {  	v1 =	vand.u32 $0xFFFF0000, v4;
	v4 =	vld [tilespmem:s8+$0xFFFFFFE0];
	[tilespmem:s7+$0xFFFFFE20] =	vst v5  }
0x2da: {  	[tilespmem:s7+$0xFFFFFE60] =	vst v1;
	v5 =	vshll.u32 v3, $0x10  }
0x2db: {  	v1 =	vand.u32 $0xFFFF0000, v3;
	v3 =	vld [tilespmem:s8+$0x20];
	[tilespmem:s7+$0xFFFFFEA0] =	vst v5  }
0x2dc: {  	v5 =	vshll.u32 v6, $0x10;
	[tilespmem:s7+$0xFFFFFEE0] =	vst v1  }
0x2dd: {  	v1 =	vand.u32 $0xFFFF0000, v6;
	v6 =	vld [tilespmem:s8+$0x60];
	[tilespmem:s7+$0xFFFFFF20] =	vst v5  }
0x2de: {  	v5 =	vshll.u32 v4, $0x10;
	[tilespmem:s7+$0xFFFFFF60] =	vst v1  }
0x2df: {  	v1 =	vand.u32 $0xFFFF0000, v4;
	v4 =	vld [tilespmem:s8+$0xA0];
	[tilespmem:s7+$0xFFFFFFA0] =	vst v5  }
0x2e0: {  	[tilespmem:s7+$0xFFFFFFE0] =	vst v1;
	v5 =	vshll.u32 v3, $0x10  }
0x2e1: {  	v1 =	vand.u32 $0xFFFF0000, v3;
	v3 =	vld [tilespmem:s8+$0xFFFFFF30];
	[tilespmem:s7+$0x20] =	vst v5  }
0x2e2: {  	v5 =	vshll.u32 v6, $0x10;
	[tilespmem:s7+$0x60] =	vst v1  }
0x2e3: {  	v1 =	vand.u32 $0xFFFF0000, v6;
	v6 =	vld [tilespmem:s8+$0xFFFFFF70];
	[tilespmem:s7+$0xA0] =	vst v5  }
0x2e4: {  	v5 =	vshll.u32 v4, $0x10;
	[tilespmem:s7+$0xE0] =	vst v1  }
0x2e5: {  	v1 =	vand.u32 $0xFFFF0000, v4;
	v4 =	vld [tilespmem:s8+$0xFFFFFFB0];
	[tilespmem:s7+$0x120] =	vst v5  }
0x2e6: {  	[tilespmem:s7+$0x160] =	vst v1;
	v5 =	vshll.u32 v3, $0x10  }
0x2e7: {  	v7 =	vld [tilespmem:s8+$0x30];
	v1 =	vand.u32 $0xFFFF0000, v3;
	[tilespmem:s7+$0xFFFFFE30] =	vst v5  }
0x2e8: {  	v3 =	vld [tilespmem:s8+$0xFFFFFFF0];
	v5 =	vshll.u32 v6, $0x10;
	[tilespmem:s7+$0xFFFFFE70] =	vst v1  }
0x2e9: {  	v1 =	vand.u32 $0xFFFF0000, v6;
	v6 =	vld [tilespmem:s8+$0x70];
	[tilespmem:s7+$0xFFFFFEB0] =	vst v5  }
0x2ea: {  	v8 =	vld [tilespmem:s8+$0xB0];
	v5 =	vshll.u32 v4, $0x10;
	[tilespmem:s7+$0xFFFFFEF0] =	vst v1  }
0x2eb: {  	v1 =	vand.u32 $0xFFFF0000, v4;
	[tilespmem:s7+$0xFFFFFF30] =	vst v5  }
0x2ec: {  	v9 =	vshll.u32 v7, $0x10;
	[tilespmem:s7+$0xFFFFFF70] =	vst v1  }
0x2ed: {  	v1 =	vshll.u32 v2, $0x10;
	[tilespmem:s7+$0x30] =	vst v9;
	v4 =	vshll.u32 v3, $0x10  }
0x2ee: {  	v2 =	vand.u32 $0xFFFF0000, v3;
	v3 =	vand.u32 $0xFFFF0000, v7;
	[tilespmem:s7+$0xFFFFFFB0] =	vst v4;
	v4 =	vshll.u32 v6, $0x10  }
0x2ef: {  	s9 =	simm.s32 $0x5400;
	s8 =	simm.s32 $0x0;
	[tilespmem:s7+$0xFFFFFFF0] =	vst v2;
	v5 =	vand.u32 $0xFFFF0000, v6;
	v6 =	vshll.u32 v8, $0x10;
	v2 =	vand.u32 $0xFFFF0000, v8  }
.LBB2_12:
0x2f0: {  	v7 =	vld [tilespmem:s9+$0xC0];
	[tilespmem:s7+$0x70] =	vst v3  }
0x2f1: {  	v3 =	vld [tilespmem:s9+$0xFFFFFF40];
	[tilespmem:s7+$0xB0] =	vst v4  }
0x2f2: {  	v4 =	vld [tilespmem:s9+$0xFFFFFF80];
	[tilespmem:s7+$0xF0] =	vst v5  }
0x2f3: {  	s8 =	sadd.s32 $0x8, s8;
	v5 =	vld [tilespmem:s9+$0xFFFFFFC0];
	[tilespmem:s7+$0x130] =	vst v6  }
0x2f4: {  	p1 =	slt.u32 s8, $0x58;
	v6 =	vld [tilespmem:s9+$0x0];
	[tilespmem:s7+$0x170] =	vst v2  }
0x2f5: {  	v2 =	vld [tilespmem:s9+$0x40];
	v8 =	vshll.u32 v7, $0x10;
	[tilespmem:s7+$0x1B0] =	vst v1;
	s7 =	sadd.s32 $0x400, s7  }
0x2f6: {  	v7 =	vand.u32 $0xFFFF0000, v7;
	v1 =	vshll.u32 v3, $0x10;
	v3 =	vand.u32 $0xFFFF0000, v3;
	v9 =	vld [tilespmem:s9+$0x80];
	[tilespmem:s7+$0x180] =	vst v8  }
0x2f7: {  	v8 =	vld [tilespmem:s9+$0xFFFFFF00];
	v10 =	vshll.u32 v4, $0x10;
	v4 =	vand.u32 $0xFFFF0000, v4;
	[tilespmem:s7+$0x1C0] =	vst v7  }
0x2f8: {  	[tilespmem:s7+$0xFFFFFE80] =	vst v1;
	v1 =	vshll.u32 v5, $0x10;
	v5 =	vand.u32 $0xFFFF0000, v5;
	v7 =	vld [tilespmem:s9+$0xD0]  }
0x2f9: {  	[tilespmem:s7+$0xFFFFFEC0] =	vst v3;
	v3 =	vshll.u32 v6, $0x10;
	v6 =	vand.u32 $0xFFFF0000, v6  }
0x2fa: {  	v11 =	vld [tilespmem:s9+$0xFFFFFF50];
	[tilespmem:s7+$0xFFFFFF00] =	vst v10;
	v10 =	vshll.u32 v2, $0x10;
	v2 =	vand.u32 $0xFFFF0000, v2  }
0x2fb: {  	[tilespmem:s7+$0xFFFFFF40] =	vst v4;
	v4 =	vshll.u32 v9, $0x10;
	v9 =	vand.u32 $0xFFFF0000, v9  }
0x2fc: {  	v12 =	vshll.u32 v8, $0x10;
	v8 =	vand.u32 $0xFFFF0000, v8;
	v13 =	vld [tilespmem:s9+$0xFFFFFF90];
	[tilespmem:s7+$0xFFFFFF80] =	vst v1  }
0x2fd: {  	[tilespmem:s7+$0xFFFFFE00] =	vst v12;
	v1 =	vshll.u32 v7, $0x10  }
0x2fe: {  	[tilespmem:s7+$0x190] =	vst v1;
	v1 =	vand.u32 $0xFFFF0000, v7  }
0x2ff: {  	v7 =	vshll.u32 v11, $0x10;
	v11 =	vand.u32 $0xFFFF0000, v11;
	[tilespmem:s7+$0x1D0] =	vst v1  }
0x300: {  	[tilespmem:s7+$0xFFFFFE40] =	vst v8;
	v1 =	vld [tilespmem:s9+$0xE0]  }
0x301: {  	v8 =	vld [tilespmem:s9+$0xFFFFFF10];
	v12 =	vshll.u32 v13, $0x10;
	v13 =	vand.u32 $0xFFFF0000, v13;
	[tilespmem:s7+$0xFFFFFFC0] =	vst v5  }
0x302: {  	v5 =	vld [tilespmem:s9+$0xFFFFFFD0];
	[tilespmem:s7+$0x0] =	vst v3  }
0x303: {  	[tilespmem:s7+$0x40] =	vst v6  }
0x304: {  	v3 =	vld [tilespmem:s9+$0x10];
	[tilespmem:s7+$0x80] =	vst v10  }
0x305: {  	[tilespmem:s7+$0xC0] =	vst v2;
	v2 =	vshll.u32 v1, $0x10  }
0x306: {  	v1 =	vand.u32 $0xFFFF0000, v1;
	v6 =	vshll.u32 v8, $0x10;
	v8 =	vand.u32 $0xFFFF0000, v8;
	v10 =	vld [tilespmem:s9+$0x50];
	[tilespmem:s7+$0x1A0] =	vst v2  }
0x307: {  	v2 =	vshll.u32 v5, $0x10;
	v5 =	vand.u32 $0xFFFF0000, v5;
	[tilespmem:s7+$0x1E0] =	vst v1  }
0x308: {  	[tilespmem:s7+$0x100] =	vst v4;
	v4 =	vld [tilespmem:s9+$0xF0]  }
0x309: {  	v14 =	vshll.u32 v3, $0x10;
	v3 =	vand.u32 $0xFFFF0000, v3;
	[tilespmem:s7+$0x140] =	vst v9  }
0x30a: {  	[tilespmem:s7+$0xFFFFFE10] =	vst v6;
	v6 =	vld [tilespmem:s9+$0x90]  }
0x30b: {  	[tilespmem:s7+$0xFFFFFE50] =	vst v8;
	v8 =	vshll.u32 v10, $0x10;
	v9 =	vand.u32 $0xFFFF0000, v10  }
0x30c: {  	v10 =	vld [tilespmem:s9+$0xFFFFFF20];
	[tilespmem:s7+$0xFFFFFE90] =	vst v7  }
0x30d: {  	[tilespmem:s7+$0xFFFFFED0] =	vst v11;
	v1 =	vshll.u32 v4, $0x10;
	v4 =	vand.u32 $0xFFFF0000, v4  }
0x30e: {  	v7 =	vld [tilespmem:s9+$0xFFFFFF60];
	[tilespmem:s7+$0x1F0] =	vst v4  }
0x30f: {  	[tilespmem:s7+$0xFFFFFF10] =	vst v12;
	v4 =	vshll.u32 v6, $0x10;
	v6 =	vand.u32 $0xFFFF0000, v6  }
0x310: {  	[tilespmem:s7+$0xFFFFFF50] =	vst v13  }
0x311: {  	v11 =	vshll.u32 v10, $0x10;
	v10 =	vand.u32 $0xFFFF0000, v10;
	v12 =	vld [tilespmem:s9+$0xFFFFFFA0];
	[tilespmem:s7+$0xFFFFFF90] =	vst v2  }
0x312: {  	[tilespmem:s7+$0xFFFFFFD0] =	vst v5  }
0x313: {  	v2 =	vshll.u32 v7, $0x10;
	v5 =	vand.u32 $0xFFFF0000, v7;
	v7 =	vld [tilespmem:s9+$0xFFFFFFE0];
	[tilespmem:s7+$0x10] =	vst v14  }
0x314: {  	[tilespmem:s7+$0x50] =	vst v3  }
0x315: {  	v3 =	vld [tilespmem:s9+$0x20];
	[tilespmem:s7+$0x90] =	vst v8  }
0x316: {  	v8 =	vshll.u32 v12, $0x10;
	v12 =	vand.u32 $0xFFFF0000, v12;
	[tilespmem:s7+$0xD0] =	vst v9  }
0x317: {  	v9 =	vld [tilespmem:s9+$0x60];
	[tilespmem:s7+$0x110] =	vst v4  }
0x318: {  	v4 =	vshll.u32 v7, $0x10;
	v7 =	vand.u32 $0xFFFF0000, v7;
	[tilespmem:s7+$0x150] =	vst v6  }
0x319: {  	[tilespmem:s7+$0xFFFFFE20] =	vst v11;
	v6 =	vld [tilespmem:s9+$0xA0]  }
0x31a: {  	[tilespmem:s7+$0xFFFFFE60] =	vst v10;
	v10 =	vshll.u32 v3, $0x10;
	v3 =	vand.u32 $0xFFFF0000, v3  }
0x31b: {  	v11 =	vld [tilespmem:s9+$0xFFFFFF30];
	[tilespmem:s7+$0xFFFFFEA0] =	vst v2  }
0x31c: {  	[tilespmem:s7+$0xFFFFFEE0] =	vst v5;
	v2 =	vshll.u32 v9, $0x10;
	v5 =	vand.u32 $0xFFFF0000, v9  }
0x31d: {  	v9 =	vld [tilespmem:s9+$0xFFFFFF70];
	[tilespmem:s7+$0xFFFFFF20] =	vst v8  }
0x31e: {  	[tilespmem:s7+$0xFFFFFF60] =	vst v12;
	v8 =	vshll.u32 v6, $0x10;
	v6 =	vand.u32 $0xFFFF0000, v6  }
0x31f: {  	v12 =	vld [tilespmem:s9+$0xFFFFFFB0];
	[tilespmem:s7+$0xFFFFFFA0] =	vst v4  }
0x320: {  	v4 =	vshll.u32 v11, $0x10;
	v11 =	vand.u32 $0xFFFF0000, v11;
	[tilespmem:s7+$0xFFFFFFE0] =	vst v7  }
0x321: {  	v7 =	vld [tilespmem:s9+$0xFFFFFFF0];
	[tilespmem:s7+$0x20] =	vst v10  }
0x322: {  	v10 =	vshll.u32 v9, $0x10;
	v9 =	vand.u32 $0xFFFF0000, v9;
	[tilespmem:s7+$0x60] =	vst v3  }
0x323: {  	v3 =	vld [tilespmem:s9+$0x30];
	[tilespmem:s7+$0xA0] =	vst v2  }
0x324: {  	v2 =	vshll.u32 v12, $0x10;
	v12 =	vand.u32 $0xFFFF0000, v12;
	[tilespmem:s7+$0xE0] =	vst v5  }
0x325: {  	v5 =	vld [tilespmem:s9+$0x70];
	[tilespmem:s7+$0x120] =	vst v8  }
0x326: {  	v8 =	vshll.u32 v7, $0x10;
	v7 =	vand.u32 $0xFFFF0000, v7;
	[tilespmem:s7+$0x160] =	vst v6  }
0x327: {  	[tilespmem:s7+$0xFFFFFE30] =	vst v4;
	v13 =	vld [tilespmem:s9+$0xB0]  }
0x328: {  	[tilespmem:s7+$0xFFFFFE70] =	vst v11;
	v11 =	vshll.u32 v3, $0x10;
	v3 =	vand.u32 $0xFFFF0000, v3  }
0x329: {  	[tilespmem:s7+$0xFFFFFEB0] =	vst v10  }
0x32a: {  	[tilespmem:s7+$0xFFFFFEF0] =	vst v9;
	v4 =	vshll.u32 v5, $0x10;
	v5 =	vand.u32 $0xFFFF0000, v5  }
.Ltmp11:
0x32b: {  	[tilespmem:s7+$0xFFFFFF30] =	vst v2;
	(pc) =	sbr.rel @p1 .LBB2_12-.Ltmp11, $4  }
0x32c: {  	[tilespmem:s7+$0xFFFFFF70] =	vst v12;
	v6 =	vshll.u32 v13, $0x10;
	v2 =	vand.u32 $0xFFFF0000, v13  }
0x32d: {  	[tilespmem:s7+$0xFFFFFFB0] =	vst v8  }
0x32e: {  	[tilespmem:s7+$0xFFFFFFF0] =	vst v7  }
0x32f: {  	s9 =	sadd.s32 $0x200, s9;
	[tilespmem:s7+$0x30] =	vst v11  }
0x330: {  	[tilespmem:s7+$0x70] =	vst v3  }
0x331: {  	[tilespmem:s7+$0xB0] =	vst v4  }
0x332: {  	[tilespmem:s7+$0xF0] =	vst v5;
	s8 =	smul.u32 $0x300, s6  }
0x333: {  	[tilespmem:s7+$0x130] =	vst v6  }
0x334: {  	[tilespmem:s7+$0x170] =	vst v2;
	s9 =	sshra.s32 s8, $0x2  }
0x335: {  	[tilespmem:s7+$0x1B0] =	vst v1;
	s9 =	sadd.s32 $0x2880, s9  }
0x336: {  	[spmem:s3] =	stream.indirect.scatter.add.f32 [tilespmem:s23], [sflag:$0x3], $0x80, s9, s26, $0xb8;
	[tilespmem:$0x1F100] =	vst v63  }
0x337: {  	p1 =	seq.s32 s6, $0x3;
	_ =	swait.ge [sflag:s24], $0x3000  }
0x338: {  	s7 =	sshra.s32 @!p1 s8, $0x2;
	s8 =	simm.s32 @!p1 $0x60;
	[sflag:s24] =	ssyncset.done $0x0  }
0x339: {  	s7 =	sadd.s32 @!p1 $0xC0, s7;
	s9 =	simm.s32 @!p1 $0x5100;
	[sflag:s24] =	ssyncadd.s32 $0xFFFFD000  }
0x33a: {  	[tilespmem:s9], [sflag:$0x1] =	stream.indirect.gather @!p1 [hbm4b:s2+s8], $0x40, s7, s8, $0xb8;
	[tilespmem:$0x1F100] =	vst v63  }
0x33b: {  	_ =	swait.ge [sflag:s31], $0x1800  }
0x33c: {  	[sflag:s31] =	ssyncset.done $0x0  }
0x33d: {  	s9 =	simm.s32 $0x6A00;
	[sflag:s31] =	ssyncadd.s32 $0xFFFFE800  }
0x33e: {  	v1 =	vld [tilespmem:s9+$0xC0];
	_ =	sdelay $0x1  }
0x33f: {  	v2 =	vld [tilespmem:s9+$0xFFFFFF40];
	_ =	sdelay $0x1  }
0x340: {  	v3 =	vld [tilespmem:s9+$0xFFFFFF80]  }
0x341: {  	s7 =	simm.s32 $0x8300;
	v4 =	vshll.u32 v1, $0x10  }
0x342: {  	v5 =	vld [tilespmem:s9+$0xFFFFFFC0];
	v1 =	vand.u32 $0xFFFF0000, v1;
	[tilespmem:s7+$0x180] =	vst v4  }
0x343: {  	v6 =	vld [tilespmem:s9+$0xFFFFFF00];
	v4 =	vshll.u32 v2, $0x10;
	[tilespmem:s7+$0x1C0] =	vst v1  }
0x344: {  	v1 =	vand.u32 $0xFFFF0000, v2;
	[tilespmem:s7+$0xFFFFFE80] =	vst v4;
	v2 =	vld [tilespmem:s9+$0xD0]  }
0x345: {  	v4 =	vshll.u32 v3, $0x10;
	[tilespmem:s7+$0xFFFFFEC0] =	vst v1  }
0x346: {  	v1 =	vand.u32 $0xFFFF0000, v3;
	[tilespmem:s7+$0xFFFFFF00] =	vst v4  }
0x347: {  	v3 =	vshll.u32 v5, $0x10;
	[tilespmem:s7+$0xFFFFFF40] =	vst v1  }
0x348: {  	v1 =	vld [tilespmem:s9+$0x0];
	v4 =	vshll.u32 v6, $0x10;
	[tilespmem:s7+$0xFFFFFF80] =	vst v3  }
0x349: {  	[tilespmem:s7+$0xFFFFFE00] =	vst v4;
	v3 =	vshll.u32 v2, $0x10  }
0x34a: {  	v4 =	vld [tilespmem:s9+$0x40];
	v2 =	vand.u32 $0xFFFF0000, v2;
	[tilespmem:s7+$0x190] =	vst v3  }
0x34b: {  	v3 =	vand.u32 $0xFFFF0000, v6;
	[tilespmem:s7+$0x1D0] =	vst v2  }
0x34c: {  	v2 =	vand.u32 $0xFFFF0000, v5;
	[tilespmem:s7+$0xFFFFFE40] =	vst v3;
	v3 =	vld [tilespmem:s9+$0xE0]  }
0x34d: {  	v5 =	vshll.u32 v1, $0x10;
	[tilespmem:s7+$0xFFFFFFC0] =	vst v2  }
0x34e: {  	v1 =	vand.u32 $0xFFFF0000, v1;
	v2 =	vld [tilespmem:s9+$0x80];
	[tilespmem:s7+$0x0] =	vst v5  }
0x34f: {  	v5 =	vshll.u32 v4, $0x10;
	[tilespmem:s7+$0x40] =	vst v1;
	v1 =	vand.u32 $0xFFFF0000, v4;
	v4 =	vld [tilespmem:s9+$0xFFFFFF10]  }
0x350: {  	[tilespmem:s7+$0x80] =	vst v5  }
0x351: {  	[tilespmem:s7+$0xC0] =	vst v1;
	v1 =	vshll.u32 v3, $0x10  }
0x352: {  	v5 =	vld [tilespmem:s9+$0xFFFFFF50];
	[tilespmem:s7+$0x1A0] =	vst v1;
	v1 =	vand.u32 $0xFFFF0000, v3  }
0x353: {  	v3 =	vshll.u32 v2, $0x10;
	[tilespmem:s7+$0x1E0] =	vst v1  }
0x354: {  	v6 =	vshll.u32 v4, $0x10;
	[tilespmem:s7+$0x100] =	vst v3;
	v3 =	vld [tilespmem:s9+$0xFFFFFF90]  }
0x355: {  	v1 =	vand.u32 $0xFFFF0000, v2;
	[tilespmem:s7+$0xFFFFFE10] =	vst v6;
	v2 =	vld [tilespmem:s9+$0xF0]  }
0x356: {  	v6 =	vld [tilespmem:s9+$0xFFFFFFD0];
	[tilespmem:s7+$0x140] =	vst v1;
	v1 =	vand.u32 $0xFFFF0000, v4  }
0x357: {  	v4 =	vshll.u32 v5, $0x10;
	[tilespmem:s7+$0xFFFFFE50] =	vst v1  }
0x358: {  	v1 =	vand.u32 $0xFFFF0000, v5;
	[tilespmem:s7+$0xFFFFFE90] =	vst v4;
	v4 =	vld [tilespmem:s9+$0x10]  }
0x359: {  	[tilespmem:s7+$0xFFFFFED0] =	vst v1;
	v5 =	vshll.u32 v3, $0x10  }
0x35a: {  	v1 =	vand.u32 $0xFFFF0000, v2;
	[tilespmem:s7+$0xFFFFFF10] =	vst v5  }
0x35b: {  	v5 =	vshll.u32 v6, $0x10;
	[tilespmem:s7+$0x1F0] =	vst v1;
	v1 =	vand.u32 $0xFFFF0000, v3;
	v3 =	vld [tilespmem:s9+$0x50]  }
0x35c: {  	[tilespmem:s7+$0xFFFFFF90] =	vst v5  }
0x35d: {  	v5 =	vshll.u32 v4, $0x10;
	[tilespmem:s7+$0xFFFFFF50] =	vst v1;
	v1 =	vand.u32 $0xFFFF0000, v6;
	v6 =	vld [tilespmem:s9+$0x90]  }
0x35e: {  	[tilespmem:s7+$0x10] =	vst v5  }
0x35f: {  	[tilespmem:s7+$0xFFFFFFD0] =	vst v1;
	v1 =	vand.u32 $0xFFFF0000, v4;
	v4 =	vld [tilespmem:s9+$0xFFFFFF20]  }
0x360: {  	[tilespmem:s7+$0x50] =	vst v1;
	v5 =	vshll.u32 v3, $0x10  }
0x361: {  	v1 =	vand.u32 $0xFFFF0000, v3;
	v3 =	vld [tilespmem:s9+$0xFFFFFF60];
	[tilespmem:s7+$0x90] =	vst v5  }
0x362: {  	v5 =	vshll.u32 v6, $0x10;
	[tilespmem:s7+$0xD0] =	vst v1  }
0x363: {  	v1 =	vand.u32 $0xFFFF0000, v6;
	v6 =	vld [tilespmem:s9+$0xFFFFFFA0];
	[tilespmem:s7+$0x110] =	vst v5  }
0x364: {  	v5 =	vshll.u32 v4, $0x10;
	[tilespmem:s7+$0x150] =	vst v1  }
0x365: {  	v1 =	vand.u32 $0xFFFF0000, v4;
	v4 =	vld [tilespmem:s9+$0xFFFFFFE0];
	[tilespmem:s7+$0xFFFFFE20] =	vst v5  }
0x366: {  	[tilespmem:s7+$0xFFFFFE60] =	vst v1;
	v5 =	vshll.u32 v3, $0x10  }
0x367: {  	v1 =	vand.u32 $0xFFFF0000, v3;
	v3 =	vld [tilespmem:s9+$0x20];
	[tilespmem:s7+$0xFFFFFEA0] =	vst v5  }
0x368: {  	v5 =	vshll.u32 v6, $0x10;
	[tilespmem:s7+$0xFFFFFEE0] =	vst v1  }
0x369: {  	v1 =	vand.u32 $0xFFFF0000, v6;
	v6 =	vld [tilespmem:s9+$0x60];
	[tilespmem:s7+$0xFFFFFF20] =	vst v5  }
0x36a: {  	v5 =	vshll.u32 v4, $0x10;
	[tilespmem:s7+$0xFFFFFF60] =	vst v1  }
0x36b: {  	v1 =	vand.u32 $0xFFFF0000, v4;
	v4 =	vld [tilespmem:s9+$0xA0];
	[tilespmem:s7+$0xFFFFFFA0] =	vst v5  }
0x36c: {  	[tilespmem:s7+$0xFFFFFFE0] =	vst v1;
	v5 =	vshll.u32 v3, $0x10  }
0x36d: {  	v1 =	vand.u32 $0xFFFF0000, v3;
	v3 =	vld [tilespmem:s9+$0xFFFFFF30];
	[tilespmem:s7+$0x20] =	vst v5  }
0x36e: {  	v5 =	vshll.u32 v6, $0x10;
	[tilespmem:s7+$0x60] =	vst v1  }
0x36f: {  	v1 =	vand.u32 $0xFFFF0000, v6;
	v6 =	vld [tilespmem:s9+$0xFFFFFF70];
	[tilespmem:s7+$0xA0] =	vst v5  }
0x370: {  	v5 =	vshll.u32 v4, $0x10;
	[tilespmem:s7+$0xE0] =	vst v1  }
0x371: {  	v1 =	vand.u32 $0xFFFF0000, v4;
	v4 =	vld [tilespmem:s9+$0xFFFFFFB0];
	[tilespmem:s7+$0x120] =	vst v5  }
0x372: {  	[tilespmem:s7+$0x160] =	vst v1;
	v5 =	vshll.u32 v3, $0x10  }
0x373: {  	v7 =	vld [tilespmem:s9+$0x30];
	v1 =	vand.u32 $0xFFFF0000, v3;
	[tilespmem:s7+$0xFFFFFE30] =	vst v5  }
0x374: {  	v3 =	vld [tilespmem:s9+$0xFFFFFFF0];
	v5 =	vshll.u32 v6, $0x10;
	[tilespmem:s7+$0xFFFFFE70] =	vst v1  }
0x375: {  	v1 =	vand.u32 $0xFFFF0000, v6;
	v6 =	vld [tilespmem:s9+$0x70];
	[tilespmem:s7+$0xFFFFFEB0] =	vst v5  }
0x376: {  	v8 =	vld [tilespmem:s9+$0xB0];
	v5 =	vshll.u32 v4, $0x10;
	[tilespmem:s7+$0xFFFFFEF0] =	vst v1  }
0x377: {  	v1 =	vand.u32 $0xFFFF0000, v4;
	[tilespmem:s7+$0xFFFFFF30] =	vst v5  }
0x378: {  	v9 =	vshll.u32 v7, $0x10;
	[tilespmem:s7+$0xFFFFFF70] =	vst v1  }
0x379: {  	v1 =	vshll.u32 v2, $0x10;
	[tilespmem:s7+$0x30] =	vst v9;
	v4 =	vshll.u32 v3, $0x10  }
0x37a: {  	v2 =	vand.u32 $0xFFFF0000, v7;
	v3 =	vand.u32 $0xFFFF0000, v3;
	[tilespmem:s7+$0xFFFFFFB0] =	vst v4;
	v4 =	vshll.u32 v6, $0x10  }
0x37b: {  	s6 =	sadd.s32 $0x1, s6;
	s8 =	simm.s32 $0x0;
	s9 =	simm.s32 $0x6C00;
	[tilespmem:s7+$0xFFFFFFF0] =	vst v3;
	v5 =	vand.u32 $0xFFFF0000, v6;
	v6 =	vshll.u32 v8, $0x10;
	v3 =	vand.u32 $0xFFFF0000, v8  }
.LBB2_14:
0x37c: {  	v7 =	vld [tilespmem:s9+$0xC0];
	[tilespmem:s7+$0x70] =	vst v2  }
0x37d: {  	v2 =	vld [tilespmem:s9+$0xFFFFFF40];
	[tilespmem:s7+$0xB0] =	vst v4  }
0x37e: {  	v4 =	vld [tilespmem:s9+$0xFFFFFF80];
	[tilespmem:s7+$0xF0] =	vst v5  }
0x37f: {  	s8 =	sadd.s32 $0x8, s8;
	v5 =	vld [tilespmem:s9+$0xFFFFFFC0];
	[tilespmem:s7+$0x130] =	vst v6  }
0x380: {  	p1 =	slt.u32 s8, $0x58;
	v6 =	vld [tilespmem:s9+$0x0];
	[tilespmem:s7+$0x170] =	vst v3  }
0x381: {  	v3 =	vld [tilespmem:s9+$0x40];
	v8 =	vshll.u32 v7, $0x10;
	[tilespmem:s7+$0x1B0] =	vst v1;
	s7 =	sadd.s32 $0x400, s7  }
0x382: {  	v7 =	vand.u32 $0xFFFF0000, v7;
	v1 =	vshll.u32 v2, $0x10;
	v2 =	vand.u32 $0xFFFF0000, v2;
	v9 =	vld [tilespmem:s9+$0x80];
	[tilespmem:s7+$0x180] =	vst v8  }
0x383: {  	v8 =	vld [tilespmem:s9+$0xFFFFFF00];
	v10 =	vshll.u32 v4, $0x10;
	v4 =	vand.u32 $0xFFFF0000, v4;
	[tilespmem:s7+$0x1C0] =	vst v7  }
0x384: {  	[tilespmem:s7+$0xFFFFFE80] =	vst v1;
	v1 =	vshll.u32 v5, $0x10;
	v5 =	vand.u32 $0xFFFF0000, v5;
	v7 =	vld [tilespmem:s9+$0xD0]  }
0x385: {  	[tilespmem:s7+$0xFFFFFEC0] =	vst v2;
	v2 =	vshll.u32 v6, $0x10;
	v6 =	vand.u32 $0xFFFF0000, v6  }
0x386: {  	v11 =	vld [tilespmem:s9+$0xFFFFFF50];
	[tilespmem:s7+$0xFFFFFF00] =	vst v10;
	v10 =	vshll.u32 v3, $0x10;
	v3 =	vand.u32 $0xFFFF0000, v3  }
0x387: {  	[tilespmem:s7+$0xFFFFFF40] =	vst v4;
	v4 =	vshll.u32 v9, $0x10;
	v9 =	vand.u32 $0xFFFF0000, v9  }
0x388: {  	v12 =	vshll.u32 v8, $0x10;
	v8 =	vand.u32 $0xFFFF0000, v8;
	v13 =	vld [tilespmem:s9+$0xFFFFFF90];
	[tilespmem:s7+$0xFFFFFF80] =	vst v1  }
0x389: {  	[tilespmem:s7+$0xFFFFFE00] =	vst v12;
	v1 =	vshll.u32 v7, $0x10  }
0x38a: {  	[tilespmem:s7+$0x190] =	vst v1;
	v1 =	vand.u32 $0xFFFF0000, v7  }
0x38b: {  	v7 =	vshll.u32 v11, $0x10;
	v11 =	vand.u32 $0xFFFF0000, v11;
	[tilespmem:s7+$0x1D0] =	vst v1  }
0x38c: {  	[tilespmem:s7+$0xFFFFFE40] =	vst v8;
	v1 =	vld [tilespmem:s9+$0xE0]  }
0x38d: {  	v8 =	vld [tilespmem:s9+$0xFFFFFF10];
	v12 =	vshll.u32 v13, $0x10;
	v13 =	vand.u32 $0xFFFF0000, v13;
	[tilespmem:s7+$0xFFFFFFC0] =	vst v5  }
0x38e: {  	v5 =	vld [tilespmem:s9+$0xFFFFFFD0];
	[tilespmem:s7+$0x0] =	vst v2  }
0x38f: {  	[tilespmem:s7+$0x40] =	vst v6  }
0x390: {  	v2 =	vld [tilespmem:s9+$0x10];
	[tilespmem:s7+$0x80] =	vst v10  }
0x391: {  	[tilespmem:s7+$0xC0] =	vst v3;
	v3 =	vshll.u32 v1, $0x10  }
0x392: {  	v1 =	vand.u32 $0xFFFF0000, v1;
	v6 =	vshll.u32 v8, $0x10;
	v8 =	vand.u32 $0xFFFF0000, v8;
	v10 =	vld [tilespmem:s9+$0x50];
	[tilespmem:s7+$0x1A0] =	vst v3  }
0x393: {  	v3 =	vshll.u32 v5, $0x10;
	v5 =	vand.u32 $0xFFFF0000, v5;
	[tilespmem:s7+$0x1E0] =	vst v1  }
0x394: {  	[tilespmem:s7+$0x100] =	vst v4;
	v4 =	vld [tilespmem:s9+$0xF0]  }
0x395: {  	v14 =	vshll.u32 v2, $0x10;
	v2 =	vand.u32 $0xFFFF0000, v2;
	[tilespmem:s7+$0x140] =	vst v9  }
0x396: {  	[tilespmem:s7+$0xFFFFFE10] =	vst v6;
	v6 =	vld [tilespmem:s9+$0x90]  }
0x397: {  	[tilespmem:s7+$0xFFFFFE50] =	vst v8;
	v8 =	vshll.u32 v10, $0x10;
	v9 =	vand.u32 $0xFFFF0000, v10  }
0x398: {  	v10 =	vld [tilespmem:s9+$0xFFFFFF20];
	[tilespmem:s7+$0xFFFFFE90] =	vst v7  }
0x399: {  	[tilespmem:s7+$0xFFFFFED0] =	vst v11;
	v1 =	vshll.u32 v4, $0x10;
	v4 =	vand.u32 $0xFFFF0000, v4  }
0x39a: {  	v7 =	vld [tilespmem:s9+$0xFFFFFF60];
	[tilespmem:s7+$0x1F0] =	vst v4  }
0x39b: {  	[tilespmem:s7+$0xFFFFFF10] =	vst v12;
	v4 =	vshll.u32 v6, $0x10;
	v6 =	vand.u32 $0xFFFF0000, v6  }
0x39c: {  	[tilespmem:s7+$0xFFFFFF50] =	vst v13  }
0x39d: {  	v11 =	vshll.u32 v10, $0x10;
	v10 =	vand.u32 $0xFFFF0000, v10;
	v12 =	vld [tilespmem:s9+$0xFFFFFFA0];
	[tilespmem:s7+$0xFFFFFF90] =	vst v3  }
0x39e: {  	[tilespmem:s7+$0xFFFFFFD0] =	vst v5  }
0x39f: {  	v3 =	vshll.u32 v7, $0x10;
	v5 =	vand.u32 $0xFFFF0000, v7;
	v7 =	vld [tilespmem:s9+$0xFFFFFFE0];
	[tilespmem:s7+$0x10] =	vst v14  }
0x3a0: {  	[tilespmem:s7+$0x50] =	vst v2  }
0x3a1: {  	v2 =	vld [tilespmem:s9+$0x20];
	[tilespmem:s7+$0x90] =	vst v8  }
0x3a2: {  	v8 =	vshll.u32 v12, $0x10;
	v12 =	vand.u32 $0xFFFF0000, v12;
	[tilespmem:s7+$0xD0] =	vst v9  }
0x3a3: {  	v9 =	vld [tilespmem:s9+$0x60];
	[tilespmem:s7+$0x110] =	vst v4  }
0x3a4: {  	v4 =	vshll.u32 v7, $0x10;
	v7 =	vand.u32 $0xFFFF0000, v7;
	[tilespmem:s7+$0x150] =	vst v6  }
0x3a5: {  	[tilespmem:s7+$0xFFFFFE20] =	vst v11;
	v6 =	vld [tilespmem:s9+$0xA0]  }
0x3a6: {  	[tilespmem:s7+$0xFFFFFE60] =	vst v10;
	v10 =	vshll.u32 v2, $0x10;
	v2 =	vand.u32 $0xFFFF0000, v2  }
0x3a7: {  	v11 =	vld [tilespmem:s9+$0xFFFFFF30];
	[tilespmem:s7+$0xFFFFFEA0] =	vst v3  }
0x3a8: {  	[tilespmem:s7+$0xFFFFFEE0] =	vst v5;
	v3 =	vshll.u32 v9, $0x10;
	v5 =	vand.u32 $0xFFFF0000, v9  }
0x3a9: {  	v9 =	vld [tilespmem:s9+$0xFFFFFF70];
	[tilespmem:s7+$0xFFFFFF20] =	vst v8  }
0x3aa: {  	[tilespmem:s7+$0xFFFFFF60] =	vst v12;
	v8 =	vshll.u32 v6, $0x10;
	v6 =	vand.u32 $0xFFFF0000, v6  }
0x3ab: {  	v12 =	vld [tilespmem:s9+$0xFFFFFFB0];
	[tilespmem:s7+$0xFFFFFFA0] =	vst v4  }
0x3ac: {  	v4 =	vshll.u32 v11, $0x10;
	v11 =	vand.u32 $0xFFFF0000, v11;
	[tilespmem:s7+$0xFFFFFFE0] =	vst v7  }
0x3ad: {  	v7 =	vld [tilespmem:s9+$0xFFFFFFF0];
	[tilespmem:s7+$0x20] =	vst v10  }
0x3ae: {  	v10 =	vshll.u32 v9, $0x10;
	v9 =	vand.u32 $0xFFFF0000, v9;
	[tilespmem:s7+$0x60] =	vst v2  }
0x3af: {  	v2 =	vld [tilespmem:s9+$0x30];
	[tilespmem:s7+$0xA0] =	vst v3  }
0x3b0: {  	v3 =	vshll.u32 v12, $0x10;
	v12 =	vand.u32 $0xFFFF0000, v12;
	[tilespmem:s7+$0xE0] =	vst v5  }
0x3b1: {  	v5 =	vld [tilespmem:s9+$0x70];
	[tilespmem:s7+$0x120] =	vst v8  }
0x3b2: {  	v8 =	vshll.u32 v7, $0x10;
	v7 =	vand.u32 $0xFFFF0000, v7;
	[tilespmem:s7+$0x160] =	vst v6  }
0x3b3: {  	[tilespmem:s7+$0xFFFFFE30] =	vst v4;
	v13 =	vld [tilespmem:s9+$0xB0]  }
0x3b4: {  	[tilespmem:s7+$0xFFFFFE70] =	vst v11;
	v11 =	vshll.u32 v2, $0x10;
	v2 =	vand.u32 $0xFFFF0000, v2  }
0x3b5: {  	[tilespmem:s7+$0xFFFFFEB0] =	vst v10  }
0x3b6: {  	[tilespmem:s7+$0xFFFFFEF0] =	vst v9;
	v4 =	vshll.u32 v5, $0x10;
	v5 =	vand.u32 $0xFFFF0000, v5  }
.Ltmp12:
0x3b7: {  	[tilespmem:s7+$0xFFFFFF30] =	vst v3;
	(pc) =	sbr.rel @p1 .LBB2_14-.Ltmp12, $4  }
0x3b8: {  	[tilespmem:s7+$0xFFFFFF70] =	vst v12;
	v6 =	vshll.u32 v13, $0x10;
	v3 =	vand.u32 $0xFFFF0000, v13  }
0x3b9: {  	[tilespmem:s7+$0xFFFFFFB0] =	vst v8  }
0x3ba: {  	[tilespmem:s7+$0xFFFFFFF0] =	vst v7  }
0x3bb: {  	s9 =	sadd.s32 $0x200, s9;
	[tilespmem:s7+$0x30] =	vst v11  }
0x3bc: {  	[tilespmem:s7+$0x70] =	vst v2  }
0x3bd: {  	[tilespmem:s7+$0xB0] =	vst v4  }
0x3be: {  	[tilespmem:s7+$0xF0] =	vst v5  }
0x3bf: {  	[tilespmem:s7+$0x130] =	vst v6  }
0x3c0: {  	[tilespmem:s7+$0x170] =	vst v3  }
0x3c1: {  	[tilespmem:s7+$0x1B0] =	vst v1;
	s0 =	sadd.s32 $0x2880, s0;
	p1 =	seq.s32 s6, $0x4  }
0x3c2: {  	[spmem:s3] =	stream.indirect.scatter.add.f32 [tilespmem:s23], [sflag:$0x3], $0x80, s0, s26, $0xb8;
	[tilespmem:$0x1F100] =	vst v63  }
.Ltmp13:
0x3c3: {  	_ = 	snop;
	(pc) =	sbr.rel @!p1 .LBB2_11-.Ltmp13, $4  }
.Ltmp14:
0x3c4: {  	_ = 	snop;
	(pc) =	sbr.rel @p1 .LBB2_22-.Ltmp14, $4  }
0x3c5: {  	_ =	swait.ge [sflag:s24], $0x3000  }
0x3c6: {  	[sflag:s24] =	ssyncset.done $0x0  }
0x3c7: {  	[sflag:s24] =	ssyncadd.s32 $0xFFFFD000  }
0x3c8: {  	_ = 	snop  }
.LBB2_23:
0x3c9: {  	_ =	sfence.sel $0x180000  }
0x3ca: {  	[bflag:$0x0] =	sbarrier.arrive $0xFFFF  }
0x3cb: {  	_ =	strace $0x9000004A  }
0x3cc: {  	[bflag:$0x2] =	sbarrier.arrive $0xFFFF  }
0x3cd: {  	p0 =	sne.s32 s1, $0x0;
	s0 =	rddreg [dreg:$0x3]  }
0x3ce: {  	s0 =	sadd.s32 @!p0 $0x100000, s0  }
0x3cf: {  	[sflag:s0] =	ssyncadd.tile.s32 @!p0 $0x1;
	_ =	shalt  }
.Lfunc_end2:
_tile_overlayer_lowered:
.L_overlay_start_2:
0x3d0: {  	(tag) =	ssettag $0x2  }
0x3d1: {  	s0 =	rddreg [dreg:$0x0];
	s2 =	stileid.u32  }
0x3d2: {  	s1 =	rddreg [dreg:$0x1];
	p0 =	sne.s32 s2, $0x0  }
0x3d3: {  	s3 =	rddreg [dreg:$0x2];
	[bflag:$0x3] =	sbarrier.arrive $0xFFFF;
	s2 =	simm.s32 @!p0 $0x1C03  }
0x3d4: {  	[timem:s3], [sflag:s2] =	dma.local @!p0 [hbm:s0], s1  }
0x3d5: {  	s0 =	simm.s32 @!p0 $0x3  }
0x3d6: {  	_ =	swait.ge @!p0 [sflag:s0], s1  }
0x3d7: {  	s1 =	ssub.s32 @!p0 $0x0, s1;
	[sflag:s0] =	ssyncset.done @!p0 $0x0  }
0x3d8: {  	[sflag:s0] =	ssyncadd.s32 @!p0 s1  }
0x3d9: {  	[bflag:$0x3] =	sbarrier.arrive $0xFFFF  }
0x3da: {  	_ =	shalt  }

// kernel: kernel.14.cloned.1.call-start
scs
__scs_entry_jumppad:
0x0: {  	(pc) =	sbr.rel $0x88, $3  }
0x1: {  	(tag) =	ssettag $0x0;
	lr =	simm.s32 $0x1  }
0x2: {  	[smem:$0x3F9B] =	sst lr;
	_ =	strace $0xD0000000  }
0x3: {  	_ = 	snop  }
0x4: {  	_ = 	snop  }
0x5: {  	_ = 	snop  }
0x6: {  	_ = 	snop  }
0x7: {  	_ = 	snop  }
__scs_overlays_trampoline_lowered:
0x8: {  	[smem:$0x3FAA] =	sst s0  }
0x9: {  	[smem:$0x3FAB] =	sst s1  }
0xa: {  	[smem:$0x3FAC] =	sst s2  }
0xb: {  	[smem:$0x3FAD] =	sst s3  }
0xc: {  	[smem:$0x3FAE] =	sst s4  }
0xd: {  	[smem:$0x3FAF] =	sst s5  }
0xe: {  	[smem:$0x3FB0] =	sst s6  }
0xf: {  	[smem:$0x3FB1] =	sst s7  }
0x10: {  	[smem:$0x3FB2] =	sst s8  }
0x11: {  	[smem:$0x3FB3] =	sst s9;
	s0 =	simm.s32 @!p0 $0x0  }
0x12: {  	s1 =	sld [smem:$0x3F99];
	s0 =	simm.s32 @p0 $0x1  }
0x13: {  	[smem:$0x3FB4] =	sst s0;
	s0 =	simm.s32 @!p1 $0x0  }
0x14: {  	s2 =	sld [smem:$0x3F98];
	s0 =	simm.s32 @p1 $0x1  }
0x15: {  	[smem:$0x3FB5] =	sst s0;
	s0 =	simm.s32 @!p2 $0x0  }
0x16: {  	s3 =	sld [smem:$0x3FDB];
	s0 =	simm.s32 @p2 $0x1  }
0x17: {  	s4 =	simm.s32 $0x1BF5;
	[smem:$0x3FB7] =	sst s0  }
0x18: {  	s0 =	sld [smem:$0x3F9A];
	_ =	swait.ge [sflag:s4], $0x0  }
0x19: {  	s7 =	sld [smem:$0x3F9B]  }
0x1a: {  	s8 =	sadd.s32 $0xFFFFE003, lr  }
0x1b: {  	s9 =	sadd.s32 $0xFFFFFEF7, lr;
	s5 =	simm.s32 $0xFFFFFFFF;
	p2 =	slt.u32 s8, $0xFFFFF086  }
0x1c: {  	p1 =	slt.u32 s9, $0xF7A;
	s5 =	simm.s32 @!p2 $0x0  }
0x1d: {  	s5 =	simm.s32 @p1 $0x1;
	p0 =	seq.s32 s7, s2  }
0x1e: {  	s7 =	smul.u32 @!p0 $0xF7A, s2;
	p2 =	seq.s32 @!p0 s5, $0x0  }
0x1f: {  	s9 =	smul.u32 $0xF7A, s1;
	s8 =	simm.s32 @!p0 $0x1BF5;
	p2 =	por !p2, p0  }
0x20: {  	[sflag:s8] =	ssyncset.s32 @!p0 $0xFFFFF086;
	s6 =	sadd.s32 @!p0 s3, s7;
	s7 =	simm.s32 @!p0 $0x108  }
0x21: {  	s3 =	sadd.s32 s3, s9;
	s6 =	sadd.s32 @!p0 $0x88, s6;
	s7 =	simm.s32 @p2 $0x1082  }
0x22: {  	[simem:s7], [sflag:s8] =	dma.local @!p0 [hbm:s6], $0xF7A  }
0x23: {  	s9 =	sor.u32 $0xD0000000, s2;
	s6 =	simm.s32 $0x108;
	_ =	swait.ge @!p0 [sflag:s8], $0x0  }
0x24: {  	s3 =	sadd.s32 $0x88, s3;
	s6 =	simm.s32 @!p1 $0x1082;
	[sflag:s4] =	ssyncset.s32 $0xFFFFF086  }
0x25: {  	[simem:s6], [sflag:s4] =	dma.local [hbm:s3], $0xF7A  }
0x26: {  	[smem:$0x3F9B] =	sst s1;
	(tag) =	ssettag s2;
	_ =	strace s9  }
0x27: {  	s1 =	sld [smem:$0x3FAB]  }
0x28: {  	s2 =	sld [smem:$0x3FAC]  }
0x29: {  	s4 =	sld [smem:$0x3FAE]  }
0x2a: {  	p0 =	seq.s32 s5, $0x0;
	s5 =	sld [smem:$0x3FAF]  }
0x2b: {  	s6 =	sld [smem:$0x3FB0]  }
0x2c: {  	s7 =	sld [smem:$0x3FB1]  }
0x2d: {  	s3 =	simm.s32 $0x108;
	s8 =	sld [smem:$0x3FB2]  }
0x2e: {  	s3 =	simm.s32 @!p0 $0x1082;
	s9 =	sld [smem:$0x3FB3]  }
0x2f: {  	lr =	sadd.s32 s0, s3;
	s0 =	sld [smem:$0x3FAA]  }
0x30: {  	s3 =	sld [smem:$0x3FAD]  }
0x31: {  	[smem:$0x3FB6] =	sst s10  }
0x32: {  	s10 =	sld [smem:$0x3FB4];
	_ =	sdelay $0x3  }
0x33: {  	p0 =	seq.s32 s10, $0x1;
	s10 =	sld [smem:$0x3FB6];
	_ =	sdelay $0x3  }
0x34: {  	[smem:$0x3FB6] =	sst s10  }
0x35: {  	s10 =	sld [smem:$0x3FB5];
	_ =	sdelay $0x3  }
0x36: {  	p1 =	seq.s32 s10, $0x1;
	s10 =	sld [smem:$0x3FB6];
	_ =	sdelay $0x3  }
0x37: {  	[smem:$0x3FB6] =	sst s10  }
0x38: {  	s10 =	sld [smem:$0x3FB7]  }
0x39: {  	_ = 	snop;
	(pc) =	sbr.ind lr, $3  }
0x3a: {  	_ = 	snop  }
0x3b: {  	_ = 	snop  }
0x3c: {  	p2 =	seq.s32 s10, $0x1;
	s10 =	sld [smem:$0x3FB6]  }
0x3d: {  	_ =	shalt  }
0x3e: {  	_ =	shalt  }
0x3f: {  	_ =	shalt  }
0x40: {  	_ =	shalt  }
0x41: {  	_ =	shalt  }
0x42: {  	_ =	shalt  }
0x43: {  	_ =	shalt  }
0x44: {  	_ =	shalt  }
0x45: {  	_ =	shalt  }
0x46: {  	_ =	shalt  }
0x47: {  	_ =	shalt  }
0x48: {  	_ =	shalt  }
0x49: {  	_ =	shalt  }
0x4a: {  	_ =	shalt  }
0x4b: {  	_ =	shalt  }
0x4c: {  	_ =	shalt  }
0x4d: {  	_ =	shalt  }
0x4e: {  	_ =	shalt  }
0x4f: {  	_ =	shalt  }
0x50: {  	_ =	shalt  }
0x51: {  	_ =	shalt  }
0x52: {  	_ =	shalt  }
0x53: {  	_ =	shalt  }
0x54: {  	_ =	shalt  }
0x55: {  	_ =	shalt  }
0x56: {  	_ =	shalt  }
0x57: {  	_ =	shalt  }
0x58: {  	_ =	shalt  }
0x59: {  	_ =	shalt  }
0x5a: {  	_ =	shalt  }
0x5b: {  	_ =	shalt  }
0x5c: {  	_ =	shalt  }
0x5d: {  	_ =	shalt  }
0x5e: {  	_ =	shalt  }
0x5f: {  	_ =	shalt  }
0x60: {  	_ =	shalt  }
0x61: {  	_ =	shalt  }
0x62: {  	_ =	shalt  }
0x63: {  	_ =	shalt  }
0x64: {  	_ =	shalt  }
0x65: {  	_ =	shalt  }
0x66: {  	_ =	shalt  }
0x67: {  	_ =	shalt  }
0x68: {  	_ =	shalt  }
0x69: {  	_ =	shalt  }
0x6a: {  	_ =	shalt  }
0x6b: {  	_ =	shalt  }
0x6c: {  	_ =	shalt  }
0x6d: {  	_ =	shalt  }
0x6e: {  	_ =	shalt  }
0x6f: {  	_ =	shalt  }
0x70: {  	_ =	shalt  }
0x71: {  	_ =	shalt  }
0x72: {  	_ =	shalt  }
0x73: {  	_ =	shalt  }
0x74: {  	_ =	shalt  }
0x75: {  	_ =	shalt  }
0x76: {  	_ =	shalt  }
0x77: {  	_ =	shalt  }
0x78: {  	_ =	shalt  }
0x79: {  	_ =	shalt  }
0x7a: {  	_ =	shalt  }
0x7b: {  	_ =	shalt  }
0x7c: {  	_ =	shalt  }
0x7d: {  	_ =	shalt  }
0x7e: {  	_ =	shalt  }
0x7f: {  	_ =	shalt  }
0x80: {  	_ =	shalt  }
0x81: {  	_ =	shalt  }
0x82: {  	_ =	shalt  }
0x83: {  	_ =	shalt  }
0x84: {  	_ =	shalt  }
0x85: {  	_ =	shalt  }
0x86: {  	_ =	shalt  }
0x87: {  	_ =	shalt  }
.Lfunc_end0:
.L_simem_size_0:
called_computation.2_lowered:
.L_overlay_start_0:
0x88: {  	s2 =	sld [smem:$0x3FD9]  }
0x89: {  	s3 =	sld [smem:$0x3FFE];
	_ =	sdelay $0x1  }
0x8a: {  	s1 =	srdreg.scid  }
0x8b: {  	s0 =	sand.u32 $0x1, s1  }
0x8c: {  	s17 =	sshll.u32 s0, $0xA;
	s2 =	sadd.s32 s3, s2  }
0x8d: {  	s2 =	sadd.s32 s2, s17  }
0x8e: {  	[smem:$0x3FC2] =	sst s2  }
0x8f: {  	_ = 	snop  }
0x90: {  	s2 =	sld [smem:$0x3FD0];
	(tm) =	ssettm $0x1  }
0x91: {  	s18 =	sld [smem:$0x3FFB];
	_ =	sdelay $0x3  }
0x92: {  	_ =	strace s18  }
0x93: {  	s3 =	sld [smem:$0x3FFC];
	_ =	sdelay $0x3  }
0x94: {  	_ =	strace s3  }
0x95: {  	s3 =	sld [smem:$0x3FFD];
	_ =	sdelay $0x3  }
0x96: {  	_ =	strace s3  }
0x97: {  	_ =	strace $0x8FFFFFFF  }
0x98: {  	s19 =	sld [smem:$0x3FDB];
	_ =	sdelay $0x1  }
0x99: {  	s4 =	simm.s32 $_scs_section_size  }
0x9a: {  	s5 =	simm.s32 $_size__tile_overlayer_lowered;
	s6 =	simm.s32 $_tile_overlayer_lowered  }
0x9b: {  	s22 =	simm.s32 $0x1BFF;
	s21 =	sshll.u32 s6, $0x1;
	s3 =	sadd.s32 s4, s19  }
0x9c: {  	s7 =	simm.s32 $0x0;
	s20 =	sshll.u32 s5, $0x1;
	s5 =	sadd.s32 s21, s3  }
0x9d: {  	[timem:s7], [sflag:s22] =	dma.local [hbm:s5], s20  }
0x9e: {  	_ =	swait.ge [sflag:s22], s20  }
0x9f: {  	s4 =	ssub.s32 $0x0, s20;
	[sflag:s22] =	ssyncset.done $0x0  }
0xa0: {  	[sflag:s22] =	ssyncadd.s32 s4;
	_ =	sdelay $0x1  }
0xa1: {  	s23 =	simm.s32 $0x1B8B  }
0xa2: {  	_ =	swait.ge [sflag:s23], $0x1  }
0xa3: {  	[sflag:s23] =	ssyncset.done $0x0  }
0xa4: {  	s25 =	simm.s32 $0x1B8E;
	s24 =	sld [smem:$0x3FFE];
	[sflag:s23] =	ssyncadd.s32 $0xFFFFFFFF  }
0xa5: {  	s26 =	simm.s32 $execute0_lowered;
	[smem:$0x3FD2] =	sst s25  }
0xa6: {  	s5 =	sshll.u32 s26, $0x1;
	_ =	strace $0x8000004C;
	[dreg:$0x1] =	wrdreg $0xFFFFFFFF  }
0xa7: {  	s28 =	simm.s32 $_size_execute0_lowered;
	s3 =	sadd.s32 s3, s5;
	[dreg:$0x0] =	wrdreg $0x0  }
0xa8: {  	s5 =	sshll.u32 s28, $0x1;
	[dreg:$0x2] =	wrdreg s3  }
0xa9: {  	[dreg:$0x3] =	wrdreg s5  }
0xaa: {  	[dreg:$0x4] =	wrdreg $0xC0  }
0xab: {  	_ =	task [dreg:s7], $0x5FFFF  }
0xac: {  	[dreg:$0x1] =	wrdreg $0xFFFFFFFF  }
0xad: {  	[dreg:$0x0] =	wrdreg $0x60  }
0xae: {  	[dreg:$0x2] =	wrdreg s24  }
0xaf: {  	[dreg:$0x3] =	wrdreg s2  }
0xb0: {  	[dreg:$0x4] =	wrdreg $0xB1000  }
0xb1: {  	[dreg:$0x5] =	wrdreg $0x9  }
0xb2: {  	_ =	task.clear_ibuf [dreg:s7], $0x6FFFF;
	_ =	strace $0x9000004C  }
0xb3: {  	s29 =	simm.s32 $0x9;
	_ =	strace $0x8000004E  }
0xb4: {  	_ =	swait.ge [sflag:s29], $0x1  }
0xb5: {  	[sflag:s29] =	ssyncadd.s32 $0xFFFFFFFF  }
0xb6: {  	_ =	strace $0x9000004E  }
0xb7: {  	_ =	sfence  }
0xb8: {  	s30 =	sld [smem:$0x0];
	_ =	sdelay $0x2  }
0xb9: {  	s31 =	sshll.u32 s1, $0xD;
	s1 =	sshrl.u32 s1, $0x2  }
0xba: {  	s3 =	sand.u32 $0x4000, s31;
	s1 =	sadd.s32 s1, s30  }
0xbb: {  	s0 =	sor.u32 s3, s0;
	s1 =	sshll.u32 s1, $0x11  }
0xbc: {  	s0 =	sor.u32 s1, s0  }
0xbd: {  	s0 =	sadd.s32 $0x8F2B, s0  }
0xbe: {  	[sflag:s0] =	ssyncadd.remote.s32 $0x1  }
0xbf: {  	_ =	sfence.sel $0xFFFF  }
0xc0: {  	[dreg:$0x0] =	wrdreg $0xFFFFFFFF;
	(pc) =	sbr.abs _section_cstart, $3  }
0xc1: {  	[dreg:$0x1] =	wrdreg $0xFFFFFFFF  }
0xc2: {  	_ =	task.clear_ibuf [dreg:s7], $0x2FFFF;
	_ =	strace $0x9FFFFFFF  }
0xc3: {  	(tm) =	ssettm $0x7FFFFFFF  }
tec
execute0_lowered:
.L_overlay_start_1:
0x0: {  	(tag) =	ssettag $0x1  }
0x1: {  	s0 =	rddreg [dreg:$0x0]  }
0x2: {  	s2 =	rddreg [dreg:$0x1];
	s1 =	stileid.u32  }
0x3: {  	s3 =	rddreg [dreg:$0x2];
	s19 =	smul.u32 $0x2800, s1  }
0x4: {  	s5 =	srdreg.scid;
	s4 =	simm.s32 $0x0;
	s20 =	smul.u32 $0x50000, s1  }
0x5: {  	s28 =	simm.s32 $0x5100;
	s29 =	simm.s32 $0x6900;
	s10 =	smul.u32 $0x570, s1  }
0x6: {  	s30 =	simm.s32 $0x1;
	s31 =	simm.s32 $0x2;
	s12 =	smul.u32 $0x2B80, s1  }
0x7: {  	s6 =	sand.u32 $0x1, s5;
	[smem:$0x7FF] =	sst s4;
	s22 =	smul.u32 $0x2580, s1  }
0x8: {  	s8 =	sadd.s32 $0x1C00, s0;
	s9 =	sadd.s32 $0xBE00, s0;
	s7 =	smul.u32 $0x28000, s6  }
0x9: {  	_ =	strace $0x8000004D;
	s21 =	ssub.s32 $0x2, s6;
	p0 =	seq.s32 s6, $0x1  }
0xa: {  	s11 =	sshrl.u32 s21, $0x1;
	s23 =	sadd.s32 s8, s10;
	s24 =	sshrl.u32 s12, $0x3  }
0xb: {  	s10 =	sadd.s32 s9, s10;
	s5 =	sadd.s32 s19, s7;
	[dreg:$0x4] =	wrdreg s23  }
0xc: {  	s7 =	sshrl.u32 s20, $0x2;
	s13 =	ssub.s32 s21, s11;
	[dreg:$0x5] =	wrdreg s10  }
0xd: {  	s6 =	sadd.s32 $0x510, s24;
	s23 =	simm.s32 $0x8100;
	s24 =	simm.s32 $0x3  }
0xe: {  	s0 =	sadd.s32 s5, s0;
	s5 =	sadd.s32 s7, s3;
	s25 =	sadd.s32 s8, s6  }
0xf: {  	s7 =	sshrl.u32 s22, $0x3;
	s6 =	sadd.s32 s9, s6;
	[dreg:$0x6] =	wrdreg s25  }
0x10: {  	s13 =	smax.u32 s13, $0x1;
	[dreg:$0x7] =	wrdreg s6;
	s26 =	sadd.s32 $0x5700, s7  }
.Ltmp0:
0x11: {  	s12 =	sadd.s32 $0x16000, s0;
	s14 =	sadd.s32 $0x2000, s5;
	(pc) =	sbr.rel .LBB2_1-.Ltmp0, $4  }
0x12: {  	s15 =	sadd.s32 $0x4000, s5;
	s16 =	sadd.s32 $0x6000, s5;
	s17 =	sadd.s32 $0x8000, s5  }
0x13: {  	s18 =	sadd.s32 $0xA000, s5;
	s19 =	sadd.s32 $0xC000, s5;
	s20 =	sadd.s32 $0xE000, s5  }
0x14: {  	s21 =	sadd.s32 $0x10000, s5;
	s22 =	sadd.s32 $0x12000, s5;
	s25 =	simm.s32 $0x2880  }
0x15: {  	v0 =	vimm.f32 $0.0e+00;
	s10 =	sadd.s32 s8, s26;
	s11 =	sadd.s32 s9, s26;
	s26 =	simm.s32 $0x60  }
.LBB2_22:
0x16: {  	s4 =	sadd.s32 $0x1, s4  }
0x17: {  	s0 =	sshll.u32 s1, $0x6;
	[bflag:$0x0] =	sbarrier.arrive $0xFFFF;
	p1 =	sne.s32 s4, s13  }
.Ltmp1:
0x18: {  	s6 =	sshrl.u32 s5, $0x3;
	s0 =	sor.u32 $0x1C03, s0;
	(pc) =	sbr.rel @!p1 .LBB2_23-.Ltmp1, $4  }
0x19: {  	[hbm:s12], [sflag:s0] =	dma.local [spmem:s6], $0x2800  }
0x1a: {  	_ =	swait.ge [sflag:s24], $0x2800  }
0x1b: {  	[sflag:s24] =	ssyncset.done $0x0  }
0x1c: {  	[sflag:s24] =	ssyncadd.s32 $0xFFFFD800  }
.LBB2_1:
0x1d: {  	s0 =	simm.s32 $0x0;
	s6 =	simm.s32 $0x200  }
.LBB2_2:
0x1e: {  	p1 =	sne.s32 s6, $0x7E00;
	[tilespmem:s0+$0x8170] =	vst v0  }
0x1f: {  	[tilespmem:s0+$0x8100] =	vst v0  }
0x20: {  	[tilespmem:s0+$0x8110] =	vst v0  }
.Ltmp2:
0x21: {  	[tilespmem:s0+$0x8120] =	vst v0;
	(pc) =	sbr.rel @p1 .LBB2_2-.Ltmp2, $4  }
0x22: {  	[tilespmem:s0+$0x8130] =	vst v0  }
0x23: {  	[tilespmem:s0+$0x8140] =	vst v0  }
0x24: {  	[tilespmem:s0+$0x8150] =	vst v0  }
0x25: {  	[tilespmem:s0+$0x8160] =	vst v0;
	s0 =	sshra.s32 s6, $0x2;
	s6 =	sadd.s32 $0x200, s6  }
0x26: {  	[tilespmem:s0+$0x8170] =	vst v0  }
0x27: {  	[tilespmem:s0+$0x8100] =	vst v0  }
0x28: {  	[tilespmem:s0+$0x8110] =	vst v0  }
0x29: {  	[tilespmem:s0+$0x8120] =	vst v0  }
0x2a: {  	[tilespmem:s0+$0x8130] =	vst v0  }
0x2b: {  	[tilespmem:s0+$0x8140] =	vst v0  }
0x2c: {  	[tilespmem:s0+$0x8150] =	vst v0  }
0x2d: {  	[tilespmem:s0+$0x8160] =	vst v0  }
0x2e: {  	[spmem:s5] =	stream.linear.scatter [tilespmem:s23], [sflag:$0x3], $0x2000, $0x38;
	[tilespmem:$0x1F100] =	vst v63  }
0x2f: {  	_ =	swait.ge [sflag:s24], $0x2000  }
0x30: {  	[sflag:s24] =	ssyncset.done $0x0  }
0x31: {  	[sflag:s24] =	ssyncadd.s32 $0xFFFFE000  }
0x32: {  	[spmem:s14] =	stream.linear.scatter [tilespmem:s23], [sflag:$0x3], $0x2000, $0x38;
	[tilespmem:$0x1F100] =	vst v63  }
0x33: {  	_ =	swait.ge [sflag:s24], $0x2000  }
0x34: {  	[sflag:s24] =	ssyncset.done $0x0  }
0x35: {  	[sflag:s24] =	ssyncadd.s32 $0xFFFFE000  }
0x36: {  	[spmem:s15] =	stream.linear.scatter [tilespmem:s23], [sflag:$0x3], $0x2000, $0x38;
	[tilespmem:$0x1F100] =	vst v63  }
0x37: {  	_ =	swait.ge [sflag:s24], $0x2000  }
0x38: {  	[sflag:s24] =	ssyncset.done $0x0  }
0x39: {  	[sflag:s24] =	ssyncadd.s32 $0xFFFFE000  }
0x3a: {  	[spmem:s16] =	stream.linear.scatter [tilespmem:s23], [sflag:$0x3], $0x2000, $0x38;
	[tilespmem:$0x1F100] =	vst v63  }
0x3b: {  	_ =	swait.ge [sflag:s24], $0x2000  }
0x3c: {  	[sflag:s24] =	ssyncset.done $0x0  }
0x3d: {  	[sflag:s24] =	ssyncadd.s32 $0xFFFFE000  }
0x3e: {  	[spmem:s17] =	stream.linear.scatter [tilespmem:s23], [sflag:$0x3], $0x2000, $0x38;
	[tilespmem:$0x1F100] =	vst v63  }
0x3f: {  	_ =	swait.ge [sflag:s24], $0x2000  }
0x40: {  	[sflag:s24] =	ssyncset.done $0x0  }
0x41: {  	[sflag:s24] =	ssyncadd.s32 $0xFFFFE000  }
0x42: {  	[spmem:s18] =	stream.linear.scatter [tilespmem:s23], [sflag:$0x3], $0x2000, $0x38;
	[tilespmem:$0x1F100] =	vst v63  }
0x43: {  	_ =	swait.ge [sflag:s24], $0x2000  }
0x44: {  	[sflag:s24] =	ssyncset.done $0x0  }
0x45: {  	[sflag:s24] =	ssyncadd.s32 $0xFFFFE000  }
0x46: {  	[spmem:s19] =	stream.linear.scatter [tilespmem:s23], [sflag:$0x3], $0x2000, $0x38;
	[tilespmem:$0x1F100] =	vst v63  }
0x47: {  	_ =	swait.ge [sflag:s24], $0x2000  }
0x48: {  	[sflag:s24] =	ssyncset.done $0x0  }
0x49: {  	[sflag:s24] =	ssyncadd.s32 $0xFFFFE000  }
0x4a: {  	[spmem:s20] =	stream.linear.scatter [tilespmem:s23], [sflag:$0x3], $0x2000, $0x38;
	[tilespmem:$0x1F100] =	vst v63  }
0x4b: {  	_ =	swait.ge [sflag:s24], $0x2000  }
0x4c: {  	[sflag:s24] =	ssyncset.done $0x0  }
0x4d: {  	[sflag:s24] =	ssyncadd.s32 $0xFFFFE000  }
0x4e: {  	[spmem:s21] =	stream.linear.scatter [tilespmem:s23], [sflag:$0x3], $0x2000, $0x38;
	[tilespmem:$0x1F100] =	vst v63  }
0x4f: {  	_ =	swait.ge [sflag:s24], $0x2000  }
0x50: {  	[sflag:s24] =	ssyncset.done $0x0  }
0x51: {  	[sflag:s24] =	ssyncadd.s32 $0xFFFFE000  }
0x52: {  	[spmem:s22] =	stream.linear.scatter [tilespmem:s23], [sflag:$0x3], $0x2000, $0x38;
	[tilespmem:$0x1F100] =	vst v63  }
.Ltmp3:
0x53: {  	_ =	swait.ge [sflag:s24], $0x2000;
	(pc) =	sbr.rel @!p0 .LBB2_4-.Ltmp3, $4  }
0x54: {  	[sflag:s24] =	ssyncset.done $0x0  }
0x55: {  	[sflag:s24] =	ssyncadd.s32 $0xFFFFE000  }
0x56: {  	[bflag:$0x0] =	sbarrier.arrive $0xFFFF  }
0x57: {  	s6 =	simm.s32 $0x0  }
0x58: {  	[tilespmem:s6], [sflag:$0x3] =	stream.linear.gather [hbm4b:s10+s6], $0x2580, $0x38;
	[tilespmem:$0x1F100] =	vst v63  }
0x59: {  	_ =	swait.ge [sflag:s24], $0x2580  }
0x5a: {  	[sflag:s24] =	ssyncset.done $0x0  }
0x5b: {  	[sflag:s24] =	ssyncadd.s32 $0xFFFFDA80  }
0x5c: {  	[tilespmem:s25], [sflag:$0x3] =	stream.linear.gather [hbm4b:s11+s6], $0x2580, $0x38;
	[tilespmem:$0x1F100] =	vst v63  }
0x5d: {  	_ =	swait.ge [sflag:s24], $0x2580  }
0x5e: {  	[sflag:s24] =	ssyncset.done $0x0  }
0x5f: {  	[sflag:s24] =	ssyncadd.s32 $0xFFFFDA80  }
0x60: {  	[tilespmem:s28], [sflag:$0x1] =	stream.indirect.gather [hbm4b:s2+s26], $0x40, s6, s26, $0xb8;
	[tilespmem:$0x1F100] =	vst v63  }
.LBB2_17:
0x61: {  	s0 =	smul.u32 $0xC0, s6;
	_ =	sdelay $0x1  }
0x62: {  	s0 =	sadd.s32 $0x60, s0  }
0x63: {  	[tilespmem:s29], [sflag:$0x2] =	stream.indirect.gather [hbm4b:s2+s26], $0x40, s0, s26, $0xb8;
	[tilespmem:$0x1F100] =	vst v63  }
0x64: {  	_ =	swait.ge [sflag:s30], $0x1800  }
0x65: {  	[sflag:s30] =	ssyncset.done $0x0  }
0x66: {  	s8 =	simm.s32 $0x5200;
	[sflag:s30] =	ssyncadd.s32 $0xFFFFE800  }
0x67: {  	v1 =	vld [tilespmem:s8+$0xC0];
	_ =	sdelay $0x1  }
0x68: {  	v2 =	vld [tilespmem:s8+$0xFFFFFF40];
	_ =	sdelay $0x1  }
0x69: {  	v3 =	vld [tilespmem:s8+$0xFFFFFF80]  }
0x6a: {  	s7 =	simm.s32 $0x8300;
	v4 =	vshll.u32 v1, $0x10  }
0x6b: {  	v5 =	vld [tilespmem:s8+$0xFFFFFFC0];
	v1 =	vand.u32 $0xFFFF0000, v1;
	[tilespmem:s7+$0x180] =	vst v4  }
0x6c: {  	v6 =	vld [tilespmem:s8+$0xFFFFFF00];
	v4 =	vshll.u32 v2, $0x10;
	[tilespmem:s7+$0x1C0] =	vst v1  }
0x6d: {  	v1 =	vand.u32 $0xFFFF0000, v2;
	[tilespmem:s7+$0xFFFFFE80] =	vst v4;
	v2 =	vld [tilespmem:s8+$0xD0]  }
0x6e: {  	v4 =	vshll.u32 v3, $0x10;
	[tilespmem:s7+$0xFFFFFEC0] =	vst v1  }
0x6f: {  	v1 =	vand.u32 $0xFFFF0000, v3;
	[tilespmem:s7+$0xFFFFFF00] =	vst v4  }
0x70: {  	v3 =	vshll.u32 v5, $0x10;
	[tilespmem:s7+$0xFFFFFF40] =	vst v1  }
0x71: {  	v1 =	vld [tilespmem:s8+$0x0];
	v4 =	vshll.u32 v6, $0x10;
	[tilespmem:s7+$0xFFFFFF80] =	vst v3  }
0x72: {  	[tilespmem:s7+$0xFFFFFE00] =	vst v4;
	v3 =	vshll.u32 v2, $0x10  }
0x73: {  	v4 =	vld [tilespmem:s8+$0x40];
	v2 =	vand.u32 $0xFFFF0000, v2;
	[tilespmem:s7+$0x190] =	vst v3  }
0x74: {  	v3 =	vand.u32 $0xFFFF0000, v6;
	[tilespmem:s7+$0x1D0] =	vst v2  }
0x75: {  	v2 =	vand.u32 $0xFFFF0000, v5;
	[tilespmem:s7+$0xFFFFFE40] =	vst v3;
	v3 =	vld [tilespmem:s8+$0xE0]  }
0x76: {  	v5 =	vshll.u32 v1, $0x10;
	[tilespmem:s7+$0xFFFFFFC0] =	vst v2  }
0x77: {  	v1 =	vand.u32 $0xFFFF0000, v1;
	v2 =	vld [tilespmem:s8+$0x80];
	[tilespmem:s7+$0x0] =	vst v5  }
0x78: {  	v5 =	vshll.u32 v4, $0x10;
	[tilespmem:s7+$0x40] =	vst v1;
	v1 =	vand.u32 $0xFFFF0000, v4;
	v4 =	vld [tilespmem:s8+$0xFFFFFF10]  }
0x79: {  	[tilespmem:s7+$0x80] =	vst v5  }
0x7a: {  	[tilespmem:s7+$0xC0] =	vst v1;
	v1 =	vshll.u32 v3, $0x10  }
0x7b: {  	v5 =	vld [tilespmem:s8+$0xFFFFFF50];
	[tilespmem:s7+$0x1A0] =	vst v1;
	v1 =	vand.u32 $0xFFFF0000, v3  }
0x7c: {  	v3 =	vshll.u32 v2, $0x10;
	[tilespmem:s7+$0x1E0] =	vst v1  }
0x7d: {  	v6 =	vshll.u32 v4, $0x10;
	[tilespmem:s7+$0x100] =	vst v3;
	v3 =	vld [tilespmem:s8+$0xFFFFFF90]  }
0x7e: {  	v1 =	vand.u32 $0xFFFF0000, v2;
	[tilespmem:s7+$0xFFFFFE10] =	vst v6;
	v2 =	vld [tilespmem:s8+$0xF0]  }
0x7f: {  	v6 =	vld [tilespmem:s8+$0xFFFFFFD0];
	[tilespmem:s7+$0x140] =	vst v1;
	v1 =	vand.u32 $0xFFFF0000, v4  }
0x80: {  	v4 =	vshll.u32 v5, $0x10;
	[tilespmem:s7+$0xFFFFFE50] =	vst v1  }
0x81: {  	v1 =	vand.u32 $0xFFFF0000, v5;
	[tilespmem:s7+$0xFFFFFE90] =	vst v4;
	v4 =	vld [tilespmem:s8+$0x10]  }
0x82: {  	[tilespmem:s7+$0xFFFFFED0] =	vst v1;
	v5 =	vshll.u32 v3, $0x10  }
0x83: {  	v1 =	vand.u32 $0xFFFF0000, v2;
	[tilespmem:s7+$0xFFFFFF10] =	vst v5  }
0x84: {  	v5 =	vshll.u32 v6, $0x10;
	[tilespmem:s7+$0x1F0] =	vst v1;
	v1 =	vand.u32 $0xFFFF0000, v3;
	v3 =	vld [tilespmem:s8+$0x50]  }
0x85: {  	[tilespmem:s7+$0xFFFFFF90] =	vst v5  }
0x86: {  	v5 =	vshll.u32 v4, $0x10;
	[tilespmem:s7+$0xFFFFFF50] =	vst v1;
	v1 =	vand.u32 $0xFFFF0000, v6;
	v6 =	vld [tilespmem:s8+$0x90]  }
0x87: {  	[tilespmem:s7+$0x10] =	vst v5  }
0x88: {  	[tilespmem:s7+$0xFFFFFFD0] =	vst v1;
	v1 =	vand.u32 $0xFFFF0000, v4;
	v4 =	vld [tilespmem:s8+$0xFFFFFF20]  }
0x89: {  	[tilespmem:s7+$0x50] =	vst v1;
	v5 =	vshll.u32 v3, $0x10  }
0x8a: {  	v1 =	vand.u32 $0xFFFF0000, v3;
	v3 =	vld [tilespmem:s8+$0xFFFFFF60];
	[tilespmem:s7+$0x90] =	vst v5  }
0x8b: {  	v5 =	vshll.u32 v6, $0x10;
	[tilespmem:s7+$0xD0] =	vst v1  }
0x8c: {  	v1 =	vand.u32 $0xFFFF0000, v6;
	v6 =	vld [tilespmem:s8+$0xFFFFFFA0];
	[tilespmem:s7+$0x110] =	vst v5  }
0x8d: {  	v5 =	vshll.u32 v4, $0x10;
	[tilespmem:s7+$0x150] =	vst v1  }
0x8e: {  	v1 =	vand.u32 $0xFFFF0000, v4;
	v4 =	vld [tilespmem:s8+$0xFFFFFFE0];
	[tilespmem:s7+$0xFFFFFE20] =	vst v5  }
0x8f: {  	[tilespmem:s7+$0xFFFFFE60] =	vst v1;
	v5 =	vshll.u32 v3, $0x10  }
0x90: {  	v1 =	vand.u32 $0xFFFF0000, v3;
	v3 =	vld [tilespmem:s8+$0x20];
	[tilespmem:s7+$0xFFFFFEA0] =	vst v5  }
0x91: {  	v5 =	vshll.u32 v6, $0x10;
	[tilespmem:s7+$0xFFFFFEE0] =	vst v1  }
0x92: {  	v1 =	vand.u32 $0xFFFF0000, v6;
	v6 =	vld [tilespmem:s8+$0x60];
	[tilespmem:s7+$0xFFFFFF20] =	vst v5  }
0x93: {  	v5 =	vshll.u32 v4, $0x10;
	[tilespmem:s7+$0xFFFFFF60] =	vst v1  }
0x94: {  	v1 =	vand.u32 $0xFFFF0000, v4;
	v4 =	vld [tilespmem:s8+$0xA0];
	[tilespmem:s7+$0xFFFFFFA0] =	vst v5  }
0x95: {  	[tilespmem:s7+$0xFFFFFFE0] =	vst v1;
	v5 =	vshll.u32 v3, $0x10  }
0x96: {  	v1 =	vand.u32 $0xFFFF0000, v3;
	v3 =	vld [tilespmem:s8+$0xFFFFFF30];
	[tilespmem:s7+$0x20] =	vst v5  }
0x97: {  	v5 =	vshll.u32 v6, $0x10;
	[tilespmem:s7+$0x60] =	vst v1  }
0x98: {  	v1 =	vand.u32 $0xFFFF0000, v6;
	v6 =	vld [tilespmem:s8+$0xFFFFFF70];
	[tilespmem:s7+$0xA0] =	vst v5  }
0x99: {  	v5 =	vshll.u32 v4, $0x10;
	[tilespmem:s7+$0xE0] =	vst v1  }
0x9a: {  	v1 =	vand.u32 $0xFFFF0000, v4;
	v4 =	vld [tilespmem:s8+$0xFFFFFFB0];
	[tilespmem:s7+$0x120] =	vst v5  }
0x9b: {  	[tilespmem:s7+$0x160] =	vst v1;
	v5 =	vshll.u32 v3, $0x10  }
0x9c: {  	v7 =	vld [tilespmem:s8+$0x30];
	v1 =	vand.u32 $0xFFFF0000, v3;
	[tilespmem:s7+$0xFFFFFE30] =	vst v5  }
0x9d: {  	v3 =	vld [tilespmem:s8+$0xFFFFFFF0];
	v5 =	vshll.u32 v6, $0x10;
	[tilespmem:s7+$0xFFFFFE70] =	vst v1  }
0x9e: {  	v1 =	vand.u32 $0xFFFF0000, v6;
	v6 =	vld [tilespmem:s8+$0x70];
	[tilespmem:s7+$0xFFFFFEB0] =	vst v5  }
0x9f: {  	v8 =	vld [tilespmem:s8+$0xB0];
	v5 =	vshll.u32 v4, $0x10;
	[tilespmem:s7+$0xFFFFFEF0] =	vst v1  }
0xa0: {  	v1 =	vand.u32 $0xFFFF0000, v4;
	[tilespmem:s7+$0xFFFFFF30] =	vst v5  }
0xa1: {  	v9 =	vshll.u32 v7, $0x10;
	[tilespmem:s7+$0xFFFFFF70] =	vst v1  }
0xa2: {  	v1 =	vshll.u32 v2, $0x10;
	[tilespmem:s7+$0x30] =	vst v9;
	v4 =	vshll.u32 v3, $0x10  }
0xa3: {  	v2 =	vand.u32 $0xFFFF0000, v3;
	v3 =	vand.u32 $0xFFFF0000, v7;
	[tilespmem:s7+$0xFFFFFFB0] =	vst v4;
	v4 =	vshll.u32 v6, $0x10  }
0xa4: {  	s9 =	simm.s32 $0x5400;
	s8 =	simm.s32 $0x0;
	[tilespmem:s7+$0xFFFFFFF0] =	vst v2;
	v5 =	vand.u32 $0xFFFF0000, v6;
	v6 =	vshll.u32 v8, $0x10;
	v2 =	vand.u32 $0xFFFF0000, v8  }
.LBB2_18:
0xa5: {  	v7 =	vld [tilespmem:s9+$0xC0];
	[tilespmem:s7+$0x70] =	vst v3  }
0xa6: {  	v3 =	vld [tilespmem:s9+$0xFFFFFF40];
	[tilespmem:s7+$0xB0] =	vst v4  }
0xa7: {  	v4 =	vld [tilespmem:s9+$0xFFFFFF80];
	[tilespmem:s7+$0xF0] =	vst v5  }
0xa8: {  	s8 =	sadd.s32 $0x8, s8;
	v5 =	vld [tilespmem:s9+$0xFFFFFFC0];
	[tilespmem:s7+$0x130] =	vst v6  }
0xa9: {  	p1 =	slt.u32 s8, $0x58;
	v6 =	vld [tilespmem:s9+$0x0];
	[tilespmem:s7+$0x170] =	vst v2  }
0xaa: {  	v2 =	vld [tilespmem:s9+$0x40];
	v8 =	vshll.u32 v7, $0x10;
	[tilespmem:s7+$0x1B0] =	vst v1;
	s7 =	sadd.s32 $0x400, s7  }
0xab: {  	v7 =	vand.u32 $0xFFFF0000, v7;
	v1 =	vshll.u32 v3, $0x10;
	v3 =	vand.u32 $0xFFFF0000, v3;
	v9 =	vld [tilespmem:s9+$0x80];
	[tilespmem:s7+$0x180] =	vst v8  }
0xac: {  	v8 =	vld [tilespmem:s9+$0xFFFFFF00];
	v10 =	vshll.u32 v4, $0x10;
	v4 =	vand.u32 $0xFFFF0000, v4;
	[tilespmem:s7+$0x1C0] =	vst v7  }
0xad: {  	[tilespmem:s7+$0xFFFFFE80] =	vst v1;
	v1 =	vshll.u32 v5, $0x10;
	v5 =	vand.u32 $0xFFFF0000, v5;
	v7 =	vld [tilespmem:s9+$0xD0]  }
0xae: {  	[tilespmem:s7+$0xFFFFFEC0] =	vst v3;
	v3 =	vshll.u32 v6, $0x10;
	v6 =	vand.u32 $0xFFFF0000, v6  }
0xaf: {  	v11 =	vld [tilespmem:s9+$0xFFFFFF50];
	[tilespmem:s7+$0xFFFFFF00] =	vst v10;
	v10 =	vshll.u32 v2, $0x10;
	v2 =	vand.u32 $0xFFFF0000, v2  }
0xb0: {  	[tilespmem:s7+$0xFFFFFF40] =	vst v4;
	v4 =	vshll.u32 v9, $0x10;
	v9 =	vand.u32 $0xFFFF0000, v9  }
0xb1: {  	v12 =	vshll.u32 v8, $0x10;
	v8 =	vand.u32 $0xFFFF0000, v8;
	v13 =	vld [tilespmem:s9+$0xFFFFFF90];
	[tilespmem:s7+$0xFFFFFF80] =	vst v1  }
0xb2: {  	[tilespmem:s7+$0xFFFFFE00] =	vst v12;
	v1 =	vshll.u32 v7, $0x10  }
0xb3: {  	[tilespmem:s7+$0x190] =	vst v1;
	v1 =	vand.u32 $0xFFFF0000, v7  }
0xb4: {  	v7 =	vshll.u32 v11, $0x10;
	v11 =	vand.u32 $0xFFFF0000, v11;
	[tilespmem:s7+$0x1D0] =	vst v1  }
0xb5: {  	[tilespmem:s7+$0xFFFFFE40] =	vst v8;
	v1 =	vld [tilespmem:s9+$0xE0]  }
0xb6: {  	v8 =	vld [tilespmem:s9+$0xFFFFFF10];
	v12 =	vshll.u32 v13, $0x10;
	v13 =	vand.u32 $0xFFFF0000, v13;
	[tilespmem:s7+$0xFFFFFFC0] =	vst v5  }
0xb7: {  	v5 =	vld [tilespmem:s9+$0xFFFFFFD0];
	[tilespmem:s7+$0x0] =	vst v3  }
0xb8: {  	[tilespmem:s7+$0x40] =	vst v6  }
0xb9: {  	v3 =	vld [tilespmem:s9+$0x10];
	[tilespmem:s7+$0x80] =	vst v10  }
0xba: {  	[tilespmem:s7+$0xC0] =	vst v2;
	v2 =	vshll.u32 v1, $0x10  }
0xbb: {  	v1 =	vand.u32 $0xFFFF0000, v1;
	v6 =	vshll.u32 v8, $0x10;
	v8 =	vand.u32 $0xFFFF0000, v8;
	v10 =	vld [tilespmem:s9+$0x50];
	[tilespmem:s7+$0x1A0] =	vst v2  }
0xbc: {  	v2 =	vshll.u32 v5, $0x10;
	v5 =	vand.u32 $0xFFFF0000, v5;
	[tilespmem:s7+$0x1E0] =	vst v1  }
0xbd: {  	[tilespmem:s7+$0x100] =	vst v4;
	v4 =	vld [tilespmem:s9+$0xF0]  }
0xbe: {  	v14 =	vshll.u32 v3, $0x10;
	v3 =	vand.u32 $0xFFFF0000, v3;
	[tilespmem:s7+$0x140] =	vst v9  }
0xbf: {  	[tilespmem:s7+$0xFFFFFE10] =	vst v6;
	v6 =	vld [tilespmem:s9+$0x90]  }
0xc0: {  	[tilespmem:s7+$0xFFFFFE50] =	vst v8;
	v8 =	vshll.u32 v10, $0x10;
	v9 =	vand.u32 $0xFFFF0000, v10  }
0xc1: {  	v10 =	vld [tilespmem:s9+$0xFFFFFF20];
	[tilespmem:s7+$0xFFFFFE90] =	vst v7  }
0xc2: {  	[tilespmem:s7+$0xFFFFFED0] =	vst v11;
	v1 =	vshll.u32 v4, $0x10;
	v4 =	vand.u32 $0xFFFF0000, v4  }
0xc3: {  	v7 =	vld [tilespmem:s9+$0xFFFFFF60];
	[tilespmem:s7+$0x1F0] =	vst v4  }
0xc4: {  	[tilespmem:s7+$0xFFFFFF10] =	vst v12;
	v4 =	vshll.u32 v6, $0x10;
	v6 =	vand.u32 $0xFFFF0000, v6  }
0xc5: {  	[tilespmem:s7+$0xFFFFFF50] =	vst v13  }
0xc6: {  	v11 =	vshll.u32 v10, $0x10;
	v10 =	vand.u32 $0xFFFF0000, v10;
	v12 =	vld [tilespmem:s9+$0xFFFFFFA0];
	[tilespmem:s7+$0xFFFFFF90] =	vst v2  }
0xc7: {  	[tilespmem:s7+$0xFFFFFFD0] =	vst v5  }
0xc8: {  	v2 =	vshll.u32 v7, $0x10;
	v5 =	vand.u32 $0xFFFF0000, v7;
	v7 =	vld [tilespmem:s9+$0xFFFFFFE0];
	[tilespmem:s7+$0x10] =	vst v14  }
0xc9: {  	[tilespmem:s7+$0x50] =	vst v3  }
0xca: {  	v3 =	vld [tilespmem:s9+$0x20];
	[tilespmem:s7+$0x90] =	vst v8  }
0xcb: {  	v8 =	vshll.u32 v12, $0x10;
	v12 =	vand.u32 $0xFFFF0000, v12;
	[tilespmem:s7+$0xD0] =	vst v9  }
0xcc: {  	v9 =	vld [tilespmem:s9+$0x60];
	[tilespmem:s7+$0x110] =	vst v4  }
0xcd: {  	v4 =	vshll.u32 v7, $0x10;
	v7 =	vand.u32 $0xFFFF0000, v7;
	[tilespmem:s7+$0x150] =	vst v6  }
0xce: {  	[tilespmem:s7+$0xFFFFFE20] =	vst v11;
	v6 =	vld [tilespmem:s9+$0xA0]  }
0xcf: {  	[tilespmem:s7+$0xFFFFFE60] =	vst v10;
	v10 =	vshll.u32 v3, $0x10;
	v3 =	vand.u32 $0xFFFF0000, v3  }
0xd0: {  	v11 =	vld [tilespmem:s9+$0xFFFFFF30];
	[tilespmem:s7+$0xFFFFFEA0] =	vst v2  }
0xd1: {  	[tilespmem:s7+$0xFFFFFEE0] =	vst v5;
	v2 =	vshll.u32 v9, $0x10;
	v5 =	vand.u32 $0xFFFF0000, v9  }
0xd2: {  	v9 =	vld [tilespmem:s9+$0xFFFFFF70];
	[tilespmem:s7+$0xFFFFFF20] =	vst v8  }
0xd3: {  	[tilespmem:s7+$0xFFFFFF60] =	vst v12;
	v8 =	vshll.u32 v6, $0x10;
	v6 =	vand.u32 $0xFFFF0000, v6  }
0xd4: {  	v12 =	vld [tilespmem:s9+$0xFFFFFFB0];
	[tilespmem:s7+$0xFFFFFFA0] =	vst v4  }
0xd5: {  	v4 =	vshll.u32 v11, $0x10;
	v11 =	vand.u32 $0xFFFF0000, v11;
	[tilespmem:s7+$0xFFFFFFE0] =	vst v7  }
0xd6: {  	v7 =	vld [tilespmem:s9+$0xFFFFFFF0];
	[tilespmem:s7+$0x20] =	vst v10  }
0xd7: {  	v10 =	vshll.u32 v9, $0x10;
	v9 =	vand.u32 $0xFFFF0000, v9;
	[tilespmem:s7+$0x60] =	vst v3  }
0xd8: {  	v3 =	vld [tilespmem:s9+$0x30];
	[tilespmem:s7+$0xA0] =	vst v2  }
0xd9: {  	v2 =	vshll.u32 v12, $0x10;
	v12 =	vand.u32 $0xFFFF0000, v12;
	[tilespmem:s7+$0xE0] =	vst v5  }
0xda: {  	v5 =	vld [tilespmem:s9+$0x70];
	[tilespmem:s7+$0x120] =	vst v8  }
0xdb: {  	v8 =	vshll.u32 v7, $0x10;
	v7 =	vand.u32 $0xFFFF0000, v7;
	[tilespmem:s7+$0x160] =	vst v6  }
0xdc: {  	[tilespmem:s7+$0xFFFFFE30] =	vst v4;
	v13 =	vld [tilespmem:s9+$0xB0]  }
0xdd: {  	[tilespmem:s7+$0xFFFFFE70] =	vst v11;
	v11 =	vshll.u32 v3, $0x10;
	v3 =	vand.u32 $0xFFFF0000, v3  }
0xde: {  	[tilespmem:s7+$0xFFFFFEB0] =	vst v10  }
0xdf: {  	[tilespmem:s7+$0xFFFFFEF0] =	vst v9;
	v4 =	vshll.u32 v5, $0x10;
	v5 =	vand.u32 $0xFFFF0000, v5  }
.Ltmp4:
0xe0: {  	[tilespmem:s7+$0xFFFFFF30] =	vst v2;
	(pc) =	sbr.rel @p1 .LBB2_18-.Ltmp4, $4  }
0xe1: {  	[tilespmem:s7+$0xFFFFFF70] =	vst v12;
	v6 =	vshll.u32 v13, $0x10;
	v2 =	vand.u32 $0xFFFF0000, v13  }
0xe2: {  	[tilespmem:s7+$0xFFFFFFB0] =	vst v8  }
0xe3: {  	[tilespmem:s7+$0xFFFFFFF0] =	vst v7  }
0xe4: {  	s9 =	sadd.s32 $0x200, s9;
	[tilespmem:s7+$0x30] =	vst v11  }
0xe5: {  	[tilespmem:s7+$0x70] =	vst v3  }
0xe6: {  	[tilespmem:s7+$0xB0] =	vst v4  }
0xe7: {  	[tilespmem:s7+$0xF0] =	vst v5;
	s8 =	smul.u32 $0x300, s6  }
0xe8: {  	[tilespmem:s7+$0x130] =	vst v6  }
0xe9: {  	[tilespmem:s7+$0x170] =	vst v2;
	s9 =	sshra.s32 s8, $0x2  }
0xea: {  	[tilespmem:s7+$0x1B0] =	vst v1;
	s9 =	sadd.s32 $0x2880, s9  }
0xeb: {  	[spmem:s3] =	stream.indirect.scatter.add.f32 [tilespmem:s23], [sflag:$0x3], $0x80, s9, s26, $0xb8;
	[tilespmem:$0x1F100] =	vst v63  }
0xec: {  	p1 =	seq.s32 s6, $0x31;
	_ =	swait.ge [sflag:s24], $0x3000  }
0xed: {  	s7 =	sshra.s32 @!p1 s8, $0x2;
	s8 =	simm.s32 @!p1 $0x60;
	[sflag:s24] =	ssyncset.done $0x0  }
0xee: {  	s7 =	sadd.s32 @!p1 $0xC0, s7;
	s9 =	simm.s32 @!p1 $0x5100;
	[sflag:s24] =	ssyncadd.s32 $0xFFFFD000  }
0xef: {  	[tilespmem:s9], [sflag:$0x1] =	stream.indirect.gather @!p1 [hbm4b:s2+s8], $0x40, s7, s8, $0xb8;
	[tilespmem:$0x1F100] =	vst v63  }
0xf0: {  	_ =	swait.ge [sflag:s31], $0x1800  }
0xf1: {  	[sflag:s31] =	ssyncset.done $0x0  }
0xf2: {  	s9 =	simm.s32 $0x6A00;
	[sflag:s31] =	ssyncadd.s32 $0xFFFFE800  }
0xf3: {  	v1 =	vld [tilespmem:s9+$0xC0];
	_ =	sdelay $0x1  }
0xf4: {  	v2 =	vld [tilespmem:s9+$0xFFFFFF40];
	_ =	sdelay $0x1  }
0xf5: {  	v3 =	vld [tilespmem:s9+$0xFFFFFF80]  }
0xf6: {  	s7 =	simm.s32 $0x8300;
	v4 =	vshll.u32 v1, $0x10  }
0xf7: {  	v5 =	vld [tilespmem:s9+$0xFFFFFFC0];
	v1 =	vand.u32 $0xFFFF0000, v1;
	[tilespmem:s7+$0x180] =	vst v4  }
0xf8: {  	v6 =	vld [tilespmem:s9+$0xFFFFFF00];
	v4 =	vshll.u32 v2, $0x10;
	[tilespmem:s7+$0x1C0] =	vst v1  }
0xf9: {  	v1 =	vand.u32 $0xFFFF0000, v2;
	[tilespmem:s7+$0xFFFFFE80] =	vst v4;
	v2 =	vld [tilespmem:s9+$0xD0]  }
0xfa: {  	v4 =	vshll.u32 v3, $0x10;
	[tilespmem:s7+$0xFFFFFEC0] =	vst v1  }
0xfb: {  	v1 =	vand.u32 $0xFFFF0000, v3;
	[tilespmem:s7+$0xFFFFFF00] =	vst v4  }
0xfc: {  	v3 =	vshll.u32 v5, $0x10;
	[tilespmem:s7+$0xFFFFFF40] =	vst v1  }
0xfd: {  	v1 =	vld [tilespmem:s9+$0x0];
	v4 =	vshll.u32 v6, $0x10;
	[tilespmem:s7+$0xFFFFFF80] =	vst v3  }
0xfe: {  	[tilespmem:s7+$0xFFFFFE00] =	vst v4;
	v3 =	vshll.u32 v2, $0x10  }
0xff: {  	v4 =	vld [tilespmem:s9+$0x40];
	v2 =	vand.u32 $0xFFFF0000, v2;
	[tilespmem:s7+$0x190] =	vst v3  }
0x100: {  	v3 =	vand.u32 $0xFFFF0000, v6;
	[tilespmem:s7+$0x1D0] =	vst v2  }
0x101: {  	v2 =	vand.u32 $0xFFFF0000, v5;
	[tilespmem:s7+$0xFFFFFE40] =	vst v3;
	v3 =	vld [tilespmem:s9+$0xE0]  }
0x102: {  	v5 =	vshll.u32 v1, $0x10;
	[tilespmem:s7+$0xFFFFFFC0] =	vst v2  }
0x103: {  	v1 =	vand.u32 $0xFFFF0000, v1;
	v2 =	vld [tilespmem:s9+$0x80];
	[tilespmem:s7+$0x0] =	vst v5  }
0x104: {  	v5 =	vshll.u32 v4, $0x10;
	[tilespmem:s7+$0x40] =	vst v1;
	v1 =	vand.u32 $0xFFFF0000, v4;
	v4 =	vld [tilespmem:s9+$0xFFFFFF10]  }
0x105: {  	[tilespmem:s7+$0x80] =	vst v5  }
0x106: {  	[tilespmem:s7+$0xC0] =	vst v1;
	v1 =	vshll.u32 v3, $0x10  }
0x107: {  	v5 =	vld [tilespmem:s9+$0xFFFFFF50];
	[tilespmem:s7+$0x1A0] =	vst v1;
	v1 =	vand.u32 $0xFFFF0000, v3  }
0x108: {  	v3 =	vshll.u32 v2, $0x10;
	[tilespmem:s7+$0x1E0] =	vst v1  }
0x109: {  	v6 =	vshll.u32 v4, $0x10;
	[tilespmem:s7+$0x100] =	vst v3;
	v3 =	vld [tilespmem:s9+$0xFFFFFF90]  }
0x10a: {  	v1 =	vand.u32 $0xFFFF0000, v2;
	[tilespmem:s7+$0xFFFFFE10] =	vst v6;
	v2 =	vld [tilespmem:s9+$0xF0]  }
0x10b: {  	v6 =	vld [tilespmem:s9+$0xFFFFFFD0];
	[tilespmem:s7+$0x140] =	vst v1;
	v1 =	vand.u32 $0xFFFF0000, v4  }
0x10c: {  	v4 =	vshll.u32 v5, $0x10;
	[tilespmem:s7+$0xFFFFFE50] =	vst v1  }
0x10d: {  	v1 =	vand.u32 $0xFFFF0000, v5;
	[tilespmem:s7+$0xFFFFFE90] =	vst v4;
	v4 =	vld [tilespmem:s9+$0x10]  }
0x10e: {  	[tilespmem:s7+$0xFFFFFED0] =	vst v1;
	v5 =	vshll.u32 v3, $0x10  }
0x10f: {  	v1 =	vand.u32 $0xFFFF0000, v2;
	[tilespmem:s7+$0xFFFFFF10] =	vst v5  }
0x110: {  	v5 =	vshll.u32 v6, $0x10;
	[tilespmem:s7+$0x1F0] =	vst v1;
	v1 =	vand.u32 $0xFFFF0000, v3;
	v3 =	vld [tilespmem:s9+$0x50]  }
0x111: {  	[tilespmem:s7+$0xFFFFFF90] =	vst v5  }
0x112: {  	v5 =	vshll.u32 v4, $0x10;
	[tilespmem:s7+$0xFFFFFF50] =	vst v1;
	v1 =	vand.u32 $0xFFFF0000, v6;
	v6 =	vld [tilespmem:s9+$0x90]  }
0x113: {  	[tilespmem:s7+$0x10] =	vst v5  }
0x114: {  	[tilespmem:s7+$0xFFFFFFD0] =	vst v1;
	v1 =	vand.u32 $0xFFFF0000, v4;
	v4 =	vld [tilespmem:s9+$0xFFFFFF20]  }
0x115: {  	[tilespmem:s7+$0x50] =	vst v1;
	v5 =	vshll.u32 v3, $0x10  }
0x116: {  	v1 =	vand.u32 $0xFFFF0000, v3;
	v3 =	vld [tilespmem:s9+$0xFFFFFF60];
	[tilespmem:s7+$0x90] =	vst v5  }
0x117: {  	v5 =	vshll.u32 v6, $0x10;
	[tilespmem:s7+$0xD0] =	vst v1  }
0x118: {  	v1 =	vand.u32 $0xFFFF0000, v6;
	v6 =	vld [tilespmem:s9+$0xFFFFFFA0];
	[tilespmem:s7+$0x110] =	vst v5  }
0x119: {  	v5 =	vshll.u32 v4, $0x10;
	[tilespmem:s7+$0x150] =	vst v1  }
0x11a: {  	v1 =	vand.u32 $0xFFFF0000, v4;
	v4 =	vld [tilespmem:s9+$0xFFFFFFE0];
	[tilespmem:s7+$0xFFFFFE20] =	vst v5  }
0x11b: {  	[tilespmem:s7+$0xFFFFFE60] =	vst v1;
	v5 =	vshll.u32 v3, $0x10  }
0x11c: {  	v1 =	vand.u32 $0xFFFF0000, v3;
	v3 =	vld [tilespmem:s9+$0x20];
	[tilespmem:s7+$0xFFFFFEA0] =	vst v5  }
0x11d: {  	v5 =	vshll.u32 v6, $0x10;
	[tilespmem:s7+$0xFFFFFEE0] =	vst v1  }
0x11e: {  	v1 =	vand.u32 $0xFFFF0000, v6;
	v6 =	vld [tilespmem:s9+$0x60];
	[tilespmem:s7+$0xFFFFFF20] =	vst v5  }
0x11f: {  	v5 =	vshll.u32 v4, $0x10;
	[tilespmem:s7+$0xFFFFFF60] =	vst v1  }
0x120: {  	v1 =	vand.u32 $0xFFFF0000, v4;
	v4 =	vld [tilespmem:s9+$0xA0];
	[tilespmem:s7+$0xFFFFFFA0] =	vst v5  }
0x121: {  	[tilespmem:s7+$0xFFFFFFE0] =	vst v1;
	v5 =	vshll.u32 v3, $0x10  }
0x122: {  	v1 =	vand.u32 $0xFFFF0000, v3;
	v3 =	vld [tilespmem:s9+$0xFFFFFF30];
	[tilespmem:s7+$0x20] =	vst v5  }
0x123: {  	v5 =	vshll.u32 v6, $0x10;
	[tilespmem:s7+$0x60] =	vst v1  }
0x124: {  	v1 =	vand.u32 $0xFFFF0000, v6;
	v6 =	vld [tilespmem:s9+$0xFFFFFF70];
	[tilespmem:s7+$0xA0] =	vst v5  }
0x125: {  	v5 =	vshll.u32 v4, $0x10;
	[tilespmem:s7+$0xE0] =	vst v1  }
0x126: {  	v1 =	vand.u32 $0xFFFF0000, v4;
	v4 =	vld [tilespmem:s9+$0xFFFFFFB0];
	[tilespmem:s7+$0x120] =	vst v5  }
0x127: {  	[tilespmem:s7+$0x160] =	vst v1;
	v5 =	vshll.u32 v3, $0x10  }
0x128: {  	v7 =	vld [tilespmem:s9+$0x30];
	v1 =	vand.u32 $0xFFFF0000, v3;
	[tilespmem:s7+$0xFFFFFE30] =	vst v5  }
0x129: {  	v3 =	vld [tilespmem:s9+$0xFFFFFFF0];
	v5 =	vshll.u32 v6, $0x10;
	[tilespmem:s7+$0xFFFFFE70] =	vst v1  }
0x12a: {  	v1 =	vand.u32 $0xFFFF0000, v6;
	v6 =	vld [tilespmem:s9+$0x70];
	[tilespmem:s7+$0xFFFFFEB0] =	vst v5  }
0x12b: {  	v8 =	vld [tilespmem:s9+$0xB0];
	v5 =	vshll.u32 v4, $0x10;
	[tilespmem:s7+$0xFFFFFEF0] =	vst v1  }
0x12c: {  	v1 =	vand.u32 $0xFFFF0000, v4;
	[tilespmem:s7+$0xFFFFFF30] =	vst v5  }
0x12d: {  	v9 =	vshll.u32 v7, $0x10;
	[tilespmem:s7+$0xFFFFFF70] =	vst v1  }
0x12e: {  	v1 =	vshll.u32 v2, $0x10;
	[tilespmem:s7+$0x30] =	vst v9;
	v4 =	vshll.u32 v3, $0x10  }
0x12f: {  	v2 =	vand.u32 $0xFFFF0000, v7;
	v3 =	vand.u32 $0xFFFF0000, v3;
	[tilespmem:s7+$0xFFFFFFB0] =	vst v4;
	v4 =	vshll.u32 v6, $0x10  }
0x130: {  	s6 =	sadd.s32 $0x1, s6;
	s8 =	simm.s32 $0x0;
	s9 =	simm.s32 $0x6C00;
	[tilespmem:s7+$0xFFFFFFF0] =	vst v3;
	v5 =	vand.u32 $0xFFFF0000, v6;
	v6 =	vshll.u32 v8, $0x10;
	v3 =	vand.u32 $0xFFFF0000, v8  }
.LBB2_20:
0x131: {  	v7 =	vld [tilespmem:s9+$0xC0];
	[tilespmem:s7+$0x70] =	vst v2  }
0x132: {  	v2 =	vld [tilespmem:s9+$0xFFFFFF40];
	[tilespmem:s7+$0xB0] =	vst v4  }
0x133: {  	v4 =	vld [tilespmem:s9+$0xFFFFFF80];
	[tilespmem:s7+$0xF0] =	vst v5  }
0x134: {  	s8 =	sadd.s32 $0x8, s8;
	v5 =	vld [tilespmem:s9+$0xFFFFFFC0];
	[tilespmem:s7+$0x130] =	vst v6  }
0x135: {  	p1 =	slt.u32 s8, $0x58;
	v6 =	vld [tilespmem:s9+$0x0];
	[tilespmem:s7+$0x170] =	vst v3  }
0x136: {  	v3 =	vld [tilespmem:s9+$0x40];
	v8 =	vshll.u32 v7, $0x10;
	[tilespmem:s7+$0x1B0] =	vst v1;
	s7 =	sadd.s32 $0x400, s7  }
0x137: {  	v7 =	vand.u32 $0xFFFF0000, v7;
	v1 =	vshll.u32 v2, $0x10;
	v2 =	vand.u32 $0xFFFF0000, v2;
	v9 =	vld [tilespmem:s9+$0x80];
	[tilespmem:s7+$0x180] =	vst v8  }
0x138: {  	v8 =	vld [tilespmem:s9+$0xFFFFFF00];
	v10 =	vshll.u32 v4, $0x10;
	v4 =	vand.u32 $0xFFFF0000, v4;
	[tilespmem:s7+$0x1C0] =	vst v7  }
0x139: {  	[tilespmem:s7+$0xFFFFFE80] =	vst v1;
	v1 =	vshll.u32 v5, $0x10;
	v5 =	vand.u32 $0xFFFF0000, v5;
	v7 =	vld [tilespmem:s9+$0xD0]  }
0x13a: {  	[tilespmem:s7+$0xFFFFFEC0] =	vst v2;
	v2 =	vshll.u32 v6, $0x10;
	v6 =	vand.u32 $0xFFFF0000, v6  }
0x13b: {  	v11 =	vld [tilespmem:s9+$0xFFFFFF50];
	[tilespmem:s7+$0xFFFFFF00] =	vst v10;
	v10 =	vshll.u32 v3, $0x10;
	v3 =	vand.u32 $0xFFFF0000, v3  }
0x13c: {  	[tilespmem:s7+$0xFFFFFF40] =	vst v4;
	v4 =	vshll.u32 v9, $0x10;
	v9 =	vand.u32 $0xFFFF0000, v9  }
0x13d: {  	v12 =	vshll.u32 v8, $0x10;
	v8 =	vand.u32 $0xFFFF0000, v8;
	v13 =	vld [tilespmem:s9+$0xFFFFFF90];
	[tilespmem:s7+$0xFFFFFF80] =	vst v1  }
0x13e: {  	[tilespmem:s7+$0xFFFFFE00] =	vst v12;
	v1 =	vshll.u32 v7, $0x10  }
0x13f: {  	[tilespmem:s7+$0x190] =	vst v1;
	v1 =	vand.u32 $0xFFFF0000, v7  }
0x140: {  	v7 =	vshll.u32 v11, $0x10;
	v11 =	vand.u32 $0xFFFF0000, v11;
	[tilespmem:s7+$0x1D0] =	vst v1  }
0x141: {  	[tilespmem:s7+$0xFFFFFE40] =	vst v8;
	v1 =	vld [tilespmem:s9+$0xE0]  }
0x142: {  	v8 =	vld [tilespmem:s9+$0xFFFFFF10];
	v12 =	vshll.u32 v13, $0x10;
	v13 =	vand.u32 $0xFFFF0000, v13;
	[tilespmem:s7+$0xFFFFFFC0] =	vst v5  }
0x143: {  	v5 =	vld [tilespmem:s9+$0xFFFFFFD0];
	[tilespmem:s7+$0x0] =	vst v2  }
0x144: {  	[tilespmem:s7+$0x40] =	vst v6  }
0x145: {  	v2 =	vld [tilespmem:s9+$0x10];
	[tilespmem:s7+$0x80] =	vst v10  }
0x146: {  	[tilespmem:s7+$0xC0] =	vst v3;
	v3 =	vshll.u32 v1, $0x10  }
0x147: {  	v1 =	vand.u32 $0xFFFF0000, v1;
	v6 =	vshll.u32 v8, $0x10;
	v8 =	vand.u32 $0xFFFF0000, v8;
	v10 =	vld [tilespmem:s9+$0x50];
	[tilespmem:s7+$0x1A0] =	vst v3  }
0x148: {  	v3 =	vshll.u32 v5, $0x10;
	v5 =	vand.u32 $0xFFFF0000, v5;
	[tilespmem:s7+$0x1E0] =	vst v1  }
0x149: {  	[tilespmem:s7+$0x100] =	vst v4;
	v4 =	vld [tilespmem:s9+$0xF0]  }
0x14a: {  	v14 =	vshll.u32 v2, $0x10;
	v2 =	vand.u32 $0xFFFF0000, v2;
	[tilespmem:s7+$0x140] =	vst v9  }
0x14b: {  	[tilespmem:s7+$0xFFFFFE10] =	vst v6;
	v6 =	vld [tilespmem:s9+$0x90]  }
0x14c: {  	[tilespmem:s7+$0xFFFFFE50] =	vst v8;
	v8 =	vshll.u32 v10, $0x10;
	v9 =	vand.u32 $0xFFFF0000, v10  }
0x14d: {  	v10 =	vld [tilespmem:s9+$0xFFFFFF20];
	[tilespmem:s7+$0xFFFFFE90] =	vst v7  }
0x14e: {  	[tilespmem:s7+$0xFFFFFED0] =	vst v11;
	v1 =	vshll.u32 v4, $0x10;
	v4 =	vand.u32 $0xFFFF0000, v4  }
0x14f: {  	v7 =	vld [tilespmem:s9+$0xFFFFFF60];
	[tilespmem:s7+$0x1F0] =	vst v4  }
0x150: {  	[tilespmem:s7+$0xFFFFFF10] =	vst v12;
	v4 =	vshll.u32 v6, $0x10;
	v6 =	vand.u32 $0xFFFF0000, v6  }
0x151: {  	[tilespmem:s7+$0xFFFFFF50] =	vst v13  }
0x152: {  	v11 =	vshll.u32 v10, $0x10;
	v10 =	vand.u32 $0xFFFF0000, v10;
	v12 =	vld [tilespmem:s9+$0xFFFFFFA0];
	[tilespmem:s7+$0xFFFFFF90] =	vst v3  }
0x153: {  	[tilespmem:s7+$0xFFFFFFD0] =	vst v5  }
0x154: {  	v3 =	vshll.u32 v7, $0x10;
	v5 =	vand.u32 $0xFFFF0000, v7;
	v7 =	vld [tilespmem:s9+$0xFFFFFFE0];
	[tilespmem:s7+$0x10] =	vst v14  }
0x155: {  	[tilespmem:s7+$0x50] =	vst v2  }
0x156: {  	v2 =	vld [tilespmem:s9+$0x20];
	[tilespmem:s7+$0x90] =	vst v8  }
0x157: {  	v8 =	vshll.u32 v12, $0x10;
	v12 =	vand.u32 $0xFFFF0000, v12;
	[tilespmem:s7+$0xD0] =	vst v9  }
0x158: {  	v9 =	vld [tilespmem:s9+$0x60];
	[tilespmem:s7+$0x110] =	vst v4  }
0x159: {  	v4 =	vshll.u32 v7, $0x10;
	v7 =	vand.u32 $0xFFFF0000, v7;
	[tilespmem:s7+$0x150] =	vst v6  }
0x15a: {  	[tilespmem:s7+$0xFFFFFE20] =	vst v11;
	v6 =	vld [tilespmem:s9+$0xA0]  }
0x15b: {  	[tilespmem:s7+$0xFFFFFE60] =	vst v10;
	v10 =	vshll.u32 v2, $0x10;
	v2 =	vand.u32 $0xFFFF0000, v2  }
0x15c: {  	v11 =	vld [tilespmem:s9+$0xFFFFFF30];
	[tilespmem:s7+$0xFFFFFEA0] =	vst v3  }
0x15d: {  	[tilespmem:s7+$0xFFFFFEE0] =	vst v5;
	v3 =	vshll.u32 v9, $0x10;
	v5 =	vand.u32 $0xFFFF0000, v9  }
0x15e: {  	v9 =	vld [tilespmem:s9+$0xFFFFFF70];
	[tilespmem:s7+$0xFFFFFF20] =	vst v8  }
0x15f: {  	[tilespmem:s7+$0xFFFFFF60] =	vst v12;
	v8 =	vshll.u32 v6, $0x10;
	v6 =	vand.u32 $0xFFFF0000, v6  }
0x160: {  	v12 =	vld [tilespmem:s9+$0xFFFFFFB0];
	[tilespmem:s7+$0xFFFFFFA0] =	vst v4  }
0x161: {  	v4 =	vshll.u32 v11, $0x10;
	v11 =	vand.u32 $0xFFFF0000, v11;
	[tilespmem:s7+$0xFFFFFFE0] =	vst v7  }
0x162: {  	v7 =	vld [tilespmem:s9+$0xFFFFFFF0];
	[tilespmem:s7+$0x20] =	vst v10  }
0x163: {  	v10 =	vshll.u32 v9, $0x10;
	v9 =	vand.u32 $0xFFFF0000, v9;
	[tilespmem:s7+$0x60] =	vst v2  }
0x164: {  	v2 =	vld [tilespmem:s9+$0x30];
	[tilespmem:s7+$0xA0] =	vst v3  }
0x165: {  	v3 =	vshll.u32 v12, $0x10;
	v12 =	vand.u32 $0xFFFF0000, v12;
	[tilespmem:s7+$0xE0] =	vst v5  }
0x166: {  	v5 =	vld [tilespmem:s9+$0x70];
	[tilespmem:s7+$0x120] =	vst v8  }
0x167: {  	v8 =	vshll.u32 v7, $0x10;
	v7 =	vand.u32 $0xFFFF0000, v7;
	[tilespmem:s7+$0x160] =	vst v6  }
0x168: {  	[tilespmem:s7+$0xFFFFFE30] =	vst v4;
	v13 =	vld [tilespmem:s9+$0xB0]  }
0x169: {  	[tilespmem:s7+$0xFFFFFE70] =	vst v11;
	v11 =	vshll.u32 v2, $0x10;
	v2 =	vand.u32 $0xFFFF0000, v2  }
0x16a: {  	[tilespmem:s7+$0xFFFFFEB0] =	vst v10  }
0x16b: {  	[tilespmem:s7+$0xFFFFFEF0] =	vst v9;
	v4 =	vshll.u32 v5, $0x10;
	v5 =	vand.u32 $0xFFFF0000, v5  }
.Ltmp5:
0x16c: {  	[tilespmem:s7+$0xFFFFFF30] =	vst v3;
	(pc) =	sbr.rel @p1 .LBB2_20-.Ltmp5, $4  }
0x16d: {  	[tilespmem:s7+$0xFFFFFF70] =	vst v12;
	v6 =	vshll.u32 v13, $0x10;
	v3 =	vand.u32 $0xFFFF0000, v13  }
0x16e: {  	[tilespmem:s7+$0xFFFFFFB0] =	vst v8  }
0x16f: {  	[tilespmem:s7+$0xFFFFFFF0] =	vst v7  }
0x170: {  	s9 =	sadd.s32 $0x200, s9;
	[tilespmem:s7+$0x30] =	vst v11  }
0x171: {  	[tilespmem:s7+$0x70] =	vst v2  }
0x172: {  	[tilespmem:s7+$0xB0] =	vst v4  }
0x173: {  	[tilespmem:s7+$0xF0] =	vst v5  }
0x174: {  	[tilespmem:s7+$0x130] =	vst v6  }
0x175: {  	[tilespmem:s7+$0x170] =	vst v3  }
0x176: {  	[tilespmem:s7+$0x1B0] =	vst v1;
	s0 =	sadd.s32 $0x2880, s0;
	p1 =	sne.s32 s6, $0x32  }
0x177: {  	[spmem:s3] =	stream.indirect.scatter.add.f32 [tilespmem:s23], [sflag:$0x3], $0x80, s0, s26, $0xb8;
	[tilespmem:$0x1F100] =	vst v63  }
.Ltmp6:
0x178: {  	_ = 	snop;
	(pc) =	sbr.rel @p1 .LBB2_17-.Ltmp6, $4  }
.Ltmp7:
0x179: {  	_ = 	snop;
	(pc) =	sbr.rel @!p1 .LBB2_22-.Ltmp7, $4  }
0x17a: {  	_ =	swait.ge [sflag:s24], $0x3000  }
0x17b: {  	[sflag:s24] =	ssyncset.done $0x0  }
0x17c: {  	[sflag:s24] =	ssyncadd.s32 $0xFFFFD000  }
0x17d: {  	_ = 	snop  }
.LBB2_4:
0x17e: {  	s0 =	rddreg [dreg:$0x4]  }
0x17f: {  	[tilespmem:s6], [sflag:$0x3] =	stream.linear.gather [hbm4b:s0+s6], $0x2880, $0x38;
	[tilespmem:$0x1F100] =	vst v63  }
0x180: {  	_ =	swait.ge [sflag:s24], $0x2880  }
0x181: {  	[sflag:s24] =	ssyncset.done $0x0  }
0x182: {  	s9 =	rddreg [dreg:$0x5];
	[sflag:s24] =	ssyncadd.s32 $0xFFFFD780  }
0x183: {  	[tilespmem:s25], [sflag:$0x3] =	stream.linear.gather [hbm4b:s9+s6], $0x2880, $0x38;
	[tilespmem:$0x1F100] =	vst v63  }
0x184: {  	_ =	swait.ge [sflag:s24], $0x2880  }
0x185: {  	[sflag:s24] =	ssyncset.done $0x0  }
0x186: {  	[sflag:s24] =	ssyncadd.s32 $0xFFFFD780  }
0x187: {  	[tilespmem:s28], [sflag:$0x1] =	stream.indirect.gather [hbm4b:s2+s26], $0x40, s6, s26, $0xb8;
	[tilespmem:$0x1F100] =	vst v63  }
.LBB2_5:
0x188: {  	s0 =	smul.u32 $0xC0, s6;
	_ =	sdelay $0x1  }
0x189: {  	s0 =	sadd.s32 $0x60, s0  }
0x18a: {  	[tilespmem:s29], [sflag:$0x2] =	stream.indirect.gather [hbm4b:s2+s26], $0x40, s0, s26, $0xb8;
	[tilespmem:$0x1F100] =	vst v63  }
0x18b: {  	_ =	swait.ge [sflag:s30], $0x1800  }
0x18c: {  	[sflag:s30] =	ssyncset.done $0x0  }
0x18d: {  	s8 =	simm.s32 $0x5200;
	[sflag:s30] =	ssyncadd.s32 $0xFFFFE800  }
0x18e: {  	v1 =	vld [tilespmem:s8+$0xC0];
	_ =	sdelay $0x1  }
0x18f: {  	v2 =	vld [tilespmem:s8+$0xFFFFFF40];
	_ =	sdelay $0x1  }
0x190: {  	v3 =	vld [tilespmem:s8+$0xFFFFFF80]  }
0x191: {  	s7 =	simm.s32 $0x8300;
	v4 =	vshll.u32 v1, $0x10  }
0x192: {  	v5 =	vld [tilespmem:s8+$0xFFFFFFC0];
	v1 =	vand.u32 $0xFFFF0000, v1;
	[tilespmem:s7+$0x180] =	vst v4  }
0x193: {  	v6 =	vld [tilespmem:s8+$0xFFFFFF00];
	v4 =	vshll.u32 v2, $0x10;
	[tilespmem:s7+$0x1C0] =	vst v1  }
0x194: {  	v1 =	vand.u32 $0xFFFF0000, v2;
	[tilespmem:s7+$0xFFFFFE80] =	vst v4;
	v2 =	vld [tilespmem:s8+$0xD0]  }
0x195: {  	v4 =	vshll.u32 v3, $0x10;
	[tilespmem:s7+$0xFFFFFEC0] =	vst v1  }
0x196: {  	v1 =	vand.u32 $0xFFFF0000, v3;
	[tilespmem:s7+$0xFFFFFF00] =	vst v4  }
0x197: {  	v3 =	vshll.u32 v5, $0x10;
	[tilespmem:s7+$0xFFFFFF40] =	vst v1  }
0x198: {  	v1 =	vld [tilespmem:s8+$0x0];
	v4 =	vshll.u32 v6, $0x10;
	[tilespmem:s7+$0xFFFFFF80] =	vst v3  }
0x199: {  	[tilespmem:s7+$0xFFFFFE00] =	vst v4;
	v3 =	vshll.u32 v2, $0x10  }
0x19a: {  	v4 =	vld [tilespmem:s8+$0x40];
	v2 =	vand.u32 $0xFFFF0000, v2;
	[tilespmem:s7+$0x190] =	vst v3  }
0x19b: {  	v3 =	vand.u32 $0xFFFF0000, v6;
	[tilespmem:s7+$0x1D0] =	vst v2  }
0x19c: {  	v2 =	vand.u32 $0xFFFF0000, v5;
	[tilespmem:s7+$0xFFFFFE40] =	vst v3;
	v3 =	vld [tilespmem:s8+$0xE0]  }
0x19d: {  	v5 =	vshll.u32 v1, $0x10;
	[tilespmem:s7+$0xFFFFFFC0] =	vst v2  }
0x19e: {  	v1 =	vand.u32 $0xFFFF0000, v1;
	v2 =	vld [tilespmem:s8+$0x80];
	[tilespmem:s7+$0x0] =	vst v5  }
0x19f: {  	v5 =	vshll.u32 v4, $0x10;
	[tilespmem:s7+$0x40] =	vst v1;
	v1 =	vand.u32 $0xFFFF0000, v4;
	v4 =	vld [tilespmem:s8+$0xFFFFFF10]  }
0x1a0: {  	[tilespmem:s7+$0x80] =	vst v5  }
0x1a1: {  	[tilespmem:s7+$0xC0] =	vst v1;
	v1 =	vshll.u32 v3, $0x10  }
0x1a2: {  	v5 =	vld [tilespmem:s8+$0xFFFFFF50];
	[tilespmem:s7+$0x1A0] =	vst v1;
	v1 =	vand.u32 $0xFFFF0000, v3  }
0x1a3: {  	v3 =	vshll.u32 v2, $0x10;
	[tilespmem:s7+$0x1E0] =	vst v1  }
0x1a4: {  	v6 =	vshll.u32 v4, $0x10;
	[tilespmem:s7+$0x100] =	vst v3;
	v3 =	vld [tilespmem:s8+$0xFFFFFF90]  }
0x1a5: {  	v1 =	vand.u32 $0xFFFF0000, v2;
	[tilespmem:s7+$0xFFFFFE10] =	vst v6;
	v2 =	vld [tilespmem:s8+$0xF0]  }
0x1a6: {  	v6 =	vld [tilespmem:s8+$0xFFFFFFD0];
	[tilespmem:s7+$0x140] =	vst v1;
	v1 =	vand.u32 $0xFFFF0000, v4  }
0x1a7: {  	v4 =	vshll.u32 v5, $0x10;
	[tilespmem:s7+$0xFFFFFE50] =	vst v1  }
0x1a8: {  	v1 =	vand.u32 $0xFFFF0000, v5;
	[tilespmem:s7+$0xFFFFFE90] =	vst v4;
	v4 =	vld [tilespmem:s8+$0x10]  }
0x1a9: {  	[tilespmem:s7+$0xFFFFFED0] =	vst v1;
	v5 =	vshll.u32 v3, $0x10  }
0x1aa: {  	v1 =	vand.u32 $0xFFFF0000, v2;
	[tilespmem:s7+$0xFFFFFF10] =	vst v5  }
0x1ab: {  	v5 =	vshll.u32 v6, $0x10;
	[tilespmem:s7+$0x1F0] =	vst v1;
	v1 =	vand.u32 $0xFFFF0000, v3;
	v3 =	vld [tilespmem:s8+$0x50]  }
0x1ac: {  	[tilespmem:s7+$0xFFFFFF90] =	vst v5  }
0x1ad: {  	v5 =	vshll.u32 v4, $0x10;
	[tilespmem:s7+$0xFFFFFF50] =	vst v1;
	v1 =	vand.u32 $0xFFFF0000, v6;
	v6 =	vld [tilespmem:s8+$0x90]  }
0x1ae: {  	[tilespmem:s7+$0x10] =	vst v5  }
0x1af: {  	[tilespmem:s7+$0xFFFFFFD0] =	vst v1;
	v1 =	vand.u32 $0xFFFF0000, v4;
	v4 =	vld [tilespmem:s8+$0xFFFFFF20]  }
0x1b0: {  	[tilespmem:s7+$0x50] =	vst v1;
	v5 =	vshll.u32 v3, $0x10  }
0x1b1: {  	v1 =	vand.u32 $0xFFFF0000, v3;
	v3 =	vld [tilespmem:s8+$0xFFFFFF60];
	[tilespmem:s7+$0x90] =	vst v5  }
0x1b2: {  	v5 =	vshll.u32 v6, $0x10;
	[tilespmem:s7+$0xD0] =	vst v1  }
0x1b3: {  	v1 =	vand.u32 $0xFFFF0000, v6;
	v6 =	vld [tilespmem:s8+$0xFFFFFFA0];
	[tilespmem:s7+$0x110] =	vst v5  }
0x1b4: {  	v5 =	vshll.u32 v4, $0x10;
	[tilespmem:s7+$0x150] =	vst v1  }
0x1b5: {  	v1 =	vand.u32 $0xFFFF0000, v4;
	v4 =	vld [tilespmem:s8+$0xFFFFFFE0];
	[tilespmem:s7+$0xFFFFFE20] =	vst v5  }
0x1b6: {  	[tilespmem:s7+$0xFFFFFE60] =	vst v1;
	v5 =	vshll.u32 v3, $0x10  }
0x1b7: {  	v1 =	vand.u32 $0xFFFF0000, v3;
	v3 =	vld [tilespmem:s8+$0x20];
	[tilespmem:s7+$0xFFFFFEA0] =	vst v5  }
0x1b8: {  	v5 =	vshll.u32 v6, $0x10;
	[tilespmem:s7+$0xFFFFFEE0] =	vst v1  }
0x1b9: {  	v1 =	vand.u32 $0xFFFF0000, v6;
	v6 =	vld [tilespmem:s8+$0x60];
	[tilespmem:s7+$0xFFFFFF20] =	vst v5  }
0x1ba: {  	v5 =	vshll.u32 v4, $0x10;
	[tilespmem:s7+$0xFFFFFF60] =	vst v1  }
0x1bb: {  	v1 =	vand.u32 $0xFFFF0000, v4;
	v4 =	vld [tilespmem:s8+$0xA0];
	[tilespmem:s7+$0xFFFFFFA0] =	vst v5  }
0x1bc: {  	[tilespmem:s7+$0xFFFFFFE0] =	vst v1;
	v5 =	vshll.u32 v3, $0x10  }
0x1bd: {  	v1 =	vand.u32 $0xFFFF0000, v3;
	v3 =	vld [tilespmem:s8+$0xFFFFFF30];
	[tilespmem:s7+$0x20] =	vst v5  }
0x1be: {  	v5 =	vshll.u32 v6, $0x10;
	[tilespmem:s7+$0x60] =	vst v1  }
0x1bf: {  	v1 =	vand.u32 $0xFFFF0000, v6;
	v6 =	vld [tilespmem:s8+$0xFFFFFF70];
	[tilespmem:s7+$0xA0] =	vst v5  }
0x1c0: {  	v5 =	vshll.u32 v4, $0x10;
	[tilespmem:s7+$0xE0] =	vst v1  }
0x1c1: {  	v1 =	vand.u32 $0xFFFF0000, v4;
	v4 =	vld [tilespmem:s8+$0xFFFFFFB0];
	[tilespmem:s7+$0x120] =	vst v5  }
0x1c2: {  	[tilespmem:s7+$0x160] =	vst v1;
	v5 =	vshll.u32 v3, $0x10  }
0x1c3: {  	v7 =	vld [tilespmem:s8+$0x30];
	v1 =	vand.u32 $0xFFFF0000, v3;
	[tilespmem:s7+$0xFFFFFE30] =	vst v5  }
0x1c4: {  	v3 =	vld [tilespmem:s8+$0xFFFFFFF0];
	v5 =	vshll.u32 v6, $0x10;
	[tilespmem:s7+$0xFFFFFE70] =	vst v1  }
0x1c5: {  	v1 =	vand.u32 $0xFFFF0000, v6;
	v6 =	vld [tilespmem:s8+$0x70];
	[tilespmem:s7+$0xFFFFFEB0] =	vst v5  }
0x1c6: {  	v8 =	vld [tilespmem:s8+$0xB0];
	v5 =	vshll.u32 v4, $0x10;
	[tilespmem:s7+$0xFFFFFEF0] =	vst v1  }
0x1c7: {  	v1 =	vand.u32 $0xFFFF0000, v4;
	[tilespmem:s7+$0xFFFFFF30] =	vst v5  }
0x1c8: {  	v9 =	vshll.u32 v7, $0x10;
	[tilespmem:s7+$0xFFFFFF70] =	vst v1  }
0x1c9: {  	v1 =	vshll.u32 v2, $0x10;
	[tilespmem:s7+$0x30] =	vst v9;
	v4 =	vshll.u32 v3, $0x10  }
0x1ca: {  	v2 =	vand.u32 $0xFFFF0000, v3;
	v3 =	vand.u32 $0xFFFF0000, v7;
	[tilespmem:s7+$0xFFFFFFB0] =	vst v4;
	v4 =	vshll.u32 v6, $0x10  }
0x1cb: {  	s9 =	simm.s32 $0x5400;
	s8 =	simm.s32 $0x0;
	[tilespmem:s7+$0xFFFFFFF0] =	vst v2;
	v5 =	vand.u32 $0xFFFF0000, v6;
	v6 =	vshll.u32 v8, $0x10;
	v2 =	vand.u32 $0xFFFF0000, v8  }
.LBB2_6:
0x1cc: {  	v7 =	vld [tilespmem:s9+$0xC0];
	[tilespmem:s7+$0x70] =	vst v3  }
0x1cd: {  	v3 =	vld [tilespmem:s9+$0xFFFFFF40];
	[tilespmem:s7+$0xB0] =	vst v4  }
0x1ce: {  	v4 =	vld [tilespmem:s9+$0xFFFFFF80];
	[tilespmem:s7+$0xF0] =	vst v5  }
0x1cf: {  	s8 =	sadd.s32 $0x8, s8;
	v5 =	vld [tilespmem:s9+$0xFFFFFFC0];
	[tilespmem:s7+$0x130] =	vst v6  }
0x1d0: {  	p1 =	slt.u32 s8, $0x58;
	v6 =	vld [tilespmem:s9+$0x0];
	[tilespmem:s7+$0x170] =	vst v2  }
0x1d1: {  	v2 =	vld [tilespmem:s9+$0x40];
	v8 =	vshll.u32 v7, $0x10;
	[tilespmem:s7+$0x1B0] =	vst v1;
	s7 =	sadd.s32 $0x400, s7  }
0x1d2: {  	v7 =	vand.u32 $0xFFFF0000, v7;
	v1 =	vshll.u32 v3, $0x10;
	v3 =	vand.u32 $0xFFFF0000, v3;
	v9 =	vld [tilespmem:s9+$0x80];
	[tilespmem:s7+$0x180] =	vst v8  }
0x1d3: {  	v8 =	vld [tilespmem:s9+$0xFFFFFF00];
	v10 =	vshll.u32 v4, $0x10;
	v4 =	vand.u32 $0xFFFF0000, v4;
	[tilespmem:s7+$0x1C0] =	vst v7  }
0x1d4: {  	[tilespmem:s7+$0xFFFFFE80] =	vst v1;
	v1 =	vshll.u32 v5, $0x10;
	v5 =	vand.u32 $0xFFFF0000, v5;
	v7 =	vld [tilespmem:s9+$0xD0]  }
0x1d5: {  	[tilespmem:s7+$0xFFFFFEC0] =	vst v3;
	v3 =	vshll.u32 v6, $0x10;
	v6 =	vand.u32 $0xFFFF0000, v6  }
0x1d6: {  	v11 =	vld [tilespmem:s9+$0xFFFFFF50];
	[tilespmem:s7+$0xFFFFFF00] =	vst v10;
	v10 =	vshll.u32 v2, $0x10;
	v2 =	vand.u32 $0xFFFF0000, v2  }
0x1d7: {  	[tilespmem:s7+$0xFFFFFF40] =	vst v4;
	v4 =	vshll.u32 v9, $0x10;
	v9 =	vand.u32 $0xFFFF0000, v9  }
0x1d8: {  	v12 =	vshll.u32 v8, $0x10;
	v8 =	vand.u32 $0xFFFF0000, v8;
	v13 =	vld [tilespmem:s9+$0xFFFFFF90];
	[tilespmem:s7+$0xFFFFFF80] =	vst v1  }
0x1d9: {  	[tilespmem:s7+$0xFFFFFE00] =	vst v12;
	v1 =	vshll.u32 v7, $0x10  }
0x1da: {  	[tilespmem:s7+$0x190] =	vst v1;
	v1 =	vand.u32 $0xFFFF0000, v7  }
0x1db: {  	v7 =	vshll.u32 v11, $0x10;
	v11 =	vand.u32 $0xFFFF0000, v11;
	[tilespmem:s7+$0x1D0] =	vst v1  }
0x1dc: {  	[tilespmem:s7+$0xFFFFFE40] =	vst v8;
	v1 =	vld [tilespmem:s9+$0xE0]  }
0x1dd: {  	v8 =	vld [tilespmem:s9+$0xFFFFFF10];
	v12 =	vshll.u32 v13, $0x10;
	v13 =	vand.u32 $0xFFFF0000, v13;
	[tilespmem:s7+$0xFFFFFFC0] =	vst v5  }
0x1de: {  	v5 =	vld [tilespmem:s9+$0xFFFFFFD0];
	[tilespmem:s7+$0x0] =	vst v3  }
0x1df: {  	[tilespmem:s7+$0x40] =	vst v6  }
0x1e0: {  	v3 =	vld [tilespmem:s9+$0x10];
	[tilespmem:s7+$0x80] =	vst v10  }
0x1e1: {  	[tilespmem:s7+$0xC0] =	vst v2;
	v2 =	vshll.u32 v1, $0x10  }
0x1e2: {  	v1 =	vand.u32 $0xFFFF0000, v1;
	v6 =	vshll.u32 v8, $0x10;
	v8 =	vand.u32 $0xFFFF0000, v8;
	v10 =	vld [tilespmem:s9+$0x50];
	[tilespmem:s7+$0x1A0] =	vst v2  }
0x1e3: {  	v2 =	vshll.u32 v5, $0x10;
	v5 =	vand.u32 $0xFFFF0000, v5;
	[tilespmem:s7+$0x1E0] =	vst v1  }
0x1e4: {  	[tilespmem:s7+$0x100] =	vst v4;
	v4 =	vld [tilespmem:s9+$0xF0]  }
0x1e5: {  	v14 =	vshll.u32 v3, $0x10;
	v3 =	vand.u32 $0xFFFF0000, v3;
	[tilespmem:s7+$0x140] =	vst v9  }
0x1e6: {  	[tilespmem:s7+$0xFFFFFE10] =	vst v6;
	v6 =	vld [tilespmem:s9+$0x90]  }
0x1e7: {  	[tilespmem:s7+$0xFFFFFE50] =	vst v8;
	v8 =	vshll.u32 v10, $0x10;
	v9 =	vand.u32 $0xFFFF0000, v10  }
0x1e8: {  	v10 =	vld [tilespmem:s9+$0xFFFFFF20];
	[tilespmem:s7+$0xFFFFFE90] =	vst v7  }
0x1e9: {  	[tilespmem:s7+$0xFFFFFED0] =	vst v11;
	v1 =	vshll.u32 v4, $0x10;
	v4 =	vand.u32 $0xFFFF0000, v4  }
0x1ea: {  	v7 =	vld [tilespmem:s9+$0xFFFFFF60];
	[tilespmem:s7+$0x1F0] =	vst v4  }
0x1eb: {  	[tilespmem:s7+$0xFFFFFF10] =	vst v12;
	v4 =	vshll.u32 v6, $0x10;
	v6 =	vand.u32 $0xFFFF0000, v6  }
0x1ec: {  	[tilespmem:s7+$0xFFFFFF50] =	vst v13  }
0x1ed: {  	v11 =	vshll.u32 v10, $0x10;
	v10 =	vand.u32 $0xFFFF0000, v10;
	v12 =	vld [tilespmem:s9+$0xFFFFFFA0];
	[tilespmem:s7+$0xFFFFFF90] =	vst v2  }
0x1ee: {  	[tilespmem:s7+$0xFFFFFFD0] =	vst v5  }
0x1ef: {  	v2 =	vshll.u32 v7, $0x10;
	v5 =	vand.u32 $0xFFFF0000, v7;
	v7 =	vld [tilespmem:s9+$0xFFFFFFE0];
	[tilespmem:s7+$0x10] =	vst v14  }
0x1f0: {  	[tilespmem:s7+$0x50] =	vst v3  }
0x1f1: {  	v3 =	vld [tilespmem:s9+$0x20];
	[tilespmem:s7+$0x90] =	vst v8  }
0x1f2: {  	v8 =	vshll.u32 v12, $0x10;
	v12 =	vand.u32 $0xFFFF0000, v12;
	[tilespmem:s7+$0xD0] =	vst v9  }
0x1f3: {  	v9 =	vld [tilespmem:s9+$0x60];
	[tilespmem:s7+$0x110] =	vst v4  }
0x1f4: {  	v4 =	vshll.u32 v7, $0x10;
	v7 =	vand.u32 $0xFFFF0000, v7;
	[tilespmem:s7+$0x150] =	vst v6  }
0x1f5: {  	[tilespmem:s7+$0xFFFFFE20] =	vst v11;
	v6 =	vld [tilespmem:s9+$0xA0]  }
0x1f6: {  	[tilespmem:s7+$0xFFFFFE60] =	vst v10;
	v10 =	vshll.u32 v3, $0x10;
	v3 =	vand.u32 $0xFFFF0000, v3  }
0x1f7: {  	v11 =	vld [tilespmem:s9+$0xFFFFFF30];
	[tilespmem:s7+$0xFFFFFEA0] =	vst v2  }
0x1f8: {  	[tilespmem:s7+$0xFFFFFEE0] =	vst v5;
	v2 =	vshll.u32 v9, $0x10;
	v5 =	vand.u32 $0xFFFF0000, v9  }
0x1f9: {  	v9 =	vld [tilespmem:s9+$0xFFFFFF70];
	[tilespmem:s7+$0xFFFFFF20] =	vst v8  }
0x1fa: {  	[tilespmem:s7+$0xFFFFFF60] =	vst v12;
	v8 =	vshll.u32 v6, $0x10;
	v6 =	vand.u32 $0xFFFF0000, v6  }
0x1fb: {  	v12 =	vld [tilespmem:s9+$0xFFFFFFB0];
	[tilespmem:s7+$0xFFFFFFA0] =	vst v4  }
0x1fc: {  	v4 =	vshll.u32 v11, $0x10;
	v11 =	vand.u32 $0xFFFF0000, v11;
	[tilespmem:s7+$0xFFFFFFE0] =	vst v7  }
0x1fd: {  	v7 =	vld [tilespmem:s9+$0xFFFFFFF0];
	[tilespmem:s7+$0x20] =	vst v10  }
0x1fe: {  	v10 =	vshll.u32 v9, $0x10;
	v9 =	vand.u32 $0xFFFF0000, v9;
	[tilespmem:s7+$0x60] =	vst v3  }
0x1ff: {  	v3 =	vld [tilespmem:s9+$0x30];
	[tilespmem:s7+$0xA0] =	vst v2  }
0x200: {  	v2 =	vshll.u32 v12, $0x10;
	v12 =	vand.u32 $0xFFFF0000, v12;
	[tilespmem:s7+$0xE0] =	vst v5  }
0x201: {  	v5 =	vld [tilespmem:s9+$0x70];
	[tilespmem:s7+$0x120] =	vst v8  }
0x202: {  	v8 =	vshll.u32 v7, $0x10;
	v7 =	vand.u32 $0xFFFF0000, v7;
	[tilespmem:s7+$0x160] =	vst v6  }
0x203: {  	[tilespmem:s7+$0xFFFFFE30] =	vst v4;
	v13 =	vld [tilespmem:s9+$0xB0]  }
0x204: {  	[tilespmem:s7+$0xFFFFFE70] =	vst v11;
	v11 =	vshll.u32 v3, $0x10;
	v3 =	vand.u32 $0xFFFF0000, v3  }
0x205: {  	[tilespmem:s7+$0xFFFFFEB0] =	vst v10  }
0x206: {  	[tilespmem:s7+$0xFFFFFEF0] =	vst v9;
	v4 =	vshll.u32 v5, $0x10;
	v5 =	vand.u32 $0xFFFF0000, v5  }
.Ltmp8:
0x207: {  	[tilespmem:s7+$0xFFFFFF30] =	vst v2;
	(pc) =	sbr.rel @p1 .LBB2_6-.Ltmp8, $4  }
0x208: {  	[tilespmem:s7+$0xFFFFFF70] =	vst v12;
	v6 =	vshll.u32 v13, $0x10;
	v2 =	vand.u32 $0xFFFF0000, v13  }
0x209: {  	[tilespmem:s7+$0xFFFFFFB0] =	vst v8  }
0x20a: {  	[tilespmem:s7+$0xFFFFFFF0] =	vst v7  }
0x20b: {  	s9 =	sadd.s32 $0x200, s9;
	[tilespmem:s7+$0x30] =	vst v11  }
0x20c: {  	[tilespmem:s7+$0x70] =	vst v3  }
0x20d: {  	[tilespmem:s7+$0xB0] =	vst v4  }
0x20e: {  	[tilespmem:s7+$0xF0] =	vst v5;
	s8 =	smul.u32 $0x300, s6  }
0x20f: {  	[tilespmem:s7+$0x130] =	vst v6  }
0x210: {  	[tilespmem:s7+$0x170] =	vst v2;
	s9 =	sshra.s32 s8, $0x2  }
0x211: {  	[tilespmem:s7+$0x1B0] =	vst v1;
	s9 =	sadd.s32 $0x2880, s9  }
0x212: {  	[spmem:s3] =	stream.indirect.scatter.add.f32 [tilespmem:s23], [sflag:$0x3], $0x80, s9, s26, $0xb8;
	[tilespmem:$0x1F100] =	vst v63  }
0x213: {  	p1 =	seq.s32 s6, $0x35;
	_ =	swait.ge [sflag:s24], $0x3000  }
0x214: {  	s7 =	sshra.s32 @!p1 s8, $0x2;
	s8 =	simm.s32 @!p1 $0x60;
	[sflag:s24] =	ssyncset.done $0x0  }
0x215: {  	s7 =	sadd.s32 @!p1 $0xC0, s7;
	s9 =	simm.s32 @!p1 $0x5100;
	[sflag:s24] =	ssyncadd.s32 $0xFFFFD000  }
0x216: {  	[tilespmem:s9], [sflag:$0x1] =	stream.indirect.gather @!p1 [hbm4b:s2+s8], $0x40, s7, s8, $0xb8;
	[tilespmem:$0x1F100] =	vst v63  }
0x217: {  	_ =	swait.ge [sflag:s31], $0x1800  }
0x218: {  	[sflag:s31] =	ssyncset.done $0x0  }
0x219: {  	s9 =	simm.s32 $0x6A00;
	[sflag:s31] =	ssyncadd.s32 $0xFFFFE800  }
0x21a: {  	v1 =	vld [tilespmem:s9+$0xC0];
	_ =	sdelay $0x1  }
0x21b: {  	v2 =	vld [tilespmem:s9+$0xFFFFFF40];
	_ =	sdelay $0x1  }
0x21c: {  	v3 =	vld [tilespmem:s9+$0xFFFFFF80]  }
0x21d: {  	s7 =	simm.s32 $0x8300;
	v4 =	vshll.u32 v1, $0x10  }
0x21e: {  	v5 =	vld [tilespmem:s9+$0xFFFFFFC0];
	v1 =	vand.u32 $0xFFFF0000, v1;
	[tilespmem:s7+$0x180] =	vst v4  }
0x21f: {  	v6 =	vld [tilespmem:s9+$0xFFFFFF00];
	v4 =	vshll.u32 v2, $0x10;
	[tilespmem:s7+$0x1C0] =	vst v1  }
0x220: {  	v1 =	vand.u32 $0xFFFF0000, v2;
	[tilespmem:s7+$0xFFFFFE80] =	vst v4;
	v2 =	vld [tilespmem:s9+$0xD0]  }
0x221: {  	v4 =	vshll.u32 v3, $0x10;
	[tilespmem:s7+$0xFFFFFEC0] =	vst v1  }
0x222: {  	v1 =	vand.u32 $0xFFFF0000, v3;
	[tilespmem:s7+$0xFFFFFF00] =	vst v4  }
0x223: {  	v3 =	vshll.u32 v5, $0x10;
	[tilespmem:s7+$0xFFFFFF40] =	vst v1  }
0x224: {  	v1 =	vld [tilespmem:s9+$0x0];
	v4 =	vshll.u32 v6, $0x10;
	[tilespmem:s7+$0xFFFFFF80] =	vst v3  }
0x225: {  	[tilespmem:s7+$0xFFFFFE00] =	vst v4;
	v3 =	vshll.u32 v2, $0x10  }
0x226: {  	v4 =	vld [tilespmem:s9+$0x40];
	v2 =	vand.u32 $0xFFFF0000, v2;
	[tilespmem:s7+$0x190] =	vst v3  }
0x227: {  	v3 =	vand.u32 $0xFFFF0000, v6;
	[tilespmem:s7+$0x1D0] =	vst v2  }
0x228: {  	v2 =	vand.u32 $0xFFFF0000, v5;
	[tilespmem:s7+$0xFFFFFE40] =	vst v3;
	v3 =	vld [tilespmem:s9+$0xE0]  }
0x229: {  	v5 =	vshll.u32 v1, $0x10;
	[tilespmem:s7+$0xFFFFFFC0] =	vst v2  }
0x22a: {  	v1 =	vand.u32 $0xFFFF0000, v1;
	v2 =	vld [tilespmem:s9+$0x80];
	[tilespmem:s7+$0x0] =	vst v5  }
0x22b: {  	v5 =	vshll.u32 v4, $0x10;
	[tilespmem:s7+$0x40] =	vst v1;
	v1 =	vand.u32 $0xFFFF0000, v4;
	v4 =	vld [tilespmem:s9+$0xFFFFFF10]  }
0x22c: {  	[tilespmem:s7+$0x80] =	vst v5  }
0x22d: {  	[tilespmem:s7+$0xC0] =	vst v1;
	v1 =	vshll.u32 v3, $0x10  }
0x22e: {  	v5 =	vld [tilespmem:s9+$0xFFFFFF50];
	[tilespmem:s7+$0x1A0] =	vst v1;
	v1 =	vand.u32 $0xFFFF0000, v3  }
0x22f: {  	v3 =	vshll.u32 v2, $0x10;
	[tilespmem:s7+$0x1E0] =	vst v1  }
0x230: {  	v6 =	vshll.u32 v4, $0x10;
	[tilespmem:s7+$0x100] =	vst v3;
	v3 =	vld [tilespmem:s9+$0xFFFFFF90]  }
0x231: {  	v1 =	vand.u32 $0xFFFF0000, v2;
	[tilespmem:s7+$0xFFFFFE10] =	vst v6;
	v2 =	vld [tilespmem:s9+$0xF0]  }
0x232: {  	v6 =	vld [tilespmem:s9+$0xFFFFFFD0];
	[tilespmem:s7+$0x140] =	vst v1;
	v1 =	vand.u32 $0xFFFF0000, v4  }
0x233: {  	v4 =	vshll.u32 v5, $0x10;
	[tilespmem:s7+$0xFFFFFE50] =	vst v1  }
0x234: {  	v1 =	vand.u32 $0xFFFF0000, v5;
	[tilespmem:s7+$0xFFFFFE90] =	vst v4;
	v4 =	vld [tilespmem:s9+$0x10]  }
0x235: {  	[tilespmem:s7+$0xFFFFFED0] =	vst v1;
	v5 =	vshll.u32 v3, $0x10  }
0x236: {  	v1 =	vand.u32 $0xFFFF0000, v2;
	[tilespmem:s7+$0xFFFFFF10] =	vst v5  }
0x237: {  	v5 =	vshll.u32 v6, $0x10;
	[tilespmem:s7+$0x1F0] =	vst v1;
	v1 =	vand.u32 $0xFFFF0000, v3;
	v3 =	vld [tilespmem:s9+$0x50]  }
0x238: {  	[tilespmem:s7+$0xFFFFFF90] =	vst v5  }
0x239: {  	v5 =	vshll.u32 v4, $0x10;
	[tilespmem:s7+$0xFFFFFF50] =	vst v1;
	v1 =	vand.u32 $0xFFFF0000, v6;
	v6 =	vld [tilespmem:s9+$0x90]  }
0x23a: {  	[tilespmem:s7+$0x10] =	vst v5  }
0x23b: {  	[tilespmem:s7+$0xFFFFFFD0] =	vst v1;
	v1 =	vand.u32 $0xFFFF0000, v4;
	v4 =	vld [tilespmem:s9+$0xFFFFFF20]  }
0x23c: {  	[tilespmem:s7+$0x50] =	vst v1;
	v5 =	vshll.u32 v3, $0x10  }
0x23d: {  	v1 =	vand.u32 $0xFFFF0000, v3;
	v3 =	vld [tilespmem:s9+$0xFFFFFF60];
	[tilespmem:s7+$0x90] =	vst v5  }
0x23e: {  	v5 =	vshll.u32 v6, $0x10;
	[tilespmem:s7+$0xD0] =	vst v1  }
0x23f: {  	v1 =	vand.u32 $0xFFFF0000, v6;
	v6 =	vld [tilespmem:s9+$0xFFFFFFA0];
	[tilespmem:s7+$0x110] =	vst v5  }
0x240: {  	v5 =	vshll.u32 v4, $0x10;
	[tilespmem:s7+$0x150] =	vst v1  }
0x241: {  	v1 =	vand.u32 $0xFFFF0000, v4;
	v4 =	vld [tilespmem:s9+$0xFFFFFFE0];
	[tilespmem:s7+$0xFFFFFE20] =	vst v5  }
0x242: {  	[tilespmem:s7+$0xFFFFFE60] =	vst v1;
	v5 =	vshll.u32 v3, $0x10  }
0x243: {  	v1 =	vand.u32 $0xFFFF0000, v3;
	v3 =	vld [tilespmem:s9+$0x20];
	[tilespmem:s7+$0xFFFFFEA0] =	vst v5  }
0x244: {  	v5 =	vshll.u32 v6, $0x10;
	[tilespmem:s7+$0xFFFFFEE0] =	vst v1  }
0x245: {  	v1 =	vand.u32 $0xFFFF0000, v6;
	v6 =	vld [tilespmem:s9+$0x60];
	[tilespmem:s7+$0xFFFFFF20] =	vst v5  }
0x246: {  	v5 =	vshll.u32 v4, $0x10;
	[tilespmem:s7+$0xFFFFFF60] =	vst v1  }
0x247: {  	v1 =	vand.u32 $0xFFFF0000, v4;
	v4 =	vld [tilespmem:s9+$0xA0];
	[tilespmem:s7+$0xFFFFFFA0] =	vst v5  }
0x248: {  	[tilespmem:s7+$0xFFFFFFE0] =	vst v1;
	v5 =	vshll.u32 v3, $0x10  }
0x249: {  	v1 =	vand.u32 $0xFFFF0000, v3;
	v3 =	vld [tilespmem:s9+$0xFFFFFF30];
	[tilespmem:s7+$0x20] =	vst v5  }
0x24a: {  	v5 =	vshll.u32 v6, $0x10;
	[tilespmem:s7+$0x60] =	vst v1  }
0x24b: {  	v1 =	vand.u32 $0xFFFF0000, v6;
	v6 =	vld [tilespmem:s9+$0xFFFFFF70];
	[tilespmem:s7+$0xA0] =	vst v5  }
0x24c: {  	v5 =	vshll.u32 v4, $0x10;
	[tilespmem:s7+$0xE0] =	vst v1  }
0x24d: {  	v1 =	vand.u32 $0xFFFF0000, v4;
	v4 =	vld [tilespmem:s9+$0xFFFFFFB0];
	[tilespmem:s7+$0x120] =	vst v5  }
0x24e: {  	[tilespmem:s7+$0x160] =	vst v1;
	v5 =	vshll.u32 v3, $0x10  }
0x24f: {  	v7 =	vld [tilespmem:s9+$0x30];
	v1 =	vand.u32 $0xFFFF0000, v3;
	[tilespmem:s7+$0xFFFFFE30] =	vst v5  }
0x250: {  	v3 =	vld [tilespmem:s9+$0xFFFFFFF0];
	v5 =	vshll.u32 v6, $0x10;
	[tilespmem:s7+$0xFFFFFE70] =	vst v1  }
0x251: {  	v1 =	vand.u32 $0xFFFF0000, v6;
	v6 =	vld [tilespmem:s9+$0x70];
	[tilespmem:s7+$0xFFFFFEB0] =	vst v5  }
0x252: {  	v8 =	vld [tilespmem:s9+$0xB0];
	v5 =	vshll.u32 v4, $0x10;
	[tilespmem:s7+$0xFFFFFEF0] =	vst v1  }
0x253: {  	v1 =	vand.u32 $0xFFFF0000, v4;
	[tilespmem:s7+$0xFFFFFF30] =	vst v5  }
0x254: {  	v9 =	vshll.u32 v7, $0x10;
	[tilespmem:s7+$0xFFFFFF70] =	vst v1  }
0x255: {  	v1 =	vshll.u32 v2, $0x10;
	[tilespmem:s7+$0x30] =	vst v9;
	v4 =	vshll.u32 v3, $0x10  }
0x256: {  	v2 =	vand.u32 $0xFFFF0000, v7;
	v3 =	vand.u32 $0xFFFF0000, v3;
	[tilespmem:s7+$0xFFFFFFB0] =	vst v4;
	v4 =	vshll.u32 v6, $0x10  }
0x257: {  	s6 =	sadd.s32 $0x1, s6;
	s8 =	simm.s32 $0x0;
	s9 =	simm.s32 $0x6C00;
	[tilespmem:s7+$0xFFFFFFF0] =	vst v3;
	v5 =	vand.u32 $0xFFFF0000, v6;
	v6 =	vshll.u32 v8, $0x10;
	v3 =	vand.u32 $0xFFFF0000, v8  }
.LBB2_8:
0x258: {  	v7 =	vld [tilespmem:s9+$0xC0];
	[tilespmem:s7+$0x70] =	vst v2  }
0x259: {  	v2 =	vld [tilespmem:s9+$0xFFFFFF40];
	[tilespmem:s7+$0xB0] =	vst v4  }
0x25a: {  	v4 =	vld [tilespmem:s9+$0xFFFFFF80];
	[tilespmem:s7+$0xF0] =	vst v5  }
0x25b: {  	s8 =	sadd.s32 $0x8, s8;
	v5 =	vld [tilespmem:s9+$0xFFFFFFC0];
	[tilespmem:s7+$0x130] =	vst v6  }
0x25c: {  	p1 =	slt.u32 s8, $0x58;
	v6 =	vld [tilespmem:s9+$0x0];
	[tilespmem:s7+$0x170] =	vst v3  }
0x25d: {  	v3 =	vld [tilespmem:s9+$0x40];
	v8 =	vshll.u32 v7, $0x10;
	[tilespmem:s7+$0x1B0] =	vst v1;
	s7 =	sadd.s32 $0x400, s7  }
0x25e: {  	v7 =	vand.u32 $0xFFFF0000, v7;
	v1 =	vshll.u32 v2, $0x10;
	v2 =	vand.u32 $0xFFFF0000, v2;
	v9 =	vld [tilespmem:s9+$0x80];
	[tilespmem:s7+$0x180] =	vst v8  }
0x25f: {  	v8 =	vld [tilespmem:s9+$0xFFFFFF00];
	v10 =	vshll.u32 v4, $0x10;
	v4 =	vand.u32 $0xFFFF0000, v4;
	[tilespmem:s7+$0x1C0] =	vst v7  }
0x260: {  	[tilespmem:s7+$0xFFFFFE80] =	vst v1;
	v1 =	vshll.u32 v5, $0x10;
	v5 =	vand.u32 $0xFFFF0000, v5;
	v7 =	vld [tilespmem:s9+$0xD0]  }
0x261: {  	[tilespmem:s7+$0xFFFFFEC0] =	vst v2;
	v2 =	vshll.u32 v6, $0x10;
	v6 =	vand.u32 $0xFFFF0000, v6  }
0x262: {  	v11 =	vld [tilespmem:s9+$0xFFFFFF50];
	[tilespmem:s7+$0xFFFFFF00] =	vst v10;
	v10 =	vshll.u32 v3, $0x10;
	v3 =	vand.u32 $0xFFFF0000, v3  }
0x263: {  	[tilespmem:s7+$0xFFFFFF40] =	vst v4;
	v4 =	vshll.u32 v9, $0x10;
	v9 =	vand.u32 $0xFFFF0000, v9  }
0x264: {  	v12 =	vshll.u32 v8, $0x10;
	v8 =	vand.u32 $0xFFFF0000, v8;
	v13 =	vld [tilespmem:s9+$0xFFFFFF90];
	[tilespmem:s7+$0xFFFFFF80] =	vst v1  }
0x265: {  	[tilespmem:s7+$0xFFFFFE00] =	vst v12;
	v1 =	vshll.u32 v7, $0x10  }
0x266: {  	[tilespmem:s7+$0x190] =	vst v1;
	v1 =	vand.u32 $0xFFFF0000, v7  }
0x267: {  	v7 =	vshll.u32 v11, $0x10;
	v11 =	vand.u32 $0xFFFF0000, v11;
	[tilespmem:s7+$0x1D0] =	vst v1  }
0x268: {  	[tilespmem:s7+$0xFFFFFE40] =	vst v8;
	v1 =	vld [tilespmem:s9+$0xE0]  }
0x269: {  	v8 =	vld [tilespmem:s9+$0xFFFFFF10];
	v12 =	vshll.u32 v13, $0x10;
	v13 =	vand.u32 $0xFFFF0000, v13;
	[tilespmem:s7+$0xFFFFFFC0] =	vst v5  }
0x26a: {  	v5 =	vld [tilespmem:s9+$0xFFFFFFD0];
	[tilespmem:s7+$0x0] =	vst v2  }
0x26b: {  	[tilespmem:s7+$0x40] =	vst v6  }
0x26c: {  	v2 =	vld [tilespmem:s9+$0x10];
	[tilespmem:s7+$0x80] =	vst v10  }
0x26d: {  	[tilespmem:s7+$0xC0] =	vst v3;
	v3 =	vshll.u32 v1, $0x10  }
0x26e: {  	v1 =	vand.u32 $0xFFFF0000, v1;
	v6 =	vshll.u32 v8, $0x10;
	v8 =	vand.u32 $0xFFFF0000, v8;
	v10 =	vld [tilespmem:s9+$0x50];
	[tilespmem:s7+$0x1A0] =	vst v3  }
0x26f: {  	v3 =	vshll.u32 v5, $0x10;
	v5 =	vand.u32 $0xFFFF0000, v5;
	[tilespmem:s7+$0x1E0] =	vst v1  }
0x270: {  	[tilespmem:s7+$0x100] =	vst v4;
	v4 =	vld [tilespmem:s9+$0xF0]  }
0x271: {  	v14 =	vshll.u32 v2, $0x10;
	v2 =	vand.u32 $0xFFFF0000, v2;
	[tilespmem:s7+$0x140] =	vst v9  }
0x272: {  	[tilespmem:s7+$0xFFFFFE10] =	vst v6;
	v6 =	vld [tilespmem:s9+$0x90]  }
0x273: {  	[tilespmem:s7+$0xFFFFFE50] =	vst v8;
	v8 =	vshll.u32 v10, $0x10;
	v9 =	vand.u32 $0xFFFF0000, v10  }
0x274: {  	v10 =	vld [tilespmem:s9+$0xFFFFFF20];
	[tilespmem:s7+$0xFFFFFE90] =	vst v7  }
0x275: {  	[tilespmem:s7+$0xFFFFFED0] =	vst v11;
	v1 =	vshll.u32 v4, $0x10;
	v4 =	vand.u32 $0xFFFF0000, v4  }
0x276: {  	v7 =	vld [tilespmem:s9+$0xFFFFFF60];
	[tilespmem:s7+$0x1F0] =	vst v4  }
0x277: {  	[tilespmem:s7+$0xFFFFFF10] =	vst v12;
	v4 =	vshll.u32 v6, $0x10;
	v6 =	vand.u32 $0xFFFF0000, v6  }
0x278: {  	[tilespmem:s7+$0xFFFFFF50] =	vst v13  }
0x279: {  	v11 =	vshll.u32 v10, $0x10;
	v10 =	vand.u32 $0xFFFF0000, v10;
	v12 =	vld [tilespmem:s9+$0xFFFFFFA0];
	[tilespmem:s7+$0xFFFFFF90] =	vst v3  }
0x27a: {  	[tilespmem:s7+$0xFFFFFFD0] =	vst v5  }
0x27b: {  	v3 =	vshll.u32 v7, $0x10;
	v5 =	vand.u32 $0xFFFF0000, v7;
	v7 =	vld [tilespmem:s9+$0xFFFFFFE0];
	[tilespmem:s7+$0x10] =	vst v14  }
0x27c: {  	[tilespmem:s7+$0x50] =	vst v2  }
0x27d: {  	v2 =	vld [tilespmem:s9+$0x20];
	[tilespmem:s7+$0x90] =	vst v8  }
0x27e: {  	v8 =	vshll.u32 v12, $0x10;
	v12 =	vand.u32 $0xFFFF0000, v12;
	[tilespmem:s7+$0xD0] =	vst v9  }
0x27f: {  	v9 =	vld [tilespmem:s9+$0x60];
	[tilespmem:s7+$0x110] =	vst v4  }
0x280: {  	v4 =	vshll.u32 v7, $0x10;
	v7 =	vand.u32 $0xFFFF0000, v7;
	[tilespmem:s7+$0x150] =	vst v6  }
0x281: {  	[tilespmem:s7+$0xFFFFFE20] =	vst v11;
	v6 =	vld [tilespmem:s9+$0xA0]  }
0x282: {  	[tilespmem:s7+$0xFFFFFE60] =	vst v10;
	v10 =	vshll.u32 v2, $0x10;
	v2 =	vand.u32 $0xFFFF0000, v2  }
0x283: {  	v11 =	vld [tilespmem:s9+$0xFFFFFF30];
	[tilespmem:s7+$0xFFFFFEA0] =	vst v3  }
0x284: {  	[tilespmem:s7+$0xFFFFFEE0] =	vst v5;
	v3 =	vshll.u32 v9, $0x10;
	v5 =	vand.u32 $0xFFFF0000, v9  }
0x285: {  	v9 =	vld [tilespmem:s9+$0xFFFFFF70];
	[tilespmem:s7+$0xFFFFFF20] =	vst v8  }
0x286: {  	[tilespmem:s7+$0xFFFFFF60] =	vst v12;
	v8 =	vshll.u32 v6, $0x10;
	v6 =	vand.u32 $0xFFFF0000, v6  }
0x287: {  	v12 =	vld [tilespmem:s9+$0xFFFFFFB0];
	[tilespmem:s7+$0xFFFFFFA0] =	vst v4  }
0x288: {  	v4 =	vshll.u32 v11, $0x10;
	v11 =	vand.u32 $0xFFFF0000, v11;
	[tilespmem:s7+$0xFFFFFFE0] =	vst v7  }
0x289: {  	v7 =	vld [tilespmem:s9+$0xFFFFFFF0];
	[tilespmem:s7+$0x20] =	vst v10  }
0x28a: {  	v10 =	vshll.u32 v9, $0x10;
	v9 =	vand.u32 $0xFFFF0000, v9;
	[tilespmem:s7+$0x60] =	vst v2  }
0x28b: {  	v2 =	vld [tilespmem:s9+$0x30];
	[tilespmem:s7+$0xA0] =	vst v3  }
0x28c: {  	v3 =	vshll.u32 v12, $0x10;
	v12 =	vand.u32 $0xFFFF0000, v12;
	[tilespmem:s7+$0xE0] =	vst v5  }
0x28d: {  	v5 =	vld [tilespmem:s9+$0x70];
	[tilespmem:s7+$0x120] =	vst v8  }
0x28e: {  	v8 =	vshll.u32 v7, $0x10;
	v7 =	vand.u32 $0xFFFF0000, v7;
	[tilespmem:s7+$0x160] =	vst v6  }
0x28f: {  	[tilespmem:s7+$0xFFFFFE30] =	vst v4;
	v13 =	vld [tilespmem:s9+$0xB0]  }
0x290: {  	[tilespmem:s7+$0xFFFFFE70] =	vst v11;
	v11 =	vshll.u32 v2, $0x10;
	v2 =	vand.u32 $0xFFFF0000, v2  }
0x291: {  	[tilespmem:s7+$0xFFFFFEB0] =	vst v10  }
0x292: {  	[tilespmem:s7+$0xFFFFFEF0] =	vst v9;
	v4 =	vshll.u32 v5, $0x10;
	v5 =	vand.u32 $0xFFFF0000, v5  }
.Ltmp9:
0x293: {  	[tilespmem:s7+$0xFFFFFF30] =	vst v3;
	(pc) =	sbr.rel @p1 .LBB2_8-.Ltmp9, $4  }
0x294: {  	[tilespmem:s7+$0xFFFFFF70] =	vst v12;
	v6 =	vshll.u32 v13, $0x10;
	v3 =	vand.u32 $0xFFFF0000, v13  }
0x295: {  	[tilespmem:s7+$0xFFFFFFB0] =	vst v8  }
0x296: {  	[tilespmem:s7+$0xFFFFFFF0] =	vst v7  }
0x297: {  	s9 =	sadd.s32 $0x200, s9;
	[tilespmem:s7+$0x30] =	vst v11  }
0x298: {  	[tilespmem:s7+$0x70] =	vst v2  }
0x299: {  	[tilespmem:s7+$0xB0] =	vst v4  }
0x29a: {  	[tilespmem:s7+$0xF0] =	vst v5  }
0x29b: {  	[tilespmem:s7+$0x130] =	vst v6  }
0x29c: {  	[tilespmem:s7+$0x170] =	vst v3;
	p1 =	sne.s32 s6, $0x36  }
.Ltmp10:
0x29d: {  	[tilespmem:s7+$0x1B0] =	vst v1;
	s0 =	sadd.s32 $0x2880, s0;
	(pc) =	sbr.rel @p1 .LBB2_5-.Ltmp10, $4  }
0x29e: {  	[spmem:s3] =	stream.indirect.scatter.add.f32 [tilespmem:s23], [sflag:$0x3], $0x80, s0, s26, $0xb8;
	[tilespmem:$0x1F100] =	vst v63  }
0x29f: {  	_ =	swait.ge [sflag:s24], $0x3000  }
0x2a0: {  	[sflag:s24] =	ssyncset.done $0x0  }
0x2a1: {  	[sflag:s24] =	ssyncadd.s32 $0xFFFFD000  }
0x2a2: {  	s6 =	simm.s32 $0x0;
	s0 =	rddreg [dreg:$0x6]  }
0x2a3: {  	[tilespmem:s6], [sflag:$0x3] =	stream.linear.gather [hbm4b:s0+s6], $0x300, $0x38;
	[tilespmem:$0x1F100] =	vst v63  }
0x2a4: {  	_ =	swait.ge [sflag:s24], $0x300  }
0x2a5: {  	[sflag:s24] =	ssyncset.done $0x0  }
0x2a6: {  	s9 =	rddreg [dreg:$0x7];
	[sflag:s24] =	ssyncadd.s32 $0xFFFFFD00  }
0x2a7: {  	[tilespmem:s25], [sflag:$0x3] =	stream.linear.gather [hbm4b:s9+s6], $0x300, $0x38;
	[tilespmem:$0x1F100] =	vst v63  }
0x2a8: {  	_ =	swait.ge [sflag:s24], $0x300  }
0x2a9: {  	[sflag:s24] =	ssyncset.done $0x0  }
0x2aa: {  	[sflag:s24] =	ssyncadd.s32 $0xFFFFFD00  }
0x2ab: {  	[tilespmem:s28], [sflag:$0x1] =	stream.indirect.gather [hbm4b:s2+s26], $0x40, s6, s26, $0xb8;
	[tilespmem:$0x1F100] =	vst v63  }
.LBB2_11:
0x2ac: {  	s0 =	smul.u32 $0xC0, s6;
	_ =	sdelay $0x1  }
0x2ad: {  	s0 =	sadd.s32 $0x60, s0  }
0x2ae: {  	[tilespmem:s29], [sflag:$0x2] =	stream.indirect.gather [hbm4b:s2+s26], $0x40, s0, s26, $0xb8;
	[tilespmem:$0x1F100] =	vst v63  }
0x2af: {  	_ =	swait.ge [sflag:s30], $0x1800  }
0x2b0: {  	[sflag:s30] =	ssyncset.done $0x0  }
0x2b1: {  	s8 =	simm.s32 $0x5200;
	[sflag:s30] =	ssyncadd.s32 $0xFFFFE800  }
0x2b2: {  	v1 =	vld [tilespmem:s8+$0xC0];
	_ =	sdelay $0x1  }
0x2b3: {  	v2 =	vld [tilespmem:s8+$0xFFFFFF40];
	_ =	sdelay $0x1  }
0x2b4: {  	v3 =	vld [tilespmem:s8+$0xFFFFFF80]  }
0x2b5: {  	s7 =	simm.s32 $0x8300;
	v4 =	vshll.u32 v1, $0x10  }
0x2b6: {  	v5 =	vld [tilespmem:s8+$0xFFFFFFC0];
	v1 =	vand.u32 $0xFFFF0000, v1;
	[tilespmem:s7+$0x180] =	vst v4  }
0x2b7: {  	v6 =	vld [tilespmem:s8+$0xFFFFFF00];
	v4 =	vshll.u32 v2, $0x10;
	[tilespmem:s7+$0x1C0] =	vst v1  }
0x2b8: {  	v1 =	vand.u32 $0xFFFF0000, v2;
	[tilespmem:s7+$0xFFFFFE80] =	vst v4;
	v2 =	vld [tilespmem:s8+$0xD0]  }
0x2b9: {  	v4 =	vshll.u32 v3, $0x10;
	[tilespmem:s7+$0xFFFFFEC0] =	vst v1  }
0x2ba: {  	v1 =	vand.u32 $0xFFFF0000, v3;
	[tilespmem:s7+$0xFFFFFF00] =	vst v4  }
0x2bb: {  	v3 =	vshll.u32 v5, $0x10;
	[tilespmem:s7+$0xFFFFFF40] =	vst v1  }
0x2bc: {  	v1 =	vld [tilespmem:s8+$0x0];
	v4 =	vshll.u32 v6, $0x10;
	[tilespmem:s7+$0xFFFFFF80] =	vst v3  }
0x2bd: {  	[tilespmem:s7+$0xFFFFFE00] =	vst v4;
	v3 =	vshll.u32 v2, $0x10  }
0x2be: {  	v4 =	vld [tilespmem:s8+$0x40];
	v2 =	vand.u32 $0xFFFF0000, v2;
	[tilespmem:s7+$0x190] =	vst v3  }
0x2bf: {  	v3 =	vand.u32 $0xFFFF0000, v6;
	[tilespmem:s7+$0x1D0] =	vst v2  }
0x2c0: {  	v2 =	vand.u32 $0xFFFF0000, v5;
	[tilespmem:s7+$0xFFFFFE40] =	vst v3;
	v3 =	vld [tilespmem:s8+$0xE0]  }
0x2c1: {  	v5 =	vshll.u32 v1, $0x10;
	[tilespmem:s7+$0xFFFFFFC0] =	vst v2  }
0x2c2: {  	v1 =	vand.u32 $0xFFFF0000, v1;
	v2 =	vld [tilespmem:s8+$0x80];
	[tilespmem:s7+$0x0] =	vst v5  }
0x2c3: {  	v5 =	vshll.u32 v4, $0x10;
	[tilespmem:s7+$0x40] =	vst v1;
	v1 =	vand.u32 $0xFFFF0000, v4;
	v4 =	vld [tilespmem:s8+$0xFFFFFF10]  }
0x2c4: {  	[tilespmem:s7+$0x80] =	vst v5  }
0x2c5: {  	[tilespmem:s7+$0xC0] =	vst v1;
	v1 =	vshll.u32 v3, $0x10  }
0x2c6: {  	v5 =	vld [tilespmem:s8+$0xFFFFFF50];
	[tilespmem:s7+$0x1A0] =	vst v1;
	v1 =	vand.u32 $0xFFFF0000, v3  }
0x2c7: {  	v3 =	vshll.u32 v2, $0x10;
	[tilespmem:s7+$0x1E0] =	vst v1  }
0x2c8: {  	v6 =	vshll.u32 v4, $0x10;
	[tilespmem:s7+$0x100] =	vst v3;
	v3 =	vld [tilespmem:s8+$0xFFFFFF90]  }
0x2c9: {  	v1 =	vand.u32 $0xFFFF0000, v2;
	[tilespmem:s7+$0xFFFFFE10] =	vst v6;
	v2 =	vld [tilespmem:s8+$0xF0]  }
0x2ca: {  	v6 =	vld [tilespmem:s8+$0xFFFFFFD0];
	[tilespmem:s7+$0x140] =	vst v1;
	v1 =	vand.u32 $0xFFFF0000, v4  }
0x2cb: {  	v4 =	vshll.u32 v5, $0x10;
	[tilespmem:s7+$0xFFFFFE50] =	vst v1  }
0x2cc: {  	v1 =	vand.u32 $0xFFFF0000, v5;
	[tilespmem:s7+$0xFFFFFE90] =	vst v4;
	v4 =	vld [tilespmem:s8+$0x10]  }
0x2cd: {  	[tilespmem:s7+$0xFFFFFED0] =	vst v1;
	v5 =	vshll.u32 v3, $0x10  }
0x2ce: {  	v1 =	vand.u32 $0xFFFF0000, v2;
	[tilespmem:s7+$0xFFFFFF10] =	vst v5  }
0x2cf: {  	v5 =	vshll.u32 v6, $0x10;
	[tilespmem:s7+$0x1F0] =	vst v1;
	v1 =	vand.u32 $0xFFFF0000, v3;
	v3 =	vld [tilespmem:s8+$0x50]  }
0x2d0: {  	[tilespmem:s7+$0xFFFFFF90] =	vst v5  }
0x2d1: {  	v5 =	vshll.u32 v4, $0x10;
	[tilespmem:s7+$0xFFFFFF50] =	vst v1;
	v1 =	vand.u32 $0xFFFF0000, v6;
	v6 =	vld [tilespmem:s8+$0x90]  }
0x2d2: {  	[tilespmem:s7+$0x10] =	vst v5  }
0x2d3: {  	[tilespmem:s7+$0xFFFFFFD0] =	vst v1;
	v1 =	vand.u32 $0xFFFF0000, v4;
	v4 =	vld [tilespmem:s8+$0xFFFFFF20]  }
0x2d4: {  	[tilespmem:s7+$0x50] =	vst v1;
	v5 =	vshll.u32 v3, $0x10  }
0x2d5: {  	v1 =	vand.u32 $0xFFFF0000, v3;
	v3 =	vld [tilespmem:s8+$0xFFFFFF60];
	[tilespmem:s7+$0x90] =	vst v5  }
0x2d6: {  	v5 =	vshll.u32 v6, $0x10;
	[tilespmem:s7+$0xD0] =	vst v1  }
0x2d7: {  	v1 =	vand.u32 $0xFFFF0000, v6;
	v6 =	vld [tilespmem:s8+$0xFFFFFFA0];
	[tilespmem:s7+$0x110] =	vst v5  }
0x2d8: {  	v5 =	vshll.u32 v4, $0x10;
	[tilespmem:s7+$0x150] =	vst v1  }
0x2d9: {  	v1 =	vand.u32 $0xFFFF0000, v4;
	v4 =	vld [tilespmem:s8+$0xFFFFFFE0];
	[tilespmem:s7+$0xFFFFFE20] =	vst v5  }
0x2da: {  	[tilespmem:s7+$0xFFFFFE60] =	vst v1;
	v5 =	vshll.u32 v3, $0x10  }
0x2db: {  	v1 =	vand.u32 $0xFFFF0000, v3;
	v3 =	vld [tilespmem:s8+$0x20];
	[tilespmem:s7+$0xFFFFFEA0] =	vst v5  }
0x2dc: {  	v5 =	vshll.u32 v6, $0x10;
	[tilespmem:s7+$0xFFFFFEE0] =	vst v1  }
0x2dd: {  	v1 =	vand.u32 $0xFFFF0000, v6;
	v6 =	vld [tilespmem:s8+$0x60];
	[tilespmem:s7+$0xFFFFFF20] =	vst v5  }
0x2de: {  	v5 =	vshll.u32 v4, $0x10;
	[tilespmem:s7+$0xFFFFFF60] =	vst v1  }
0x2df: {  	v1 =	vand.u32 $0xFFFF0000, v4;
	v4 =	vld [tilespmem:s8+$0xA0];
	[tilespmem:s7+$0xFFFFFFA0] =	vst v5  }
0x2e0: {  	[tilespmem:s7+$0xFFFFFFE0] =	vst v1;
	v5 =	vshll.u32 v3, $0x10  }
0x2e1: {  	v1 =	vand.u32 $0xFFFF0000, v3;
	v3 =	vld [tilespmem:s8+$0xFFFFFF30];
	[tilespmem:s7+$0x20] =	vst v5  }
0x2e2: {  	v5 =	vshll.u32 v6, $0x10;
	[tilespmem:s7+$0x60] =	vst v1  }
0x2e3: {  	v1 =	vand.u32 $0xFFFF0000, v6;
	v6 =	vld [tilespmem:s8+$0xFFFFFF70];
	[tilespmem:s7+$0xA0] =	vst v5  }
0x2e4: {  	v5 =	vshll.u32 v4, $0x10;
	[tilespmem:s7+$0xE0] =	vst v1  }
0x2e5: {  	v1 =	vand.u32 $0xFFFF0000, v4;
	v4 =	vld [tilespmem:s8+$0xFFFFFFB0];
	[tilespmem:s7+$0x120] =	vst v5  }
0x2e6: {  	[tilespmem:s7+$0x160] =	vst v1;
	v5 =	vshll.u32 v3, $0x10  }
0x2e7: {  	v7 =	vld [tilespmem:s8+$0x30];
	v1 =	vand.u32 $0xFFFF0000, v3;
	[tilespmem:s7+$0xFFFFFE30] =	vst v5  }
0x2e8: {  	v3 =	vld [tilespmem:s8+$0xFFFFFFF0];
	v5 =	vshll.u32 v6, $0x10;
	[tilespmem:s7+$0xFFFFFE70] =	vst v1  }
0x2e9: {  	v1 =	vand.u32 $0xFFFF0000, v6;
	v6 =	vld [tilespmem:s8+$0x70];
	[tilespmem:s7+$0xFFFFFEB0] =	vst v5  }
0x2ea: {  	v8 =	vld [tilespmem:s8+$0xB0];
	v5 =	vshll.u32 v4, $0x10;
	[tilespmem:s7+$0xFFFFFEF0] =	vst v1  }
0x2eb: {  	v1 =	vand.u32 $0xFFFF0000, v4;
	[tilespmem:s7+$0xFFFFFF30] =	vst v5  }
0x2ec: {  	v9 =	vshll.u32 v7, $0x10;
	[tilespmem:s7+$0xFFFFFF70] =	vst v1  }
0x2ed: {  	v1 =	vshll.u32 v2, $0x10;
	[tilespmem:s7+$0x30] =	vst v9;
	v4 =	vshll.u32 v3, $0x10  }
0x2ee: {  	v2 =	vand.u32 $0xFFFF0000, v3;
	v3 =	vand.u32 $0xFFFF0000, v7;
	[tilespmem:s7+$0xFFFFFFB0] =	vst v4;
	v4 =	vshll.u32 v6, $0x10  }
0x2ef: {  	s9 =	simm.s32 $0x5400;
	s8 =	simm.s32 $0x0;
	[tilespmem:s7+$0xFFFFFFF0] =	vst v2;
	v5 =	vand.u32 $0xFFFF0000, v6;
	v6 =	vshll.u32 v8, $0x10;
	v2 =	vand.u32 $0xFFFF0000, v8  }
.LBB2_12:
0x2f0: {  	v7 =	vld [tilespmem:s9+$0xC0];
	[tilespmem:s7+$0x70] =	vst v3  }
0x2f1: {  	v3 =	vld [tilespmem:s9+$0xFFFFFF40];
	[tilespmem:s7+$0xB0] =	vst v4  }
0x2f2: {  	v4 =	vld [tilespmem:s9+$0xFFFFFF80];
	[tilespmem:s7+$0xF0] =	vst v5  }
0x2f3: {  	s8 =	sadd.s32 $0x8, s8;
	v5 =	vld [tilespmem:s9+$0xFFFFFFC0];
	[tilespmem:s7+$0x130] =	vst v6  }
0x2f4: {  	p1 =	slt.u32 s8, $0x58;
	v6 =	vld [tilespmem:s9+$0x0];
	[tilespmem:s7+$0x170] =	vst v2  }
0x2f5: {  	v2 =	vld [tilespmem:s9+$0x40];
	v8 =	vshll.u32 v7, $0x10;
	[tilespmem:s7+$0x1B0] =	vst v1;
	s7 =	sadd.s32 $0x400, s7  }
0x2f6: {  	v7 =	vand.u32 $0xFFFF0000, v7;
	v1 =	vshll.u32 v3, $0x10;
	v3 =	vand.u32 $0xFFFF0000, v3;
	v9 =	vld [tilespmem:s9+$0x80];
	[tilespmem:s7+$0x180] =	vst v8  }
0x2f7: {  	v8 =	vld [tilespmem:s9+$0xFFFFFF00];
	v10 =	vshll.u32 v4, $0x10;
	v4 =	vand.u32 $0xFFFF0000, v4;
	[tilespmem:s7+$0x1C0] =	vst v7  }
0x2f8: {  	[tilespmem:s7+$0xFFFFFE80] =	vst v1;
	v1 =	vshll.u32 v5, $0x10;
	v5 =	vand.u32 $0xFFFF0000, v5;
	v7 =	vld [tilespmem:s9+$0xD0]  }
0x2f9: {  	[tilespmem:s7+$0xFFFFFEC0] =	vst v3;
	v3 =	vshll.u32 v6, $0x10;
	v6 =	vand.u32 $0xFFFF0000, v6  }
0x2fa: {  	v11 =	vld [tilespmem:s9+$0xFFFFFF50];
	[tilespmem:s7+$0xFFFFFF00] =	vst v10;
	v10 =	vshll.u32 v2, $0x10;
	v2 =	vand.u32 $0xFFFF0000, v2  }
0x2fb: {  	[tilespmem:s7+$0xFFFFFF40] =	vst v4;
	v4 =	vshll.u32 v9, $0x10;
	v9 =	vand.u32 $0xFFFF0000, v9  }
0x2fc: {  	v12 =	vshll.u32 v8, $0x10;
	v8 =	vand.u32 $0xFFFF0000, v8;
	v13 =	vld [tilespmem:s9+$0xFFFFFF90];
	[tilespmem:s7+$0xFFFFFF80] =	vst v1  }
0x2fd: {  	[tilespmem:s7+$0xFFFFFE00] =	vst v12;
	v1 =	vshll.u32 v7, $0x10  }
0x2fe: {  	[tilespmem:s7+$0x190] =	vst v1;
	v1 =	vand.u32 $0xFFFF0000, v7  }
0x2ff: {  	v7 =	vshll.u32 v11, $0x10;
	v11 =	vand.u32 $0xFFFF0000, v11;
	[tilespmem:s7+$0x1D0] =	vst v1  }
0x300: {  	[tilespmem:s7+$0xFFFFFE40] =	vst v8;
	v1 =	vld [tilespmem:s9+$0xE0]  }
0x301: {  	v8 =	vld [tilespmem:s9+$0xFFFFFF10];
	v12 =	vshll.u32 v13, $0x10;
	v13 =	vand.u32 $0xFFFF0000, v13;
	[tilespmem:s7+$0xFFFFFFC0] =	vst v5  }
0x302: {  	v5 =	vld [tilespmem:s9+$0xFFFFFFD0];
	[tilespmem:s7+$0x0] =	vst v3  }
0x303: {  	[tilespmem:s7+$0x40] =	vst v6  }
0x304: {  	v3 =	vld [tilespmem:s9+$0x10];
	[tilespmem:s7+$0x80] =	vst v10  }
0x305: {  	[tilespmem:s7+$0xC0] =	vst v2;
	v2 =	vshll.u32 v1, $0x10  }
0x306: {  	v1 =	vand.u32 $0xFFFF0000, v1;
	v6 =	vshll.u32 v8, $0x10;
	v8 =	vand.u32 $0xFFFF0000, v8;
	v10 =	vld [tilespmem:s9+$0x50];
	[tilespmem:s7+$0x1A0] =	vst v2  }
0x307: {  	v2 =	vshll.u32 v5, $0x10;
	v5 =	vand.u32 $0xFFFF0000, v5;
	[tilespmem:s7+$0x1E0] =	vst v1  }
0x308: {  	[tilespmem:s7+$0x100] =	vst v4;
	v4 =	vld [tilespmem:s9+$0xF0]  }
0x309: {  	v14 =	vshll.u32 v3, $0x10;
	v3 =	vand.u32 $0xFFFF0000, v3;
	[tilespmem:s7+$0x140] =	vst v9  }
0x30a: {  	[tilespmem:s7+$0xFFFFFE10] =	vst v6;
	v6 =	vld [tilespmem:s9+$0x90]  }
0x30b: {  	[tilespmem:s7+$0xFFFFFE50] =	vst v8;
	v8 =	vshll.u32 v10, $0x10;
	v9 =	vand.u32 $0xFFFF0000, v10  }
0x30c: {  	v10 =	vld [tilespmem:s9+$0xFFFFFF20];
	[tilespmem:s7+$0xFFFFFE90] =	vst v7  }
0x30d: {  	[tilespmem:s7+$0xFFFFFED0] =	vst v11;
	v1 =	vshll.u32 v4, $0x10;
	v4 =	vand.u32 $0xFFFF0000, v4  }
0x30e: {  	v7 =	vld [tilespmem:s9+$0xFFFFFF60];
	[tilespmem:s7+$0x1F0] =	vst v4  }
0x30f: {  	[tilespmem:s7+$0xFFFFFF10] =	vst v12;
	v4 =	vshll.u32 v6, $0x10;
	v6 =	vand.u32 $0xFFFF0000, v6  }
0x310: {  	[tilespmem:s7+$0xFFFFFF50] =	vst v13  }
0x311: {  	v11 =	vshll.u32 v10, $0x10;
	v10 =	vand.u32 $0xFFFF0000, v10;
	v12 =	vld [tilespmem:s9+$0xFFFFFFA0];
	[tilespmem:s7+$0xFFFFFF90] =	vst v2  }
0x312: {  	[tilespmem:s7+$0xFFFFFFD0] =	vst v5  }
0x313: {  	v2 =	vshll.u32 v7, $0x10;
	v5 =	vand.u32 $0xFFFF0000, v7;
	v7 =	vld [tilespmem:s9+$0xFFFFFFE0];
	[tilespmem:s7+$0x10] =	vst v14  }
0x314: {  	[tilespmem:s7+$0x50] =	vst v3  }
0x315: {  	v3 =	vld [tilespmem:s9+$0x20];
	[tilespmem:s7+$0x90] =	vst v8  }
0x316: {  	v8 =	vshll.u32 v12, $0x10;
	v12 =	vand.u32 $0xFFFF0000, v12;
	[tilespmem:s7+$0xD0] =	vst v9  }
0x317: {  	v9 =	vld [tilespmem:s9+$0x60];
	[tilespmem:s7+$0x110] =	vst v4  }
0x318: {  	v4 =	vshll.u32 v7, $0x10;
	v7 =	vand.u32 $0xFFFF0000, v7;
	[tilespmem:s7+$0x150] =	vst v6  }
0x319: {  	[tilespmem:s7+$0xFFFFFE20] =	vst v11;
	v6 =	vld [tilespmem:s9+$0xA0]  }
0x31a: {  	[tilespmem:s7+$0xFFFFFE60] =	vst v10;
	v10 =	vshll.u32 v3, $0x10;
	v3 =	vand.u32 $0xFFFF0000, v3  }
0x31b: {  	v11 =	vld [tilespmem:s9+$0xFFFFFF30];
	[tilespmem:s7+$0xFFFFFEA0] =	vst v2  }
0x31c: {  	[tilespmem:s7+$0xFFFFFEE0] =	vst v5;
	v2 =	vshll.u32 v9, $0x10;
	v5 =	vand.u32 $0xFFFF0000, v9  }
0x31d: {  	v9 =	vld [tilespmem:s9+$0xFFFFFF70];
	[tilespmem:s7+$0xFFFFFF20] =	vst v8  }
0x31e: {  	[tilespmem:s7+$0xFFFFFF60] =	vst v12;
	v8 =	vshll.u32 v6, $0x10;
	v6 =	vand.u32 $0xFFFF0000, v6  }
0x31f: {  	v12 =	vld [tilespmem:s9+$0xFFFFFFB0];
	[tilespmem:s7+$0xFFFFFFA0] =	vst v4  }
0x320: {  	v4 =	vshll.u32 v11, $0x10;
	v11 =	vand.u32 $0xFFFF0000, v11;
	[tilespmem:s7+$0xFFFFFFE0] =	vst v7  }
0x321: {  	v7 =	vld [tilespmem:s9+$0xFFFFFFF0];
	[tilespmem:s7+$0x20] =	vst v10  }
0x322: {  	v10 =	vshll.u32 v9, $0x10;
	v9 =	vand.u32 $0xFFFF0000, v9;
	[tilespmem:s7+$0x60] =	vst v3  }
0x323: {  	v3 =	vld [tilespmem:s9+$0x30];
	[tilespmem:s7+$0xA0] =	vst v2  }
0x324: {  	v2 =	vshll.u32 v12, $0x10;
	v12 =	vand.u32 $0xFFFF0000, v12;
	[tilespmem:s7+$0xE0] =	vst v5  }
0x325: {  	v5 =	vld [tilespmem:s9+$0x70];
	[tilespmem:s7+$0x120] =	vst v8  }
0x326: {  	v8 =	vshll.u32 v7, $0x10;
	v7 =	vand.u32 $0xFFFF0000, v7;
	[tilespmem:s7+$0x160] =	vst v6  }
0x327: {  	[tilespmem:s7+$0xFFFFFE30] =	vst v4;
	v13 =	vld [tilespmem:s9+$0xB0]  }
0x328: {  	[tilespmem:s7+$0xFFFFFE70] =	vst v11;
	v11 =	vshll.u32 v3, $0x10;
	v3 =	vand.u32 $0xFFFF0000, v3  }
0x329: {  	[tilespmem:s7+$0xFFFFFEB0] =	vst v10  }
0x32a: {  	[tilespmem:s7+$0xFFFFFEF0] =	vst v9;
	v4 =	vshll.u32 v5, $0x10;
	v5 =	vand.u32 $0xFFFF0000, v5  }
.Ltmp11:
0x32b: {  	[tilespmem:s7+$0xFFFFFF30] =	vst v2;
	(pc) =	sbr.rel @p1 .LBB2_12-.Ltmp11, $4  }
0x32c: {  	[tilespmem:s7+$0xFFFFFF70] =	vst v12;
	v6 =	vshll.u32 v13, $0x10;
	v2 =	vand.u32 $0xFFFF0000, v13  }
0x32d: {  	[tilespmem:s7+$0xFFFFFFB0] =	vst v8  }
0x32e: {  	[tilespmem:s7+$0xFFFFFFF0] =	vst v7  }
0x32f: {  	s9 =	sadd.s32 $0x200, s9;
	[tilespmem:s7+$0x30] =	vst v11  }
0x330: {  	[tilespmem:s7+$0x70] =	vst v3  }
0x331: {  	[tilespmem:s7+$0xB0] =	vst v4  }
0x332: {  	[tilespmem:s7+$0xF0] =	vst v5;
	s8 =	smul.u32 $0x300, s6  }
0x333: {  	[tilespmem:s7+$0x130] =	vst v6  }
0x334: {  	[tilespmem:s7+$0x170] =	vst v2;
	s9 =	sshra.s32 s8, $0x2  }
0x335: {  	[tilespmem:s7+$0x1B0] =	vst v1;
	s9 =	sadd.s32 $0x2880, s9  }
0x336: {  	[spmem:s3] =	stream.indirect.scatter.add.f32 [tilespmem:s23], [sflag:$0x3], $0x80, s9, s26, $0xb8;
	[tilespmem:$0x1F100] =	vst v63  }
0x337: {  	p1 =	seq.s32 s6, $0x3;
	_ =	swait.ge [sflag:s24], $0x3000  }
0x338: {  	s7 =	sshra.s32 @!p1 s8, $0x2;
	s8 =	simm.s32 @!p1 $0x60;
	[sflag:s24] =	ssyncset.done $0x0  }
0x339: {  	s7 =	sadd.s32 @!p1 $0xC0, s7;
	s9 =	simm.s32 @!p1 $0x5100;
	[sflag:s24] =	ssyncadd.s32 $0xFFFFD000  }
0x33a: {  	[tilespmem:s9], [sflag:$0x1] =	stream.indirect.gather @!p1 [hbm4b:s2+s8], $0x40, s7, s8, $0xb8;
	[tilespmem:$0x1F100] =	vst v63  }
0x33b: {  	_ =	swait.ge [sflag:s31], $0x1800  }
0x33c: {  	[sflag:s31] =	ssyncset.done $0x0  }
0x33d: {  	s9 =	simm.s32 $0x6A00;
	[sflag:s31] =	ssyncadd.s32 $0xFFFFE800  }
0x33e: {  	v1 =	vld [tilespmem:s9+$0xC0];
	_ =	sdelay $0x1  }
0x33f: {  	v2 =	vld [tilespmem:s9+$0xFFFFFF40];
	_ =	sdelay $0x1  }
0x340: {  	v3 =	vld [tilespmem:s9+$0xFFFFFF80]  }
0x341: {  	s7 =	simm.s32 $0x8300;
	v4 =	vshll.u32 v1, $0x10  }
0x342: {  	v5 =	vld [tilespmem:s9+$0xFFFFFFC0];
	v1 =	vand.u32 $0xFFFF0000, v1;
	[tilespmem:s7+$0x180] =	vst v4  }
0x343: {  	v6 =	vld [tilespmem:s9+$0xFFFFFF00];
	v4 =	vshll.u32 v2, $0x10;
	[tilespmem:s7+$0x1C0] =	vst v1  }
0x344: {  	v1 =	vand.u32 $0xFFFF0000, v2;
	[tilespmem:s7+$0xFFFFFE80] =	vst v4;
	v2 =	vld [tilespmem:s9+$0xD0]  }
0x345: {  	v4 =	vshll.u32 v3, $0x10;
	[tilespmem:s7+$0xFFFFFEC0] =	vst v1  }
0x346: {  	v1 =	vand.u32 $0xFFFF0000, v3;
	[tilespmem:s7+$0xFFFFFF00] =	vst v4  }
0x347: {  	v3 =	vshll.u32 v5, $0x10;
	[tilespmem:s7+$0xFFFFFF40] =	vst v1  }
0x348: {  	v1 =	vld [tilespmem:s9+$0x0];
	v4 =	vshll.u32 v6, $0x10;
	[tilespmem:s7+$0xFFFFFF80] =	vst v3  }
0x349: {  	[tilespmem:s7+$0xFFFFFE00] =	vst v4;
	v3 =	vshll.u32 v2, $0x10  }
0x34a: {  	v4 =	vld [tilespmem:s9+$0x40];
	v2 =	vand.u32 $0xFFFF0000, v2;
	[tilespmem:s7+$0x190] =	vst v3  }
0x34b: {  	v3 =	vand.u32 $0xFFFF0000, v6;
	[tilespmem:s7+$0x1D0] =	vst v2  }
0x34c: {  	v2 =	vand.u32 $0xFFFF0000, v5;
	[tilespmem:s7+$0xFFFFFE40] =	vst v3;
	v3 =	vld [tilespmem:s9+$0xE0]  }
0x34d: {  	v5 =	vshll.u32 v1, $0x10;
	[tilespmem:s7+$0xFFFFFFC0] =	vst v2  }
0x34e: {  	v1 =	vand.u32 $0xFFFF0000, v1;
	v2 =	vld [tilespmem:s9+$0x80];
	[tilespmem:s7+$0x0] =	vst v5  }
0x34f: {  	v5 =	vshll.u32 v4, $0x10;
	[tilespmem:s7+$0x40] =	vst v1;
	v1 =	vand.u32 $0xFFFF0000, v4;
	v4 =	vld [tilespmem:s9+$0xFFFFFF10]  }
0x350: {  	[tilespmem:s7+$0x80] =	vst v5  }
0x351: {  	[tilespmem:s7+$0xC0] =	vst v1;
	v1 =	vshll.u32 v3, $0x10  }
0x352: {  	v5 =	vld [tilespmem:s9+$0xFFFFFF50];
	[tilespmem:s7+$0x1A0] =	vst v1;
	v1 =	vand.u32 $0xFFFF0000, v3  }
0x353: {  	v3 =	vshll.u32 v2, $0x10;
	[tilespmem:s7+$0x1E0] =	vst v1  }
0x354: {  	v6 =	vshll.u32 v4, $0x10;
	[tilespmem:s7+$0x100] =	vst v3;
	v3 =	vld [tilespmem:s9+$0xFFFFFF90]  }
0x355: {  	v1 =	vand.u32 $0xFFFF0000, v2;
	[tilespmem:s7+$0xFFFFFE10] =	vst v6;
	v2 =	vld [tilespmem:s9+$0xF0]  }
0x356: {  	v6 =	vld [tilespmem:s9+$0xFFFFFFD0];
	[tilespmem:s7+$0x140] =	vst v1;
	v1 =	vand.u32 $0xFFFF0000, v4  }
0x357: {  	v4 =	vshll.u32 v5, $0x10;
	[tilespmem:s7+$0xFFFFFE50] =	vst v1  }
0x358: {  	v1 =	vand.u32 $0xFFFF0000, v5;
	[tilespmem:s7+$0xFFFFFE90] =	vst v4;
	v4 =	vld [tilespmem:s9+$0x10]  }
0x359: {  	[tilespmem:s7+$0xFFFFFED0] =	vst v1;
	v5 =	vshll.u32 v3, $0x10  }
0x35a: {  	v1 =	vand.u32 $0xFFFF0000, v2;
	[tilespmem:s7+$0xFFFFFF10] =	vst v5  }
0x35b: {  	v5 =	vshll.u32 v6, $0x10;
	[tilespmem:s7+$0x1F0] =	vst v1;
	v1 =	vand.u32 $0xFFFF0000, v3;
	v3 =	vld [tilespmem:s9+$0x50]  }
0x35c: {  	[tilespmem:s7+$0xFFFFFF90] =	vst v5  }
0x35d: {  	v5 =	vshll.u32 v4, $0x10;
	[tilespmem:s7+$0xFFFFFF50] =	vst v1;
	v1 =	vand.u32 $0xFFFF0000, v6;
	v6 =	vld [tilespmem:s9+$0x90]  }
0x35e: {  	[tilespmem:s7+$0x10] =	vst v5  }
0x35f: {  	[tilespmem:s7+$0xFFFFFFD0] =	vst v1;
	v1 =	vand.u32 $0xFFFF0000, v4;
	v4 =	vld [tilespmem:s9+$0xFFFFFF20]  }
0x360: {  	[tilespmem:s7+$0x50] =	vst v1;
	v5 =	vshll.u32 v3, $0x10  }
0x361: {  	v1 =	vand.u32 $0xFFFF0000, v3;
	v3 =	vld [tilespmem:s9+$0xFFFFFF60];
	[tilespmem:s7+$0x90] =	vst v5  }
0x362: {  	v5 =	vshll.u32 v6, $0x10;
	[tilespmem:s7+$0xD0] =	vst v1  }
0x363: {  	v1 =	vand.u32 $0xFFFF0000, v6;
	v6 =	vld [tilespmem:s9+$0xFFFFFFA0];
	[tilespmem:s7+$0x110] =	vst v5  }
0x364: {  	v5 =	vshll.u32 v4, $0x10;
	[tilespmem:s7+$0x150] =	vst v1  }
0x365: {  	v1 =	vand.u32 $0xFFFF0000, v4;
	v4 =	vld [tilespmem:s9+$0xFFFFFFE0];
	[tilespmem:s7+$0xFFFFFE20] =	vst v5  }
0x366: {  	[tilespmem:s7+$0xFFFFFE60] =	vst v1;
	v5 =	vshll.u32 v3, $0x10  }
0x367: {  	v1 =	vand.u32 $0xFFFF0000, v3;
	v3 =	vld [tilespmem:s9+$0x20];
	[tilespmem:s7+$0xFFFFFEA0] =	vst v5  }
0x368: {  	v5 =	vshll.u32 v6, $0x10;
	[tilespmem:s7+$0xFFFFFEE0] =	vst v1  }
0x369: {  	v1 =	vand.u32 $0xFFFF0000, v6;
	v6 =	vld [tilespmem:s9+$0x60];
	[tilespmem:s7+$0xFFFFFF20] =	vst v5  }
0x36a: {  	v5 =	vshll.u32 v4, $0x10;
	[tilespmem:s7+$0xFFFFFF60] =	vst v1  }
0x36b: {  	v1 =	vand.u32 $0xFFFF0000, v4;
	v4 =	vld [tilespmem:s9+$0xA0];
	[tilespmem:s7+$0xFFFFFFA0] =	vst v5  }
0x36c: {  	[tilespmem:s7+$0xFFFFFFE0] =	vst v1;
	v5 =	vshll.u32 v3, $0x10  }
0x36d: {  	v1 =	vand.u32 $0xFFFF0000, v3;
	v3 =	vld [tilespmem:s9+$0xFFFFFF30];
	[tilespmem:s7+$0x20] =	vst v5  }
0x36e: {  	v5 =	vshll.u32 v6, $0x10;
	[tilespmem:s7+$0x60] =	vst v1  }
0x36f: {  	v1 =	vand.u32 $0xFFFF0000, v6;
	v6 =	vld [tilespmem:s9+$0xFFFFFF70];
	[tilespmem:s7+$0xA0] =	vst v5  }
0x370: {  	v5 =	vshll.u32 v4, $0x10;
	[tilespmem:s7+$0xE0] =	vst v1  }
0x371: {  	v1 =	vand.u32 $0xFFFF0000, v4;
	v4 =	vld [tilespmem:s9+$0xFFFFFFB0];
	[tilespmem:s7+$0x120] =	vst v5  }
0x372: {  	[tilespmem:s7+$0x160] =	vst v1;
	v5 =	vshll.u32 v3, $0x10  }
0x373: {  	v7 =	vld [tilespmem:s9+$0x30];
	v1 =	vand.u32 $0xFFFF0000, v3;
	[tilespmem:s7+$0xFFFFFE30] =	vst v5  }
0x374: {  	v3 =	vld [tilespmem:s9+$0xFFFFFFF0];
	v5 =	vshll.u32 v6, $0x10;
	[tilespmem:s7+$0xFFFFFE70] =	vst v1  }
0x375: {  	v1 =	vand.u32 $0xFFFF0000, v6;
	v6 =	vld [tilespmem:s9+$0x70];
	[tilespmem:s7+$0xFFFFFEB0] =	vst v5  }
0x376: {  	v8 =	vld [tilespmem:s9+$0xB0];
	v5 =	vshll.u32 v4, $0x10;
	[tilespmem:s7+$0xFFFFFEF0] =	vst v1  }
0x377: {  	v1 =	vand.u32 $0xFFFF0000, v4;
	[tilespmem:s7+$0xFFFFFF30] =	vst v5  }
0x378: {  	v9 =	vshll.u32 v7, $0x10;
	[tilespmem:s7+$0xFFFFFF70] =	vst v1  }
0x379: {  	v1 =	vshll.u32 v2, $0x10;
	[tilespmem:s7+$0x30] =	vst v9;
	v4 =	vshll.u32 v3, $0x10  }
0x37a: {  	v2 =	vand.u32 $0xFFFF0000, v7;
	v3 =	vand.u32 $0xFFFF0000, v3;
	[tilespmem:s7+$0xFFFFFFB0] =	vst v4;
	v4 =	vshll.u32 v6, $0x10  }
0x37b: {  	s6 =	sadd.s32 $0x1, s6;
	s8 =	simm.s32 $0x0;
	s9 =	simm.s32 $0x6C00;
	[tilespmem:s7+$0xFFFFFFF0] =	vst v3;
	v5 =	vand.u32 $0xFFFF0000, v6;
	v6 =	vshll.u32 v8, $0x10;
	v3 =	vand.u32 $0xFFFF0000, v8  }
.LBB2_14:
0x37c: {  	v7 =	vld [tilespmem:s9+$0xC0];
	[tilespmem:s7+$0x70] =	vst v2  }
0x37d: {  	v2 =	vld [tilespmem:s9+$0xFFFFFF40];
	[tilespmem:s7+$0xB0] =	vst v4  }
0x37e: {  	v4 =	vld [tilespmem:s9+$0xFFFFFF80];
	[tilespmem:s7+$0xF0] =	vst v5  }
0x37f: {  	s8 =	sadd.s32 $0x8, s8;
	v5 =	vld [tilespmem:s9+$0xFFFFFFC0];
	[tilespmem:s7+$0x130] =	vst v6  }
0x380: {  	p1 =	slt.u32 s8, $0x58;
	v6 =	vld [tilespmem:s9+$0x0];
	[tilespmem:s7+$0x170] =	vst v3  }
0x381: {  	v3 =	vld [tilespmem:s9+$0x40];
	v8 =	vshll.u32 v7, $0x10;
	[tilespmem:s7+$0x1B0] =	vst v1;
	s7 =	sadd.s32 $0x400, s7  }
0x382: {  	v7 =	vand.u32 $0xFFFF0000, v7;
	v1 =	vshll.u32 v2, $0x10;
	v2 =	vand.u32 $0xFFFF0000, v2;
	v9 =	vld [tilespmem:s9+$0x80];
	[tilespmem:s7+$0x180] =	vst v8  }
0x383: {  	v8 =	vld [tilespmem:s9+$0xFFFFFF00];
	v10 =	vshll.u32 v4, $0x10;
	v4 =	vand.u32 $0xFFFF0000, v4;
	[tilespmem:s7+$0x1C0] =	vst v7  }
0x384: {  	[tilespmem:s7+$0xFFFFFE80] =	vst v1;
	v1 =	vshll.u32 v5, $0x10;
	v5 =	vand.u32 $0xFFFF0000, v5;
	v7 =	vld [tilespmem:s9+$0xD0]  }
0x385: {  	[tilespmem:s7+$0xFFFFFEC0] =	vst v2;
	v2 =	vshll.u32 v6, $0x10;
	v6 =	vand.u32 $0xFFFF0000, v6  }
0x386: {  	v11 =	vld [tilespmem:s9+$0xFFFFFF50];
	[tilespmem:s7+$0xFFFFFF00] =	vst v10;
	v10 =	vshll.u32 v3, $0x10;
	v3 =	vand.u32 $0xFFFF0000, v3  }
0x387: {  	[tilespmem:s7+$0xFFFFFF40] =	vst v4;
	v4 =	vshll.u32 v9, $0x10;
	v9 =	vand.u32 $0xFFFF0000, v9  }
0x388: {  	v12 =	vshll.u32 v8, $0x10;
	v8 =	vand.u32 $0xFFFF0000, v8;
	v13 =	vld [tilespmem:s9+$0xFFFFFF90];
	[tilespmem:s7+$0xFFFFFF80] =	vst v1  }
0x389: {  	[tilespmem:s7+$0xFFFFFE00] =	vst v12;
	v1 =	vshll.u32 v7, $0x10  }
0x38a: {  	[tilespmem:s7+$0x190] =	vst v1;
	v1 =	vand.u32 $0xFFFF0000, v7  }
0x38b: {  	v7 =	vshll.u32 v11, $0x10;
	v11 =	vand.u32 $0xFFFF0000, v11;
	[tilespmem:s7+$0x1D0] =	vst v1  }
0x38c: {  	[tilespmem:s7+$0xFFFFFE40] =	vst v8;
	v1 =	vld [tilespmem:s9+$0xE0]  }
0x38d: {  	v8 =	vld [tilespmem:s9+$0xFFFFFF10];
	v12 =	vshll.u32 v13, $0x10;
	v13 =	vand.u32 $0xFFFF0000, v13;
	[tilespmem:s7+$0xFFFFFFC0] =	vst v5  }
0x38e: {  	v5 =	vld [tilespmem:s9+$0xFFFFFFD0];
	[tilespmem:s7+$0x0] =	vst v2  }
0x38f: {  	[tilespmem:s7+$0x40] =	vst v6  }
0x390: {  	v2 =	vld [tilespmem:s9+$0x10];
	[tilespmem:s7+$0x80] =	vst v10  }
0x391: {  	[tilespmem:s7+$0xC0] =	vst v3;
	v3 =	vshll.u32 v1, $0x10  }
0x392: {  	v1 =	vand.u32 $0xFFFF0000, v1;
	v6 =	vshll.u32 v8, $0x10;
	v8 =	vand.u32 $0xFFFF0000, v8;
	v10 =	vld [tilespmem:s9+$0x50];
	[tilespmem:s7+$0x1A0] =	vst v3  }
0x393: {  	v3 =	vshll.u32 v5, $0x10;
	v5 =	vand.u32 $0xFFFF0000, v5;
	[tilespmem:s7+$0x1E0] =	vst v1  }
0x394: {  	[tilespmem:s7+$0x100] =	vst v4;
	v4 =	vld [tilespmem:s9+$0xF0]  }
0x395: {  	v14 =	vshll.u32 v2, $0x10;
	v2 =	vand.u32 $0xFFFF0000, v2;
	[tilespmem:s7+$0x140] =	vst v9  }
0x396: {  	[tilespmem:s7+$0xFFFFFE10] =	vst v6;
	v6 =	vld [tilespmem:s9+$0x90]  }
0x397: {  	[tilespmem:s7+$0xFFFFFE50] =	vst v8;
	v8 =	vshll.u32 v10, $0x10;
	v9 =	vand.u32 $0xFFFF0000, v10  }
0x398: {  	v10 =	vld [tilespmem:s9+$0xFFFFFF20];
	[tilespmem:s7+$0xFFFFFE90] =	vst v7  }
0x399: {  	[tilespmem:s7+$0xFFFFFED0] =	vst v11;
	v1 =	vshll.u32 v4, $0x10;
	v4 =	vand.u32 $0xFFFF0000, v4  }
0x39a: {  	v7 =	vld [tilespmem:s9+$0xFFFFFF60];
	[tilespmem:s7+$0x1F0] =	vst v4  }
0x39b: {  	[tilespmem:s7+$0xFFFFFF10] =	vst v12;
	v4 =	vshll.u32 v6, $0x10;
	v6 =	vand.u32 $0xFFFF0000, v6  }
0x39c: {  	[tilespmem:s7+$0xFFFFFF50] =	vst v13  }
0x39d: {  	v11 =	vshll.u32 v10, $0x10;
	v10 =	vand.u32 $0xFFFF0000, v10;
	v12 =	vld [tilespmem:s9+$0xFFFFFFA0];
	[tilespmem:s7+$0xFFFFFF90] =	vst v3  }
0x39e: {  	[tilespmem:s7+$0xFFFFFFD0] =	vst v5  }
0x39f: {  	v3 =	vshll.u32 v7, $0x10;
	v5 =	vand.u32 $0xFFFF0000, v7;
	v7 =	vld [tilespmem:s9+$0xFFFFFFE0];
	[tilespmem:s7+$0x10] =	vst v14  }
0x3a0: {  	[tilespmem:s7+$0x50] =	vst v2  }
0x3a1: {  	v2 =	vld [tilespmem:s9+$0x20];
	[tilespmem:s7+$0x90] =	vst v8  }
0x3a2: {  	v8 =	vshll.u32 v12, $0x10;
	v12 =	vand.u32 $0xFFFF0000, v12;
	[tilespmem:s7+$0xD0] =	vst v9  }
0x3a3: {  	v9 =	vld [tilespmem:s9+$0x60];
	[tilespmem:s7+$0x110] =	vst v4  }
0x3a4: {  	v4 =	vshll.u32 v7, $0x10;
	v7 =	vand.u32 $0xFFFF0000, v7;
	[tilespmem:s7+$0x150] =	vst v6  }
0x3a5: {  	[tilespmem:s7+$0xFFFFFE20] =	vst v11;
	v6 =	vld [tilespmem:s9+$0xA0]  }
0x3a6: {  	[tilespmem:s7+$0xFFFFFE60] =	vst v10;
	v10 =	vshll.u32 v2, $0x10;
	v2 =	vand.u32 $0xFFFF0000, v2  }
0x3a7: {  	v11 =	vld [tilespmem:s9+$0xFFFFFF30];
	[tilespmem:s7+$0xFFFFFEA0] =	vst v3  }
0x3a8: {  	[tilespmem:s7+$0xFFFFFEE0] =	vst v5;
	v3 =	vshll.u32 v9, $0x10;
	v5 =	vand.u32 $0xFFFF0000, v9  }
0x3a9: {  	v9 =	vld [tilespmem:s9+$0xFFFFFF70];
	[tilespmem:s7+$0xFFFFFF20] =	vst v8  }
0x3aa: {  	[tilespmem:s7+$0xFFFFFF60] =	vst v12;
	v8 =	vshll.u32 v6, $0x10;
	v6 =	vand.u32 $0xFFFF0000, v6  }
0x3ab: {  	v12 =	vld [tilespmem:s9+$0xFFFFFFB0];
	[tilespmem:s7+$0xFFFFFFA0] =	vst v4  }
0x3ac: {  	v4 =	vshll.u32 v11, $0x10;
	v11 =	vand.u32 $0xFFFF0000, v11;
	[tilespmem:s7+$0xFFFFFFE0] =	vst v7  }
0x3ad: {  	v7 =	vld [tilespmem:s9+$0xFFFFFFF0];
	[tilespmem:s7+$0x20] =	vst v10  }
0x3ae: {  	v10 =	vshll.u32 v9, $0x10;
	v9 =	vand.u32 $0xFFFF0000, v9;
	[tilespmem:s7+$0x60] =	vst v2  }
0x3af: {  	v2 =	vld [tilespmem:s9+$0x30];
	[tilespmem:s7+$0xA0] =	vst v3  }
0x3b0: {  	v3 =	vshll.u32 v12, $0x10;
	v12 =	vand.u32 $0xFFFF0000, v12;
	[tilespmem:s7+$0xE0] =	vst v5  }
0x3b1: {  	v5 =	vld [tilespmem:s9+$0x70];
	[tilespmem:s7+$0x120] =	vst v8  }
0x3b2: {  	v8 =	vshll.u32 v7, $0x10;
	v7 =	vand.u32 $0xFFFF0000, v7;
	[tilespmem:s7+$0x160] =	vst v6  }
0x3b3: {  	[tilespmem:s7+$0xFFFFFE30] =	vst v4;
	v13 =	vld [tilespmem:s9+$0xB0]  }
0x3b4: {  	[tilespmem:s7+$0xFFFFFE70] =	vst v11;
	v11 =	vshll.u32 v2, $0x10;
	v2 =	vand.u32 $0xFFFF0000, v2  }
0x3b5: {  	[tilespmem:s7+$0xFFFFFEB0] =	vst v10  }
0x3b6: {  	[tilespmem:s7+$0xFFFFFEF0] =	vst v9;
	v4 =	vshll.u32 v5, $0x10;
	v5 =	vand.u32 $0xFFFF0000, v5  }
.Ltmp12:
0x3b7: {  	[tilespmem:s7+$0xFFFFFF30] =	vst v3;
	(pc) =	sbr.rel @p1 .LBB2_14-.Ltmp12, $4  }
0x3b8: {  	[tilespmem:s7+$0xFFFFFF70] =	vst v12;
	v6 =	vshll.u32 v13, $0x10;
	v3 =	vand.u32 $0xFFFF0000, v13  }
0x3b9: {  	[tilespmem:s7+$0xFFFFFFB0] =	vst v8  }
0x3ba: {  	[tilespmem:s7+$0xFFFFFFF0] =	vst v7  }
0x3bb: {  	s9 =	sadd.s32 $0x200, s9;
	[tilespmem:s7+$0x30] =	vst v11  }
0x3bc: {  	[tilespmem:s7+$0x70] =	vst v2  }
0x3bd: {  	[tilespmem:s7+$0xB0] =	vst v4  }
0x3be: {  	[tilespmem:s7+$0xF0] =	vst v5  }
0x3bf: {  	[tilespmem:s7+$0x130] =	vst v6  }
0x3c0: {  	[tilespmem:s7+$0x170] =	vst v3  }
0x3c1: {  	[tilespmem:s7+$0x1B0] =	vst v1;
	s0 =	sadd.s32 $0x2880, s0;
	p1 =	seq.s32 s6, $0x4  }
0x3c2: {  	[spmem:s3] =	stream.indirect.scatter.add.f32 [tilespmem:s23], [sflag:$0x3], $0x80, s0, s26, $0xb8;
	[tilespmem:$0x1F100] =	vst v63  }
.Ltmp13:
0x3c3: {  	_ = 	snop;
	(pc) =	sbr.rel @!p1 .LBB2_11-.Ltmp13, $4  }
.Ltmp14:
0x3c4: {  	_ = 	snop;
	(pc) =	sbr.rel @p1 .LBB2_22-.Ltmp14, $4  }
0x3c5: {  	_ =	swait.ge [sflag:s24], $0x3000  }
0x3c6: {  	[sflag:s24] =	ssyncset.done $0x0  }
0x3c7: {  	[sflag:s24] =	ssyncadd.s32 $0xFFFFD000  }
0x3c8: {  	_ = 	snop  }
.LBB2_23:
0x3c9: {  	_ =	sfence.sel $0x180000  }
0x3ca: {  	[bflag:$0x0] =	sbarrier.arrive $0xFFFF  }
0x3cb: {  	_ =	strace $0x9000004D  }
0x3cc: {  	[bflag:$0x2] =	sbarrier.arrive $0xFFFF  }
0x3cd: {  	p0 =	sne.s32 s1, $0x0;
	s0 =	rddreg [dreg:$0x3]  }
0x3ce: {  	s0 =	sadd.s32 @!p0 $0x100000, s0  }
0x3cf: {  	[sflag:s0] =	ssyncadd.tile.s32 @!p0 $0x1;
	_ =	shalt  }
.Lfunc_end2:
_tile_overlayer_lowered:
.L_overlay_start_2:
0x3d0: {  	(tag) =	ssettag $0x2  }
0x3d1: {  	s0 =	rddreg [dreg:$0x0];
	s2 =	stileid.u32  }
0x3d2: {  	s1 =	rddreg [dreg:$0x1];
	p0 =	sne.s32 s2, $0x0  }
0x3d3: {  	s3 =	rddreg [dreg:$0x2];
	[bflag:$0x3] =	sbarrier.arrive $0xFFFF;
	s2 =	simm.s32 @!p0 $0x1C03  }
0x3d4: {  	[timem:s3], [sflag:s2] =	dma.local @!p0 [hbm:s0], s1  }
0x3d5: {  	s0 =	simm.s32 @!p0 $0x3  }
0x3d6: {  	_ =	swait.ge @!p0 [sflag:s0], s1  }
0x3d7: {  	s1 =	ssub.s32 @!p0 $0x0, s1;
	[sflag:s0] =	ssyncset.done @!p0 $0x0  }
0x3d8: {  	[sflag:s0] =	ssyncadd.s32 @!p0 s1  }
0x3d9: {  	[bflag:$0x3] =	sbarrier.arrive $0xFFFF  }
0x3da: {  	_ =	shalt  }

// kernel: kernel.8.cloned.1.call-start
scs
__scs_entry_jumppad:
0x0: {  	(pc) =	sbr.rel $0x88, $3  }
0x1: {  	(tag) =	ssettag $0x0;
	lr =	simm.s32 $0x1  }
0x2: {  	[smem:$0x3F9B] =	sst lr;
	_ =	strace $0xD0000000  }
0x3: {  	_ = 	snop  }
0x4: {  	_ = 	snop  }
0x5: {  	_ = 	snop  }
0x6: {  	_ = 	snop  }
0x7: {  	_ = 	snop  }
__scs_overlays_trampoline_lowered:
0x8: {  	[smem:$0x3FAA] =	sst s0  }
0x9: {  	[smem:$0x3FAB] =	sst s1  }
0xa: {  	[smem:$0x3FAC] =	sst s2  }
0xb: {  	[smem:$0x3FAD] =	sst s3  }
0xc: {  	[smem:$0x3FAE] =	sst s4  }
0xd: {  	[smem:$0x3FAF] =	sst s5  }
0xe: {  	[smem:$0x3FB0] =	sst s6  }
0xf: {  	[smem:$0x3FB1] =	sst s7  }
0x10: {  	[smem:$0x3FB2] =	sst s8  }
0x11: {  	[smem:$0x3FB3] =	sst s9;
	s0 =	simm.s32 @!p0 $0x0  }
0x12: {  	s1 =	sld [smem:$0x3F99];
	s0 =	simm.s32 @p0 $0x1  }
0x13: {  	[smem:$0x3FB4] =	sst s0;
	s0 =	simm.s32 @!p1 $0x0  }
0x14: {  	s2 =	sld [smem:$0x3F98];
	s0 =	simm.s32 @p1 $0x1  }
0x15: {  	[smem:$0x3FB5] =	sst s0;
	s0 =	simm.s32 @!p2 $0x0  }
0x16: {  	s3 =	sld [smem:$0x3FDB];
	s0 =	simm.s32 @p2 $0x1  }
0x17: {  	s4 =	simm.s32 $0x1BF5;
	[smem:$0x3FB7] =	sst s0  }
0x18: {  	s0 =	sld [smem:$0x3F9A];
	_ =	swait.ge [sflag:s4], $0x0  }
0x19: {  	s7 =	sld [smem:$0x3F9B]  }
0x1a: {  	s8 =	sadd.s32 $0xFFFFE003, lr  }
0x1b: {  	s9 =	sadd.s32 $0xFFFFFEF7, lr;
	s5 =	simm.s32 $0xFFFFFFFF;
	p2 =	slt.u32 s8, $0xFFFFF086  }
0x1c: {  	p1 =	slt.u32 s9, $0xF7A;
	s5 =	simm.s32 @!p2 $0x0  }
0x1d: {  	s5 =	simm.s32 @p1 $0x1;
	p0 =	seq.s32 s7, s2  }
0x1e: {  	s7 =	smul.u32 @!p0 $0xF7A, s2;
	p2 =	seq.s32 @!p0 s5, $0x0  }
0x1f: {  	s9 =	smul.u32 $0xF7A, s1;
	s8 =	simm.s32 @!p0 $0x1BF5;
	p2 =	por !p2, p0  }
0x20: {  	[sflag:s8] =	ssyncset.s32 @!p0 $0xFFFFF086;
	s6 =	sadd.s32 @!p0 s3, s7;
	s7 =	simm.s32 @!p0 $0x108  }
0x21: {  	s3 =	sadd.s32 s3, s9;
	s6 =	sadd.s32 @!p0 $0x88, s6;
	s7 =	simm.s32 @p2 $0x1082  }
0x22: {  	[simem:s7], [sflag:s8] =	dma.local @!p0 [hbm:s6], $0xF7A  }
0x23: {  	s9 =	sor.u32 $0xD0000000, s2;
	s6 =	simm.s32 $0x108;
	_ =	swait.ge @!p0 [sflag:s8], $0x0  }
0x24: {  	s3 =	sadd.s32 $0x88, s3;
	s6 =	simm.s32 @!p1 $0x1082;
	[sflag:s4] =	ssyncset.s32 $0xFFFFF086  }
0x25: {  	[simem:s6], [sflag:s4] =	dma.local [hbm:s3], $0xF7A  }
0x26: {  	[smem:$0x3F9B] =	sst s1;
	(tag) =	ssettag s2;
	_ =	strace s9  }
0x27: {  	s1 =	sld [smem:$0x3FAB]  }
0x28: {  	s2 =	sld [smem:$0x3FAC]  }
0x29: {  	s4 =	sld [smem:$0x3FAE]  }
0x2a: {  	p0 =	seq.s32 s5, $0x0;
	s5 =	sld [smem:$0x3FAF]  }
0x2b: {  	s6 =	sld [smem:$0x3FB0]  }
0x2c: {  	s7 =	sld [smem:$0x3FB1]  }
0x2d: {  	s3 =	simm.s32 $0x108;
	s8 =	sld [smem:$0x3FB2]  }
0x2e: {  	s3 =	simm.s32 @!p0 $0x1082;
	s9 =	sld [smem:$0x3FB3]  }
0x2f: {  	lr =	sadd.s32 s0, s3;
	s0 =	sld [smem:$0x3FAA]  }
0x30: {  	s3 =	sld [smem:$0x3FAD]  }
0x31: {  	[smem:$0x3FB6] =	sst s10  }
0x32: {  	s10 =	sld [smem:$0x3FB4];
	_ =	sdelay $0x3  }
0x33: {  	p0 =	seq.s32 s10, $0x1;
	s10 =	sld [smem:$0x3FB6];
	_ =	sdelay $0x3  }
0x34: {  	[smem:$0x3FB6] =	sst s10  }
0x35: {  	s10 =	sld [smem:$0x3FB5];
	_ =	sdelay $0x3  }
0x36: {  	p1 =	seq.s32 s10, $0x1;
	s10 =	sld [smem:$0x3FB6];
	_ =	sdelay $0x3  }
0x37: {  	[smem:$0x3FB6] =	sst s10  }
0x38: {  	s10 =	sld [smem:$0x3FB7]  }
0x39: {  	_ = 	snop;
	(pc) =	sbr.ind lr, $3  }
0x3a: {  	_ = 	snop  }
0x3b: {  	_ = 	snop  }
0x3c: {  	p2 =	seq.s32 s10, $0x1;
	s10 =	sld [smem:$0x3FB6]  }
0x3d: {  	_ =	shalt  }
0x3e: {  	_ =	shalt  }
0x3f: {  	_ =	shalt  }
0x40: {  	_ =	shalt  }
0x41: {  	_ =	shalt  }
0x42: {  	_ =	shalt  }
0x43: {  	_ =	shalt  }
0x44: {  	_ =	shalt  }
0x45: {  	_ =	shalt  }
0x46: {  	_ =	shalt  }
0x47: {  	_ =	shalt  }
0x48: {  	_ =	shalt  }
0x49: {  	_ =	shalt  }
0x4a: {  	_ =	shalt  }
0x4b: {  	_ =	shalt  }
0x4c: {  	_ =	shalt  }
0x4d: {  	_ =	shalt  }
0x4e: {  	_ =	shalt  }
0x4f: {  	_ =	shalt  }
0x50: {  	_ =	shalt  }
0x51: {  	_ =	shalt  }
0x52: {  	_ =	shalt  }
0x53: {  	_ =	shalt  }
0x54: {  	_ =	shalt  }
0x55: {  	_ =	shalt  }
0x56: {  	_ =	shalt  }
0x57: {  	_ =	shalt  }
0x58: {  	_ =	shalt  }
0x59: {  	_ =	shalt  }
0x5a: {  	_ =	shalt  }
0x5b: {  	_ =	shalt  }
0x5c: {  	_ =	shalt  }
0x5d: {  	_ =	shalt  }
0x5e: {  	_ =	shalt  }
0x5f: {  	_ =	shalt  }
0x60: {  	_ =	shalt  }
0x61: {  	_ =	shalt  }
0x62: {  	_ =	shalt  }
0x63: {  	_ =	shalt  }
0x64: {  	_ =	shalt  }
0x65: {  	_ =	shalt  }
0x66: {  	_ =	shalt  }
0x67: {  	_ =	shalt  }
0x68: {  	_ =	shalt  }
0x69: {  	_ =	shalt  }
0x6a: {  	_ =	shalt  }
0x6b: {  	_ =	shalt  }
0x6c: {  	_ =	shalt  }
0x6d: {  	_ =	shalt  }
0x6e: {  	_ =	shalt  }
0x6f: {  	_ =	shalt  }
0x70: {  	_ =	shalt  }
0x71: {  	_ =	shalt  }
0x72: {  	_ =	shalt  }
0x73: {  	_ =	shalt  }
0x74: {  	_ =	shalt  }
0x75: {  	_ =	shalt  }
0x76: {  	_ =	shalt  }
0x77: {  	_ =	shalt  }
0x78: {  	_ =	shalt  }
0x79: {  	_ =	shalt  }
0x7a: {  	_ =	shalt  }
0x7b: {  	_ =	shalt  }
0x7c: {  	_ =	shalt  }
0x7d: {  	_ =	shalt  }
0x7e: {  	_ =	shalt  }
0x7f: {  	_ =	shalt  }
0x80: {  	_ =	shalt  }
0x81: {  	_ =	shalt  }
0x82: {  	_ =	shalt  }
0x83: {  	_ =	shalt  }
0x84: {  	_ =	shalt  }
0x85: {  	_ =	shalt  }
0x86: {  	_ =	shalt  }
0x87: {  	_ =	shalt  }
.Lfunc_end0:
.L_simem_size_0:
called_computation_lowered:
.L_overlay_start_0:
0x88: {  	s2 =	sld [smem:$0x3FD9]  }
0x89: {  	s3 =	sld [smem:$0x3FFE];
	_ =	sdelay $0x1  }
0x8a: {  	s1 =	srdreg.scid  }
0x8b: {  	s0 =	sand.u32 $0x1, s1  }
0x8c: {  	s17 =	sshll.u32 s0, $0xA;
	s2 =	sadd.s32 s3, s2  }
0x8d: {  	s2 =	sadd.s32 s2, s17  }
0x8e: {  	[smem:$0x3FC2] =	sst s2  }
0x8f: {  	_ = 	snop  }
0x90: {  	s2 =	sld [smem:$0x3FD0];
	(tm) =	ssettm $0x1  }
0x91: {  	s18 =	sld [smem:$0x3FFB];
	_ =	sdelay $0x3  }
0x92: {  	_ =	strace s18  }
0x93: {  	s3 =	sld [smem:$0x3FFC];
	_ =	sdelay $0x3  }
0x94: {  	_ =	strace s3  }
0x95: {  	s3 =	sld [smem:$0x3FFD];
	_ =	sdelay $0x3  }
0x96: {  	_ =	strace s3  }
0x97: {  	_ =	strace $0x8FFFFFFF  }
0x98: {  	s19 =	sld [smem:$0x3FDB];
	_ =	sdelay $0x1  }
0x99: {  	s4 =	simm.s32 $_scs_section_size  }
0x9a: {  	s5 =	simm.s32 $_size__tile_overlayer_lowered;
	s6 =	simm.s32 $_tile_overlayer_lowered  }
0x9b: {  	s22 =	simm.s32 $0x1BFF;
	s21 =	sshll.u32 s6, $0x1;
	s3 =	sadd.s32 s4, s19  }
0x9c: {  	s7 =	simm.s32 $0x0;
	s20 =	sshll.u32 s5, $0x1;
	s5 =	sadd.s32 s21, s3  }
0x9d: {  	[timem:s7], [sflag:s22] =	dma.local [hbm:s5], s20  }
0x9e: {  	_ =	swait.ge [sflag:s22], s20  }
0x9f: {  	s4 =	ssub.s32 $0x0, s20;
	[sflag:s22] =	ssyncset.done $0x0  }
0xa0: {  	[sflag:s22] =	ssyncadd.s32 s4;
	_ =	sdelay $0x1  }
0xa1: {  	s23 =	simm.s32 $0x1B8B  }
0xa2: {  	_ =	swait.ge [sflag:s23], $0x1  }
0xa3: {  	[sflag:s23] =	ssyncset.done $0x0  }
0xa4: {  	s25 =	simm.s32 $0x1B8E;
	s24 =	sld [smem:$0x3FFE];
	[sflag:s23] =	ssyncadd.s32 $0xFFFFFFFF  }
0xa5: {  	s26 =	simm.s32 $execute0_lowered;
	[smem:$0x3FD2] =	sst s25  }
0xa6: {  	s5 =	sshll.u32 s26, $0x1;
	_ =	strace $0x80000046;
	[dreg:$0x1] =	wrdreg $0xFFFFFFFF  }
0xa7: {  	s28 =	simm.s32 $_size_execute0_lowered;
	s3 =	sadd.s32 s3, s5;
	[dreg:$0x0] =	wrdreg $0x0  }
0xa8: {  	s5 =	sshll.u32 s28, $0x1;
	[dreg:$0x2] =	wrdreg s3  }
0xa9: {  	[dreg:$0x3] =	wrdreg s5  }
0xaa: {  	[dreg:$0x4] =	wrdreg $0xC0  }
0xab: {  	_ =	task [dreg:s7], $0x5FFFF  }
0xac: {  	[dreg:$0x1] =	wrdreg $0xFFFFFFFF  }
0xad: {  	[dreg:$0x0] =	wrdreg $0x60  }
0xae: {  	[dreg:$0x2] =	wrdreg s24  }
0xaf: {  	[dreg:$0x3] =	wrdreg s2  }
0xb0: {  	[dreg:$0x4] =	wrdreg $0x9  }
0xb1: {  	_ =	task.clear_ibuf [dreg:s7], $0x5FFFF;
	_ =	strace $0x90000046  }
0xb2: {  	s29 =	simm.s32 $0x9;
	_ =	strace $0x80000048  }
0xb3: {  	_ =	swait.ge [sflag:s29], $0x1  }
0xb4: {  	[sflag:s29] =	ssyncadd.s32 $0xFFFFFFFF  }
0xb5: {  	_ =	strace $0x90000048  }
0xb6: {  	_ =	sfence  }
0xb7: {  	s30 =	sld [smem:$0x0];
	_ =	sdelay $0x2  }
0xb8: {  	s31 =	sshll.u32 s1, $0xD;
	s1 =	sshrl.u32 s1, $0x2  }
0xb9: {  	s3 =	sand.u32 $0x4000, s31;
	s1 =	sadd.s32 s1, s30  }
0xba: {  	s0 =	sor.u32 s3, s0;
	s1 =	sshll.u32 s1, $0x11  }
0xbb: {  	s0 =	sor.u32 s1, s0  }
0xbc: {  	s0 =	sadd.s32 $0x8F2B, s0  }
0xbd: {  	[sflag:s0] =	ssyncadd.remote.s32 $0x1  }
0xbe: {  	_ =	sfence.sel $0xFFFF  }
0xbf: {  	[dreg:$0x0] =	wrdreg $0xFFFFFFFF;
	(pc) =	sbr.abs _section_cstart, $3  }
0xc0: {  	[dreg:$0x1] =	wrdreg $0xFFFFFFFF  }
0xc1: {  	_ =	task.clear_ibuf [dreg:s7], $0x2FFFF;
	_ =	strace $0x9FFFFFFF  }
0xc2: {  	(tm) =	ssettm $0x7FFFFFFF  }
0xc3: {  	_ =	shalt  }
tec
execute0_lowered:
.L_overlay_start_1:
0x0: {  	(tag) =	ssettag $0x1  }
0x1: {  	s0 =	srdreg.scid  }
0x2: {  	s3 =	rddreg [dreg:$0x0];
	s4 =	sand.u32 $0x1, s0  }
0x3: {  	s5 =	rddreg [dreg:$0x1];
	s1 =	stileid.u32;
	s2 =	sshll.u32 s4, $0x4  }
0x4: {  	s0 =	rddreg [dreg:$0x2];
	s6 =	sor.u32 s1, s2  }
0x5: {  	s4 =	ssub.s32 $0x2, s4;
	s2 =	simm.s32 $0x0;
	s7 =	smul.u32 $0x510, s6  }
0x6: {  	s8 =	sshrl.u32 s4, $0x1;
	[smem:$0x7FF] =	sst s2;
	s6 =	smul.u32 $0x500, s6  }
0x7: {  	s31 =	ssub.s32 s4, s8;
	s8 =	simm.s32 $0x0;
	_ =	strace $0x80000047  }
0x8: {  	s3 =	sadd.s32 s7, s3;
	s4 =	sadd.s32 s5, s6;
	s5 =	smax.u32 s31, $0x1  }
0x9: {  	v0 =	vimm.f32 $0.0e+00;
	v1 =	vimm.f32 $1.000000000e+00;
	s6 =	simm.s32 $0x1;
	s7 =	simm.s32 $0x2880;
	s3 =	sadd.s32 $0xBE00, s3  }
.LBB2_1:
0xa: {  	s9 =	simm.s32 $0x40;
	s10 =	simm.s32 $0x0  }
.LBB2_2:
0xb: {  	p0 =	sne.s32 s9, $0x9FC0;
	[tilespmem:s10+$0x2880] =	vst v0;
	s10 =	smov.u32 s9;
	s9 =	sadd.s32 $0x40, s9  }
.Ltmp0:
0xc: {  	(pc) =	sbr.rel @p0 .LBB2_2-.Ltmp0, $2  }
0xd: {  	_ =	sdelay $0x2  }
0xe: {  	s10 =	sshra.s32 s10, $0x2  }
0xf: {  	[tilespmem:s10+$0x2880] =	vst v0  }
0x10: {  	[tilespmem:s2], [sflag:$0x1] =	stream.linear.gather [hbm4b:s3+s2], $0x2880, $0x38;
	[tilespmem:$0x5080] =	vst v63  }
0x11: {  	_ =	swait.ge [sflag:s6], $0x2880  }
0x12: {  	[sflag:s6] =	ssyncset.done $0x0  }
0x13: {  	s9 =	simm.s32 $0x140;
	[sflag:s6] =	ssyncadd.s32 $0xFFFFD780  }
.LBB2_4:
0x14: {  	s10 =	sshra.s32 s9, $0x2  }
0x15: {  	v2 =	vld [tilespmem:s10+$0xFFFFFFB0];
	_ =	sdelay $0x7  }
0x16: {  	[tilespmem:v2+s7+$0x0] =	vst.idx.add.f32.msk $0xffff, v1  }
0x17: {  	v2 =	vld [tilespmem:s10+$0xFFFFFFC0];
	_ =	sdelay $0x7  }
0x18: {  	[tilespmem:v2+s7+$0x0] =	vst.idx.add.f32.msk $0xffff, v1  }
0x19: {  	v2 =	vld [tilespmem:s10+$0xFFFFFFD0];
	_ =	sdelay $0x7  }
0x1a: {  	[tilespmem:v2+s7+$0x0] =	vst.idx.add.f32.msk $0xffff, v1  }
0x1b: {  	v2 =	vld [tilespmem:s10+$0xFFFFFFE0];
	_ =	sdelay $0x7  }
0x1c: {  	[tilespmem:v2+s7+$0x0] =	vst.idx.add.f32.msk $0xffff, v1  }
0x1d: {  	v2 =	vld [tilespmem:s10+$0xFFFFFFF0];
	_ =	sdelay $0x7  }
0x1e: {  	[tilespmem:v2+s7+$0x0] =	vst.idx.add.f32.msk $0xffff, v1  }
0x1f: {  	v2 =	vld [tilespmem:s10+$0x0];
	_ =	sdelay $0x2  }
0x20: {  	p0 =	sne.s32 s9, $0xA1C0  }
.Ltmp1:
0x21: {  	_ = 	snop;
	(pc) =	sbr.rel @p0 .LBB2_4-.Ltmp1, $2  }
0x22: {  	_ =	sdelay $0x2  }
0x23: {  	s9 =	sadd.s32 $0x180, s9;
	[tilespmem:v2+s7+$0x0] =	vst.idx.add.f32.msk $0xffff, v1  }
0x24: {  	s8 =	sadd.s32 $0x1, s8  }
0x25: {  	p0 =	sne.s32 s8, s5  }
.Ltmp2:
0x26: {  	_ = 	snop;
	(pc) =	sbr.rel @p0 .LBB2_1-.Ltmp2, $4  }
0x27: {  	[hbm4b:s4+s2] =	stream.linear.scatter [tilespmem:s7], [sflag:$0x1], $0x2800, $0x38;
	[tilespmem:$0x5080] =	vst v63  }
0x28: {  	_ =	swait.ge [sflag:s6], $0x2800  }
0x29: {  	[sflag:s6] =	ssyncset.done $0x0  }
0x2a: {  	[sflag:s6] =	ssyncadd.s32 $0xFFFFD800  }
0x2b: {  	_ =	sfence.sel $0x180000  }
0x2c: {  	[bflag:$0x0] =	sbarrier.arrive $0xFFFF  }
0x2d: {  	p0 =	sne.s32 s1, $0x0;
	_ =	strace $0x90000047  }
0x2e: {  	s0 =	sadd.s32 @!p0 $0x100000, s0;
	[bflag:$0x2] =	sbarrier.arrive $0xFFFF  }
0x2f: {  	[sflag:s0] =	ssyncadd.tile.s32 @!p0 $0x1;
	_ =	shalt  }
.Lfunc_end2:
_tile_overlayer_lowered:
.L_overlay_start_2:
0x30: {  	(tag) =	ssettag $0x2  }
0x31: {  	s0 =	rddreg [dreg:$0x0];
	s2 =	stileid.u32  }
0x32: {  	s1 =	rddreg [dreg:$0x1];
	p0 =	sne.s32 s2, $0x0  }
0x33: {  	s3 =	rddreg [dreg:$0x2];
	[bflag:$0x3] =	sbarrier.arrive $0xFFFF;
	s2 =	simm.s32 @!p0 $0x1C01  }
0x34: {  	[timem:s3], [sflag:s2] =	dma.local @!p0 [hbm:s0], s1  }
0x35: {  	s0 =	simm.s32 @!p0 $0x1  }
0x36: {  	_ =	swait.ge @!p0 [sflag:s0], s1  }
0x37: {  	s1 =	ssub.s32 @!p0 $0x0, s1;
	[sflag:s0] =	ssyncset.done @!p0 $0x0  }
0x38: {  	[sflag:s0] =	ssyncadd.s32 @!p0 s1  }
0x39: {  	[bflag:$0x3] =	sbarrier.arrive $0xFFFF  }
0x3a: {  	_ =	shalt  }

</sc_bundles>
